<compile_context>
chip_gen: v7x
topology: tpu7x:2x2x1
jax: 0.10.2.dev20260603
libtpu: 0.0.44.dev20260713+nightly
codegen_flags: <defaults>
</compile_context>

<pallas_src>
import functools

import jax
import jax.numpy as jnp
from jax import lax
from jax.experimental import pallas as pl
from jax.experimental.pallas import tpu as pltpu
from jax.experimental.pallas import tpu_sc as plsc

B = 64
LATENT_DIM = 1024
HIDDEN_DIM = 1024
SET_CH = 128
COS_CH = 64
POINT_NUM = 8192
MAX_N = 256

L = 16
NC, NS = 2, 16
NW = NC * NS
ROWS_PER_W = B // NW
PV = POINT_NUM // L
HB = 256
HBV = HB // L
K = MAX_N

_HIMASK = [0, -16777216, -65536, -256]
_SHIFT = [24, 16, 8, 0]


def _head_body(lat_ref, w1_ref, b1_ref, w2_ref, b2_ref, w3_ref, b3_ref,
               w4_ref, b4_ref, ang_ref, w1b_ref, ob1_ref,
               probs_ref, latpart_ref):
    lat = lat_ref[...]
    h = jnp.maximum(jnp.dot(lat, w1_ref[...],
                            preferred_element_type=jnp.float32) + b1_ref[...], 0.0)
    h = jnp.maximum(jnp.dot(h, w2_ref[...],
                            preferred_element_type=jnp.float32) + b2_ref[...], 0.0)
    h = jnp.maximum(jnp.dot(h, w3_ref[...],
                            preferred_element_type=jnp.float32) + b3_ref[...], 0.0)
    a = jnp.dot(h, w4_ref[...], preferred_element_type=jnp.float32) + b4_ref[...]
    nrm = jnp.sqrt(jnp.sum(a * a, axis=1, keepdims=True))
    a = a / (nrm + 1e-5)
    cos = lax.dot_general(a, ang_ref[...], (((1,), (1,)), ((), ())),
                          preferred_element_type=jnp.float32)
    m = jnp.max(cos, axis=1, keepdims=True)
    e = jnp.exp(cos - m)
    probs_ref[...] = e / jnp.sum(e, axis=1, keepdims=True)
    latpart_ref[...] = jnp.dot(lat, w1b_ref[...],
                               preferred_element_type=jnp.float32) + ob1_ref[...]


def _head_call(latent, p, w1b):
    return pl.pallas_call(
        _head_body,
        out_shape=[
            jax.ShapeDtypeStruct((B, POINT_NUM), jnp.float32),
            jax.ShapeDtypeStruct((B, HIDDEN_DIM + SET_CH), jnp.float32),
        ],
    )(latent,
      p["mlp_w1"], p["mlp_b1"].reshape(1, -1),
      p["mlp_w2"], p["mlp_b2"].reshape(1, -1),
      p["mlp_w3"], p["mlp_b3"].reshape(1, -1),
      p["mlp_w4"], p["mlp_b4"].reshape(1, -1),
      p["angles_params"], w1b, p["out_b1"].reshape(1, -1))


def _sc_row(r, probs_hbm, points_hbm, svals_hbm, sel_hbm,
            row_ref, hist_ref, total_ref, cumt_ref, cval_ref, cidx_ref,
            cidx2_ref, rows_ref, sem):
    lanes = lax.iota(jnp.int32, L)
    ones = jnp.ones((L,), jnp.int32)
    lane_base = lanes * HB

    pltpu.sync_copy(probs_hbm.at[r], row_ref)

    thr = jnp.int32(0)
    above = jnp.int32(0)
    for p_i in range(4):
        shift = _SHIFT[p_i]
        himask = jnp.int32(_HIMASK[p_i])

        def zero_body(i, _):
            hist_ref[pl.ds(i * L, L)] = jnp.zeros((L,), jnp.int32)
            return 0
        lax.fori_loop(0, HB, zero_body, 0)

        tmask = thr & himask

        def hist_body(j, _, shift=shift, himask=himask, tmask=tmask):
            v = row_ref[pl.ds(j * L, L)]
            u = plsc.bitcast(v, jnp.int32)
            cand = (u & himask) == tmask
            bucket = lax.shift_right_logical(u, shift) & 0xFF
            plsc.addupdate_scatter(hist_ref, [lane_base + bucket], ones,
                                   mask=cand)
            return 0
        lax.fori_loop(0, PV, hist_body, 0)

        def red_body(c, _):
            acc = jnp.zeros((L,), jnp.int32)
            for l in range(L):
                acc = acc + hist_ref[pl.ds(l * HB + c * L, L)]
            total_ref[pl.ds(c * L, L)] = acc
            return 0
        lax.fori_loop(0, HBV, red_body, 0)

        def scan_body(i, carry, above=above):
            cumc, tc = carry
            c = HBV - 1 - i
            t = total_ref[pl.ds(c * L, L)]
            trev = lax.rev(t, (0,))
            cs = plsc.cumsum(trev) + cumc
            cumt_ref[pl.ds(c * L, L)] = lax.rev(cs, (0,))
            cond = (above + cs) >= K
            npos = jnp.sum(cond.astype(jnp.int32))
            return (jnp.max(cs), tc + npos)
        _, tc = lax.fori_loop(0, HBV, scan_body,
                              (jnp.int32(0), jnp.int32(0)))
        bstar = tc - 1
        splat = jnp.zeros((L,), jnp.int32) + bstar
        mcnt = jnp.max(plsc.load_gather(total_ref, [splat]))
        cge = jnp.max(plsc.load_gather(cumt_ref, [splat]))
        thr = thr | lax.shift_left(bstar, shift)
        above = above + cge - mcnt

    def comp_body(j, carry):
        off, eq_left = carry
        v = row_ref[pl.ds(j * L, L)]
        u = plsc.bitcast(v, jnp.int32)
        gt = u > thr
        eq = u == thr
        eqc = plsc.cumsum(eq.astype(jnp.int32))
        take_eq = eq & (eqc <= eq_left)
        keep = gt | take_eq
        kc = plsc.cumsum(keep.astype(jnp.int32))
        addr = off + kc - 1
        plsc.store_scatter(cval_ref, [addr], v, mask=keep)
        plsc.store_scatter(cidx_ref, [addr], j * L + lanes, mask=keep)
        return (off + jnp.max(kc), eq_left - jnp.sum(take_eq.astype(jnp.int32)))
    lax.fori_loop(0, PV, comp_body, (jnp.int32(0), K - above))

    for i in range(K // L):
        sk, sv = plsc.sort_key_val(cval_ref[pl.ds(i * L, L)],
                                   cidx_ref[pl.ds(i * L, L)], descending=True)
        cval_ref[pl.ds(i * L, L)] = sk
        cidx_ref[pl.ds(i * L, L)] = sv
    for m in (1, 2, 4, 8):
        for s0 in range(0, K // L, 2 * m):
            ks = [cval_ref[pl.ds((s0 + i) * L, L)] for i in range(2 * m)]
            vs = [cidx_ref[pl.ds((s0 + i) * L, L)] for i in range(2 * m)]
            ks[m:] = [lax.rev(x, (0,)) for x in reversed(ks[m:])]
            vs[m:] = [lax.rev(x, (0,)) for x in reversed(vs[m:])]
            step = m
            while step >= 1:
                for base in range(0, 2 * m, 2 * step):
                    for i in range(base, base + step):
                        ak, bk = ks[i], ks[i + step]
                        av, bv = vs[i], vs[i + step]
                        c = ak >= bk
                        ks[i] = jnp.where(c, ak, bk)
                        ks[i + step] = jnp.where(c, bk, ak)
                        vs[i] = jnp.where(c, av, bv)
                        vs[i + step] = jnp.where(c, bv, av)
                step //= 2
            for i in range(2 * m):
                sk, sv = plsc.sort_key_val(ks[i], vs[i], descending=True)
                cval_ref[pl.ds((s0 + i) * L, L)] = sk
                cidx_ref[pl.ds((s0 + i) * L, L)] = sv

    for c in range(2):
        for i in range(128 // L):
            cidx2_ref[c, pl.ds(i * L, L)] = cidx_ref[pl.ds(c * 128 + i * L, L)]

    d0 = pltpu.async_copy(points_hbm.at[cidx2_ref.at[0]],
                          rows_ref.at[pl.ds(0, 128)], sem)
    d1 = pltpu.async_copy(points_hbm.at[cidx2_ref.at[1]],
                          rows_ref.at[pl.ds(128, 128)], sem)
    d0.wait()
    d1.wait()

    pltpu.sync_copy(cval_ref.at[pl.ds(0, K)], svals_hbm.at[r])
    pltpu.sync_copy(rows_ref, sel_hbm.at[r])


def _topk_call(probs, points):
    mesh = plsc.VectorSubcoreMesh(core_axis_name="c", subcore_axis_name="s",
                                  num_cores=NC, num_subcores=NS)

    @functools.partial(
        pl.kernel,
        out_type=[
            jax.ShapeDtypeStruct((B, K), jnp.float32),
            jax.ShapeDtypeStruct((B, K, SET_CH), jnp.float32),
        ],
        mesh=mesh,
        compiler_params=pltpu.CompilerParams(needs_layout_passes=False),
        scratch_types=[
            pltpu.VMEM((POINT_NUM,), jnp.float32),
            pltpu.VMEM((HB * L,), jnp.int32),
            pltpu.VMEM((HB,), jnp.int32),
            pltpu.VMEM((HB,), jnp.int32),
            pltpu.VMEM((K + L,), jnp.float32),
            pltpu.VMEM((K + L,), jnp.int32),
            pltpu.VMEM((2, 128), jnp.int32),
            pltpu.VMEM((K, SET_CH), jnp.float32),
            pltpu.SemaphoreType.DMA,
        ],
    )
    def _k(probs_hbm, points_hbm, svals_hbm, sel_hbm,
           row_ref, hist_ref, total_ref, cumt_ref, cval_ref, cidx_ref,
           cidx2_ref, rows_ref, sem):
        wid = lax.axis_index("s") * NC + lax.axis_index("c")

        def row_body(rr, _):
            _sc_row(wid * ROWS_PER_W + rr, probs_hbm, points_hbm,
                    svals_hbm, sel_hbm, row_ref, hist_ref, total_ref,
                    cumt_ref, cval_ref, cidx_ref, cidx2_ref, rows_ref, sem)
            return 0
        lax.fori_loop(0, ROWS_PER_W, row_body, 0)

    return _k(probs, points)


_BB = 8


def _tail_body(sel_ref, sv_ref, lp_ref, l1w_ref, l1b_ref, l2w_ref, l2b_ref,
               w1a_ref, w2_ref, b2_ref, w3_ref, b3_ref, out_ref):
    w1a = w1a_ref[...]
    w2 = w2_ref[...]
    b2 = b2_ref[...]
    w3 = w3_ref[...]
    b3 = b3_ref[...]
    l1w = l1w_ref[...]
    l1b = l1b_ref[...]
    l2w = l2w_ref[...]
    l2b = l2b_ref[...]
    for i in range(_BB):
        scaled = MAX_N * sv_ref[i]
        alpha = scaled * l1w + l1b
        beta = scaled * l2w + l2b
        mod = alpha * sel_ref[i] + beta
        t = jnp.dot(mod, w1a, preferred_element_type=jnp.float32)
        h = jnp.maximum(t + lp_ref[i], 0.0)
        h2 = jnp.maximum(jnp.dot(h, w2, preferred_element_type=jnp.float32)
                         + b2, 0.0)
        out_ref[i] = jnp.dot(h2, w3, preferred_element_type=jnp.float32) + b3


def _tail_call(sel, svals, latpart, p, w1a):
    d_cat = SET_CH + LATENT_DIM
    return pl.pallas_call(
        _tail_body,
        grid=(B // _BB,),
        in_specs=[
            pl.BlockSpec((_BB, K, SET_CH), lambda i: (i, 0, 0)),
            pl.BlockSpec((_BB, K, 1), lambda i: (i, 0, 0)),
            pl.BlockSpec((_BB, 1, d_cat), lambda i: (i, 0, 0)),
            pl.BlockSpec((1, SET_CH), lambda i: (0, 0)),
            pl.BlockSpec((1, SET_CH), lambda i: (0, 0)),
            pl.BlockSpec((1, SET_CH), lambda i: (0, 0)),
            pl.BlockSpec((1, SET_CH), lambda i: (0, 0)),
            pl.BlockSpec((SET_CH, d_cat), lambda i: (0, 0)),
            pl.BlockSpec((d_cat, SET_CH), lambda i: (0, 0)),
            pl.BlockSpec((1, SET_CH), lambda i: (0, 0)),
            pl.BlockSpec((SET_CH, SET_CH), lambda i: (0, 0)),
            pl.BlockSpec((1, SET_CH), lambda i: (0, 0)),
        ],
        out_specs=pl.BlockSpec((_BB, K, SET_CH), lambda i: (i, 0, 0)),
        out_shape=jax.ShapeDtypeStruct((B, K, SET_CH), jnp.float32),
    )(sel, svals.reshape(B, K, 1), latpart.reshape(B, 1, d_cat),
      p["lin1_w"].reshape(1, -1), p["lin1_b"].reshape(1, -1),
      p["lin2_w"].reshape(1, -1), p["lin2_b"].reshape(1, -1),
      w1a, p["out_w2"], p["out_b2"].reshape(1, -1),
      p["out_w3"], p["out_b3"].reshape(1, -1))


def kernel(latent, params):
    p = params
    w1a = p["out_w1"][:SET_CH]
    w1b = p["out_w1"][SET_CH:]
    probs, latpart = _head_call(latent, p, w1b)
    svals, sel = _topk_call(probs, p["points"])
    out = _tail_call(sel, svals, latpart, p, w1a)
    mask = jnp.ones((B, MAX_N, 1), dtype=jnp.float32)
    n_arr = jnp.full((B,), MAX_N, dtype=jnp.int32)
    return (out, mask, n_arr)

# --- scband reference (transcript-rebuilt; emitter-appended) ---
"""Pipeline reference for scband-top-ngenerator-56040733278762 (READ-ONLY COPY).

The authoritative reference and input builder live on the scoring server;
editing this copy changes nothing except your own understanding.
"""

import jax, jax.numpy as jnp
import numpy as np

B = 64
LATENT_DIM = 1024
HIDDEN_DIM = 1024
SET_CH = 128
COS_CH = 64
POINT_NUM = 8192
MAX_N = 256


def _linear_params(key, fan_in, fan_out):
    k1, k2 = jax.random.split(key)
    w = jax.random.normal(k1, (fan_in, fan_out), dtype=jnp.float32) * (1.0 / np.sqrt(fan_in))
    b = jax.random.normal(k2, (fan_out,), dtype=jnp.float32) * 0.01
    return w, b


def setup_inputs(seed: int = 0) -> dict:
    key = jax.random.key(seed)
    keys = jax.random.split(key, 16)
    latent = jax.random.normal(keys[0], (B, LATENT_DIM), dtype=jnp.float32)
    points = jax.random.normal(keys[1], (POINT_NUM, SET_CH), dtype=jnp.float32)
    ang = jax.random.normal(keys[2], (POINT_NUM, COS_CH), dtype=jnp.float32)
    ang = ang / (jnp.linalg.norm(ang, axis=1, keepdims=True) + 1e-5)
    mlp_w1, mlp_b1 = _linear_params(keys[3], LATENT_DIM, HIDDEN_DIM)
    mlp_w2, mlp_b2 = _linear_params(keys[4], HIDDEN_DIM, HIDDEN_DIM)
    mlp_w3, mlp_b3 = _linear_params(keys[5], HIDDEN_DIM, HIDDEN_DIM)
    mlp_w4, mlp_b4 = _linear_params(keys[6], HIDDEN_DIM, COS_CH)
    lin1_w = jax.random.normal(keys[7], (SET_CH,), dtype=jnp.float32) * 0.02
    lin1_b = jax.random.normal(keys[8], (SET_CH,), dtype=jnp.float32) * 0.01
    lin2_w = jax.random.normal(keys[9], (SET_CH,), dtype=jnp.float32) * 0.02
    lin2_b = jax.random.normal(keys[10], (SET_CH,), dtype=jnp.float32) * 0.01
    d_cat = SET_CH + LATENT_DIM
    out_w1, out_b1 = _linear_params(keys[11], d_cat, d_cat)
    out_w2, out_b2 = _linear_params(keys[12], d_cat, SET_CH)
    out_w3, out_b3 = _linear_params(keys[13], SET_CH, SET_CH)
    params = {
        "points": points, "angles_params": ang,
        "mlp_w1": mlp_w1, "mlp_b1": mlp_b1,
        "mlp_w2": mlp_w2, "mlp_b2": mlp_b2,
        "mlp_w3": mlp_w3, "mlp_b3": mlp_b3,
        "mlp_w4": mlp_w4, "mlp_b4": mlp_b4,
        "lin1_w": lin1_w, "lin1_b": lin1_b,
        "lin2_w": lin2_w, "lin2_b": lin2_b,
        "out_w1": out_w1, "out_b1": out_b1,
        "out_w2": out_w2, "out_b2": out_b2,
        "out_w3": out_w3, "out_b3": out_b3,
    }
    return {"latent": latent, "params": params}


def _lin(x, w, b):
    return x @ w + b


def reference(latent, params):
    p = params
    batch_size = latent.shape[0]
    # angle MLP
    h = jax.nn.relu(_lin(latent, p["mlp_w1"], p["mlp_b1"]))
    h = jax.nn.relu(_lin(h, p["mlp_w2"], p["mlp_b2"]))
    h = jax.nn.relu(_lin(h, p["mlp_w3"], p["mlp_b3"]))
    angles = _lin(h, p["mlp_w4"], p["mlp_b4"])
    angles = angles / (jnp.linalg.norm(angles, axis=1, keepdims=True) + 1e-5)
    # cosine similarity against learned point angles
    cosine = angles @ p["angles_params"].T  # [B, P]
    cosine = jax.nn.softmax(cosine, axis=1)
    srted, indices = jax.lax.top_k(cosine, MAX_N)  # sorted descending
    selected_points = p["points"][indices]  # [B, MAX_N, SET_CH]
    scaled = (MAX_N * srted)[:, :, None]  # selected_points.shape[1] == MAX_N
    alpha = scaled * p["lin1_w"] + p["lin1_b"]
    beta = scaled * p["lin2_w"] + p["lin2_b"]
    modulated = alpha * selected_points + beta
    # inference path: n == max_n for every batch element -> mask all ones
    modulated_mask = jnp.ones((batch_size, MAX_N, 1), dtype=jnp.float32)
    lat_rep = jnp.broadcast_to(latent[:, None, :], (batch_size, MAX_N, LATENT_DIM))
    cat = jnp.concatenate([modulated, lat_rep], axis=-1)
    h2 = jax.nn.relu(_lin(cat, p["out_w1"], p["out_b1"]))
    h2 = jax.nn.relu(_lin(h2, p["out_w2"], p["out_b2"]))
    modulated_out = _lin(h2, p["out_w3"], p["out_b3"])
    n_arr = jnp.full((batch_size,), MAX_N, dtype=jnp.int32)
    return (modulated_out, modulated_mask, n_arr)

if __name__ == "__main__":
    import jax
    _d = setup_inputs()
    print(jax.jit(kernel)(*tuple(_d.values())))

</pallas_src>

<mosaic_0001>
#map = affine_map<(d0, d1) -> (0, 0)>
#map1 = affine_map<(d0, d1) -> (0, 0, 0)>
module attributes {stable_mosaic.version = 14 : i64} {
  func.func @_k(%arg0: i32, %arg1: i32, %arg2: memref<64x8192xf32, #tpu.memory_space<hbm>>, %arg3: memref<8192x128xf32, #tpu.memory_space<hbm>>, %arg4: memref<64x256xf32, #tpu.memory_space<hbm>>, %arg5: memref<64x256x128xf32, #tpu.memory_space<hbm>>, %arg6: memref<8192xf32, #tpu.memory_space<vmem>>, %arg7: memref<4096xi32, #tpu.memory_space<vmem>>, %arg8: memref<256xi32, #tpu.memory_space<vmem>>, %arg9: memref<256xi32, #tpu.memory_space<vmem>>, %arg10: memref<272xf32, #tpu.memory_space<vmem>>, %arg11: memref<272xi32, #tpu.memory_space<vmem>>, %arg12: memref<2x128xi32, #tpu.memory_space<vmem>>, %arg13: memref<256x128xf32, #tpu.memory_space<vmem>>, %arg14: memref<!tpu.dma_semaphore, #tpu.memory_space<semaphore_mem>>) attributes {dimension_semantics = [#tpu.dimension_semantics<core_parallel>, #tpu.dimension_semantics<subcore_parallel>], iteration_bounds = array<i64: 2, 16>, scalar_prefetch = 0 : i64, scratch_operands = 9 : i64, tpu.core_type = #tpu.core_type<sc_vector_subcore>, window_params = [{transform_indices = #map}, {transform_indices = #map}, {transform_indices = #map}, {transform_indices = #map1}]} {
    %mul3A = arith.constant 2 : i32
    %mul3A_0 = arith.muli %arg1, %mul3A : i32
    %add3A = arith.addi %mul3A_0, %arg0 : i32
    %scan3A = arith.constant 0 : i32
    %scan3A_1 = arith.constant 0 : i32
    %scan3A_2 = arith.constant 2 : i32
    %scan3A_3 = arith.addi %scan3A_1, %scan3A_2 : i32
    %scan3A_4 = arith.constant 1 : i32
    %scan3A_5 = scf.for %scan3A_7 = %scan3A_1 to %scan3A_3 step %scan3A_4 iter_args(%scan3A_8 = %scan3A) -> (i32)  : i32 {
      %mul3A_9 = arith.constant 2 : i32
      %mul3A_10 = arith.muli %add3A, %mul3A_9 : i32
      %add3A_11 = arith.addi %mul3A_10, %scan3A_7 : i32
      %iota3A = tpu.iota {dimensions = array<i32: 0>} : vector<16xi32>
      %broadcast_in_dim3A = arith.constant 1 : i32
      %broadcast_in_dim3A_12 = vector.broadcast %broadcast_in_dim3A : i32 to vector<16xi32>
      %mul3A_13 = arith.constant 256 : i32
      %mul3A_14 = vector.broadcast %mul3A_13 : i32 to vector<16xi32>
      %mul3A_15 = arith.muli %iota3A, %mul3A_14 : vector<16xi32>
      "tpu.region"() ({
        %run_scoped3A = tpu.sem_alloc : memref<!tpu.dma_semaphore, #tpu.memory_space<semaphore_mem>>
        %dma_start3A_2076 = arith.constant 0 : i32
        %dma_start3A_2077 = tpu.memref_slice %arg2[%add3A_11, %dma_start3A_2076] : memref<64x8192xf32, #tpu.memory_space<hbm>> -> memref<1x8192xf32, #tpu.memory_space<hbm>>
        %dma_start3A_2078 = tpu.memref_squeeze %dma_start3A_2077 : memref<1x8192xf32, #tpu.memory_space<hbm>> -> memref<8192xf32, #tpu.memory_space<hbm>>
        %dma_start3A_2079 = arith.constant 0 : i32
        %dma_start3A_2080 = tpu.memref_slice %arg2[%add3A_11, %dma_start3A_2079] : memref<64x8192xf32, #tpu.memory_space<hbm>> -> memref<1x8192xf32, #tpu.memory_space<hbm>>
        %dma_start3A_2081 = tpu.memref_squeeze %dma_start3A_2080 : memref<1x8192xf32, #tpu.memory_space<hbm>> -> memref<8192xf32, #tpu.memory_space<hbm>>
        tpu.enqueue_dma source(%dma_start3A_2081 : memref<8192xf32, #tpu.memory_space<hbm>>) target(%arg6 : memref<8192xf32, #tpu.memory_space<vmem>>) target_semaphore(%run_scoped3A : memref<!tpu.dma_semaphore, #tpu.memory_space<semaphore_mem>>)
        %dma_wait3A_2082 = arith.constant 0 : i32
        %dma_wait3A_2083 = tpu.memref_slice %arg2[%add3A_11, %dma_wait3A_2082] : memref<64x8192xf32, #tpu.memory_space<hbm>> -> memref<1x8192xf32, #tpu.memory_space<hbm>>
        %dma_wait3A_2084 = tpu.memref_squeeze %dma_wait3A_2083 : memref<1x8192xf32, #tpu.memory_space<hbm>> -> memref<8192xf32, #tpu.memory_space<hbm>>
        %dma_wait3A_2085 = arith.constant 0 : i32
        %dma_wait3A_2086 = tpu.memref_slice %arg2[%add3A_11, %dma_wait3A_2085] : memref<64x8192xf32, #tpu.memory_space<hbm>> -> memref<1x8192xf32, #tpu.memory_space<hbm>>
        %dma_wait3A_2087 = tpu.memref_squeeze %dma_wait3A_2086 : memref<1x8192xf32, #tpu.memory_space<hbm>> -> memref<8192xf32, #tpu.memory_space<hbm>>
        tpu.wait_dma2 semaphore(%run_scoped3A : memref<!tpu.dma_semaphore, #tpu.memory_space<semaphore_mem>>) src(%dma_wait3A_2087 : memref<8192xf32, #tpu.memory_space<hbm>>) dst(%arg6 : memref<8192xf32, #tpu.memory_space<vmem>>)
        tpu.yield
      }) : () -> ()
      %scan3A_16 = arith.constant 0 : i32
      %scan3A_17 = arith.constant 0 : i32
      %scan3A_18 = arith.constant 256 : i32
      %scan3A_19 = arith.addi %scan3A_17, %scan3A_18 : i32
      %scan3A_20 = arith.constant 1 : i32
      %scan3A_21 = scf.for %scan3A_2076 = %scan3A_17 to %scan3A_19 step %scan3A_20 iter_args(%scan3A_2077 = %scan3A_16) -> (i32)  : i32 {
        %broadcast_in_dim3A_2078 = arith.constant 0 : i32
        %broadcast_in_dim3A_2079 = vector.broadcast %broadcast_in_dim3A_2078 : i32 to vector<16xi32>
        %mul3A_2080 = arith.constant 16 : i32
        %mul3A_2081 = arith.muli %scan3A_2076, %mul3A_2080 : i32
        %swap3A_2082 = arith.index_cast %mul3A_2081 : i32 to index
        %swap3A_2083 = tpu.vector_load %arg7[%swap3A_2082] {strides = array<i32>} : memref<4096xi32, #tpu.memory_space<vmem>>, vector<16xi32>,
        tpu.vector_store %arg7[%swap3A_2082], %broadcast_in_dim3A_2079 {strides = array<i32>} : memref<4096xi32, #tpu.memory_space<vmem>>, vector<16xi32>,
        %scan3A_2084 = arith.constant 0 : i32
        scf.yield %scan3A_2084 : i32
      }
      %scan3A_22 = arith.constant 256 : i32
      %and3A = arith.constant 0 : i32
      %and3A_23 = arith.constant 0 : i32
      %and3A_24 = arith.andi %and3A, %and3A_23 : i32
      %scan3A_25 = arith.constant 0 : i32
      %scan3A_26 = arith.constant 0 : i32
      %scan3A_27 = arith.constant 0 : i32
      %scan3A_28 = arith.constant 512 : i32
      %scan3A_29 = arith.addi %scan3A_27, %scan3A_28 : i32
      %scan3A_30 = arith.constant 1 : i32
      %scan3A_31 = scf.for %scan3A_2076 = %scan3A_27 to %scan3A_29 step %scan3A_30 iter_args(%scan3A_2077 = %scan3A_26) -> (i32)  : i32 {
        %mul3A_2078 = arith.constant 16 : i32
        %mul3A_2079 = arith.muli %scan3A_2076, %mul3A_2078 : i32
        %get3A_2080 = arith.index_cast %mul3A_2079 : i32 to index
        %get3A_2081 = tpu.vector_load %arg6[%get3A_2080] {strides = array<i32>} : memref<8192xf32, #tpu.memory_space<vmem>>, vector<16xf32>,
        %bitcast3A = vector.bitcast %get3A_2081 : vector<16xf32> to vector<16xi32>
        %and3A_2082 = vector.broadcast %scan3A_25 : i32 to vector<16xi32>
        %and3A_2083 = arith.andi %bitcast3A, %and3A_2082 : vector<16xi32>
        %eq3A = vector.broadcast %and3A_24 : i32 to vector<16xi32>
        %eq3A_2084 = arith.cmpi eq, %and3A_2083, %eq3A : vector<16xi32>
        %shift_right_logical3A = arith.constant 24 : i32
        %shift_right_logical3A_2085 = vector.broadcast %shift_right_logical3A : i32 to vector<16xi32>
        %shift_right_logical3A_2086 = arith.shrui %bitcast3A, %shift_right_logical3A_2085 : vector<16xi32>
        %and3A_2087 = arith.constant 255 : i32
        %and3A_2088 = vector.broadcast %and3A_2087 : i32 to vector<16xi32>
        %and3A_2089 = arith.andi %shift_right_logical3A_2086, %and3A_2088 : vector<16xi32>
        %add3A_2090 = arith.addi %mul3A_15, %and3A_2089 : vector<16xi32>
        tpu.vector_store_idx %arg7[%add3A_2090], %broadcast_in_dim3A_12 masked %eq3A_2084 {add = true} : memref<4096xi32, #tpu.memory_space<vmem>>[vector<16xi32>], vector<16xi32>, vector<16xi1>
        %scan3A_2091 = arith.constant 0 : i32
        scf.yield %scan3A_2091 : i32
      }
      %scan3A_32 = arith.constant 512 : i32
      %scan3A_33 = arith.constant 0 : i32
      %scan3A_34 = arith.constant 0 : i32
      %scan3A_35 = arith.constant 16 : i32
      %scan3A_36 = arith.addi %scan3A_34, %scan3A_35 : i32
      %scan3A_37 = arith.constant 1 : i32
      %scan3A_38 = scf.for %scan3A_2076 = %scan3A_34 to %scan3A_36 step %scan3A_37 iter_args(%scan3A_2077 = %scan3A_33) -> (i32)  : i32 {
        %broadcast_in_dim3A_2078 = arith.constant 0 : i32
        %broadcast_in_dim3A_2079 = vector.broadcast %broadcast_in_dim3A_2078 : i32 to vector<16xi32>
        %mul3A_2080 = arith.constant 16 : i32
        %mul3A_2081 = arith.muli %scan3A_2076, %mul3A_2080 : i32
        %add3A_2082 = arith.constant 0 : i32
        %add3A_2083 = arith.addi %add3A_2082, %mul3A_2081 : i32
        %get3A_2084 = arith.index_cast %add3A_2083 : i32 to index
        %get3A_2085 = tpu.vector_load %arg7[%get3A_2084] {strides = array<i32>} : memref<4096xi32, #tpu.memory_space<vmem>>, vector<16xi32>,
        %add3A_2086 = arith.addi %broadcast_in_dim3A_2079, %get3A_2085 : vector<16xi32>
        %mul3A_2087 = arith.constant 16 : i32
        %mul3A_2088 = arith.muli %scan3A_2076, %mul3A_2087 : i32
        %add3A_2089 = arith.constant 256 : i32
        %add3A_2090 = arith.addi %add3A_2089, %mul3A_2088 : i32
        %get3A_2091 = arith.index_cast %add3A_2090 : i32 to index
        %get3A_2092 = tpu.vector_load %arg7[%get3A_2091] {strides = array<i32>} : memref<4096xi32, #tpu.memory_space<vmem>>, vector<16xi32>,
        %add3A_2093 = arith.addi %add3A_2086, %get3A_2092 : vector<16xi32>
        %mul3A_2094 = arith.constant 16 : i32
        %mul3A_2095 = arith.muli %scan3A_2076, %mul3A_2094 : i32
        %add3A_2096 = arith.constant 512 : i32
        %add3A_2097 = arith.addi %add3A_2096, %mul3A_2095 : i32
        %get3A_2098 = arith.index_cast %add3A_2097 : i32 to index
        %get3A_2099 = tpu.vector_load %arg7[%get3A_2098] {strides = array<i32>} : memref<4096xi32, #tpu.memory_space<vmem>>, vector<16xi32>,
        %add3A_2100 = arith.addi %add3A_2093, %get3A_2099 : vector<16xi32>
        %mul3A_2101 = arith.constant 16 : i32
        %mul3A_2102 = arith.muli %scan3A_2076, %mul3A_2101 : i32
        %add3A_2103 = arith.constant 768 : i32
        %add3A_2104 = arith.addi %add3A_2103, %mul3A_2102 : i32
        %get3A_2105 = arith.index_cast %add3A_2104 : i32 to index
        %get3A_2106 = tpu.vector_load %arg7[%get3A_2105] {strides = array<i32>} : memref<4096xi32, #tpu.memory_space<vmem>>, vector<16xi32>,
        %add3A_2107 = arith.addi %add3A_2100, %get3A_2106 : vector<16xi32>
        %mul3A_2108 = arith.constant 16 : i32
        %mul3A_2109 = arith.muli %scan3A_2076, %mul3A_2108 : i32
        %add3A_2110 = arith.constant 1024 : i32
        %add3A_2111 = arith.addi %add3A_2110, %mul3A_2109 : i32
        %get3A_2112 = arith.index_cast %add3A_2111 : i32 to index
        %get3A_2113 = tpu.vector_load %arg7[%get3A_2112] {strides = array<i32>} : memref<4096xi32, #tpu.memory_space<vmem>>, vector<16xi32>,
        %add3A_2114 = arith.addi %add3A_2107, %get3A_2113 : vector<16xi32>
        %mul3A_2115 = arith.constant 16 : i32
        %mul3A_2116 = arith.muli %scan3A_2076, %mul3A_2115 : i32
        %add3A_2117 = arith.constant 1280 : i32
        %add3A_2118 = arith.addi %add3A_2117, %mul3A_2116 : i32
        %get3A_2119 = arith.index_cast %add3A_2118 : i32 to index
        %get3A_2120 = tpu.vector_load %arg7[%get3A_2119] {strides = array<i32>} : memref<4096xi32, #tpu.memory_space<vmem>>, vector<16xi32>,
        %add3A_2121 = arith.addi %add3A_2114, %get3A_2120 : vector<16xi32>
        %mul3A_2122 = arith.constant 16 : i32
        %mul3A_2123 = arith.muli %scan3A_2076, %mul3A_2122 : i32
        %add3A_2124 = arith.constant 1536 : i32
        %add3A_2125 = arith.addi %add3A_2124, %mul3A_2123 : i32
        %get3A_2126 = arith.index_cast %add3A_2125 : i32 to index
        %get3A_2127 = tpu.vector_load %arg7[%get3A_2126] {strides = array<i32>} : memref<4096xi32, #tpu.memory_space<vmem>>, vector<16xi32>,
        %add3A_2128 = arith.addi %add3A_2121, %get3A_2127 : vector<16xi32>
        %mul3A_2129 = arith.constant 16 : i32
        %mul3A_2130 = arith.muli %scan3A_2076, %mul3A_2129 : i32
        %add3A_2131 = arith.constant 1792 : i32
        %add3A_2132 = arith.addi %add3A_2131, %mul3A_2130 : i32
        %get3A_2133 = arith.index_cast %add3A_2132 : i32 to index
        %get3A_2134 = tpu.vector_load %arg7[%get3A_2133] {strides = array<i32>} : memref<4096xi32, #tpu.memory_space<vmem>>, vector<16xi32>,
        %add3A_2135 = arith.addi %add3A_2128, %get3A_2134 : vector<16xi32>
        %mul3A_2136 = arith.constant 16 : i32
        %mul3A_2137 = arith.muli %scan3A_2076, %mul3A_2136 : i32
        %add3A_2138 = arith.constant 2048 : i32
        %add3A_2139 = arith.addi %add3A_2138, %mul3A_2137 : i32
        %get3A_2140 = arith.index_cast %add3A_2139 : i32 to index
        %get3A_2141 = tpu.vector_load %arg7[%get3A_2140] {strides = array<i32>} : memref<4096xi32, #tpu.memory_space<vmem>>, vector<16xi32>,
        %add3A_2142 = arith.addi %add3A_2135, %get3A_2141 : vector<16xi32>
        %mul3A_2143 = arith.constant 16 : i32
        %mul3A_2144 = arith.muli %scan3A_2076, %mul3A_2143 : i32
        %add3A_2145 = arith.constant 2304 : i32
        %add3A_2146 = arith.addi %add3A_2145, %mul3A_2144 : i32
        %get3A_2147 = arith.index_cast %add3A_2146 : i32 to index
        %get3A_2148 = tpu.vector_load %arg7[%get3A_2147] {strides = array<i32>} : memref<4096xi32, #tpu.memory_space<vmem>>, vector<16xi32>,
        %add3A_2149 = arith.addi %add3A_2142, %get3A_2148 : vector<16xi32>
        %mul3A_2150 = arith.constant 16 : i32
        %mul3A_2151 = arith.muli %scan3A_2076, %mul3A_2150 : i32
        %add3A_2152 = arith.constant 2560 : i32
        %add3A_2153 = arith.addi %add3A_2152, %mul3A_2151 : i32
        %get3A_2154 = arith.index_cast %add3A_2153 : i32 to index
        %get3A_2155 = tpu.vector_load %arg7[%get3A_2154] {strides = array<i32>} : memref<4096xi32, #tpu.memory_space<vmem>>, vector<16xi32>,
        %add3A_2156 = arith.addi %add3A_2149, %get3A_2155 : vector<16xi32>
        %mul3A_2157 = arith.constant 16 : i32
        %mul3A_2158 = arith.muli %scan3A_2076, %mul3A_2157 : i32
        %add3A_2159 = arith.constant 2816 : i32
        %add3A_2160 = arith.addi %add3A_2159, %mul3A_2158 : i32
        %get3A_2161 = arith.index_cast %add3A_2160 : i32 to index
        %get3A_2162 = tpu.vector_load %arg7[%get3A_2161] {strides = array<i32>} : memref<4096xi32, #tpu.memory_space<vmem>>, vector<16xi32>,
        %add3A_2163 = arith.addi %add3A_2156, %get3A_2162 : vector<16xi32>
        %mul3A_2164 = arith.constant 16 : i32
        %mul3A_2165 = arith.muli %scan3A_2076, %mul3A_2164 : i32
        %add3A_2166 = arith.constant 3072 : i32
        %add3A_2167 = arith.addi %add3A_2166, %mul3A_2165 : i32
        %get3A_2168 = arith.index_cast %add3A_2167 : i32 to index
        %get3A_2169 = tpu.vector_load %arg7[%get3A_2168] {strides = array<i32>} : memref<4096xi32, #tpu.memory_space<vmem>>, vector<16xi32>,
        %add3A_2170 = arith.addi %add3A_2163, %get3A_2169 : vector<16xi32>
        %mul3A_2171 = arith.constant 16 : i32
        %mul3A_2172 = arith.muli %scan3A_2076, %mul3A_2171 : i32
        %add3A_2173 = arith.constant 3328 : i32
        %add3A_2174 = arith.addi %add3A_2173, %mul3A_2172 : i32
        %get3A_2175 = arith.index_cast %add3A_2174 : i32 to index
        %get3A_2176 = tpu.vector_load %arg7[%get3A_2175] {strides = array<i32>} : memref<4096xi32, #tpu.memory_space<vmem>>, vector<16xi32>,
        %add3A_2177 = arith.addi %add3A_2170, %get3A_2176 : vector<16xi32>
        %mul3A_2178 = arith.constant 16 : i32
        %mul3A_2179 = arith.muli %scan3A_2076, %mul3A_2178 : i32
        %add3A_2180 = arith.constant 3584 : i32
        %add3A_2181 = arith.addi %add3A_2180, %mul3A_2179 : i32
        %get3A_2182 = arith.index_cast %add3A_2181 : i32 to index
        %get3A_2183 = tpu.vector_load %arg7[%get3A_2182] {strides = array<i32>} : memref<4096xi32, #tpu.memory_space<vmem>>, vector<16xi32>,
        %add3A_2184 = arith.addi %add3A_2177, %get3A_2183 : vector<16xi32>
        %mul3A_2185 = arith.constant 16 : i32
        %mul3A_2186 = arith.muli %scan3A_2076, %mul3A_2185 : i32
        %add3A_2187 = arith.constant 3840 : i32
        %add3A_2188 = arith.addi %add3A_2187, %mul3A_2186 : i32
        %get3A_2189 = arith.index_cast %add3A_2188 : i32 to index
        %get3A_2190 = tpu.vector_load %arg7[%get3A_2189] {strides = array<i32>} : memref<4096xi32, #tpu.memory_space<vmem>>, vector<16xi32>,
        %add3A_2191 = arith.addi %add3A_2184, %get3A_2190 : vector<16xi32>
        %mul3A_2192 = arith.constant 16 : i32
        %mul3A_2193 = arith.muli %scan3A_2076, %mul3A_2192 : i32
        %swap3A_2194 = arith.index_cast %mul3A_2193 : i32 to index
        %swap3A_2195 = tpu.vector_load %arg8[%swap3A_2194] {strides = array<i32>} : memref<256xi32, #tpu.memory_space<vmem>>, vector<16xi32>,
        tpu.vector_store %arg8[%swap3A_2194], %add3A_2191 {strides = array<i32>} : memref<256xi32, #tpu.memory_space<vmem>>, vector<16xi32>,
        %scan3A_2196 = arith.constant 0 : i32
        scf.yield %scan3A_2196 : i32
      }
      %scan3A_39 = arith.constant 16 : i32
      %scan3A_40 = arith.constant 0 : i32
      %scan3A_41 = arith.constant 0 : i32
      %scan3A_42 = arith.constant 0 : i32
      %scan3A_43 = arith.constant 0 : i32
      %scan3A_44 = arith.constant 16 : i32
      %scan3A_45 = arith.addi %scan3A_43, %scan3A_44 : i32
      %scan3A_46 = arith.constant 1 : i32
      %scan3A_47:2 = scf.for %scan3A_2076 = %scan3A_43 to %scan3A_45 step %scan3A_46 iter_args(%scan3A_2077 = %scan3A_41, %scan3A_2078 = %scan3A_42) -> (i32, i32)  : i32 {
        %sub3A_2079 = arith.constant 15 : i32
        %sub3A_2080 = arith.subi %sub3A_2079, %scan3A_2076 : i32
        %mul3A_2081 = arith.constant 16 : i32
        %mul3A_2082 = arith.muli %sub3A_2080, %mul3A_2081 : i32
        %get3A_2083 = arith.index_cast %mul3A_2082 : i32 to index
        %get3A_2084 = tpu.vector_load %arg8[%get3A_2083] {strides = array<i32>} : memref<256xi32, #tpu.memory_space<vmem>>, vector<16xi32>,
        %rev3A_2085 = arith.constant 15 : i32
        %rev3A_2086 = vector.broadcast %rev3A_2085 : i32 to vector<16xi32>
        %rev3A_2087 = tpu.iota {dimensions = array<i32: 0>} : vector<16xi32>
        %rev3A_2088 = arith.subi %rev3A_2086, %rev3A_2087 : vector<16xi32>
        %rev3A_2089 = tpu.dynamic_gather %get3A_2084[%rev3A_2088] in [0] : vector<16xi32>, vector<16xi32> -> vector<16xi32>
        %broadcast_in_dim3A_2090 = arith.constant true
        %broadcast_in_dim3A_2091 = vector.broadcast %broadcast_in_dim3A_2090 : i1 to vector<16xi1>
        %masked_cumsum3A = tpu.scan <sum>, %rev3A_2089 masked %broadcast_in_dim3A_2091 : vector<16xi32>, vector<16xi1> -> vector<16xi32>
        %add3A_2092 = vector.broadcast %scan3A_2077 : i32 to vector<16xi32>
        %add3A_2093 = arith.addi %masked_cumsum3A, %add3A_2092 : vector<16xi32>
        %rev3A_2094 = arith.constant 15 : i32
        %rev3A_2095 = vector.broadcast %rev3A_2094 : i32 to vector<16xi32>
        %rev3A_2096 = tpu.iota {dimensions = array<i32: 0>} : vector<16xi32>
        %rev3A_2097 = arith.subi %rev3A_2095, %rev3A_2096 : vector<16xi32>
        %rev3A_2098 = tpu.dynamic_gather %add3A_2093[%rev3A_2097] in [0] : vector<16xi32>, vector<16xi32> -> vector<16xi32>
        %mul3A_2099 = arith.constant 16 : i32
        %mul3A_2100 = arith.muli %sub3A_2080, %mul3A_2099 : i32
        %swap3A_2101 = arith.index_cast %mul3A_2100 : i32 to index
        %swap3A_2102 = tpu.vector_load %arg9[%swap3A_2101] {strides = array<i32>} : memref<256xi32, #tpu.memory_space<vmem>>, vector<16xi32>,
        tpu.vector_store %arg9[%swap3A_2101], %rev3A_2098 {strides = array<i32>} : memref<256xi32, #tpu.memory_space<vmem>>, vector<16xi32>,
        %add3A_2103 = vector.broadcast %scan3A_40 : i32 to vector<16xi32>
        %add3A_2104 = arith.addi %add3A_2103, %add3A_2093 : vector<16xi32>
        %ge3A_2105 = arith.constant 256 : i32
        %ge3A_2106 = vector.broadcast %ge3A_2105 : i32 to vector<16xi32>
        %ge3A_2107 = arith.cmpi sge, %add3A_2104, %ge3A_2106 : vector<16xi32>
        %convert_element_type3A = arith.extui %ge3A_2107 : vector<16xi1> to vector<16xi32>
        %reduce_sum3A = arith.constant true
        %reduce_sum3A_2108 = vector.broadcast %reduce_sum3A : i1 to vector<16xi1>
        %reduce_sum3A_2109 = tpu.scan <sum>, %convert_element_type3A masked %reduce_sum3A_2108 : vector<16xi32>, vector<16xi1> -> vector<16xi32>
        %reduce_sum3A_2110 = vector.extract %reduce_sum3A_2109[15] : i32 from vector<16xi32>
        %reduce_max3A_2111 = arith.constant true
        %reduce_max3A_2112 = vector.broadcast %reduce_max3A_2111 : i1 to vector<16xi1>
        %reduce_max3A_2113 = arith.constant -2147483648 : i32
        %reduce_max3A_2114 = vector.broadcast %reduce_max3A_2113 : i32 to vector<16xi32>
        %reduce_max3A_2115 = arith.xori %add3A_2093, %reduce_max3A_2114 : vector<16xi32>
        %reduce_max3A_2116 = tpu.scan <max>, %reduce_max3A_2115 masked %reduce_max3A_2112 : vector<16xi32>, vector<16xi1> -> vector<16xi32>
        %reduce_max3A_2117 = arith.xori %reduce_max3A_2116, %reduce_max3A_2114 : vector<16xi32>
        %reduce_max3A_2118 = vector.extract %reduce_max3A_2117[15] : i32 from vector<16xi32>
        %add3A_2119 = arith.addi %scan3A_2078, %reduce_sum3A_2110 : i32
        scf.yield %reduce_max3A_2118, %add3A_2119 : i32, i32
      }
      %scan3A_48 = arith.constant 16 : i32
      %sub3A = arith.constant 1 : i32
      %sub3A_49 = arith.subi %scan3A_47#1, %sub3A : i32
      %broadcast_in_dim3A_50 = arith.constant 0 : i32
      %broadcast_in_dim3A_51 = vector.broadcast %broadcast_in_dim3A_50 : i32 to vector<16xi32>
      %add3A_52 = vector.broadcast %sub3A_49 : i32 to vector<16xi32>
      %add3A_53 = arith.addi %broadcast_in_dim3A_51, %add3A_52 : vector<16xi32>
      %gather3A = tpu.vector_load_idx %arg8[%add3A_53] : memref<256xi32, #tpu.memory_space<vmem>>[vector<16xi32>], vector<16xi32>,
      %reduce_max3A = arith.constant true
      %reduce_max3A_54 = vector.broadcast %reduce_max3A : i1 to vector<16xi1>
      %reduce_max3A_55 = arith.constant -2147483648 : i32
      %reduce_max3A_56 = vector.broadcast %reduce_max3A_55 : i32 to vector<16xi32>
      %reduce_max3A_57 = arith.xori %gather3A, %reduce_max3A_56 : vector<16xi32>
      %reduce_max3A_58 = tpu.scan <max>, %reduce_max3A_57 masked %reduce_max3A_54 : vector<16xi32>, vector<16xi1> -> vector<16xi32>
      %reduce_max3A_59 = arith.xori %reduce_max3A_58, %reduce_max3A_56 : vector<16xi32>
      %reduce_max3A_60 = vector.extract %reduce_max3A_59[15] : i32 from vector<16xi32>
      %gather3A_61 = tpu.vector_load_idx %arg9[%add3A_53] : memref<256xi32, #tpu.memory_space<vmem>>[vector<16xi32>], vector<16xi32>,
      %reduce_max3A_62 = arith.constant true
      %reduce_max3A_63 = vector.broadcast %reduce_max3A_62 : i1 to vector<16xi1>
      %reduce_max3A_64 = arith.constant -2147483648 : i32
      %reduce_max3A_65 = vector.broadcast %reduce_max3A_64 : i32 to vector<16xi32>
      %reduce_max3A_66 = arith.xori %gather3A_61, %reduce_max3A_65 : vector<16xi32>
      %reduce_max3A_67 = tpu.scan <max>, %reduce_max3A_66 masked %reduce_max3A_63 : vector<16xi32>, vector<16xi1> -> vector<16xi32>
      %reduce_max3A_68 = arith.xori %reduce_max3A_67, %reduce_max3A_65 : vector<16xi32>
      %reduce_max3A_69 = vector.extract %reduce_max3A_68[15] : i32 from vector<16xi32>
      %shift_left3A = arith.constant 24 : i32
      %shift_left3A_70 = arith.shli %sub3A_49, %shift_left3A : i32
      %or3A = arith.constant 0 : i32
      %or3A_71 = arith.ori %or3A, %shift_left3A_70 : i32
      %add3A_72 = arith.constant 0 : i32
      %add3A_73 = arith.addi %add3A_72, %reduce_max3A_69 : i32
      %sub3A_74 = arith.subi %add3A_73, %reduce_max3A_60 : i32
      %scan3A_75 = arith.constant 0 : i32
      %scan3A_76 = arith.constant 0 : i32
      %scan3A_77 = arith.constant 256 : i32
      %scan3A_78 = arith.addi %scan3A_76, %scan3A_77 : i32
      %scan3A_79 = arith.constant 1 : i32
      %scan3A_80 = scf.for %scan3A_2076 = %scan3A_76 to %scan3A_78 step %scan3A_79 iter_args(%scan3A_2077 = %scan3A_75) -> (i32)  : i32 {
        %broadcast_in_dim3A_2078 = arith.constant 0 : i32
        %broadcast_in_dim3A_2079 = vector.broadcast %broadcast_in_dim3A_2078 : i32 to vector<16xi32>
        %mul3A_2080 = arith.constant 16 : i32
        %mul3A_2081 = arith.muli %scan3A_2076, %mul3A_2080 : i32
        %swap3A_2082 = arith.index_cast %mul3A_2081 : i32 to index
        %swap3A_2083 = tpu.vector_load %arg7[%swap3A_2082] {strides = array<i32>} : memref<4096xi32, #tpu.memory_space<vmem>>, vector<16xi32>,
        tpu.vector_store %arg7[%swap3A_2082], %broadcast_in_dim3A_2079 {strides = array<i32>} : memref<4096xi32, #tpu.memory_space<vmem>>, vector<16xi32>,
        %scan3A_2084 = arith.constant 0 : i32
        scf.yield %scan3A_2084 : i32
      }
      %scan3A_81 = arith.constant 256 : i32
      %and3A_82 = arith.constant -16777216 : i32
      %and3A_83 = arith.andi %or3A_71, %and3A_82 : i32
      %scan3A_84 = arith.constant -16777216 : i32
      %scan3A_85 = arith.constant 0 : i32
      %scan3A_86 = arith.constant 0 : i32
      %scan3A_87 = arith.constant 512 : i32
      %scan3A_88 = arith.addi %scan3A_86, %scan3A_87 : i32
      %scan3A_89 = arith.constant 1 : i32
      %scan3A_90 = scf.for %scan3A_2076 = %scan3A_86 to %scan3A_88 step %scan3A_89 iter_args(%scan3A_2077 = %scan3A_85) -> (i32)  : i32 {
        %mul3A_2078 = arith.constant 16 : i32
        %mul3A_2079 = arith.muli %scan3A_2076, %mul3A_2078 : i32
        %get3A_2080 = arith.index_cast %mul3A_2079 : i32 to index
        %get3A_2081 = tpu.vector_load %arg6[%get3A_2080] {strides = array<i32>} : memref<8192xf32, #tpu.memory_space<vmem>>, vector<16xf32>,
        %bitcast3A = vector.bitcast %get3A_2081 : vector<16xf32> to vector<16xi32>
        %and3A_2082 = vector.broadcast %scan3A_84 : i32 to vector<16xi32>
        %and3A_2083 = arith.andi %bitcast3A, %and3A_2082 : vector<16xi32>
        %eq3A = vector.broadcast %and3A_83 : i32 to vector<16xi32>
        %eq3A_2084 = arith.cmpi eq, %and3A_2083, %eq3A : vector<16xi32>
        %shift_right_logical3A = arith.constant 16 : i32
        %shift_right_logical3A_2085 = vector.broadcast %shift_right_logical3A : i32 to vector<16xi32>
        %shift_right_logical3A_2086 = arith.shrui %bitcast3A, %shift_right_logical3A_2085 : vector<16xi32>
        %and3A_2087 = arith.constant 255 : i32
        %and3A_2088 = vector.broadcast %and3A_2087 : i32 to vector<16xi32>
        %and3A_2089 = arith.andi %shift_right_logical3A_2086, %and3A_2088 : vector<16xi32>
        %add3A_2090 = arith.addi %mul3A_15, %and3A_2089 : vector<16xi32>
        tpu.vector_store_idx %arg7[%add3A_2090], %broadcast_in_dim3A_12 masked %eq3A_2084 {add = true} : memref<4096xi32, #tpu.memory_space<vmem>>[vector<16xi32>], vector<16xi32>, vector<16xi1>
        %scan3A_2091 = arith.constant 0 : i32
        scf.yield %scan3A_2091 : i32
      }
      %scan3A_91 = arith.constant 512 : i32
      %scan3A_92 = arith.constant 0 : i32
      %scan3A_93 = arith.constant 0 : i32
      %scan3A_94 = arith.constant 16 : i32
      %scan3A_95 = arith.addi %scan3A_93, %scan3A_94 : i32
      %scan3A_96 = arith.constant 1 : i32
      %scan3A_97 = scf.for %scan3A_2076 = %scan3A_93 to %scan3A_95 step %scan3A_96 iter_args(%scan3A_2077 = %scan3A_92) -> (i32)  : i32 {
        %broadcast_in_dim3A_2078 = arith.constant 0 : i32
        %broadcast_in_dim3A_2079 = vector.broadcast %broadcast_in_dim3A_2078 : i32 to vector<16xi32>
        %mul3A_2080 = arith.constant 16 : i32
        %mul3A_2081 = arith.muli %scan3A_2076, %mul3A_2080 : i32
        %add3A_2082 = arith.constant 0 : i32
        %add3A_2083 = arith.addi %add3A_2082, %mul3A_2081 : i32
        %get3A_2084 = arith.index_cast %add3A_2083 : i32 to index
        %get3A_2085 = tpu.vector_load %arg7[%get3A_2084] {strides = array<i32>} : memref<4096xi32, #tpu.memory_space<vmem>>, vector<16xi32>,
        %add3A_2086 = arith.addi %broadcast_in_dim3A_2079, %get3A_2085 : vector<16xi32>
        %mul3A_2087 = arith.constant 16 : i32
        %mul3A_2088 = arith.muli %scan3A_2076, %mul3A_2087 : i32
        %add3A_2089 = arith.constant 256 : i32
        %add3A_2090 = arith.addi %add3A_2089, %mul3A_2088 : i32
        %get3A_2091 = arith.index_cast %add3A_2090 : i32 to index
        %get3A_2092 = tpu.vector_load %arg7[%get3A_2091] {strides = array<i32>} : memref<4096xi32, #tpu.memory_space<vmem>>, vector<16xi32>,
        %add3A_2093 = arith.addi %add3A_2086, %get3A_2092 : vector<16xi32>
        %mul3A_2094 = arith.constant 16 : i32
        %mul3A_2095 = arith.muli %scan3A_2076, %mul3A_2094 : i32
        %add3A_2096 = arith.constant 512 : i32
        %add3A_2097 = arith.addi %add3A_2096, %mul3A_2095 : i32
        %get3A_2098 = arith.index_cast %add3A_2097 : i32 to index
        %get3A_2099 = tpu.vector_load %arg7[%get3A_2098] {strides = array<i32>} : memref<4096xi32, #tpu.memory_space<vmem>>, vector<16xi32>,
        %add3A_2100 = arith.addi %add3A_2093, %get3A_2099 : vector<16xi32>
        %mul3A_2101 = arith.constant 16 : i32
        %mul3A_2102 = arith.muli %scan3A_2076, %mul3A_2101 : i32
        %add3A_2103 = arith.constant 768 : i32
        %add3A_2104 = arith.addi %add3A_2103, %mul3A_2102 : i32
        %get3A_2105 = arith.index_cast %add3A_2104 : i32 to index
        %get3A_2106 = tpu.vector_load %arg7[%get3A_2105] {strides = array<i32>} : memref<4096xi32, #tpu.memory_space<vmem>>, vector<16xi32>,
        %add3A_2107 = arith.addi %add3A_2100, %get3A_2106 : vector<16xi32>
        %mul3A_2108 = arith.constant 16 : i32
        %mul3A_2109 = arith.muli %scan3A_2076, %mul3A_2108 : i32
        %add3A_2110 = arith.constant 1024 : i32
        %add3A_2111 = arith.addi %add3A_2110, %mul3A_2109 : i32
        %get3A_2112 = arith.index_cast %add3A_2111 : i32 to index
        %get3A_2113 = tpu.vector_load %arg7[%get3A_2112] {strides = array<i32>} : memref<4096xi32, #tpu.memory_space<vmem>>, vector<16xi32>,
        %add3A_2114 = arith.addi %add3A_2107, %get3A_2113 : vector<16xi32>
        %mul3A_2115 = arith.constant 16 : i32
        %mul3A_2116 = arith.muli %scan3A_2076, %mul3A_2115 : i32
        %add3A_2117 = arith.constant 1280 : i32
        %add3A_2118 = arith.addi %add3A_2117, %mul3A_2116 : i32
        %get3A_2119 = arith.index_cast %add3A_2118 : i32 to index
        %get3A_2120 = tpu.vector_load %arg7[%get3A_2119] {strides = array<i32>} : memref<4096xi32, #tpu.memory_space<vmem>>, vector<16xi32>,
        %add3A_2121 = arith.addi %add3A_2114, %get3A_2120 : vector<16xi32>
        %mul3A_2122 = arith.constant 16 : i32
        %mul3A_2123 = arith.muli %scan3A_2076, %mul3A_2122 : i32
        %add3A_2124 = arith.constant 1536 : i32
        %add3A_2125 = arith.addi %add3A_2124, %mul3A_2123 : i32
        %get3A_2126 = arith.index_cast %add3A_2125 : i32 to index
        %get3A_2127 = tpu.vector_load %arg7[%get3A_2126] {strides = array<i32>} : memref<4096xi32, #tpu.memory_space<vmem>>, vector<16xi32>,
        %add3A_2128 = arith.addi %add3A_2121, %get3A_2127 : vector<16xi32>
        %mul3A_2129 = arith.constant 16 : i32
        %mul3A_2130 = arith.muli %scan3A_2076, %mul3A_2129 : i32
        %add3A_2131 = arith.constant 1792 : i32
        %add3A_2132 = arith.addi %add3A_2131, %mul3A_2130 : i32
        %get3A_2133 = arith.index_cast %add3A_2132 : i32 to index
        %get3A_2134 = tpu.vector_load %arg7[%get3A_2133] {strides = array<i32>} : memref<4096xi32, #tpu.memory_space<vmem>>, vector<16xi32>,
        %add3A_2135 = arith.addi %add3A_2128, %get3A_2134 : vector<16xi32>
        %mul3A_2136 = arith.constant 16 : i32
        %mul3A_2137 = arith.muli %scan3A_2076, %mul3A_2136 : i32
        %add3A_2138 = arith.constant 2048 : i32
        %add3A_2139 = arith.addi %add3A_2138, %mul3A_2137 : i32
        %get3A_2140 = arith.index_cast %add3A_2139 : i32 to index
        %get3A_2141 = tpu.vector_load %arg7[%get3A_2140] {strides = array<i32>} : memref<4096xi32, #tpu.memory_space<vmem>>, vector<16xi32>,
        %add3A_2142 = arith.addi %add3A_2135, %get3A_2141 : vector<16xi32>
        %mul3A_2143 = arith.constant 16 : i32
        %mul3A_2144 = arith.muli %scan3A_2076, %mul3A_2143 : i32
        %add3A_2145 = arith.constant 2304 : i32
        %add3A_2146 = arith.addi %add3A_2145, %mul3A_2144 : i32
        %get3A_2147 = arith.index_cast %add3A_2146 : i32 to index
        %get3A_2148 = tpu.vector_load %arg7[%get3A_2147] {strides = array<i32>} : memref<4096xi32, #tpu.memory_space<vmem>>, vector<16xi32>,
        %add3A_2149 = arith.addi %add3A_2142, %get3A_2148 : vector<16xi32>
        %mul3A_2150 = arith.constant 16 : i32
        %mul3A_2151 = arith.muli %scan3A_2076, %mul3A_2150 : i32
        %add3A_2152 = arith.constant 2560 : i32
        %add3A_2153 = arith.addi %add3A_2152, %mul3A_2151 : i32
        %get3A_2154 = arith.index_cast %add3A_2153 : i32 to index
        %get3A_2155 = tpu.vector_load %arg7[%get3A_2154] {strides = array<i32>} : memref<4096xi32, #tpu.memory_space<vmem>>, vector<16xi32>,
        %add3A_2156 = arith.addi %add3A_2149, %get3A_2155 : vector<16xi32>
        %mul3A_2157 = arith.constant 16 : i32
        %mul3A_2158 = arith.muli %scan3A_2076, %mul3A_2157 : i32
        %add3A_2159 = arith.constant 2816 : i32
        %add3A_2160 = arith.addi %add3A_2159, %mul3A_2158 : i32
        %get3A_2161 = arith.index_cast %add3A_2160 : i32 to index
        %get3A_2162 = tpu.vector_load %arg7[%get3A_2161] {strides = array<i32>} : memref<4096xi32, #tpu.memory_space<vmem>>, vector<16xi32>,
        %add3A_2163 = arith.addi %add3A_2156, %get3A_2162 : vector<16xi32>
        %mul3A_2164 = arith.constant 16 : i32
        %mul3A_2165 = arith.muli %scan3A_2076, %mul3A_2164 : i32
        %add3A_2166 = arith.constant 3072 : i32
        %add3A_2167 = arith.addi %add3A_2166, %mul3A_2165 : i32
        %get3A_2168 = arith.index_cast %add3A_2167 : i32 to index
        %get3A_2169 = tpu.vector_load %arg7[%get3A_2168] {strides = array<i32>} : memref<4096xi32, #tpu.memory_space<vmem>>, vector<16xi32>,
        %add3A_2170 = arith.addi %add3A_2163, %get3A_2169 : vector<16xi32>
        %mul3A_2171 = arith.constant 16 : i32
        %mul3A_2172 = arith.muli %scan3A_2076, %mul3A_2171 : i32
        %add3A_2173 = arith.constant 3328 : i32
        %add3A_2174 = arith.addi %add3A_2173, %mul3A_2172 : i32
        %get3A_2175 = arith.index_cast %add3A_2174 : i32 to index
        %get3A_2176 = tpu.vector_load %arg7[%get3A_2175] {strides = array<i32>} : memref<4096xi32, #tpu.memory_space<vmem>>, vector<16xi32>,
        %add3A_2177 = arith.addi %add3A_2170, %get3A_2176 : vector<16xi32>
        %mul3A_2178 = arith.constant 16 : i32
        %mul3A_2179 = arith.muli %scan3A_2076, %mul3A_2178 : i32
        %add3A_2180 = arith.constant 3584 : i32
        %add3A_2181 = arith.addi %add3A_2180, %mul3A_2179 : i32
        %get3A_2182 = arith.index_cast %add3A_2181 : i32 to index
        %get3A_2183 = tpu.vector_load %arg7[%get3A_2182] {strides = array<i32>} : memref<4096xi32, #tpu.memory_space<vmem>>, vector<16xi32>,
        %add3A_2184 = arith.addi %add3A_2177, %get3A_2183 : vector<16xi32>
        %mul3A_2185 = arith.constant 16 : i32
        %mul3A_2186 = arith.muli %scan3A_2076, %mul3A_2185 : i32
        %add3A_2187 = arith.constant 3840 : i32
        %add3A_2188 = arith.addi %add3A_2187, %mul3A_2186 : i32
        %get3A_2189 = arith.index_cast %add3A_2188 : i32 to index
        %get3A_2190 = tpu.vector_load %arg7[%get3A_2189] {strides = array<i32>} : memref<4096xi32, #tpu.memory_space<vmem>>, vector<16xi32>,
        %add3A_2191 = arith.addi %add3A_2184, %get3A_2190 : vector<16xi32>
        %mul3A_2192 = arith.constant 16 : i32
        %mul3A_2193 = arith.muli %scan3A_2076, %mul3A_2192 : i32
        %swap3A_2194 = arith.index_cast %mul3A_2193 : i32 to index
        %swap3A_2195 = tpu.vector_load %arg8[%swap3A_2194] {strides = array<i32>} : memref<256xi32, #tpu.memory_space<vmem>>, vector<16xi32>,
        tpu.vector_store %arg8[%swap3A_2194], %add3A_2191 {strides = array<i32>} : memref<256xi32, #tpu.memory_space<vmem>>, vector<16xi32>,
        %scan3A_2196 = arith.constant 0 : i32
        scf.yield %scan3A_2196 : i32
      }
      %scan3A_98 = arith.constant 16 : i32
      %scan3A_99 = arith.constant 0 : i32
      %scan3A_100 = arith.constant 0 : i32
      %scan3A_101 = arith.constant 0 : i32
      %scan3A_102 = arith.constant 16 : i32
      %scan3A_103 = arith.addi %scan3A_101, %scan3A_102 : i32
      %scan3A_104 = arith.constant 1 : i32
      %scan3A_105:2 = scf.for %scan3A_2076 = %scan3A_101 to %scan3A_103 step %scan3A_104 iter_args(%scan3A_2077 = %scan3A_99, %scan3A_2078 = %scan3A_100) -> (i32, i32)  : i32 {
        %sub3A_2079 = arith.constant 15 : i32
        %sub3A_2080 = arith.subi %sub3A_2079, %scan3A_2076 : i32
        %mul3A_2081 = arith.constant 16 : i32
        %mul3A_2082 = arith.muli %sub3A_2080, %mul3A_2081 : i32
        %get3A_2083 = arith.index_cast %mul3A_2082 : i32 to index
        %get3A_2084 = tpu.vector_load %arg8[%get3A_2083] {strides = array<i32>} : memref<256xi32, #tpu.memory_space<vmem>>, vector<16xi32>,
        %rev3A_2085 = arith.constant 15 : i32
        %rev3A_2086 = vector.broadcast %rev3A_2085 : i32 to vector<16xi32>
        %rev3A_2087 = tpu.iota {dimensions = array<i32: 0>} : vector<16xi32>
        %rev3A_2088 = arith.subi %rev3A_2086, %rev3A_2087 : vector<16xi32>
        %rev3A_2089 = tpu.dynamic_gather %get3A_2084[%rev3A_2088] in [0] : vector<16xi32>, vector<16xi32> -> vector<16xi32>
        %broadcast_in_dim3A_2090 = arith.constant true
        %broadcast_in_dim3A_2091 = vector.broadcast %broadcast_in_dim3A_2090 : i1 to vector<16xi1>
        %masked_cumsum3A = tpu.scan <sum>, %rev3A_2089 masked %broadcast_in_dim3A_2091 : vector<16xi32>, vector<16xi1> -> vector<16xi32>
        %add3A_2092 = vector.broadcast %scan3A_2077 : i32 to vector<16xi32>
        %add3A_2093 = arith.addi %masked_cumsum3A, %add3A_2092 : vector<16xi32>
        %rev3A_2094 = arith.constant 15 : i32
        %rev3A_2095 = vector.broadcast %rev3A_2094 : i32 to vector<16xi32>
        %rev3A_2096 = tpu.iota {dimensions = array<i32: 0>} : vector<16xi32>
        %rev3A_2097 = arith.subi %rev3A_2095, %rev3A_2096 : vector<16xi32>
        %rev3A_2098 = tpu.dynamic_gather %add3A_2093[%rev3A_2097] in [0] : vector<16xi32>, vector<16xi32> -> vector<16xi32>
        %mul3A_2099 = arith.constant 16 : i32
        %mul3A_2100 = arith.muli %sub3A_2080, %mul3A_2099 : i32
        %swap3A_2101 = arith.index_cast %mul3A_2100 : i32 to index
        %swap3A_2102 = tpu.vector_load %arg9[%swap3A_2101] {strides = array<i32>} : memref<256xi32, #tpu.memory_space<vmem>>, vector<16xi32>,
        tpu.vector_store %arg9[%swap3A_2101], %rev3A_2098 {strides = array<i32>} : memref<256xi32, #tpu.memory_space<vmem>>, vector<16xi32>,
        %add3A_2103 = vector.broadcast %sub3A_74 : i32 to vector<16xi32>
        %add3A_2104 = arith.addi %add3A_2103, %add3A_2093 : vector<16xi32>
        %ge3A_2105 = arith.constant 256 : i32
        %ge3A_2106 = vector.broadcast %ge3A_2105 : i32 to vector<16xi32>
        %ge3A_2107 = arith.cmpi sge, %add3A_2104, %ge3A_2106 : vector<16xi32>
        %convert_element_type3A = arith.extui %ge3A_2107 : vector<16xi1> to vector<16xi32>
        %reduce_sum3A = arith.constant true
        %reduce_sum3A_2108 = vector.broadcast %reduce_sum3A : i1 to vector<16xi1>
        %reduce_sum3A_2109 = tpu.scan <sum>, %convert_element_type3A masked %reduce_sum3A_2108 : vector<16xi32>, vector<16xi1> -> vector<16xi32>
        %reduce_sum3A_2110 = vector.extract %reduce_sum3A_2109[15] : i32 from vector<16xi32>
        %reduce_max3A_2111 = arith.constant true
        %reduce_max3A_2112 = vector.broadcast %reduce_max3A_2111 : i1 to vector<16xi1>
        %reduce_max3A_2113 = arith.constant -2147483648 : i32
        %reduce_max3A_2114 = vector.broadcast %reduce_max3A_2113 : i32 to vector<16xi32>
        %reduce_max3A_2115 = arith.xori %add3A_2093, %reduce_max3A_2114 : vector<16xi32>
        %reduce_max3A_2116 = tpu.scan <max>, %reduce_max3A_2115 masked %reduce_max3A_2112 : vector<16xi32>, vector<16xi1> -> vector<16xi32>
        %reduce_max3A_2117 = arith.xori %reduce_max3A_2116, %reduce_max3A_2114 : vector<16xi32>
        %reduce_max3A_2118 = vector.extract %reduce_max3A_2117[15] : i32 from vector<16xi32>
        %add3A_2119 = arith.addi %scan3A_2078, %reduce_sum3A_2110 : i32
        scf.yield %reduce_max3A_2118, %add3A_2119 : i32, i32
      }
      %scan3A_106 = arith.constant 16 : i32
      %sub3A_107 = arith.constant 1 : i32
      %sub3A_108 = arith.subi %scan3A_105#1, %sub3A_107 : i32
      %broadcast_in_dim3A_109 = arith.constant 0 : i32
      %broadcast_in_dim3A_110 = vector.broadcast %broadcast_in_dim3A_109 : i32 to vector<16xi32>
      %add3A_111 = vector.broadcast %sub3A_108 : i32 to vector<16xi32>
      %add3A_112 = arith.addi %broadcast_in_dim3A_110, %add3A_111 : vector<16xi32>
      %gather3A_113 = tpu.vector_load_idx %arg8[%add3A_112] : memref<256xi32, #tpu.memory_space<vmem>>[vector<16xi32>], vector<16xi32>,
      %reduce_max3A_114 = arith.constant true
      %reduce_max3A_115 = vector.broadcast %reduce_max3A_114 : i1 to vector<16xi1>
      %reduce_max3A_116 = arith.constant -2147483648 : i32
      %reduce_max3A_117 = vector.broadcast %reduce_max3A_116 : i32 to vector<16xi32>
      %reduce_max3A_118 = arith.xori %gather3A_113, %reduce_max3A_117 : vector<16xi32>
      %reduce_max3A_119 = tpu.scan <max>, %reduce_max3A_118 masked %reduce_max3A_115 : vector<16xi32>, vector<16xi1> -> vector<16xi32>
      %reduce_max3A_120 = arith.xori %reduce_max3A_119, %reduce_max3A_117 : vector<16xi32>
      %reduce_max3A_121 = vector.extract %reduce_max3A_120[15] : i32 from vector<16xi32>
      %gather3A_122 = tpu.vector_load_idx %arg9[%add3A_112] : memref<256xi32, #tpu.memory_space<vmem>>[vector<16xi32>], vector<16xi32>,
      %reduce_max3A_123 = arith.constant true
      %reduce_max3A_124 = vector.broadcast %reduce_max3A_123 : i1 to vector<16xi1>
      %reduce_max3A_125 = arith.constant -2147483648 : i32
      %reduce_max3A_126 = vector.broadcast %reduce_max3A_125 : i32 to vector<16xi32>
      %reduce_max3A_127 = arith.xori %gather3A_122, %reduce_max3A_126 : vector<16xi32>
      %reduce_max3A_128 = tpu.scan <max>, %reduce_max3A_127 masked %reduce_max3A_124 : vector<16xi32>, vector<16xi1> -> vector<16xi32>
      %reduce_max3A_129 = arith.xori %reduce_max3A_128, %reduce_max3A_126 : vector<16xi32>
      %reduce_max3A_130 = vector.extract %reduce_max3A_129[15] : i32 from vector<16xi32>
      %shift_left3A_131 = arith.constant 16 : i32
      %shift_left3A_132 = arith.shli %sub3A_108, %shift_left3A_131 : i32
      %or3A_133 = arith.ori %or3A_71, %shift_left3A_132 : i32
      %add3A_134 = arith.addi %sub3A_74, %reduce_max3A_130 : i32
      %sub3A_135 = arith.subi %add3A_134, %reduce_max3A_121 : i32
      %scan3A_136 = arith.constant 0 : i32
      %scan3A_137 = arith.constant 0 : i32
      %scan3A_138 = arith.constant 256 : i32
      %scan3A_139 = arith.addi %scan3A_137, %scan3A_138 : i32
      %scan3A_140 = arith.constant 1 : i32
      %scan3A_141 = scf.for %scan3A_2076 = %scan3A_137 to %scan3A_139 step %scan3A_140 iter_args(%scan3A_2077 = %scan3A_136) -> (i32)  : i32 {
        %broadcast_in_dim3A_2078 = arith.constant 0 : i32
        %broadcast_in_dim3A_2079 = vector.broadcast %broadcast_in_dim3A_2078 : i32 to vector<16xi32>
        %mul3A_2080 = arith.constant 16 : i32
        %mul3A_2081 = arith.muli %scan3A_2076, %mul3A_2080 : i32
        %swap3A_2082 = arith.index_cast %mul3A_2081 : i32 to index
        %swap3A_2083 = tpu.vector_load %arg7[%swap3A_2082] {strides = array<i32>} : memref<4096xi32, #tpu.memory_space<vmem>>, vector<16xi32>,
        tpu.vector_store %arg7[%swap3A_2082], %broadcast_in_dim3A_2079 {strides = array<i32>} : memref<4096xi32, #tpu.memory_space<vmem>>, vector<16xi32>,
        %scan3A_2084 = arith.constant 0 : i32
        scf.yield %scan3A_2084 : i32
      }
      %scan3A_142 = arith.constant 256 : i32
      %and3A_143 = arith.constant -65536 : i32
      %and3A_144 = arith.andi %or3A_133, %and3A_143 : i32
      %scan3A_145 = arith.constant -65536 : i32
      %scan3A_146 = arith.constant 0 : i32
      %scan3A_147 = arith.constant 0 : i32
      %scan3A_148 = arith.constant 512 : i32
      %scan3A_149 = arith.addi %scan3A_147, %scan3A_148 : i32
      %scan3A_150 = arith.constant 1 : i32
      %scan3A_151 = scf.for %scan3A_2076 = %scan3A_147 to %scan3A_149 step %scan3A_150 iter_args(%scan3A_2077 = %scan3A_146) -> (i32)  : i32 {
        %mul3A_2078 = arith.constant 16 : i32
        %mul3A_2079 = arith.muli %scan3A_2076, %mul3A_2078 : i32
        %get3A_2080 = arith.index_cast %mul3A_2079 : i32 to index
        %get3A_2081 = tpu.vector_load %arg6[%get3A_2080] {strides = array<i32>} : memref<8192xf32, #tpu.memory_space<vmem>>, vector<16xf32>,
        %bitcast3A = vector.bitcast %get3A_2081 : vector<16xf32> to vector<16xi32>
        %and3A_2082 = vector.broadcast %scan3A_145 : i32 to vector<16xi32>
        %and3A_2083 = arith.andi %bitcast3A, %and3A_2082 : vector<16xi32>
        %eq3A = vector.broadcast %and3A_144 : i32 to vector<16xi32>
        %eq3A_2084 = arith.cmpi eq, %and3A_2083, %eq3A : vector<16xi32>
        %shift_right_logical3A = arith.constant 8 : i32
        %shift_right_logical3A_2085 = vector.broadcast %shift_right_logical3A : i32 to vector<16xi32>
        %shift_right_logical3A_2086 = arith.shrui %bitcast3A, %shift_right_logical3A_2085 : vector<16xi32>
        %and3A_2087 = arith.constant 255 : i32
        %and3A_2088 = vector.broadcast %and3A_2087 : i32 to vector<16xi32>
        %and3A_2089 = arith.andi %shift_right_logical3A_2086, %and3A_2088 : vector<16xi32>
        %add3A_2090 = arith.addi %mul3A_15, %and3A_2089 : vector<16xi32>
        tpu.vector_store_idx %arg7[%add3A_2090], %broadcast_in_dim3A_12 masked %eq3A_2084 {add = true} : memref<4096xi32, #tpu.memory_space<vmem>>[vector<16xi32>], vector<16xi32>, vector<16xi1>
        %scan3A_2091 = arith.constant 0 : i32
        scf.yield %scan3A_2091 : i32
      }
      %scan3A_152 = arith.constant 512 : i32
      %scan3A_153 = arith.constant 0 : i32
      %scan3A_154 = arith.constant 0 : i32
      %scan3A_155 = arith.constant 16 : i32
      %scan3A_156 = arith.addi %scan3A_154, %scan3A_155 : i32
      %scan3A_157 = arith.constant 1 : i32
      %scan3A_158 = scf.for %scan3A_2076 = %scan3A_154 to %scan3A_156 step %scan3A_157 iter_args(%scan3A_2077 = %scan3A_153) -> (i32)  : i32 {
        %broadcast_in_dim3A_2078 = arith.constant 0 : i32
        %broadcast_in_dim3A_2079 = vector.broadcast %broadcast_in_dim3A_2078 : i32 to vector<16xi32>
        %mul3A_2080 = arith.constant 16 : i32
        %mul3A_2081 = arith.muli %scan3A_2076, %mul3A_2080 : i32
        %add3A_2082 = arith.constant 0 : i32
        %add3A_2083 = arith.addi %add3A_2082, %mul3A_2081 : i32
        %get3A_2084 = arith.index_cast %add3A_2083 : i32 to index
        %get3A_2085 = tpu.vector_load %arg7[%get3A_2084] {strides = array<i32>} : memref<4096xi32, #tpu.memory_space<vmem>>, vector<16xi32>,
        %add3A_2086 = arith.addi %broadcast_in_dim3A_2079, %get3A_2085 : vector<16xi32>
        %mul3A_2087 = arith.constant 16 : i32
        %mul3A_2088 = arith.muli %scan3A_2076, %mul3A_2087 : i32
        %add3A_2089 = arith.constant 256 : i32
        %add3A_2090 = arith.addi %add3A_2089, %mul3A_2088 : i32
        %get3A_2091 = arith.index_cast %add3A_2090 : i32 to index
        %get3A_2092 = tpu.vector_load %arg7[%get3A_2091] {strides = array<i32>} : memref<4096xi32, #tpu.memory_space<vmem>>, vector<16xi32>,
        %add3A_2093 = arith.addi %add3A_2086, %get3A_2092 : vector<16xi32>
        %mul3A_2094 = arith.constant 16 : i32
        %mul3A_2095 = arith.muli %scan3A_2076, %mul3A_2094 : i32
        %add3A_2096 = arith.constant 512 : i32
        %add3A_2097 = arith.addi %add3A_2096, %mul3A_2095 : i32
        %get3A_2098 = arith.index_cast %add3A_2097 : i32 to index
        %get3A_2099 = tpu.vector_load %arg7[%get3A_2098] {strides = array<i32>} : memref<4096xi32, #tpu.memory_space<vmem>>, vector<16xi32>,
        %add3A_2100 = arith.addi %add3A_2093, %get3A_2099 : vector<16xi32>
        %mul3A_2101 = arith.constant 16 : i32
        %mul3A_2102 = arith.muli %scan3A_2076, %mul3A_2101 : i32
        %add3A_2103 = arith.constant 768 : i32
        %add3A_2104 = arith.addi %add3A_2103, %mul3A_2102 : i32
        %get3A_2105 = arith.index_cast %add3A_2104 : i32 to index
        %get3A_2106 = tpu.vector_load %arg7[%get3A_2105] {strides = array<i32>} : memref<4096xi32, #tpu.memory_space<vmem>>, vector<16xi32>,
        %add3A_2107 = arith.addi %add3A_2100, %get3A_2106 : vector<16xi32>
        %mul3A_2108 = arith.constant 16 : i32
        %mul3A_2109 = arith.muli %scan3A_2076, %mul3A_2108 : i32
        %add3A_2110 = arith.constant 1024 : i32
        %add3A_2111 = arith.addi %add3A_2110, %mul3A_2109 : i32
        %get3A_2112 = arith.index_cast %add3A_2111 : i32 to index
        %get3A_2113 = tpu.vector_load %arg7[%get3A_2112] {strides = array<i32>} : memref<4096xi32, #tpu.memory_space<vmem>>, vector<16xi32>,
        %add3A_2114 = arith.addi %add3A_2107, %get3A_2113 : vector<16xi32>
        %mul3A_2115 = arith.constant 16 : i32
        %mul3A_2116 = arith.muli %scan3A_2076, %mul3A_2115 : i32
        %add3A_2117 = arith.constant 1280 : i32
        %add3A_2118 = arith.addi %add3A_2117, %mul3A_2116 : i32
        %get3A_2119 = arith.index_cast %add3A_2118 : i32 to index
        %get3A_2120 = tpu.vector_load %arg7[%get3A_2119] {strides = array<i32>} : memref<4096xi32, #tpu.memory_space<vmem>>, vector<16xi32>,
        %add3A_2121 = arith.addi %add3A_2114, %get3A_2120 : vector<16xi32>
        %mul3A_2122 = arith.constant 16 : i32
        %mul3A_2123 = arith.muli %scan3A_2076, %mul3A_2122 : i32
        %add3A_2124 = arith.constant 1536 : i32
        %add3A_2125 = arith.addi %add3A_2124, %mul3A_2123 : i32
        %get3A_2126 = arith.index_cast %add3A_2125 : i32 to index
        %get3A_2127 = tpu.vector_load %arg7[%get3A_2126] {strides = array<i32>} : memref<4096xi32, #tpu.memory_space<vmem>>, vector<16xi32>,
        %add3A_2128 = arith.addi %add3A_2121, %get3A_2127 : vector<16xi32>
        %mul3A_2129 = arith.constant 16 : i32
        %mul3A_2130 = arith.muli %scan3A_2076, %mul3A_2129 : i32
        %add3A_2131 = arith.constant 1792 : i32
        %add3A_2132 = arith.addi %add3A_2131, %mul3A_2130 : i32
        %get3A_2133 = arith.index_cast %add3A_2132 : i32 to index
        %get3A_2134 = tpu.vector_load %arg7[%get3A_2133] {strides = array<i32>} : memref<4096xi32, #tpu.memory_space<vmem>>, vector<16xi32>,
        %add3A_2135 = arith.addi %add3A_2128, %get3A_2134 : vector<16xi32>
        %mul3A_2136 = arith.constant 16 : i32
        %mul3A_2137 = arith.muli %scan3A_2076, %mul3A_2136 : i32
        %add3A_2138 = arith.constant 2048 : i32
        %add3A_2139 = arith.addi %add3A_2138, %mul3A_2137 : i32
        %get3A_2140 = arith.index_cast %add3A_2139 : i32 to index
        %get3A_2141 = tpu.vector_load %arg7[%get3A_2140] {strides = array<i32>} : memref<4096xi32, #tpu.memory_space<vmem>>, vector<16xi32>,
        %add3A_2142 = arith.addi %add3A_2135, %get3A_2141 : vector<16xi32>
        %mul3A_2143 = arith.constant 16 : i32
        %mul3A_2144 = arith.muli %scan3A_2076, %mul3A_2143 : i32
        %add3A_2145 = arith.constant 2304 : i32
        %add3A_2146 = arith.addi %add3A_2145, %mul3A_2144 : i32
        %get3A_2147 = arith.index_cast %add3A_2146 : i32 to index
        %get3A_2148 = tpu.vector_load %arg7[%get3A_2147] {strides = array<i32>} : memref<4096xi32, #tpu.memory_space<vmem>>, vector<16xi32>,
        %add3A_2149 = arith.addi %add3A_2142, %get3A_2148 : vector<16xi32>
        %mul3A_2150 = arith.constant 16 : i32
        %mul3A_2151 = arith.muli %scan3A_2076, %mul3A_2150 : i32
        %add3A_2152 = arith.constant 2560 : i32
        %add3A_2153 = arith.addi %add3A_2152, %mul3A_2151 : i32
        %get3A_2154 = arith.index_cast %add3A_2153 : i32 to index
        %get3A_2155 = tpu.vector_load %arg7[%get3A_2154] {strides = array<i32>} : memref<4096xi32, #tpu.memory_space<vmem>>, vector<16xi32>,
        %add3A_2156 = arith.addi %add3A_2149, %get3A_2155 : vector<16xi32>
        %mul3A_2157 = arith.constant 16 : i32
        %mul3A_2158 = arith.muli %scan3A_2076, %mul3A_2157 : i32
        %add3A_2159 = arith.constant 2816 : i32
        %add3A_2160 = arith.addi %add3A_2159, %mul3A_2158 : i32
        %get3A_2161 = arith.index_cast %add3A_2160 : i32 to index
        %get3A_2162 = tpu.vector_load %arg7[%get3A_2161] {strides = array<i32>} : memref<4096xi32, #tpu.memory_space<vmem>>, vector<16xi32>,
        %add3A_2163 = arith.addi %add3A_2156, %get3A_2162 : vector<16xi32>
        %mul3A_2164 = arith.constant 16 : i32
        %mul3A_2165 = arith.muli %scan3A_2076, %mul3A_2164 : i32
        %add3A_2166 = arith.constant 3072 : i32
        %add3A_2167 = arith.addi %add3A_2166, %mul3A_2165 : i32
        %get3A_2168 = arith.index_cast %add3A_2167 : i32 to index
        %get3A_2169 = tpu.vector_load %arg7[%get3A_2168] {strides = array<i32>} : memref<4096xi32, #tpu.memory_space<vmem>>, vector<16xi32>,
        %add3A_2170 = arith.addi %add3A_2163, %get3A_2169 : vector<16xi32>
        %mul3A_2171 = arith.constant 16 : i32
        %mul3A_2172 = arith.muli %scan3A_2076, %mul3A_2171 : i32
        %add3A_2173 = arith.constant 3328 : i32
        %add3A_2174 = arith.addi %add3A_2173, %mul3A_2172 : i32
        %get3A_2175 = arith.index_cast %add3A_2174 : i32 to index
        %get3A_2176 = tpu.vector_load %arg7[%get3A_2175] {strides = array<i32>} : memref<4096xi32, #tpu.memory_space<vmem>>, vector<16xi32>,
        %add3A_2177 = arith.addi %add3A_2170, %get3A_2176 : vector<16xi32>
        %mul3A_2178 = arith.constant 16 : i32
        %mul3A_2179 = arith.muli %scan3A_2076, %mul3A_2178 : i32
        %add3A_2180 = arith.constant 3584 : i32
        %add3A_2181 = arith.addi %add3A_2180, %mul3A_2179 : i32
        %get3A_2182 = arith.index_cast %add3A_2181 : i32 to index
        %get3A_2183 = tpu.vector_load %arg7[%get3A_2182] {strides = array<i32>} : memref<4096xi32, #tpu.memory_space<vmem>>, vector<16xi32>,
        %add3A_2184 = arith.addi %add3A_2177, %get3A_2183 : vector<16xi32>
        %mul3A_2185 = arith.constant 16 : i32
        %mul3A_2186 = arith.muli %scan3A_2076, %mul3A_2185 : i32
        %add3A_2187 = arith.constant 3840 : i32
        %add3A_2188 = arith.addi %add3A_2187, %mul3A_2186 : i32
        %get3A_2189 = arith.index_cast %add3A_2188 : i32 to index
        %get3A_2190 = tpu.vector_load %arg7[%get3A_2189] {strides = array<i32>} : memref<4096xi32, #tpu.memory_space<vmem>>, vector<16xi32>,
        %add3A_2191 = arith.addi %add3A_2184, %get3A_2190 : vector<16xi32>
        %mul3A_2192 = arith.constant 16 : i32
        %mul3A_2193 = arith.muli %scan3A_2076, %mul3A_2192 : i32
        %swap3A_2194 = arith.index_cast %mul3A_2193 : i32 to index
        %swap3A_2195 = tpu.vector_load %arg8[%swap3A_2194] {strides = array<i32>} : memref<256xi32, #tpu.memory_space<vmem>>, vector<16xi32>,
        tpu.vector_store %arg8[%swap3A_2194], %add3A_2191 {strides = array<i32>} : memref<256xi32, #tpu.memory_space<vmem>>, vector<16xi32>,
        %scan3A_2196 = arith.constant 0 : i32
        scf.yield %scan3A_2196 : i32
      }
      %scan3A_159 = arith.constant 16 : i32
      %scan3A_160 = arith.constant 0 : i32
      %scan3A_161 = arith.constant 0 : i32
      %scan3A_162 = arith.constant 0 : i32
      %scan3A_163 = arith.constant 16 : i32
      %scan3A_164 = arith.addi %scan3A_162, %scan3A_163 : i32
      %scan3A_165 = arith.constant 1 : i32
      %scan3A_166:2 = scf.for %scan3A_2076 = %scan3A_162 to %scan3A_164 step %scan3A_165 iter_args(%scan3A_2077 = %scan3A_160, %scan3A_2078 = %scan3A_161) -> (i32, i32)  : i32 {
        %sub3A_2079 = arith.constant 15 : i32
        %sub3A_2080 = arith.subi %sub3A_2079, %scan3A_2076 : i32
        %mul3A_2081 = arith.constant 16 : i32
        %mul3A_2082 = arith.muli %sub3A_2080, %mul3A_2081 : i32
        %get3A_2083 = arith.index_cast %mul3A_2082 : i32 to index
        %get3A_2084 = tpu.vector_load %arg8[%get3A_2083] {strides = array<i32>} : memref<256xi32, #tpu.memory_space<vmem>>, vector<16xi32>,
        %rev3A_2085 = arith.constant 15 : i32
        %rev3A_2086 = vector.broadcast %rev3A_2085 : i32 to vector<16xi32>
        %rev3A_2087 = tpu.iota {dimensions = array<i32: 0>} : vector<16xi32>
        %rev3A_2088 = arith.subi %rev3A_2086, %rev3A_2087 : vector<16xi32>
        %rev3A_2089 = tpu.dynamic_gather %get3A_2084[%rev3A_2088] in [0] : vector<16xi32>, vector<16xi32> -> vector<16xi32>
        %broadcast_in_dim3A_2090 = arith.constant true
        %broadcast_in_dim3A_2091 = vector.broadcast %broadcast_in_dim3A_2090 : i1 to vector<16xi1>
        %masked_cumsum3A = tpu.scan <sum>, %rev3A_2089 masked %broadcast_in_dim3A_2091 : vector<16xi32>, vector<16xi1> -> vector<16xi32>
        %add3A_2092 = vector.broadcast %scan3A_2077 : i32 to vector<16xi32>
        %add3A_2093 = arith.addi %masked_cumsum3A, %add3A_2092 : vector<16xi32>
        %rev3A_2094 = arith.constant 15 : i32
        %rev3A_2095 = vector.broadcast %rev3A_2094 : i32 to vector<16xi32>
        %rev3A_2096 = tpu.iota {dimensions = array<i32: 0>} : vector<16xi32>
        %rev3A_2097 = arith.subi %rev3A_2095, %rev3A_2096 : vector<16xi32>
        %rev3A_2098 = tpu.dynamic_gather %add3A_2093[%rev3A_2097] in [0] : vector<16xi32>, vector<16xi32> -> vector<16xi32>
        %mul3A_2099 = arith.constant 16 : i32
        %mul3A_2100 = arith.muli %sub3A_2080, %mul3A_2099 : i32
        %swap3A_2101 = arith.index_cast %mul3A_2100 : i32 to index
        %swap3A_2102 = tpu.vector_load %arg9[%swap3A_2101] {strides = array<i32>} : memref<256xi32, #tpu.memory_space<vmem>>, vector<16xi32>,
        tpu.vector_store %arg9[%swap3A_2101], %rev3A_2098 {strides = array<i32>} : memref<256xi32, #tpu.memory_space<vmem>>, vector<16xi32>,
        %add3A_2103 = vector.broadcast %sub3A_135 : i32 to vector<16xi32>
        %add3A_2104 = arith.addi %add3A_2103, %add3A_2093 : vector<16xi32>
        %ge3A_2105 = arith.constant 256 : i32
        %ge3A_2106 = vector.broadcast %ge3A_2105 : i32 to vector<16xi32>
        %ge3A_2107 = arith.cmpi sge, %add3A_2104, %ge3A_2106 : vector<16xi32>
        %convert_element_type3A = arith.extui %ge3A_2107 : vector<16xi1> to vector<16xi32>
        %reduce_sum3A = arith.constant true
        %reduce_sum3A_2108 = vector.broadcast %reduce_sum3A : i1 to vector<16xi1>
        %reduce_sum3A_2109 = tpu.scan <sum>, %convert_element_type3A masked %reduce_sum3A_2108 : vector<16xi32>, vector<16xi1> -> vector<16xi32>
        %reduce_sum3A_2110 = vector.extract %reduce_sum3A_2109[15] : i32 from vector<16xi32>
        %reduce_max3A_2111 = arith.constant true
        %reduce_max3A_2112 = vector.broadcast %reduce_max3A_2111 : i1 to vector<16xi1>
        %reduce_max3A_2113 = arith.constant -2147483648 : i32
        %reduce_max3A_2114 = vector.broadcast %reduce_max3A_2113 : i32 to vector<16xi32>
        %reduce_max3A_2115 = arith.xori %add3A_2093, %reduce_max3A_2114 : vector<16xi32>
        %reduce_max3A_2116 = tpu.scan <max>, %reduce_max3A_2115 masked %reduce_max3A_2112 : vector<16xi32>, vector<16xi1> -> vector<16xi32>
        %reduce_max3A_2117 = arith.xori %reduce_max3A_2116, %reduce_max3A_2114 : vector<16xi32>
        %reduce_max3A_2118 = vector.extract %reduce_max3A_2117[15] : i32 from vector<16xi32>
        %add3A_2119 = arith.addi %scan3A_2078, %reduce_sum3A_2110 : i32
        scf.yield %reduce_max3A_2118, %add3A_2119 : i32, i32
      }
      %scan3A_167 = arith.constant 16 : i32
      %sub3A_168 = arith.constant 1 : i32
      %sub3A_169 = arith.subi %scan3A_166#1, %sub3A_168 : i32
      %broadcast_in_dim3A_170 = arith.constant 0 : i32
      %broadcast_in_dim3A_171 = vector.broadcast %broadcast_in_dim3A_170 : i32 to vector<16xi32>
      %add3A_172 = vector.broadcast %sub3A_169 : i32 to vector<16xi32>
      %add3A_173 = arith.addi %broadcast_in_dim3A_171, %add3A_172 : vector<16xi32>
      %gather3A_174 = tpu.vector_load_idx %arg8[%add3A_173] : memref<256xi32, #tpu.memory_space<vmem>>[vector<16xi32>], vector<16xi32>,
      %reduce_max3A_175 = arith.constant true
      %reduce_max3A_176 = vector.broadcast %reduce_max3A_175 : i1 to vector<16xi1>
      %reduce_max3A_177 = arith.constant -2147483648 : i32
      %reduce_max3A_178 = vector.broadcast %reduce_max3A_177 : i32 to vector<16xi32>
      %reduce_max3A_179 = arith.xori %gather3A_174, %reduce_max3A_178 : vector<16xi32>
      %reduce_max3A_180 = tpu.scan <max>, %reduce_max3A_179 masked %reduce_max3A_176 : vector<16xi32>, vector<16xi1> -> vector<16xi32>
      %reduce_max3A_181 = arith.xori %reduce_max3A_180, %reduce_max3A_178 : vector<16xi32>
      %reduce_max3A_182 = vector.extract %reduce_max3A_181[15] : i32 from vector<16xi32>
      %gather3A_183 = tpu.vector_load_idx %arg9[%add3A_173] : memref<256xi32, #tpu.memory_space<vmem>>[vector<16xi32>], vector<16xi32>,
      %reduce_max3A_184 = arith.constant true
      %reduce_max3A_185 = vector.broadcast %reduce_max3A_184 : i1 to vector<16xi1>
      %reduce_max3A_186 = arith.constant -2147483648 : i32
      %reduce_max3A_187 = vector.broadcast %reduce_max3A_186 : i32 to vector<16xi32>
      %reduce_max3A_188 = arith.xori %gather3A_183, %reduce_max3A_187 : vector<16xi32>
      %reduce_max3A_189 = tpu.scan <max>, %reduce_max3A_188 masked %reduce_max3A_185 : vector<16xi32>, vector<16xi1> -> vector<16xi32>
      %reduce_max3A_190 = arith.xori %reduce_max3A_189, %reduce_max3A_187 : vector<16xi32>
      %reduce_max3A_191 = vector.extract %reduce_max3A_190[15] : i32 from vector<16xi32>
      %shift_left3A_192 = arith.constant 8 : i32
      %shift_left3A_193 = arith.shli %sub3A_169, %shift_left3A_192 : i32
      %or3A_194 = arith.ori %or3A_133, %shift_left3A_193 : i32
      %add3A_195 = arith.addi %sub3A_135, %reduce_max3A_191 : i32
      %sub3A_196 = arith.subi %add3A_195, %reduce_max3A_182 : i32
      %scan3A_197 = arith.constant 0 : i32
      %scan3A_198 = arith.constant 0 : i32
      %scan3A_199 = arith.constant 256 : i32
      %scan3A_200 = arith.addi %scan3A_198, %scan3A_199 : i32
      %scan3A_201 = arith.constant 1 : i32
      %scan3A_202 = scf.for %scan3A_2076 = %scan3A_198 to %scan3A_200 step %scan3A_201 iter_args(%scan3A_2077 = %scan3A_197) -> (i32)  : i32 {
        %broadcast_in_dim3A_2078 = arith.constant 0 : i32
        %broadcast_in_dim3A_2079 = vector.broadcast %broadcast_in_dim3A_2078 : i32 to vector<16xi32>
        %mul3A_2080 = arith.constant 16 : i32
        %mul3A_2081 = arith.muli %scan3A_2076, %mul3A_2080 : i32
        %swap3A_2082 = arith.index_cast %mul3A_2081 : i32 to index
        %swap3A_2083 = tpu.vector_load %arg7[%swap3A_2082] {strides = array<i32>} : memref<4096xi32, #tpu.memory_space<vmem>>, vector<16xi32>,
        tpu.vector_store %arg7[%swap3A_2082], %broadcast_in_dim3A_2079 {strides = array<i32>} : memref<4096xi32, #tpu.memory_space<vmem>>, vector<16xi32>,
        %scan3A_2084 = arith.constant 0 : i32
        scf.yield %scan3A_2084 : i32
      }
      %scan3A_203 = arith.constant 256 : i32
      %and3A_204 = arith.constant -256 : i32
      %and3A_205 = arith.andi %or3A_194, %and3A_204 : i32
      %scan3A_206 = arith.constant -256 : i32
      %scan3A_207 = arith.constant 0 : i32
      %scan3A_208 = arith.constant 0 : i32
      %scan3A_209 = arith.constant 512 : i32
      %scan3A_210 = arith.addi %scan3A_208, %scan3A_209 : i32
      %scan3A_211 = arith.constant 1 : i32
      %scan3A_212 = scf.for %scan3A_2076 = %scan3A_208 to %scan3A_210 step %scan3A_211 iter_args(%scan3A_2077 = %scan3A_207) -> (i32)  : i32 {
        %mul3A_2078 = arith.constant 16 : i32
        %mul3A_2079 = arith.muli %scan3A_2076, %mul3A_2078 : i32
        %get3A_2080 = arith.index_cast %mul3A_2079 : i32 to index
        %get3A_2081 = tpu.vector_load %arg6[%get3A_2080] {strides = array<i32>} : memref<8192xf32, #tpu.memory_space<vmem>>, vector<16xf32>,
        %bitcast3A = vector.bitcast %get3A_2081 : vector<16xf32> to vector<16xi32>
        %and3A_2082 = vector.broadcast %scan3A_206 : i32 to vector<16xi32>
        %and3A_2083 = arith.andi %bitcast3A, %and3A_2082 : vector<16xi32>
        %eq3A = vector.broadcast %and3A_205 : i32 to vector<16xi32>
        %eq3A_2084 = arith.cmpi eq, %and3A_2083, %eq3A : vector<16xi32>
        %shift_right_logical3A = arith.constant 0 : i32
        %shift_right_logical3A_2085 = vector.broadcast %shift_right_logical3A : i32 to vector<16xi32>
        %shift_right_logical3A_2086 = arith.shrui %bitcast3A, %shift_right_logical3A_2085 : vector<16xi32>
        %and3A_2087 = arith.constant 255 : i32
        %and3A_2088 = vector.broadcast %and3A_2087 : i32 to vector<16xi32>
        %and3A_2089 = arith.andi %shift_right_logical3A_2086, %and3A_2088 : vector<16xi32>
        %add3A_2090 = arith.addi %mul3A_15, %and3A_2089 : vector<16xi32>
        tpu.vector_store_idx %arg7[%add3A_2090], %broadcast_in_dim3A_12 masked %eq3A_2084 {add = true} : memref<4096xi32, #tpu.memory_space<vmem>>[vector<16xi32>], vector<16xi32>, vector<16xi1>
        %scan3A_2091 = arith.constant 0 : i32
        scf.yield %scan3A_2091 : i32
      }
      %scan3A_213 = arith.constant 512 : i32
      %scan3A_214 = arith.constant 0 : i32
      %scan3A_215 = arith.constant 0 : i32
      %scan3A_216 = arith.constant 16 : i32
      %scan3A_217 = arith.addi %scan3A_215, %scan3A_216 : i32
      %scan3A_218 = arith.constant 1 : i32
      %scan3A_219 = scf.for %scan3A_2076 = %scan3A_215 to %scan3A_217 step %scan3A_218 iter_args(%scan3A_2077 = %scan3A_214) -> (i32)  : i32 {
        %broadcast_in_dim3A_2078 = arith.constant 0 : i32
        %broadcast_in_dim3A_2079 = vector.broadcast %broadcast_in_dim3A_2078 : i32 to vector<16xi32>
        %mul3A_2080 = arith.constant 16 : i32
        %mul3A_2081 = arith.muli %scan3A_2076, %mul3A_2080 : i32
        %add3A_2082 = arith.constant 0 : i32
        %add3A_2083 = arith.addi %add3A_2082, %mul3A_2081 : i32
        %get3A_2084 = arith.index_cast %add3A_2083 : i32 to index
        %get3A_2085 = tpu.vector_load %arg7[%get3A_2084] {strides = array<i32>} : memref<4096xi32, #tpu.memory_space<vmem>>, vector<16xi32>,
        %add3A_2086 = arith.addi %broadcast_in_dim3A_2079, %get3A_2085 : vector<16xi32>
        %mul3A_2087 = arith.constant 16 : i32
        %mul3A_2088 = arith.muli %scan3A_2076, %mul3A_2087 : i32
        %add3A_2089 = arith.constant 256 : i32
        %add3A_2090 = arith.addi %add3A_2089, %mul3A_2088 : i32
        %get3A_2091 = arith.index_cast %add3A_2090 : i32 to index
        %get3A_2092 = tpu.vector_load %arg7[%get3A_2091] {strides = array<i32>} : memref<4096xi32, #tpu.memory_space<vmem>>, vector<16xi32>,
        %add3A_2093 = arith.addi %add3A_2086, %get3A_2092 : vector<16xi32>
        %mul3A_2094 = arith.constant 16 : i32
        %mul3A_2095 = arith.muli %scan3A_2076, %mul3A_2094 : i32
        %add3A_2096 = arith.constant 512 : i32
        %add3A_2097 = arith.addi %add3A_2096, %mul3A_2095 : i32
        %get3A_2098 = arith.index_cast %add3A_2097 : i32 to index
        %get3A_2099 = tpu.vector_load %arg7[%get3A_2098] {strides = array<i32>} : memref<4096xi32, #tpu.memory_space<vmem>>, vector<16xi32>,
        %add3A_2100 = arith.addi %add3A_2093, %get3A_2099 : vector<16xi32>
        %mul3A_2101 = arith.constant 16 : i32
        %mul3A_2102 = arith.muli %scan3A_2076, %mul3A_2101 : i32
        %add3A_2103 = arith.constant 768 : i32
        %add3A_2104 = arith.addi %add3A_2103, %mul3A_2102 : i32
        %get3A_2105 = arith.index_cast %add3A_2104 : i32 to index
        %get3A_2106 = tpu.vector_load %arg7[%get3A_2105] {strides = array<i32>} : memref<4096xi32, #tpu.memory_space<vmem>>, vector<16xi32>,
        %add3A_2107 = arith.addi %add3A_2100, %get3A_2106 : vector<16xi32>
        %mul3A_2108 = arith.constant 16 : i32
        %mul3A_2109 = arith.muli %scan3A_2076, %mul3A_2108 : i32
        %add3A_2110 = arith.constant 1024 : i32
        %add3A_2111 = arith.addi %add3A_2110, %mul3A_2109 : i32
        %get3A_2112 = arith.index_cast %add3A_2111 : i32 to index
        %get3A_2113 = tpu.vector_load %arg7[%get3A_2112] {strides = array<i32>} : memref<4096xi32, #tpu.memory_space<vmem>>, vector<16xi32>,
        %add3A_2114 = arith.addi %add3A_2107, %get3A_2113 : vector<16xi32>
        %mul3A_2115 = arith.constant 16 : i32
        %mul3A_2116 = arith.muli %scan3A_2076, %mul3A_2115 : i32
        %add3A_2117 = arith.constant 1280 : i32
        %add3A_2118 = arith.addi %add3A_2117, %mul3A_2116 : i32
        %get3A_2119 = arith.index_cast %add3A_2118 : i32 to index
        %get3A_2120 = tpu.vector_load %arg7[%get3A_2119] {strides = array<i32>} : memref<4096xi32, #tpu.memory_space<vmem>>, vector<16xi32>,
        %add3A_2121 = arith.addi %add3A_2114, %get3A_2120 : vector<16xi32>
        %mul3A_2122 = arith.constant 16 : i32
        %mul3A_2123 = arith.muli %scan3A_2076, %mul3A_2122 : i32
        %add3A_2124 = arith.constant 1536 : i32
        %add3A_2125 = arith.addi %add3A_2124, %mul3A_2123 : i32
        %get3A_2126 = arith.index_cast %add3A_2125 : i32 to index
        %get3A_2127 = tpu.vector_load %arg7[%get3A_2126] {strides = array<i32>} : memref<4096xi32, #tpu.memory_space<vmem>>, vector<16xi32>,
        %add3A_2128 = arith.addi %add3A_2121, %get3A_2127 : vector<16xi32>
        %mul3A_2129 = arith.constant 16 : i32
        %mul3A_2130 = arith.muli %scan3A_2076, %mul3A_2129 : i32
        %add3A_2131 = arith.constant 1792 : i32
        %add3A_2132 = arith.addi %add3A_2131, %mul3A_2130 : i32
        %get3A_2133 = arith.index_cast %add3A_2132 : i32 to index
        %get3A_2134 = tpu.vector_load %arg7[%get3A_2133] {strides = array<i32>} : memref<4096xi32, #tpu.memory_space<vmem>>, vector<16xi32>,
        %add3A_2135 = arith.addi %add3A_2128, %get3A_2134 : vector<16xi32>
        %mul3A_2136 = arith.constant 16 : i32
        %mul3A_2137 = arith.muli %scan3A_2076, %mul3A_2136 : i32
        %add3A_2138 = arith.constant 2048 : i32
        %add3A_2139 = arith.addi %add3A_2138, %mul3A_2137 : i32
        %get3A_2140 = arith.index_cast %add3A_2139 : i32 to index
        %get3A_2141 = tpu.vector_load %arg7[%get3A_2140] {strides = array<i32>} : memref<4096xi32, #tpu.memory_space<vmem>>, vector<16xi32>,
        %add3A_2142 = arith.addi %add3A_2135, %get3A_2141 : vector<16xi32>
        %mul3A_2143 = arith.constant 16 : i32
        %mul3A_2144 = arith.muli %scan3A_2076, %mul3A_2143 : i32
        %add3A_2145 = arith.constant 2304 : i32
        %add3A_2146 = arith.addi %add3A_2145, %mul3A_2144 : i32
        %get3A_2147 = arith.index_cast %add3A_2146 : i32 to index
        %get3A_2148 = tpu.vector_load %arg7[%get3A_2147] {strides = array<i32>} : memref<4096xi32, #tpu.memory_space<vmem>>, vector<16xi32>,
        %add3A_2149 = arith.addi %add3A_2142, %get3A_2148 : vector<16xi32>
        %mul3A_2150 = arith.constant 16 : i32
        %mul3A_2151 = arith.muli %scan3A_2076, %mul3A_2150 : i32
        %add3A_2152 = arith.constant 2560 : i32
        %add3A_2153 = arith.addi %add3A_2152, %mul3A_2151 : i32
        %get3A_2154 = arith.index_cast %add3A_2153 : i32 to index
        %get3A_2155 = tpu.vector_load %arg7[%get3A_2154] {strides = array<i32>} : memref<4096xi32, #tpu.memory_space<vmem>>, vector<16xi32>,
        %add3A_2156 = arith.addi %add3A_2149, %get3A_2155 : vector<16xi32>
        %mul3A_2157 = arith.constant 16 : i32
        %mul3A_2158 = arith.muli %scan3A_2076, %mul3A_2157 : i32
        %add3A_2159 = arith.constant 2816 : i32
        %add3A_2160 = arith.addi %add3A_2159, %mul3A_2158 : i32
        %get3A_2161 = arith.index_cast %add3A_2160 : i32 to index
        %get3A_2162 = tpu.vector_load %arg7[%get3A_2161] {strides = array<i32>} : memref<4096xi32, #tpu.memory_space<vmem>>, vector<16xi32>,
        %add3A_2163 = arith.addi %add3A_2156, %get3A_2162 : vector<16xi32>
        %mul3A_2164 = arith.constant 16 : i32
        %mul3A_2165 = arith.muli %scan3A_2076, %mul3A_2164 : i32
        %add3A_2166 = arith.constant 3072 : i32
        %add3A_2167 = arith.addi %add3A_2166, %mul3A_2165 : i32
        %get3A_2168 = arith.index_cast %add3A_2167 : i32 to index
        %get3A_2169 = tpu.vector_load %arg7[%get3A_2168] {strides = array<i32>} : memref<4096xi32, #tpu.memory_space<vmem>>, vector<16xi32>,
        %add3A_2170 = arith.addi %add3A_2163, %get3A_2169 : vector<16xi32>
        %mul3A_2171 = arith.constant 16 : i32
        %mul3A_2172 = arith.muli %scan3A_2076, %mul3A_2171 : i32
        %add3A_2173 = arith.constant 3328 : i32
        %add3A_2174 = arith.addi %add3A_2173, %mul3A_2172 : i32
        %get3A_2175 = arith.index_cast %add3A_2174 : i32 to index
        %get3A_2176 = tpu.vector_load %arg7[%get3A_2175] {strides = array<i32>} : memref<4096xi32, #tpu.memory_space<vmem>>, vector<16xi32>,
        %add3A_2177 = arith.addi %add3A_2170, %get3A_2176 : vector<16xi32>
        %mul3A_2178 = arith.constant 16 : i32
        %mul3A_2179 = arith.muli %scan3A_2076, %mul3A_2178 : i32
        %add3A_2180 = arith.constant 3584 : i32
        %add3A_2181 = arith.addi %add3A_2180, %mul3A_2179 : i32
        %get3A_2182 = arith.index_cast %add3A_2181 : i32 to index
        %get3A_2183 = tpu.vector_load %arg7[%get3A_2182] {strides = array<i32>} : memref<4096xi32, #tpu.memory_space<vmem>>, vector<16xi32>,
        %add3A_2184 = arith.addi %add3A_2177, %get3A_2183 : vector<16xi32>
        %mul3A_2185 = arith.constant 16 : i32
        %mul3A_2186 = arith.muli %scan3A_2076, %mul3A_2185 : i32
        %add3A_2187 = arith.constant 3840 : i32
        %add3A_2188 = arith.addi %add3A_2187, %mul3A_2186 : i32
        %get3A_2189 = arith.index_cast %add3A_2188 : i32 to index
        %get3A_2190 = tpu.vector_load %arg7[%get3A_2189] {strides = array<i32>} : memref<4096xi32, #tpu.memory_space<vmem>>, vector<16xi32>,
        %add3A_2191 = arith.addi %add3A_2184, %get3A_2190 : vector<16xi32>
        %mul3A_2192 = arith.constant 16 : i32
        %mul3A_2193 = arith.muli %scan3A_2076, %mul3A_2192 : i32
        %swap3A_2194 = arith.index_cast %mul3A_2193 : i32 to index
        %swap3A_2195 = tpu.vector_load %arg8[%swap3A_2194] {strides = array<i32>} : memref<256xi32, #tpu.memory_space<vmem>>, vector<16xi32>,
        tpu.vector_store %arg8[%swap3A_2194], %add3A_2191 {strides = array<i32>} : memref<256xi32, #tpu.memory_space<vmem>>, vector<16xi32>,
        %scan3A_2196 = arith.constant 0 : i32
        scf.yield %scan3A_2196 : i32
      }
      %scan3A_220 = arith.constant 16 : i32
      %scan3A_221 = arith.constant 0 : i32
      %scan3A_222 = arith.constant 0 : i32
      %scan3A_223 = arith.constant 0 : i32
      %scan3A_224 = arith.constant 16 : i32
      %scan3A_225 = arith.addi %scan3A_223, %scan3A_224 : i32
      %scan3A_226 = arith.constant 1 : i32
      %scan3A_227:2 = scf.for %scan3A_2076 = %scan3A_223 to %scan3A_225 step %scan3A_226 iter_args(%scan3A_2077 = %scan3A_221, %scan3A_2078 = %scan3A_222) -> (i32, i32)  : i32 {
        %sub3A_2079 = arith.constant 15 : i32
        %sub3A_2080 = arith.subi %sub3A_2079, %scan3A_2076 : i32
        %mul3A_2081 = arith.constant 16 : i32
        %mul3A_2082 = arith.muli %sub3A_2080, %mul3A_2081 : i32
        %get3A_2083 = arith.index_cast %mul3A_2082 : i32 to index
        %get3A_2084 = tpu.vector_load %arg8[%get3A_2083] {strides = array<i32>} : memref<256xi32, #tpu.memory_space<vmem>>, vector<16xi32>,
        %rev3A_2085 = arith.constant 15 : i32
        %rev3A_2086 = vector.broadcast %rev3A_2085 : i32 to vector<16xi32>
        %rev3A_2087 = tpu.iota {dimensions = array<i32: 0>} : vector<16xi32>
        %rev3A_2088 = arith.subi %rev3A_2086, %rev3A_2087 : vector<16xi32>
        %rev3A_2089 = tpu.dynamic_gather %get3A_2084[%rev3A_2088] in [0] : vector<16xi32>, vector<16xi32> -> vector<16xi32>
        %broadcast_in_dim3A_2090 = arith.constant true
        %broadcast_in_dim3A_2091 = vector.broadcast %broadcast_in_dim3A_2090 : i1 to vector<16xi1>
        %masked_cumsum3A = tpu.scan <sum>, %rev3A_2089 masked %broadcast_in_dim3A_2091 : vector<16xi32>, vector<16xi1> -> vector<16xi32>
        %add3A_2092 = vector.broadcast %scan3A_2077 : i32 to vector<16xi32>
        %add3A_2093 = arith.addi %masked_cumsum3A, %add3A_2092 : vector<16xi32>
        %rev3A_2094 = arith.constant 15 : i32
        %rev3A_2095 = vector.broadcast %rev3A_2094 : i32 to vector<16xi32>
        %rev3A_2096 = tpu.iota {dimensions = array<i32: 0>} : vector<16xi32>
        %rev3A_2097 = arith.subi %rev3A_2095, %rev3A_2096 : vector<16xi32>
        %rev3A_2098 = tpu.dynamic_gather %add3A_2093[%rev3A_2097] in [0] : vector<16xi32>, vector<16xi32> -> vector<16xi32>
        %mul3A_2099 = arith.constant 16 : i32
        %mul3A_2100 = arith.muli %sub3A_2080, %mul3A_2099 : i32
        %swap3A_2101 = arith.index_cast %mul3A_2100 : i32 to index
        %swap3A_2102 = tpu.vector_load %arg9[%swap3A_2101] {strides = array<i32>} : memref<256xi32, #tpu.memory_space<vmem>>, vector<16xi32>,
        tpu.vector_store %arg9[%swap3A_2101], %rev3A_2098 {strides = array<i32>} : memref<256xi32, #tpu.memory_space<vmem>>, vector<16xi32>,
        %add3A_2103 = vector.broadcast %sub3A_196 : i32 to vector<16xi32>
        %add3A_2104 = arith.addi %add3A_2103, %add3A_2093 : vector<16xi32>
        %ge3A_2105 = arith.constant 256 : i32
        %ge3A_2106 = vector.broadcast %ge3A_2105 : i32 to vector<16xi32>
        %ge3A_2107 = arith.cmpi sge, %add3A_2104, %ge3A_2106 : vector<16xi32>
        %convert_element_type3A = arith.extui %ge3A_2107 : vector<16xi1> to vector<16xi32>
        %reduce_sum3A = arith.constant true
        %reduce_sum3A_2108 = vector.broadcast %reduce_sum3A : i1 to vector<16xi1>
        %reduce_sum3A_2109 = tpu.scan <sum>, %convert_element_type3A masked %reduce_sum3A_2108 : vector<16xi32>, vector<16xi1> -> vector<16xi32>
        %reduce_sum3A_2110 = vector.extract %reduce_sum3A_2109[15] : i32 from vector<16xi32>
        %reduce_max3A_2111 = arith.constant true
        %reduce_max3A_2112 = vector.broadcast %reduce_max3A_2111 : i1 to vector<16xi1>
        %reduce_max3A_2113 = arith.constant -2147483648 : i32
        %reduce_max3A_2114 = vector.broadcast %reduce_max3A_2113 : i32 to vector<16xi32>
        %reduce_max3A_2115 = arith.xori %add3A_2093, %reduce_max3A_2114 : vector<16xi32>
        %reduce_max3A_2116 = tpu.scan <max>, %reduce_max3A_2115 masked %reduce_max3A_2112 : vector<16xi32>, vector<16xi1> -> vector<16xi32>
        %reduce_max3A_2117 = arith.xori %reduce_max3A_2116, %reduce_max3A_2114 : vector<16xi32>
        %reduce_max3A_2118 = vector.extract %reduce_max3A_2117[15] : i32 from vector<16xi32>
        %add3A_2119 = arith.addi %scan3A_2078, %reduce_sum3A_2110 : i32
        scf.yield %reduce_max3A_2118, %add3A_2119 : i32, i32
      }
      %scan3A_228 = arith.constant 16 : i32
      %sub3A_229 = arith.constant 1 : i32
      %sub3A_230 = arith.subi %scan3A_227#1, %sub3A_229 : i32
      %broadcast_in_dim3A_231 = arith.constant 0 : i32
      %broadcast_in_dim3A_232 = vector.broadcast %broadcast_in_dim3A_231 : i32 to vector<16xi32>
      %add3A_233 = vector.broadcast %sub3A_230 : i32 to vector<16xi32>
      %add3A_234 = arith.addi %broadcast_in_dim3A_232, %add3A_233 : vector<16xi32>
      %gather3A_235 = tpu.vector_load_idx %arg8[%add3A_234] : memref<256xi32, #tpu.memory_space<vmem>>[vector<16xi32>], vector<16xi32>,
      %reduce_max3A_236 = arith.constant true
      %reduce_max3A_237 = vector.broadcast %reduce_max3A_236 : i1 to vector<16xi1>
      %reduce_max3A_238 = arith.constant -2147483648 : i32
      %reduce_max3A_239 = vector.broadcast %reduce_max3A_238 : i32 to vector<16xi32>
      %reduce_max3A_240 = arith.xori %gather3A_235, %reduce_max3A_239 : vector<16xi32>
      %reduce_max3A_241 = tpu.scan <max>, %reduce_max3A_240 masked %reduce_max3A_237 : vector<16xi32>, vector<16xi1> -> vector<16xi32>
      %reduce_max3A_242 = arith.xori %reduce_max3A_241, %reduce_max3A_239 : vector<16xi32>
      %reduce_max3A_243 = vector.extract %reduce_max3A_242[15] : i32 from vector<16xi32>
      %gather3A_244 = tpu.vector_load_idx %arg9[%add3A_234] : memref<256xi32, #tpu.memory_space<vmem>>[vector<16xi32>], vector<16xi32>,
      %reduce_max3A_245 = arith.constant true
      %reduce_max3A_246 = vector.broadcast %reduce_max3A_245 : i1 to vector<16xi1>
      %reduce_max3A_247 = arith.constant -2147483648 : i32
      %reduce_max3A_248 = vector.broadcast %reduce_max3A_247 : i32 to vector<16xi32>
      %reduce_max3A_249 = arith.xori %gather3A_244, %reduce_max3A_248 : vector<16xi32>
      %reduce_max3A_250 = tpu.scan <max>, %reduce_max3A_249 masked %reduce_max3A_246 : vector<16xi32>, vector<16xi1> -> vector<16xi32>
      %reduce_max3A_251 = arith.xori %reduce_max3A_250, %reduce_max3A_248 : vector<16xi32>
      %reduce_max3A_252 = vector.extract %reduce_max3A_251[15] : i32 from vector<16xi32>
      %shift_left3A_253 = arith.constant 0 : i32
      %shift_left3A_254 = arith.shli %sub3A_230, %shift_left3A_253 : i32
      %or3A_255 = arith.ori %or3A_194, %shift_left3A_254 : i32
      %add3A_256 = arith.addi %sub3A_196, %reduce_max3A_252 : i32
      %sub3A_257 = arith.subi %add3A_256, %reduce_max3A_243 : i32
      %sub3A_258 = arith.constant 256 : i32
      %sub3A_259 = arith.subi %sub3A_258, %sub3A_257 : i32
      %scan3A_260 = arith.constant 0 : i32
      %scan3A_261 = arith.constant 0 : i32
      %scan3A_262 = arith.constant 512 : i32
      %scan3A_263 = arith.addi %scan3A_261, %scan3A_262 : i32
      %scan3A_264 = arith.constant 1 : i32
      %scan3A_265:2 = scf.for %scan3A_2076 = %scan3A_261 to %scan3A_263 step %scan3A_264 iter_args(%scan3A_2077 = %scan3A_260, %scan3A_2078 = %sub3A_259) -> (i32, i32)  : i32 {
        %mul3A_2079 = arith.constant 16 : i32
        %mul3A_2080 = arith.muli %scan3A_2076, %mul3A_2079 : i32
        %get3A_2081 = arith.index_cast %mul3A_2080 : i32 to index
        %get3A_2082 = tpu.vector_load %arg6[%get3A_2081] {strides = array<i32>} : memref<8192xf32, #tpu.memory_space<vmem>>, vector<16xf32>,
        %bitcast3A = vector.bitcast %get3A_2082 : vector<16xf32> to vector<16xi32>
        %gt3A = vector.broadcast %or3A_255 : i32 to vector<16xi32>
        %gt3A_2083 = arith.cmpi sgt, %bitcast3A, %gt3A : vector<16xi32>
        %eq3A = vector.broadcast %or3A_255 : i32 to vector<16xi32>
        %eq3A_2084 = arith.cmpi eq, %bitcast3A, %eq3A : vector<16xi32>
        %convert_element_type3A = arith.extui %eq3A_2084 : vector<16xi1> to vector<16xi32>
        %broadcast_in_dim3A_2085 = arith.constant true
        %broadcast_in_dim3A_2086 = vector.broadcast %broadcast_in_dim3A_2085 : i1 to vector<16xi1>
        %masked_cumsum3A = tpu.scan <sum>, %convert_element_type3A masked %broadcast_in_dim3A_2086 : vector<16xi32>, vector<16xi1> -> vector<16xi32>
        %le3A = vector.broadcast %scan3A_2078 : i32 to vector<16xi32>
        %le3A_2087 = arith.cmpi sle, %masked_cumsum3A, %le3A : vector<16xi32>
        %and3A_2088 = arith.andi %eq3A_2084, %le3A_2087 : vector<16xi1>
        %or3A_2089 = arith.ori %gt3A_2083, %and3A_2088 : vector<16xi1>
        %convert_element_type3A_2090 = arith.extui %or3A_2089 : vector<16xi1> to vector<16xi32>
        %broadcast_in_dim3A_2091 = arith.constant true
        %broadcast_in_dim3A_2092 = vector.broadcast %broadcast_in_dim3A_2091 : i1 to vector<16xi1>
        %masked_cumsum3A_2093 = tpu.scan <sum>, %convert_element_type3A_2090 masked %broadcast_in_dim3A_2092 : vector<16xi32>, vector<16xi1> -> vector<16xi32>
        %add3A_2094 = vector.broadcast %scan3A_2077 : i32 to vector<16xi32>
        %add3A_2095 = arith.addi %add3A_2094, %masked_cumsum3A_2093 : vector<16xi32>
        %sub3A_2096 = arith.constant 1 : i32
        %sub3A_2097 = vector.broadcast %sub3A_2096 : i32 to vector<16xi32>
        %sub3A_2098 = arith.subi %add3A_2095, %sub3A_2097 : vector<16xi32>
        tpu.vector_store_idx %arg10[%sub3A_2098], %get3A_2082 masked %or3A_2089 : memref<272xf32, #tpu.memory_space<vmem>>[vector<16xi32>], vector<16xf32>, vector<16xi1>
        %mul3A_2099 = arith.constant 16 : i32
        %mul3A_2100 = arith.muli %scan3A_2076, %mul3A_2099 : i32
        %add3A_2101 = vector.broadcast %mul3A_2100 : i32 to vector<16xi32>
        %add3A_2102 = arith.addi %add3A_2101, %iota3A : vector<16xi32>
        tpu.vector_store_idx %arg11[%sub3A_2098], %add3A_2102 masked %or3A_2089 : memref<272xi32, #tpu.memory_space<vmem>>[vector<16xi32>], vector<16xi32>, vector<16xi1>
        %reduce_max3A_2103 = arith.constant true
        %reduce_max3A_2104 = vector.broadcast %reduce_max3A_2103 : i1 to vector<16xi1>
        %reduce_max3A_2105 = arith.constant -2147483648 : i32
        %reduce_max3A_2106 = vector.broadcast %reduce_max3A_2105 : i32 to vector<16xi32>
        %reduce_max3A_2107 = arith.xori %masked_cumsum3A_2093, %reduce_max3A_2106 : vector<16xi32>
        %reduce_max3A_2108 = tpu.scan <max>, %reduce_max3A_2107 masked %reduce_max3A_2104 : vector<16xi32>, vector<16xi1> -> vector<16xi32>
        %reduce_max3A_2109 = arith.xori %reduce_max3A_2108, %reduce_max3A_2106 : vector<16xi32>
        %reduce_max3A_2110 = vector.extract %reduce_max3A_2109[15] : i32 from vector<16xi32>
        %add3A_2111 = arith.addi %scan3A_2077, %reduce_max3A_2110 : i32
        %convert_element_type3A_2112 = arith.extui %and3A_2088 : vector<16xi1> to vector<16xi32>
        %reduce_sum3A = arith.constant true
        %reduce_sum3A_2113 = vector.broadcast %reduce_sum3A : i1 to vector<16xi1>
        %reduce_sum3A_2114 = tpu.scan <sum>, %convert_element_type3A_2112 masked %reduce_sum3A_2113 : vector<16xi32>, vector<16xi1> -> vector<16xi32>
        %reduce_sum3A_2115 = vector.extract %reduce_sum3A_2114[15] : i32 from vector<16xi32>
        %sub3A_2116 = arith.subi %scan3A_2078, %reduce_sum3A_2115 : i32
        scf.yield %add3A_2111, %sub3A_2116 : i32, i32
      }
      %scan3A_266 = arith.constant 512 : i32
      %get3A = arith.constant 0 : index
      %get3A_267 = tpu.vector_load %arg10[%get3A] {strides = array<i32>} : memref<272xf32, #tpu.memory_space<vmem>>, vector<16xf32>,
      %get3A_268 = arith.constant 0 : index
      %get3A_269 = tpu.vector_load %arg11[%get3A_268] {strides = array<i32>} : memref<272xi32, #tpu.memory_space<vmem>>, vector<16xi32>,
      %masked_sort3A = arith.constant dense<true> : vector<16xi1>
      %masked_sort3A_270, %masked_sort3A_271, %masked_sort3A_272 = tpu.sort %get3A_267, %get3A_269 masked %masked_sort3A {descending = true} : (vector<16xf32>, vector<16xi32>, vector<16xi1>) -> (vector<16xi1>, vector<16xf32>, vector<16xi32>)
      %swap3A = arith.constant 0 : index
      %swap3A_273 = tpu.vector_load %arg10[%swap3A] {strides = array<i32>} : memref<272xf32, #tpu.memory_space<vmem>>, vector<16xf32>,
      tpu.vector_store %arg10[%swap3A], %masked_sort3A_271 {strides = array<i32>} : memref<272xf32, #tpu.memory_space<vmem>>, vector<16xf32>,
      %swap3A_274 = arith.constant 0 : index
      %swap3A_275 = tpu.vector_load %arg11[%swap3A_274] {strides = array<i32>} : memref<272xi32, #tpu.memory_space<vmem>>, vector<16xi32>,
      tpu.vector_store %arg11[%swap3A_274], %masked_sort3A_272 {strides = array<i32>} : memref<272xi32, #tpu.memory_space<vmem>>, vector<16xi32>,
      %get3A_276 = arith.constant 16 : index
      %get3A_277 = tpu.vector_load %arg10[%get3A_276] {strides = array<i32>} : memref<272xf32, #tpu.memory_space<vmem>>, vector<16xf32>,
      %get3A_278 = arith.constant 16 : index
      %get3A_279 = tpu.vector_load %arg11[%get3A_278] {strides = array<i32>} : memref<272xi32, #tpu.memory_space<vmem>>, vector<16xi32>,
      %masked_sort3A_280 = arith.constant dense<true> : vector<16xi1>
      %masked_sort3A_281, %masked_sort3A_282, %masked_sort3A_283 = tpu.sort %get3A_277, %get3A_279 masked %masked_sort3A_280 {descending = true} : (vector<16xf32>, vector<16xi32>, vector<16xi1>) -> (vector<16xi1>, vector<16xf32>, vector<16xi32>)
      %swap3A_284 = arith.constant 16 : index
      %swap3A_285 = tpu.vector_load %arg10[%swap3A_284] {strides = array<i32>} : memref<272xf32, #tpu.memory_space<vmem>>, vector<16xf32>,
      tpu.vector_store %arg10[%swap3A_284], %masked_sort3A_282 {strides = array<i32>} : memref<272xf32, #tpu.memory_space<vmem>>, vector<16xf32>,
      %swap3A_286 = arith.constant 16 : index
      %swap3A_287 = tpu.vector_load %arg11[%swap3A_286] {strides = array<i32>} : memref<272xi32, #tpu.memory_space<vmem>>, vector<16xi32>,
      tpu.vector_store %arg11[%swap3A_286], %masked_sort3A_283 {strides = array<i32>} : memref<272xi32, #tpu.memory_space<vmem>>, vector<16xi32>,
      %get3A_288 = arith.constant 32 : index
      %get3A_289 = tpu.vector_load %arg10[%get3A_288] {strides = array<i32>} : memref<272xf32, #tpu.memory_space<vmem>>, vector<16xf32>,
      %get3A_290 = arith.constant 32 : index
      %get3A_291 = tpu.vector_load %arg11[%get3A_290] {strides = array<i32>} : memref<272xi32, #tpu.memory_space<vmem>>, vector<16xi32>,
      %masked_sort3A_292 = arith.constant dense<true> : vector<16xi1>
      %masked_sort3A_293, %masked_sort3A_294, %masked_sort3A_295 = tpu.sort %get3A_289, %get3A_291 masked %masked_sort3A_292 {descending = true} : (vector<16xf32>, vector<16xi32>, vector<16xi1>) -> (vector<16xi1>, vector<16xf32>, vector<16xi32>)
      %swap3A_296 = arith.constant 32 : index
      %swap3A_297 = tpu.vector_load %arg10[%swap3A_296] {strides = array<i32>} : memref<272xf32, #tpu.memory_space<vmem>>, vector<16xf32>,
      tpu.vector_store %arg10[%swap3A_296], %masked_sort3A_294 {strides = array<i32>} : memref<272xf32, #tpu.memory_space<vmem>>, vector<16xf32>,
      %swap3A_298 = arith.constant 32 : index
      %swap3A_299 = tpu.vector_load %arg11[%swap3A_298] {strides = array<i32>} : memref<272xi32, #tpu.memory_space<vmem>>, vector<16xi32>,
      tpu.vector_store %arg11[%swap3A_298], %masked_sort3A_295 {strides = array<i32>} : memref<272xi32, #tpu.memory_space<vmem>>, vector<16xi32>,
      %get3A_300 = arith.constant 48 : index
      %get3A_301 = tpu.vector_load %arg10[%get3A_300] {strides = array<i32>} : memref<272xf32, #tpu.memory_space<vmem>>, vector<16xf32>,
      %get3A_302 = arith.constant 48 : index
      %get3A_303 = tpu.vector_load %arg11[%get3A_302] {strides = array<i32>} : memref<272xi32, #tpu.memory_space<vmem>>, vector<16xi32>,
      %masked_sort3A_304 = arith.constant dense<true> : vector<16xi1>
      %masked_sort3A_305, %masked_sort3A_306, %masked_sort3A_307 = tpu.sort %get3A_301, %get3A_303 masked %masked_sort3A_304 {descending = true} : (vector<16xf32>, vector<16xi32>, vector<16xi1>) -> (vector<16xi1>, vector<16xf32>, vector<16xi32>)
      %swap3A_308 = arith.constant 48 : index
      %swap3A_309 = tpu.vector_load %arg10[%swap3A_308] {strides = array<i32>} : memref<272xf32, #tpu.memory_space<vmem>>, vector<16xf32>,
      tpu.vector_store %arg10[%swap3A_308], %masked_sort3A_306 {strides = array<i32>} : memref<272xf32, #tpu.memory_space<vmem>>, vector<16xf32>,
      %swap3A_310 = arith.constant 48 : index
      %swap3A_311 = tpu.vector_load %arg11[%swap3A_310] {strides = array<i32>} : memref<272xi32, #tpu.memory_space<vmem>>, vector<16xi32>,
      tpu.vector_store %arg11[%swap3A_310], %masked_sort3A_307 {strides = array<i32>} : memref<272xi32, #tpu.memory_space<vmem>>, vector<16xi32>,
      %get3A_312 = arith.constant 64 : index
      %get3A_313 = tpu.vector_load %arg10[%get3A_312] {strides = array<i32>} : memref<272xf32, #tpu.memory_space<vmem>>, vector<16xf32>,
      %get3A_314 = arith.constant 64 : index
      %get3A_315 = tpu.vector_load %arg11[%get3A_314] {strides = array<i32>} : memref<272xi32, #tpu.memory_space<vmem>>, vector<16xi32>,
      %masked_sort3A_316 = arith.constant dense<true> : vector<16xi1>
      %masked_sort3A_317, %masked_sort3A_318, %masked_sort3A_319 = tpu.sort %get3A_313, %get3A_315 masked %masked_sort3A_316 {descending = true} : (vector<16xf32>, vector<16xi32>, vector<16xi1>) -> (vector<16xi1>, vector<16xf32>, vector<16xi32>)
      %swap3A_320 = arith.constant 64 : index
      %swap3A_321 = tpu.vector_load %arg10[%swap3A_320] {strides = array<i32>} : memref<272xf32, #tpu.memory_space<vmem>>, vector<16xf32>,
      tpu.vector_store %arg10[%swap3A_320], %masked_sort3A_318 {strides = array<i32>} : memref<272xf32, #tpu.memory_space<vmem>>, vector<16xf32>,
      %swap3A_322 = arith.constant 64 : index
      %swap3A_323 = tpu.vector_load %arg11[%swap3A_322] {strides = array<i32>} : memref<272xi32, #tpu.memory_space<vmem>>, vector<16xi32>,
      tpu.vector_store %arg11[%swap3A_322], %masked_sort3A_319 {strides = array<i32>} : memref<272xi32, #tpu.memory_space<vmem>>, vector<16xi32>,
      %get3A_324 = arith.constant 80 : index
      %get3A_325 = tpu.vector_load %arg10[%get3A_324] {strides = array<i32>} : memref<272xf32, #tpu.memory_space<vmem>>, vector<16xf32>,
      %get3A_326 = arith.constant 80 : index
      %get3A_327 = tpu.vector_load %arg11[%get3A_326] {strides = array<i32>} : memref<272xi32, #tpu.memory_space<vmem>>, vector<16xi32>,
      %masked_sort3A_328 = arith.constant dense<true> : vector<16xi1>
      %masked_sort3A_329, %masked_sort3A_330, %masked_sort3A_331 = tpu.sort %get3A_325, %get3A_327 masked %masked_sort3A_328 {descending = true} : (vector<16xf32>, vector<16xi32>, vector<16xi1>) -> (vector<16xi1>, vector<16xf32>, vector<16xi32>)
      %swap3A_332 = arith.constant 80 : index
      %swap3A_333 = tpu.vector_load %arg10[%swap3A_332] {strides = array<i32>} : memref<272xf32, #tpu.memory_space<vmem>>, vector<16xf32>,
      tpu.vector_store %arg10[%swap3A_332], %masked_sort3A_330 {strides = array<i32>} : memref<272xf32, #tpu.memory_space<vmem>>, vector<16xf32>,
      %swap3A_334 = arith.constant 80 : index
      %swap3A_335 = tpu.vector_load %arg11[%swap3A_334] {strides = array<i32>} : memref<272xi32, #tpu.memory_space<vmem>>, vector<16xi32>,
      tpu.vector_store %arg11[%swap3A_334], %masked_sort3A_331 {strides = array<i32>} : memref<272xi32, #tpu.memory_space<vmem>>, vector<16xi32>,
      %get3A_336 = arith.constant 96 : index
      %get3A_337 = tpu.vector_load %arg10[%get3A_336] {strides = array<i32>} : memref<272xf32, #tpu.memory_space<vmem>>, vector<16xf32>,
      %get3A_338 = arith.constant 96 : index
      %get3A_339 = tpu.vector_load %arg11[%get3A_338] {strides = array<i32>} : memref<272xi32, #tpu.memory_space<vmem>>, vector<16xi32>,
      %masked_sort3A_340 = arith.constant dense<true> : vector<16xi1>
      %masked_sort3A_341, %masked_sort3A_342, %masked_sort3A_343 = tpu.sort %get3A_337, %get3A_339 masked %masked_sort3A_340 {descending = true} : (vector<16xf32>, vector<16xi32>, vector<16xi1>) -> (vector<16xi1>, vector<16xf32>, vector<16xi32>)
      %swap3A_344 = arith.constant 96 : index
      %swap3A_345 = tpu.vector_load %arg10[%swap3A_344] {strides = array<i32>} : memref<272xf32, #tpu.memory_space<vmem>>, vector<16xf32>,
      tpu.vector_store %arg10[%swap3A_344], %masked_sort3A_342 {strides = array<i32>} : memref<272xf32, #tpu.memory_space<vmem>>, vector<16xf32>,
      %swap3A_346 = arith.constant 96 : index
      %swap3A_347 = tpu.vector_load %arg11[%swap3A_346] {strides = array<i32>} : memref<272xi32, #tpu.memory_space<vmem>>, vector<16xi32>,
      tpu.vector_store %arg11[%swap3A_346], %masked_sort3A_343 {strides = array<i32>} : memref<272xi32, #tpu.memory_space<vmem>>, vector<16xi32>,
      %get3A_348 = arith.constant 112 : index
      %get3A_349 = tpu.vector_load %arg10[%get3A_348] {strides = array<i32>} : memref<272xf32, #tpu.memory_space<vmem>>, vector<16xf32>,
      %get3A_350 = arith.constant 112 : index
      %get3A_351 = tpu.vector_load %arg11[%get3A_350] {strides = array<i32>} : memref<272xi32, #tpu.memory_space<vmem>>, vector<16xi32>,
      %masked_sort3A_352 = arith.constant dense<true> : vector<16xi1>
      %masked_sort3A_353, %masked_sort3A_354, %masked_sort3A_355 = tpu.sort %get3A_349, %get3A_351 masked %masked_sort3A_352 {descending = true} : (vector<16xf32>, vector<16xi32>, vector<16xi1>) -> (vector<16xi1>, vector<16xf32>, vector<16xi32>)
      %swap3A_356 = arith.constant 112 : index
      %swap3A_357 = tpu.vector_load %arg10[%swap3A_356] {strides = array<i32>} : memref<272xf32, #tpu.memory_space<vmem>>, vector<16xf32>,
      tpu.vector_store %arg10[%swap3A_356], %masked_sort3A_354 {strides = array<i32>} : memref<272xf32, #tpu.memory_space<vmem>>, vector<16xf32>,
      %swap3A_358 = arith.constant 112 : index
      %swap3A_359 = tpu.vector_load %arg11[%swap3A_358] {strides = array<i32>} : memref<272xi32, #tpu.memory_space<vmem>>, vector<16xi32>,
      tpu.vector_store %arg11[%swap3A_358], %masked_sort3A_355 {strides = array<i32>} : memref<272xi32, #tpu.memory_space<vmem>>, vector<16xi32>,
      %get3A_360 = arith.constant 128 : index
      %get3A_361 = tpu.vector_load %arg10[%get3A_360] {strides = array<i32>} : memref<272xf32, #tpu.memory_space<vmem>>, vector<16xf32>,
      %get3A_362 = arith.constant 128 : index
      %get3A_363 = tpu.vector_load %arg11[%get3A_362] {strides = array<i32>} : memref<272xi32, #tpu.memory_space<vmem>>, vector<16xi32>,
      %masked_sort3A_364 = arith.constant dense<true> : vector<16xi1>
      %masked_sort3A_365, %masked_sort3A_366, %masked_sort3A_367 = tpu.sort %get3A_361, %get3A_363 masked %masked_sort3A_364 {descending = true} : (vector<16xf32>, vector<16xi32>, vector<16xi1>) -> (vector<16xi1>, vector<16xf32>, vector<16xi32>)
      %swap3A_368 = arith.constant 128 : index
      %swap3A_369 = tpu.vector_load %arg10[%swap3A_368] {strides = array<i32>} : memref<272xf32, #tpu.memory_space<vmem>>, vector<16xf32>,
      tpu.vector_store %arg10[%swap3A_368], %masked_sort3A_366 {strides = array<i32>} : memref<272xf32, #tpu.memory_space<vmem>>, vector<16xf32>,
      %swap3A_370 = arith.constant 128 : index
      %swap3A_371 = tpu.vector_load %arg11[%swap3A_370] {strides = array<i32>} : memref<272xi32, #tpu.memory_space<vmem>>, vector<16xi32>,
      tpu.vector_store %arg11[%swap3A_370], %masked_sort3A_367 {strides = array<i32>} : memref<272xi32, #tpu.memory_space<vmem>>, vector<16xi32>,
      %get3A_372 = arith.constant 144 : index
      %get3A_373 = tpu.vector_load %arg10[%get3A_372] {strides = array<i32>} : memref<272xf32, #tpu.memory_space<vmem>>, vector<16xf32>,
      %get3A_374 = arith.constant 144 : index
      %get3A_375 = tpu.vector_load %arg11[%get3A_374] {strides = array<i32>} : memref<272xi32, #tpu.memory_space<vmem>>, vector<16xi32>,
      %masked_sort3A_376 = arith.constant dense<true> : vector<16xi1>
      %masked_sort3A_377, %masked_sort3A_378, %masked_sort3A_379 = tpu.sort %get3A_373, %get3A_375 masked %masked_sort3A_376 {descending = true} : (vector<16xf32>, vector<16xi32>, vector<16xi1>) -> (vector<16xi1>, vector<16xf32>, vector<16xi32>)
      %swap3A_380 = arith.constant 144 : index
      %swap3A_381 = tpu.vector_load %arg10[%swap3A_380] {strides = array<i32>} : memref<272xf32, #tpu.memory_space<vmem>>, vector<16xf32>,
      tpu.vector_store %arg10[%swap3A_380], %masked_sort3A_378 {strides = array<i32>} : memref<272xf32, #tpu.memory_space<vmem>>, vector<16xf32>,
      %swap3A_382 = arith.constant 144 : index
      %swap3A_383 = tpu.vector_load %arg11[%swap3A_382] {strides = array<i32>} : memref<272xi32, #tpu.memory_space<vmem>>, vector<16xi32>,
      tpu.vector_store %arg11[%swap3A_382], %masked_sort3A_379 {strides = array<i32>} : memref<272xi32, #tpu.memory_space<vmem>>, vector<16xi32>,
      %get3A_384 = arith.constant 160 : index
      %get3A_385 = tpu.vector_load %arg10[%get3A_384] {strides = array<i32>} : memref<272xf32, #tpu.memory_space<vmem>>, vector<16xf32>,
      %get3A_386 = arith.constant 160 : index
      %get3A_387 = tpu.vector_load %arg11[%get3A_386] {strides = array<i32>} : memref<272xi32, #tpu.memory_space<vmem>>, vector<16xi32>,
      %masked_sort3A_388 = arith.constant dense<true> : vector<16xi1>
      %masked_sort3A_389, %masked_sort3A_390, %masked_sort3A_391 = tpu.sort %get3A_385, %get3A_387 masked %masked_sort3A_388 {descending = true} : (vector<16xf32>, vector<16xi32>, vector<16xi1>) -> (vector<16xi1>, vector<16xf32>, vector<16xi32>)
      %swap3A_392 = arith.constant 160 : index
      %swap3A_393 = tpu.vector_load %arg10[%swap3A_392] {strides = array<i32>} : memref<272xf32, #tpu.memory_space<vmem>>, vector<16xf32>,
      tpu.vector_store %arg10[%swap3A_392], %masked_sort3A_390 {strides = array<i32>} : memref<272xf32, #tpu.memory_space<vmem>>, vector<16xf32>,
      %swap3A_394 = arith.constant 160 : index
      %swap3A_395 = tpu.vector_load %arg11[%swap3A_394] {strides = array<i32>} : memref<272xi32, #tpu.memory_space<vmem>>, vector<16xi32>,
      tpu.vector_store %arg11[%swap3A_394], %masked_sort3A_391 {strides = array<i32>} : memref<272xi32, #tpu.memory_space<vmem>>, vector<16xi32>,
      %get3A_396 = arith.constant 176 : index
      %get3A_397 = tpu.vector_load %arg10[%get3A_396] {strides = array<i32>} : memref<272xf32, #tpu.memory_space<vmem>>, vector<16xf32>,
      %get3A_398 = arith.constant 176 : index
      %get3A_399 = tpu.vector_load %arg11[%get3A_398] {strides = array<i32>} : memref<272xi32, #tpu.memory_space<vmem>>, vector<16xi32>,
      %masked_sort3A_400 = arith.constant dense<true> : vector<16xi1>
      %masked_sort3A_401, %masked_sort3A_402, %masked_sort3A_403 = tpu.sort %get3A_397, %get3A_399 masked %masked_sort3A_400 {descending = true} : (vector<16xf32>, vector<16xi32>, vector<16xi1>) -> (vector<16xi1>, vector<16xf32>, vector<16xi32>)
      %swap3A_404 = arith.constant 176 : index
      %swap3A_405 = tpu.vector_load %arg10[%swap3A_404] {strides = array<i32>} : memref<272xf32, #tpu.memory_space<vmem>>, vector<16xf32>,
      tpu.vector_store %arg10[%swap3A_404], %masked_sort3A_402 {strides = array<i32>} : memref<272xf32, #tpu.memory_space<vmem>>, vector<16xf32>,
      %swap3A_406 = arith.constant 176 : index
      %swap3A_407 = tpu.vector_load %arg11[%swap3A_406] {strides = array<i32>} : memref<272xi32, #tpu.memory_space<vmem>>, vector<16xi32>,
      tpu.vector_store %arg11[%swap3A_406], %masked_sort3A_403 {strides = array<i32>} : memref<272xi32, #tpu.memory_space<vmem>>, vector<16xi32>,
      %get3A_408 = arith.constant 192 : index
      %get3A_409 = tpu.vector_load %arg10[%get3A_408] {strides = array<i32>} : memref<272xf32, #tpu.memory_space<vmem>>, vector<16xf32>,
      %get3A_410 = arith.constant 192 : index
      %get3A_411 = tpu.vector_load %arg11[%get3A_410] {strides = array<i32>} : memref<272xi32, #tpu.memory_space<vmem>>, vector<16xi32>,
      %masked_sort3A_412 = arith.constant dense<true> : vector<16xi1>
      %masked_sort3A_413, %masked_sort3A_414, %masked_sort3A_415 = tpu.sort %get3A_409, %get3A_411 masked %masked_sort3A_412 {descending = true} : (vector<16xf32>, vector<16xi32>, vector<16xi1>) -> (vector<16xi1>, vector<16xf32>, vector<16xi32>)
      %swap3A_416 = arith.constant 192 : index
      %swap3A_417 = tpu.vector_load %arg10[%swap3A_416] {strides = array<i32>} : memref<272xf32, #tpu.memory_space<vmem>>, vector<16xf32>,
      tpu.vector_store %arg10[%swap3A_416], %masked_sort3A_414 {strides = array<i32>} : memref<272xf32, #tpu.memory_space<vmem>>, vector<16xf32>,
      %swap3A_418 = arith.constant 192 : index
      %swap3A_419 = tpu.vector_load %arg11[%swap3A_418] {strides = array<i32>} : memref<272xi32, #tpu.memory_space<vmem>>, vector<16xi32>,
      tpu.vector_store %arg11[%swap3A_418], %masked_sort3A_415 {strides = array<i32>} : memref<272xi32, #tpu.memory_space<vmem>>, vector<16xi32>,
      %get3A_420 = arith.constant 208 : index
      %get3A_421 = tpu.vector_load %arg10[%get3A_420] {strides = array<i32>} : memref<272xf32, #tpu.memory_space<vmem>>, vector<16xf32>,
      %get3A_422 = arith.constant 208 : index
      %get3A_423 = tpu.vector_load %arg11[%get3A_422] {strides = array<i32>} : memref<272xi32, #tpu.memory_space<vmem>>, vector<16xi32>,
      %masked_sort3A_424 = arith.constant dense<true> : vector<16xi1>
      %masked_sort3A_425, %masked_sort3A_426, %masked_sort3A_427 = tpu.sort %get3A_421, %get3A_423 masked %masked_sort3A_424 {descending = true} : (vector<16xf32>, vector<16xi32>, vector<16xi1>) -> (vector<16xi1>, vector<16xf32>, vector<16xi32>)
      %swap3A_428 = arith.constant 208 : index
      %swap3A_429 = tpu.vector_load %arg10[%swap3A_428] {strides = array<i32>} : memref<272xf32, #tpu.memory_space<vmem>>, vector<16xf32>,
      tpu.vector_store %arg10[%swap3A_428], %masked_sort3A_426 {strides = array<i32>} : memref<272xf32, #tpu.memory_space<vmem>>, vector<16xf32>,
      %swap3A_430 = arith.constant 208 : index
      %swap3A_431 = tpu.vector_load %arg11[%swap3A_430] {strides = array<i32>} : memref<272xi32, #tpu.memory_space<vmem>>, vector<16xi32>,
      tpu.vector_store %arg11[%swap3A_430], %masked_sort3A_427 {strides = array<i32>} : memref<272xi32, #tpu.memory_space<vmem>>, vector<16xi32>,
      %get3A_432 = arith.constant 224 : index
      %get3A_433 = tpu.vector_load %arg10[%get3A_432] {strides = array<i32>} : memref<272xf32, #tpu.memory_space<vmem>>, vector<16xf32>,
      %get3A_434 = arith.constant 224 : index
      %get3A_435 = tpu.vector_load %arg11[%get3A_434] {strides = array<i32>} : memref<272xi32, #tpu.memory_space<vmem>>, vector<16xi32>,
      %masked_sort3A_436 = arith.constant dense<true> : vector<16xi1>
      %masked_sort3A_437, %masked_sort3A_438, %masked_sort3A_439 = tpu.sort %get3A_433, %get3A_435 masked %masked_sort3A_436 {descending = true} : (vector<16xf32>, vector<16xi32>, vector<16xi1>) -> (vector<16xi1>, vector<16xf32>, vector<16xi32>)
      %swap3A_440 = arith.constant 224 : index
      %swap3A_441 = tpu.vector_load %arg10[%swap3A_440] {strides = array<i32>} : memref<272xf32, #tpu.memory_space<vmem>>, vector<16xf32>,
      tpu.vector_store %arg10[%swap3A_440], %masked_sort3A_438 {strides = array<i32>} : memref<272xf32, #tpu.memory_space<vmem>>, vector<16xf32>,
      %swap3A_442 = arith.constant 224 : index
      %swap3A_443 = tpu.vector_load %arg11[%swap3A_442] {strides = array<i32>} : memref<272xi32, #tpu.memory_space<vmem>>, vector<16xi32>,
      tpu.vector_store %arg11[%swap3A_442], %masked_sort3A_439 {strides = array<i32>} : memref<272xi32, #tpu.memory_space<vmem>>, vector<16xi32>,
      %get3A_444 = arith.constant 240 : index
      %get3A_445 = tpu.vector_load %arg10[%get3A_444] {strides = array<i32>} : memref<272xf32, #tpu.memory_space<vmem>>, vector<16xf32>,
      %get3A_446 = arith.constant 240 : index
      %get3A_447 = tpu.vector_load %arg11[%get3A_446] {strides = array<i32>} : memref<272xi32, #tpu.memory_space<vmem>>, vector<16xi32>,
      %masked_sort3A_448 = arith.constant dense<true> : vector<16xi1>
      %masked_sort3A_449, %masked_sort3A_450, %masked_sort3A_451 = tpu.sort %get3A_445, %get3A_447 masked %masked_sort3A_448 {descending = true} : (vector<16xf32>, vector<16xi32>, vector<16xi1>) -> (vector<16xi1>, vector<16xf32>, vector<16xi32>)
      %swap3A_452 = arith.constant 240 : index
      %swap3A_453 = tpu.vector_load %arg10[%swap3A_452] {strides = array<i32>} : memref<272xf32, #tpu.memory_space<vmem>>, vector<16xf32>,
      tpu.vector_store %arg10[%swap3A_452], %masked_sort3A_450 {strides = array<i32>} : memref<272xf32, #tpu.memory_space<vmem>>, vector<16xf32>,
      %swap3A_454 = arith.constant 240 : index
      %swap3A_455 = tpu.vector_load %arg11[%swap3A_454] {strides = array<i32>} : memref<272xi32, #tpu.memory_space<vmem>>, vector<16xi32>,
      tpu.vector_store %arg11[%swap3A_454], %masked_sort3A_451 {strides = array<i32>} : memref<272xi32, #tpu.memory_space<vmem>>, vector<16xi32>,
      %get3A_456 = arith.constant 0 : index
      %get3A_457 = tpu.vector_load %arg10[%get3A_456] {strides = array<i32>} : memref<272xf32, #tpu.memory_space<vmem>>, vector<16xf32>,
      %get3A_458 = arith.constant 16 : index
      %get3A_459 = tpu.vector_load %arg10[%get3A_458] {strides = array<i32>} : memref<272xf32, #tpu.memory_space<vmem>>, vector<16xf32>,
      %get3A_460 = arith.constant 0 : index
      %get3A_461 = tpu.vector_load %arg11[%get3A_460] {strides = array<i32>} : memref<272xi32, #tpu.memory_space<vmem>>, vector<16xi32>,
      %get3A_462 = arith.constant 16 : index
      %get3A_463 = tpu.vector_load %arg11[%get3A_462] {strides = array<i32>} : memref<272xi32, #tpu.memory_space<vmem>>, vector<16xi32>,
      %rev3A = arith.constant 15 : i32
      %rev3A_464 = vector.broadcast %rev3A : i32 to vector<16xi32>
      %rev3A_465 = tpu.iota {dimensions = array<i32: 0>} : vector<16xi32>
      %rev3A_466 = arith.subi %rev3A_464, %rev3A_465 : vector<16xi32>
      %rev3A_467 = tpu.dynamic_gather %get3A_459[%rev3A_466] in [0] : vector<16xf32>, vector<16xi32> -> vector<16xf32>
      %rev3A_468 = arith.constant 15 : i32
      %rev3A_469 = vector.broadcast %rev3A_468 : i32 to vector<16xi32>
      %rev3A_470 = tpu.iota {dimensions = array<i32: 0>} : vector<16xi32>
      %rev3A_471 = arith.subi %rev3A_469, %rev3A_470 : vector<16xi32>
      %rev3A_472 = tpu.dynamic_gather %get3A_463[%rev3A_471] in [0] : vector<16xi32>, vector<16xi32> -> vector<16xi32>
      %ge3A = arith.cmpf oge, %get3A_457, %rev3A_467 : vector<16xf32>
      %select_n3A = arith.select %ge3A, %get3A_457, %rev3A_467 : vector<16xi1>, vector<16xf32>
      %select_n3A_473 = arith.select %ge3A, %rev3A_467, %get3A_457 : vector<16xi1>, vector<16xf32>
      %select_n3A_474 = arith.select %ge3A, %get3A_461, %rev3A_472 : vector<16xi1>, vector<16xi32>
      %select_n3A_475 = arith.select %ge3A, %rev3A_472, %get3A_461 : vector<16xi1>, vector<16xi32>
      %masked_sort3A_476 = arith.constant dense<true> : vector<16xi1>
      %masked_sort3A_477, %masked_sort3A_478, %masked_sort3A_479 = tpu.sort %select_n3A, %select_n3A_474 masked %masked_sort3A_476 {descending = true} : (vector<16xf32>, vector<16xi32>, vector<16xi1>) -> (vector<16xi1>, vector<16xf32>, vector<16xi32>)
      %swap3A_480 = arith.constant 0 : index
      %swap3A_481 = tpu.vector_load %arg10[%swap3A_480] {strides = array<i32>} : memref<272xf32, #tpu.memory_space<vmem>>, vector<16xf32>,
      tpu.vector_store %arg10[%swap3A_480], %masked_sort3A_478 {strides = array<i32>} : memref<272xf32, #tpu.memory_space<vmem>>, vector<16xf32>,
      %swap3A_482 = arith.constant 0 : index
      %swap3A_483 = tpu.vector_load %arg11[%swap3A_482] {strides = array<i32>} : memref<272xi32, #tpu.memory_space<vmem>>, vector<16xi32>,
      tpu.vector_store %arg11[%swap3A_482], %masked_sort3A_479 {strides = array<i32>} : memref<272xi32, #tpu.memory_space<vmem>>, vector<16xi32>,
      %masked_sort3A_484 = arith.constant dense<true> : vector<16xi1>
      %masked_sort3A_485, %masked_sort3A_486, %masked_sort3A_487 = tpu.sort %select_n3A_473, %select_n3A_475 masked %masked_sort3A_484 {descending = true} : (vector<16xf32>, vector<16xi32>, vector<16xi1>) -> (vector<16xi1>, vector<16xf32>, vector<16xi32>)
      %swap3A_488 = arith.constant 16 : index
      %swap3A_489 = tpu.vector_load %arg10[%swap3A_488] {strides = array<i32>} : memref<272xf32, #tpu.memory_space<vmem>>, vector<16xf32>,
      tpu.vector_store %arg10[%swap3A_488], %masked_sort3A_486 {strides = array<i32>} : memref<272xf32, #tpu.memory_space<vmem>>, vector<16xf32>,
      %swap3A_490 = arith.constant 16 : index
      %swap3A_491 = tpu.vector_load %arg11[%swap3A_490] {strides = array<i32>} : memref<272xi32, #tpu.memory_space<vmem>>, vector<16xi32>,
      tpu.vector_store %arg11[%swap3A_490], %masked_sort3A_487 {strides = array<i32>} : memref<272xi32, #tpu.memory_space<vmem>>, vector<16xi32>,
      %get3A_492 = arith.constant 32 : index
      %get3A_493 = tpu.vector_load %arg10[%get3A_492] {strides = array<i32>} : memref<272xf32, #tpu.memory_space<vmem>>, vector<16xf32>,
      %get3A_494 = arith.constant 48 : index
      %get3A_495 = tpu.vector_load %arg10[%get3A_494] {strides = array<i32>} : memref<272xf32, #tpu.memory_space<vmem>>, vector<16xf32>,
      %get3A_496 = arith.constant 32 : index
      %get3A_497 = tpu.vector_load %arg11[%get3A_496] {strides = array<i32>} : memref<272xi32, #tpu.memory_space<vmem>>, vector<16xi32>,
      %get3A_498 = arith.constant 48 : index
      %get3A_499 = tpu.vector_load %arg11[%get3A_498] {strides = array<i32>} : memref<272xi32, #tpu.memory_space<vmem>>, vector<16xi32>,
      %rev3A_500 = arith.constant 15 : i32
      %rev3A_501 = vector.broadcast %rev3A_500 : i32 to vector<16xi32>
      %rev3A_502 = tpu.iota {dimensions = array<i32: 0>} : vector<16xi32>
      %rev3A_503 = arith.subi %rev3A_501, %rev3A_502 : vector<16xi32>
      %rev3A_504 = tpu.dynamic_gather %get3A_495[%rev3A_503] in [0] : vector<16xf32>, vector<16xi32> -> vector<16xf32>
      %rev3A_505 = arith.constant 15 : i32
      %rev3A_506 = vector.broadcast %rev3A_505 : i32 to vector<16xi32>
      %rev3A_507 = tpu.iota {dimensions = array<i32: 0>} : vector<16xi32>
      %rev3A_508 = arith.subi %rev3A_506, %rev3A_507 : vector<16xi32>
      %rev3A_509 = tpu.dynamic_gather %get3A_499[%rev3A_508] in [0] : vector<16xi32>, vector<16xi32> -> vector<16xi32>
      %ge3A_510 = arith.cmpf oge, %get3A_493, %rev3A_504 : vector<16xf32>
      %select_n3A_511 = arith.select %ge3A_510, %get3A_493, %rev3A_504 : vector<16xi1>, vector<16xf32>
      %select_n3A_512 = arith.select %ge3A_510, %rev3A_504, %get3A_493 : vector<16xi1>, vector<16xf32>
      %select_n3A_513 = arith.select %ge3A_510, %get3A_497, %rev3A_509 : vector<16xi1>, vector<16xi32>
      %select_n3A_514 = arith.select %ge3A_510, %rev3A_509, %get3A_497 : vector<16xi1>, vector<16xi32>
      %masked_sort3A_515 = arith.constant dense<true> : vector<16xi1>
      %masked_sort3A_516, %masked_sort3A_517, %masked_sort3A_518 = tpu.sort %select_n3A_511, %select_n3A_513 masked %masked_sort3A_515 {descending = true} : (vector<16xf32>, vector<16xi32>, vector<16xi1>) -> (vector<16xi1>, vector<16xf32>, vector<16xi32>)
      %swap3A_519 = arith.constant 32 : index
      %swap3A_520 = tpu.vector_load %arg10[%swap3A_519] {strides = array<i32>} : memref<272xf32, #tpu.memory_space<vmem>>, vector<16xf32>,
      tpu.vector_store %arg10[%swap3A_519], %masked_sort3A_517 {strides = array<i32>} : memref<272xf32, #tpu.memory_space<vmem>>, vector<16xf32>,
      %swap3A_521 = arith.constant 32 : index
      %swap3A_522 = tpu.vector_load %arg11[%swap3A_521] {strides = array<i32>} : memref<272xi32, #tpu.memory_space<vmem>>, vector<16xi32>,
      tpu.vector_store %arg11[%swap3A_521], %masked_sort3A_518 {strides = array<i32>} : memref<272xi32, #tpu.memory_space<vmem>>, vector<16xi32>,
      %masked_sort3A_523 = arith.constant dense<true> : vector<16xi1>
      %masked_sort3A_524, %masked_sort3A_525, %masked_sort3A_526 = tpu.sort %select_n3A_512, %select_n3A_514 masked %masked_sort3A_523 {descending = true} : (vector<16xf32>, vector<16xi32>, vector<16xi1>) -> (vector<16xi1>, vector<16xf32>, vector<16xi32>)
      %swap3A_527 = arith.constant 48 : index
      %swap3A_528 = tpu.vector_load %arg10[%swap3A_527] {strides = array<i32>} : memref<272xf32, #tpu.memory_space<vmem>>, vector<16xf32>,
      tpu.vector_store %arg10[%swap3A_527], %masked_sort3A_525 {strides = array<i32>} : memref<272xf32, #tpu.memory_space<vmem>>, vector<16xf32>,
      %swap3A_529 = arith.constant 48 : index
      %swap3A_530 = tpu.vector_load %arg11[%swap3A_529] {strides = array<i32>} : memref<272xi32, #tpu.memory_space<vmem>>, vector<16xi32>,
      tpu.vector_store %arg11[%swap3A_529], %masked_sort3A_526 {strides = array<i32>} : memref<272xi32, #tpu.memory_space<vmem>>, vector<16xi32>,
      %get3A_531 = arith.constant 64 : index
      %get3A_532 = tpu.vector_load %arg10[%get3A_531] {strides = array<i32>} : memref<272xf32, #tpu.memory_space<vmem>>, vector<16xf32>,
      %get3A_533 = arith.constant 80 : index
      %get3A_534 = tpu.vector_load %arg10[%get3A_533] {strides = array<i32>} : memref<272xf32, #tpu.memory_space<vmem>>, vector<16xf32>,
      %get3A_535 = arith.constant 64 : index
      %get3A_536 = tpu.vector_load %arg11[%get3A_535] {strides = array<i32>} : memref<272xi32, #tpu.memory_space<vmem>>, vector<16xi32>,
      %get3A_537 = arith.constant 80 : index
      %get3A_538 = tpu.vector_load %arg11[%get3A_537] {strides = array<i32>} : memref<272xi32, #tpu.memory_space<vmem>>, vector<16xi32>,
      %rev3A_539 = arith.constant 15 : i32
      %rev3A_540 = vector.broadcast %rev3A_539 : i32 to vector<16xi32>
      %rev3A_541 = tpu.iota {dimensions = array<i32: 0>} : vector<16xi32>
      %rev3A_542 = arith.subi %rev3A_540, %rev3A_541 : vector<16xi32>
      %rev3A_543 = tpu.dynamic_gather %get3A_534[%rev3A_542] in [0] : vector<16xf32>, vector<16xi32> -> vector<16xf32>
      %rev3A_544 = arith.constant 15 : i32
      %rev3A_545 = vector.broadcast %rev3A_544 : i32 to vector<16xi32>
      %rev3A_546 = tpu.iota {dimensions = array<i32: 0>} : vector<16xi32>
      %rev3A_547 = arith.subi %rev3A_545, %rev3A_546 : vector<16xi32>
      %rev3A_548 = tpu.dynamic_gather %get3A_538[%rev3A_547] in [0] : vector<16xi32>, vector<16xi32> -> vector<16xi32>
      %ge3A_549 = arith.cmpf oge, %get3A_532, %rev3A_543 : vector<16xf32>
      %select_n3A_550 = arith.select %ge3A_549, %get3A_532, %rev3A_543 : vector<16xi1>, vector<16xf32>
      %select_n3A_551 = arith.select %ge3A_549, %rev3A_543, %get3A_532 : vector<16xi1>, vector<16xf32>
      %select_n3A_552 = arith.select %ge3A_549, %get3A_536, %rev3A_548 : vector<16xi1>, vector<16xi32>
      %select_n3A_553 = arith.select %ge3A_549, %rev3A_548, %get3A_536 : vector<16xi1>, vector<16xi32>
      %masked_sort3A_554 = arith.constant dense<true> : vector<16xi1>
      %masked_sort3A_555, %masked_sort3A_556, %masked_sort3A_557 = tpu.sort %select_n3A_550, %select_n3A_552 masked %masked_sort3A_554 {descending = true} : (vector<16xf32>, vector<16xi32>, vector<16xi1>) -> (vector<16xi1>, vector<16xf32>, vector<16xi32>)
      %swap3A_558 = arith.constant 64 : index
      %swap3A_559 = tpu.vector_load %arg10[%swap3A_558] {strides = array<i32>} : memref<272xf32, #tpu.memory_space<vmem>>, vector<16xf32>,
      tpu.vector_store %arg10[%swap3A_558], %masked_sort3A_556 {strides = array<i32>} : memref<272xf32, #tpu.memory_space<vmem>>, vector<16xf32>,
      %swap3A_560 = arith.constant 64 : index
      %swap3A_561 = tpu.vector_load %arg11[%swap3A_560] {strides = array<i32>} : memref<272xi32, #tpu.memory_space<vmem>>, vector<16xi32>,
      tpu.vector_store %arg11[%swap3A_560], %masked_sort3A_557 {strides = array<i32>} : memref<272xi32, #tpu.memory_space<vmem>>, vector<16xi32>,
      %masked_sort3A_562 = arith.constant dense<true> : vector<16xi1>
      %masked_sort3A_563, %masked_sort3A_564, %masked_sort3A_565 = tpu.sort %select_n3A_551, %select_n3A_553 masked %masked_sort3A_562 {descending = true} : (vector<16xf32>, vector<16xi32>, vector<16xi1>) -> (vector<16xi1>, vector<16xf32>, vector<16xi32>)
      %swap3A_566 = arith.constant 80 : index
      %swap3A_567 = tpu.vector_load %arg10[%swap3A_566] {strides = array<i32>} : memref<272xf32, #tpu.memory_space<vmem>>, vector<16xf32>,
      tpu.vector_store %arg10[%swap3A_566], %masked_sort3A_564 {strides = array<i32>} : memref<272xf32, #tpu.memory_space<vmem>>, vector<16xf32>,
      %swap3A_568 = arith.constant 80 : index
      %swap3A_569 = tpu.vector_load %arg11[%swap3A_568] {strides = array<i32>} : memref<272xi32, #tpu.memory_space<vmem>>, vector<16xi32>,
      tpu.vector_store %arg11[%swap3A_568], %masked_sort3A_565 {strides = array<i32>} : memref<272xi32, #tpu.memory_space<vmem>>, vector<16xi32>,
      %get3A_570 = arith.constant 96 : index
      %get3A_571 = tpu.vector_load %arg10[%get3A_570] {strides = array<i32>} : memref<272xf32, #tpu.memory_space<vmem>>, vector<16xf32>,
      %get3A_572 = arith.constant 112 : index
      %get3A_573 = tpu.vector_load %arg10[%get3A_572] {strides = array<i32>} : memref<272xf32, #tpu.memory_space<vmem>>, vector<16xf32>,
      %get3A_574 = arith.constant 96 : index
      %get3A_575 = tpu.vector_load %arg11[%get3A_574] {strides = array<i32>} : memref<272xi32, #tpu.memory_space<vmem>>, vector<16xi32>,
      %get3A_576 = arith.constant 112 : index
      %get3A_577 = tpu.vector_load %arg11[%get3A_576] {strides = array<i32>} : memref<272xi32, #tpu.memory_space<vmem>>, vector<16xi32>,
      %rev3A_578 = arith.constant 15 : i32
      %rev3A_579 = vector.broadcast %rev3A_578 : i32 to vector<16xi32>
      %rev3A_580 = tpu.iota {dimensions = array<i32: 0>} : vector<16xi32>
      %rev3A_581 = arith.subi %rev3A_579, %rev3A_580 : vector<16xi32>
      %rev3A_582 = tpu.dynamic_gather %get3A_573[%rev3A_581] in [0] : vector<16xf32>, vector<16xi32> -> vector<16xf32>
      %rev3A_583 = arith.constant 15 : i32
      %rev3A_584 = vector.broadcast %rev3A_583 : i32 to vector<16xi32>
      %rev3A_585 = tpu.iota {dimensions = array<i32: 0>} : vector<16xi32>
      %rev3A_586 = arith.subi %rev3A_584, %rev3A_585 : vector<16xi32>
      %rev3A_587 = tpu.dynamic_gather %get3A_577[%rev3A_586] in [0] : vector<16xi32>, vector<16xi32> -> vector<16xi32>
      %ge3A_588 = arith.cmpf oge, %get3A_571, %rev3A_582 : vector<16xf32>
      %select_n3A_589 = arith.select %ge3A_588, %get3A_571, %rev3A_582 : vector<16xi1>, vector<16xf32>
      %select_n3A_590 = arith.select %ge3A_588, %rev3A_582, %get3A_571 : vector<16xi1>, vector<16xf32>
      %select_n3A_591 = arith.select %ge3A_588, %get3A_575, %rev3A_587 : vector<16xi1>, vector<16xi32>
      %select_n3A_592 = arith.select %ge3A_588, %rev3A_587, %get3A_575 : vector<16xi1>, vector<16xi32>
      %masked_sort3A_593 = arith.constant dense<true> : vector<16xi1>
      %masked_sort3A_594, %masked_sort3A_595, %masked_sort3A_596 = tpu.sort %select_n3A_589, %select_n3A_591 masked %masked_sort3A_593 {descending = true} : (vector<16xf32>, vector<16xi32>, vector<16xi1>) -> (vector<16xi1>, vector<16xf32>, vector<16xi32>)
      %swap3A_597 = arith.constant 96 : index
      %swap3A_598 = tpu.vector_load %arg10[%swap3A_597] {strides = array<i32>} : memref<272xf32, #tpu.memory_space<vmem>>, vector<16xf32>,
      tpu.vector_store %arg10[%swap3A_597], %masked_sort3A_595 {strides = array<i32>} : memref<272xf32, #tpu.memory_space<vmem>>, vector<16xf32>,
      %swap3A_599 = arith.constant 96 : index
      %swap3A_600 = tpu.vector_load %arg11[%swap3A_599] {strides = array<i32>} : memref<272xi32, #tpu.memory_space<vmem>>, vector<16xi32>,
      tpu.vector_store %arg11[%swap3A_599], %masked_sort3A_596 {strides = array<i32>} : memref<272xi32, #tpu.memory_space<vmem>>, vector<16xi32>,
      %masked_sort3A_601 = arith.constant dense<true> : vector<16xi1>
      %masked_sort3A_602, %masked_sort3A_603, %masked_sort3A_604 = tpu.sort %select_n3A_590, %select_n3A_592 masked %masked_sort3A_601 {descending = true} : (vector<16xf32>, vector<16xi32>, vector<16xi1>) -> (vector<16xi1>, vector<16xf32>, vector<16xi32>)
      %swap3A_605 = arith.constant 112 : index
      %swap3A_606 = tpu.vector_load %arg10[%swap3A_605] {strides = array<i32>} : memref<272xf32, #tpu.memory_space<vmem>>, vector<16xf32>,
      tpu.vector_store %arg10[%swap3A_605], %masked_sort3A_603 {strides = array<i32>} : memref<272xf32, #tpu.memory_space<vmem>>, vector<16xf32>,
      %swap3A_607 = arith.constant 112 : index
      %swap3A_608 = tpu.vector_load %arg11[%swap3A_607] {strides = array<i32>} : memref<272xi32, #tpu.memory_space<vmem>>, vector<16xi32>,
      tpu.vector_store %arg11[%swap3A_607], %masked_sort3A_604 {strides = array<i32>} : memref<272xi32, #tpu.memory_space<vmem>>, vector<16xi32>,
      %get3A_609 = arith.constant 128 : index
      %get3A_610 = tpu.vector_load %arg10[%get3A_609] {strides = array<i32>} : memref<272xf32, #tpu.memory_space<vmem>>, vector<16xf32>,
      %get3A_611 = arith.constant 144 : index
      %get3A_612 = tpu.vector_load %arg10[%get3A_611] {strides = array<i32>} : memref<272xf32, #tpu.memory_space<vmem>>, vector<16xf32>,
      %get3A_613 = arith.constant 128 : index
      %get3A_614 = tpu.vector_load %arg11[%get3A_613] {strides = array<i32>} : memref<272xi32, #tpu.memory_space<vmem>>, vector<16xi32>,
      %get3A_615 = arith.constant 144 : index
      %get3A_616 = tpu.vector_load %arg11[%get3A_615] {strides = array<i32>} : memref<272xi32, #tpu.memory_space<vmem>>, vector<16xi32>,
      %rev3A_617 = arith.constant 15 : i32
      %rev3A_618 = vector.broadcast %rev3A_617 : i32 to vector<16xi32>
      %rev3A_619 = tpu.iota {dimensions = array<i32: 0>} : vector<16xi32>
      %rev3A_620 = arith.subi %rev3A_618, %rev3A_619 : vector<16xi32>
      %rev3A_621 = tpu.dynamic_gather %get3A_612[%rev3A_620] in [0] : vector<16xf32>, vector<16xi32> -> vector<16xf32>
      %rev3A_622 = arith.constant 15 : i32
      %rev3A_623 = vector.broadcast %rev3A_622 : i32 to vector<16xi32>
      %rev3A_624 = tpu.iota {dimensions = array<i32: 0>} : vector<16xi32>
      %rev3A_625 = arith.subi %rev3A_623, %rev3A_624 : vector<16xi32>
      %rev3A_626 = tpu.dynamic_gather %get3A_616[%rev3A_625] in [0] : vector<16xi32>, vector<16xi32> -> vector<16xi32>
      %ge3A_627 = arith.cmpf oge, %get3A_610, %rev3A_621 : vector<16xf32>
      %select_n3A_628 = arith.select %ge3A_627, %get3A_610, %rev3A_621 : vector<16xi1>, vector<16xf32>
      %select_n3A_629 = arith.select %ge3A_627, %rev3A_621, %get3A_610 : vector<16xi1>, vector<16xf32>
      %select_n3A_630 = arith.select %ge3A_627, %get3A_614, %rev3A_626 : vector<16xi1>, vector<16xi32>
      %select_n3A_631 = arith.select %ge3A_627, %rev3A_626, %get3A_614 : vector<16xi1>, vector<16xi32>
      %masked_sort3A_632 = arith.constant dense<true> : vector<16xi1>
      %masked_sort3A_633, %masked_sort3A_634, %masked_sort3A_635 = tpu.sort %select_n3A_628, %select_n3A_630 masked %masked_sort3A_632 {descending = true} : (vector<16xf32>, vector<16xi32>, vector<16xi1>) -> (vector<16xi1>, vector<16xf32>, vector<16xi32>)
      %swap3A_636 = arith.constant 128 : index
      %swap3A_637 = tpu.vector_load %arg10[%swap3A_636] {strides = array<i32>} : memref<272xf32, #tpu.memory_space<vmem>>, vector<16xf32>,
      tpu.vector_store %arg10[%swap3A_636], %masked_sort3A_634 {strides = array<i32>} : memref<272xf32, #tpu.memory_space<vmem>>, vector<16xf32>,
      %swap3A_638 = arith.constant 128 : index
      %swap3A_639 = tpu.vector_load %arg11[%swap3A_638] {strides = array<i32>} : memref<272xi32, #tpu.memory_space<vmem>>, vector<16xi32>,
      tpu.vector_store %arg11[%swap3A_638], %masked_sort3A_635 {strides = array<i32>} : memref<272xi32, #tpu.memory_space<vmem>>, vector<16xi32>,
      %masked_sort3A_640 = arith.constant dense<true> : vector<16xi1>
      %masked_sort3A_641, %masked_sort3A_642, %masked_sort3A_643 = tpu.sort %select_n3A_629, %select_n3A_631 masked %masked_sort3A_640 {descending = true} : (vector<16xf32>, vector<16xi32>, vector<16xi1>) -> (vector<16xi1>, vector<16xf32>, vector<16xi32>)
      %swap3A_644 = arith.constant 144 : index
      %swap3A_645 = tpu.vector_load %arg10[%swap3A_644] {strides = array<i32>} : memref<272xf32, #tpu.memory_space<vmem>>, vector<16xf32>,
      tpu.vector_store %arg10[%swap3A_644], %masked_sort3A_642 {strides = array<i32>} : memref<272xf32, #tpu.memory_space<vmem>>, vector<16xf32>,
      %swap3A_646 = arith.constant 144 : index
      %swap3A_647 = tpu.vector_load %arg11[%swap3A_646] {strides = array<i32>} : memref<272xi32, #tpu.memory_space<vmem>>, vector<16xi32>,
      tpu.vector_store %arg11[%swap3A_646], %masked_sort3A_643 {strides = array<i32>} : memref<272xi32, #tpu.memory_space<vmem>>, vector<16xi32>,
      %get3A_648 = arith.constant 160 : index
      %get3A_649 = tpu.vector_load %arg10[%get3A_648] {strides = array<i32>} : memref<272xf32, #tpu.memory_space<vmem>>, vector<16xf32>,
      %get3A_650 = arith.constant 176 : index
      %get3A_651 = tpu.vector_load %arg10[%get3A_650] {strides = array<i32>} : memref<272xf32, #tpu.memory_space<vmem>>, vector<16xf32>,
      %get3A_652 = arith.constant 160 : index
      %get3A_653 = tpu.vector_load %arg11[%get3A_652] {strides = array<i32>} : memref<272xi32, #tpu.memory_space<vmem>>, vector<16xi32>,
      %get3A_654 = arith.constant 176 : index
      %get3A_655 = tpu.vector_load %arg11[%get3A_654] {strides = array<i32>} : memref<272xi32, #tpu.memory_space<vmem>>, vector<16xi32>,
      %rev3A_656 = arith.constant 15 : i32
      %rev3A_657 = vector.broadcast %rev3A_656 : i32 to vector<16xi32>
      %rev3A_658 = tpu.iota {dimensions = array<i32: 0>} : vector<16xi32>
      %rev3A_659 = arith.subi %rev3A_657, %rev3A_658 : vector<16xi32>
      %rev3A_660 = tpu.dynamic_gather %get3A_651[%rev3A_659] in [0] : vector<16xf32>, vector<16xi32> -> vector<16xf32>
      %rev3A_661 = arith.constant 15 : i32
      %rev3A_662 = vector.broadcast %rev3A_661 : i32 to vector<16xi32>
      %rev3A_663 = tpu.iota {dimensions = array<i32: 0>} : vector<16xi32>
      %rev3A_664 = arith.subi %rev3A_662, %rev3A_663 : vector<16xi32>
      %rev3A_665 = tpu.dynamic_gather %get3A_655[%rev3A_664] in [0] : vector<16xi32>, vector<16xi32> -> vector<16xi32>
      %ge3A_666 = arith.cmpf oge, %get3A_649, %rev3A_660 : vector<16xf32>
      %select_n3A_667 = arith.select %ge3A_666, %get3A_649, %rev3A_660 : vector<16xi1>, vector<16xf32>
      %select_n3A_668 = arith.select %ge3A_666, %rev3A_660, %get3A_649 : vector<16xi1>, vector<16xf32>
      %select_n3A_669 = arith.select %ge3A_666, %get3A_653, %rev3A_665 : vector<16xi1>, vector<16xi32>
      %select_n3A_670 = arith.select %ge3A_666, %rev3A_665, %get3A_653 : vector<16xi1>, vector<16xi32>
      %masked_sort3A_671 = arith.constant dense<true> : vector<16xi1>
      %masked_sort3A_672, %masked_sort3A_673, %masked_sort3A_674 = tpu.sort %select_n3A_667, %select_n3A_669 masked %masked_sort3A_671 {descending = true} : (vector<16xf32>, vector<16xi32>, vector<16xi1>) -> (vector<16xi1>, vector<16xf32>, vector<16xi32>)
      %swap3A_675 = arith.constant 160 : index
      %swap3A_676 = tpu.vector_load %arg10[%swap3A_675] {strides = array<i32>} : memref<272xf32, #tpu.memory_space<vmem>>, vector<16xf32>,
      tpu.vector_store %arg10[%swap3A_675], %masked_sort3A_673 {strides = array<i32>} : memref<272xf32, #tpu.memory_space<vmem>>, vector<16xf32>,
      %swap3A_677 = arith.constant 160 : index
      %swap3A_678 = tpu.vector_load %arg11[%swap3A_677] {strides = array<i32>} : memref<272xi32, #tpu.memory_space<vmem>>, vector<16xi32>,
      tpu.vector_store %arg11[%swap3A_677], %masked_sort3A_674 {strides = array<i32>} : memref<272xi32, #tpu.memory_space<vmem>>, vector<16xi32>,
      %masked_sort3A_679 = arith.constant dense<true> : vector<16xi1>
      %masked_sort3A_680, %masked_sort3A_681, %masked_sort3A_682 = tpu.sort %select_n3A_668, %select_n3A_670 masked %masked_sort3A_679 {descending = true} : (vector<16xf32>, vector<16xi32>, vector<16xi1>) -> (vector<16xi1>, vector<16xf32>, vector<16xi32>)
      %swap3A_683 = arith.constant 176 : index
      %swap3A_684 = tpu.vector_load %arg10[%swap3A_683] {strides = array<i32>} : memref<272xf32, #tpu.memory_space<vmem>>, vector<16xf32>,
      tpu.vector_store %arg10[%swap3A_683], %masked_sort3A_681 {strides = array<i32>} : memref<272xf32, #tpu.memory_space<vmem>>, vector<16xf32>,
      %swap3A_685 = arith.constant 176 : index
      %swap3A_686 = tpu.vector_load %arg11[%swap3A_685] {strides = array<i32>} : memref<272xi32, #tpu.memory_space<vmem>>, vector<16xi32>,
      tpu.vector_store %arg11[%swap3A_685], %masked_sort3A_682 {strides = array<i32>} : memref<272xi32, #tpu.memory_space<vmem>>, vector<16xi32>,
      %get3A_687 = arith.constant 192 : index
      %get3A_688 = tpu.vector_load %arg10[%get3A_687] {strides = array<i32>} : memref<272xf32, #tpu.memory_space<vmem>>, vector<16xf32>,
      %get3A_689 = arith.constant 208 : index
      %get3A_690 = tpu.vector_load %arg10[%get3A_689] {strides = array<i32>} : memref<272xf32, #tpu.memory_space<vmem>>, vector<16xf32>,
      %get3A_691 = arith.constant 192 : index
      %get3A_692 = tpu.vector_load %arg11[%get3A_691] {strides = array<i32>} : memref<272xi32, #tpu.memory_space<vmem>>, vector<16xi32>,
      %get3A_693 = arith.constant 208 : index
      %get3A_694 = tpu.vector_load %arg11[%get3A_693] {strides = array<i32>} : memref<272xi32, #tpu.memory_space<vmem>>, vector<16xi32>,
      %rev3A_695 = arith.constant 15 : i32
      %rev3A_696 = vector.broadcast %rev3A_695 : i32 to vector<16xi32>
      %rev3A_697 = tpu.iota {dimensions = array<i32: 0>} : vector<16xi32>
      %rev3A_698 = arith.subi %rev3A_696, %rev3A_697 : vector<16xi32>
      %rev3A_699 = tpu.dynamic_gather %get3A_690[%rev3A_698] in [0] : vector<16xf32>, vector<16xi32> -> vector<16xf32>
      %rev3A_700 = arith.constant 15 : i32
      %rev3A_701 = vector.broadcast %rev3A_700 : i32 to vector<16xi32>
      %rev3A_702 = tpu.iota {dimensions = array<i32: 0>} : vector<16xi32>
      %rev3A_703 = arith.subi %rev3A_701, %rev3A_702 : vector<16xi32>
      %rev3A_704 = tpu.dynamic_gather %get3A_694[%rev3A_703] in [0] : vector<16xi32>, vector<16xi32> -> vector<16xi32>
      %ge3A_705 = arith.cmpf oge, %get3A_688, %rev3A_699 : vector<16xf32>
      %select_n3A_706 = arith.select %ge3A_705, %get3A_688, %rev3A_699 : vector<16xi1>, vector<16xf32>
      %select_n3A_707 = arith.select %ge3A_705, %rev3A_699, %get3A_688 : vector<16xi1>, vector<16xf32>
      %select_n3A_708 = arith.select %ge3A_705, %get3A_692, %rev3A_704 : vector<16xi1>, vector<16xi32>
      %select_n3A_709 = arith.select %ge3A_705, %rev3A_704, %get3A_692 : vector<16xi1>, vector<16xi32>
      %masked_sort3A_710 = arith.constant dense<true> : vector<16xi1>
      %masked_sort3A_711, %masked_sort3A_712, %masked_sort3A_713 = tpu.sort %select_n3A_706, %select_n3A_708 masked %masked_sort3A_710 {descending = true} : (vector<16xf32>, vector<16xi32>, vector<16xi1>) -> (vector<16xi1>, vector<16xf32>, vector<16xi32>)
      %swap3A_714 = arith.constant 192 : index
      %swap3A_715 = tpu.vector_load %arg10[%swap3A_714] {strides = array<i32>} : memref<272xf32, #tpu.memory_space<vmem>>, vector<16xf32>,
      tpu.vector_store %arg10[%swap3A_714], %masked_sort3A_712 {strides = array<i32>} : memref<272xf32, #tpu.memory_space<vmem>>, vector<16xf32>,
      %swap3A_716 = arith.constant 192 : index
      %swap3A_717 = tpu.vector_load %arg11[%swap3A_716] {strides = array<i32>} : memref<272xi32, #tpu.memory_space<vmem>>, vector<16xi32>,
      tpu.vector_store %arg11[%swap3A_716], %masked_sort3A_713 {strides = array<i32>} : memref<272xi32, #tpu.memory_space<vmem>>, vector<16xi32>,
      %masked_sort3A_718 = arith.constant dense<true> : vector<16xi1>
      %masked_sort3A_719, %masked_sort3A_720, %masked_sort3A_721 = tpu.sort %select_n3A_707, %select_n3A_709 masked %masked_sort3A_718 {descending = true} : (vector<16xf32>, vector<16xi32>, vector<16xi1>) -> (vector<16xi1>, vector<16xf32>, vector<16xi32>)
      %swap3A_722 = arith.constant 208 : index
      %swap3A_723 = tpu.vector_load %arg10[%swap3A_722] {strides = array<i32>} : memref<272xf32, #tpu.memory_space<vmem>>, vector<16xf32>,
      tpu.vector_store %arg10[%swap3A_722], %masked_sort3A_720 {strides = array<i32>} : memref<272xf32, #tpu.memory_space<vmem>>, vector<16xf32>,
      %swap3A_724 = arith.constant 208 : index
      %swap3A_725 = tpu.vector_load %arg11[%swap3A_724] {strides = array<i32>} : memref<272xi32, #tpu.memory_space<vmem>>, vector<16xi32>,
      tpu.vector_store %arg11[%swap3A_724], %masked_sort3A_721 {strides = array<i32>} : memref<272xi32, #tpu.memory_space<vmem>>, vector<16xi32>,
      %get3A_726 = arith.constant 224 : index
      %get3A_727 = tpu.vector_load %arg10[%get3A_726] {strides = array<i32>} : memref<272xf32, #tpu.memory_space<vmem>>, vector<16xf32>,
      %get3A_728 = arith.constant 240 : index
      %get3A_729 = tpu.vector_load %arg10[%get3A_728] {strides = array<i32>} : memref<272xf32, #tpu.memory_space<vmem>>, vector<16xf32>,
      %get3A_730 = arith.constant 224 : index
      %get3A_731 = tpu.vector_load %arg11[%get3A_730] {strides = array<i32>} : memref<272xi32, #tpu.memory_space<vmem>>, vector<16xi32>,
      %get3A_732 = arith.constant 240 : index
      %get3A_733 = tpu.vector_load %arg11[%get3A_732] {strides = array<i32>} : memref<272xi32, #tpu.memory_space<vmem>>, vector<16xi32>,
      %rev3A_734 = arith.constant 15 : i32
      %rev3A_735 = vector.broadcast %rev3A_734 : i32 to vector<16xi32>
      %rev3A_736 = tpu.iota {dimensions = array<i32: 0>} : vector<16xi32>
      %rev3A_737 = arith.subi %rev3A_735, %rev3A_736 : vector<16xi32>
      %rev3A_738 = tpu.dynamic_gather %get3A_729[%rev3A_737] in [0] : vector<16xf32>, vector<16xi32> -> vector<16xf32>
      %rev3A_739 = arith.constant 15 : i32
      %rev3A_740 = vector.broadcast %rev3A_739 : i32 to vector<16xi32>
      %rev3A_741 = tpu.iota {dimensions = array<i32: 0>} : vector<16xi32>
      %rev3A_742 = arith.subi %rev3A_740, %rev3A_741 : vector<16xi32>
      %rev3A_743 = tpu.dynamic_gather %get3A_733[%rev3A_742] in [0] : vector<16xi32>, vector<16xi32> -> vector<16xi32>
      %ge3A_744 = arith.cmpf oge, %get3A_727, %rev3A_738 : vector<16xf32>
      %select_n3A_745 = arith.select %ge3A_744, %get3A_727, %rev3A_738 : vector<16xi1>, vector<16xf32>
      %select_n3A_746 = arith.select %ge3A_744, %rev3A_738, %get3A_727 : vector<16xi1>, vector<16xf32>
      %select_n3A_747 = arith.select %ge3A_744, %get3A_731, %rev3A_743 : vector<16xi1>, vector<16xi32>
      %select_n3A_748 = arith.select %ge3A_744, %rev3A_743, %get3A_731 : vector<16xi1>, vector<16xi32>
      %masked_sort3A_749 = arith.constant dense<true> : vector<16xi1>
      %masked_sort3A_750, %masked_sort3A_751, %masked_sort3A_752 = tpu.sort %select_n3A_745, %select_n3A_747 masked %masked_sort3A_749 {descending = true} : (vector<16xf32>, vector<16xi32>, vector<16xi1>) -> (vector<16xi1>, vector<16xf32>, vector<16xi32>)
      %swap3A_753 = arith.constant 224 : index
      %swap3A_754 = tpu.vector_load %arg10[%swap3A_753] {strides = array<i32>} : memref<272xf32, #tpu.memory_space<vmem>>, vector<16xf32>,
      tpu.vector_store %arg10[%swap3A_753], %masked_sort3A_751 {strides = array<i32>} : memref<272xf32, #tpu.memory_space<vmem>>, vector<16xf32>,
      %swap3A_755 = arith.constant 224 : index
      %swap3A_756 = tpu.vector_load %arg11[%swap3A_755] {strides = array<i32>} : memref<272xi32, #tpu.memory_space<vmem>>, vector<16xi32>,
      tpu.vector_store %arg11[%swap3A_755], %masked_sort3A_752 {strides = array<i32>} : memref<272xi32, #tpu.memory_space<vmem>>, vector<16xi32>,
      %masked_sort3A_757 = arith.constant dense<true> : vector<16xi1>
      %masked_sort3A_758, %masked_sort3A_759, %masked_sort3A_760 = tpu.sort %select_n3A_746, %select_n3A_748 masked %masked_sort3A_757 {descending = true} : (vector<16xf32>, vector<16xi32>, vector<16xi1>) -> (vector<16xi1>, vector<16xf32>, vector<16xi32>)
      %swap3A_761 = arith.constant 240 : index
      %swap3A_762 = tpu.vector_load %arg10[%swap3A_761] {strides = array<i32>} : memref<272xf32, #tpu.memory_space<vmem>>, vector<16xf32>,
      tpu.vector_store %arg10[%swap3A_761], %masked_sort3A_759 {strides = array<i32>} : memref<272xf32, #tpu.memory_space<vmem>>, vector<16xf32>,
      %swap3A_763 = arith.constant 240 : index
      %swap3A_764 = tpu.vector_load %arg11[%swap3A_763] {strides = array<i32>} : memref<272xi32, #tpu.memory_space<vmem>>, vector<16xi32>,
      tpu.vector_store %arg11[%swap3A_763], %masked_sort3A_760 {strides = array<i32>} : memref<272xi32, #tpu.memory_space<vmem>>, vector<16xi32>,
      %get3A_765 = arith.constant 0 : index
      %get3A_766 = tpu.vector_load %arg10[%get3A_765] {strides = array<i32>} : memref<272xf32, #tpu.memory_space<vmem>>, vector<16xf32>,
      %get3A_767 = arith.constant 16 : index
      %get3A_768 = tpu.vector_load %arg10[%get3A_767] {strides = array<i32>} : memref<272xf32, #tpu.memory_space<vmem>>, vector<16xf32>,
      %get3A_769 = arith.constant 32 : index
      %get3A_770 = tpu.vector_load %arg10[%get3A_769] {strides = array<i32>} : memref<272xf32, #tpu.memory_space<vmem>>, vector<16xf32>,
      %get3A_771 = arith.constant 48 : index
      %get3A_772 = tpu.vector_load %arg10[%get3A_771] {strides = array<i32>} : memref<272xf32, #tpu.memory_space<vmem>>, vector<16xf32>,
      %get3A_773 = arith.constant 0 : index
      %get3A_774 = tpu.vector_load %arg11[%get3A_773] {strides = array<i32>} : memref<272xi32, #tpu.memory_space<vmem>>, vector<16xi32>,
      %get3A_775 = arith.constant 16 : index
      %get3A_776 = tpu.vector_load %arg11[%get3A_775] {strides = array<i32>} : memref<272xi32, #tpu.memory_space<vmem>>, vector<16xi32>,
      %get3A_777 = arith.constant 32 : index
      %get3A_778 = tpu.vector_load %arg11[%get3A_777] {strides = array<i32>} : memref<272xi32, #tpu.memory_space<vmem>>, vector<16xi32>,
      %get3A_779 = arith.constant 48 : index
      %get3A_780 = tpu.vector_load %arg11[%get3A_779] {strides = array<i32>} : memref<272xi32, #tpu.memory_space<vmem>>, vector<16xi32>,
      %rev3A_781 = arith.constant 15 : i32
      %rev3A_782 = vector.broadcast %rev3A_781 : i32 to vector<16xi32>
      %rev3A_783 = tpu.iota {dimensions = array<i32: 0>} : vector<16xi32>
      %rev3A_784 = arith.subi %rev3A_782, %rev3A_783 : vector<16xi32>
      %rev3A_785 = tpu.dynamic_gather %get3A_772[%rev3A_784] in [0] : vector<16xf32>, vector<16xi32> -> vector<16xf32>
      %rev3A_786 = arith.constant 15 : i32
      %rev3A_787 = vector.broadcast %rev3A_786 : i32 to vector<16xi32>
      %rev3A_788 = tpu.iota {dimensions = array<i32: 0>} : vector<16xi32>
      %rev3A_789 = arith.subi %rev3A_787, %rev3A_788 : vector<16xi32>
      %rev3A_790 = tpu.dynamic_gather %get3A_770[%rev3A_789] in [0] : vector<16xf32>, vector<16xi32> -> vector<16xf32>
      %rev3A_791 = arith.constant 15 : i32
      %rev3A_792 = vector.broadcast %rev3A_791 : i32 to vector<16xi32>
      %rev3A_793 = tpu.iota {dimensions = array<i32: 0>} : vector<16xi32>
      %rev3A_794 = arith.subi %rev3A_792, %rev3A_793 : vector<16xi32>
      %rev3A_795 = tpu.dynamic_gather %get3A_780[%rev3A_794] in [0] : vector<16xi32>, vector<16xi32> -> vector<16xi32>
      %rev3A_796 = arith.constant 15 : i32
      %rev3A_797 = vector.broadcast %rev3A_796 : i32 to vector<16xi32>
      %rev3A_798 = tpu.iota {dimensions = array<i32: 0>} : vector<16xi32>
      %rev3A_799 = arith.subi %rev3A_797, %rev3A_798 : vector<16xi32>
      %rev3A_800 = tpu.dynamic_gather %get3A_778[%rev3A_799] in [0] : vector<16xi32>, vector<16xi32> -> vector<16xi32>
      %ge3A_801 = arith.cmpf oge, %get3A_766, %rev3A_785 : vector<16xf32>
      %select_n3A_802 = arith.select %ge3A_801, %get3A_766, %rev3A_785 : vector<16xi1>, vector<16xf32>
      %select_n3A_803 = arith.select %ge3A_801, %rev3A_785, %get3A_766 : vector<16xi1>, vector<16xf32>
      %select_n3A_804 = arith.select %ge3A_801, %get3A_774, %rev3A_795 : vector<16xi1>, vector<16xi32>
      %select_n3A_805 = arith.select %ge3A_801, %rev3A_795, %get3A_774 : vector<16xi1>, vector<16xi32>
      %ge3A_806 = arith.cmpf oge, %get3A_768, %rev3A_790 : vector<16xf32>
      %select_n3A_807 = arith.select %ge3A_806, %get3A_768, %rev3A_790 : vector<16xi1>, vector<16xf32>
      %select_n3A_808 = arith.select %ge3A_806, %rev3A_790, %get3A_768 : vector<16xi1>, vector<16xf32>
      %select_n3A_809 = arith.select %ge3A_806, %get3A_776, %rev3A_800 : vector<16xi1>, vector<16xi32>
      %select_n3A_810 = arith.select %ge3A_806, %rev3A_800, %get3A_776 : vector<16xi1>, vector<16xi32>
      %ge3A_811 = arith.cmpf oge, %select_n3A_802, %select_n3A_807 : vector<16xf32>
      %select_n3A_812 = arith.select %ge3A_811, %select_n3A_802, %select_n3A_807 : vector<16xi1>, vector<16xf32>
      %select_n3A_813 = arith.select %ge3A_811, %select_n3A_807, %select_n3A_802 : vector<16xi1>, vector<16xf32>
      %select_n3A_814 = arith.select %ge3A_811, %select_n3A_804, %select_n3A_809 : vector<16xi1>, vector<16xi32>
      %select_n3A_815 = arith.select %ge3A_811, %select_n3A_809, %select_n3A_804 : vector<16xi1>, vector<16xi32>
      %ge3A_816 = arith.cmpf oge, %select_n3A_803, %select_n3A_808 : vector<16xf32>
      %select_n3A_817 = arith.select %ge3A_816, %select_n3A_803, %select_n3A_808 : vector<16xi1>, vector<16xf32>
      %select_n3A_818 = arith.select %ge3A_816, %select_n3A_808, %select_n3A_803 : vector<16xi1>, vector<16xf32>
      %select_n3A_819 = arith.select %ge3A_816, %select_n3A_805, %select_n3A_810 : vector<16xi1>, vector<16xi32>
      %select_n3A_820 = arith.select %ge3A_816, %select_n3A_810, %select_n3A_805 : vector<16xi1>, vector<16xi32>
      %masked_sort3A_821 = arith.constant dense<true> : vector<16xi1>
      %masked_sort3A_822, %masked_sort3A_823, %masked_sort3A_824 = tpu.sort %select_n3A_812, %select_n3A_814 masked %masked_sort3A_821 {descending = true} : (vector<16xf32>, vector<16xi32>, vector<16xi1>) -> (vector<16xi1>, vector<16xf32>, vector<16xi32>)
      %swap3A_825 = arith.constant 0 : index
      %swap3A_826 = tpu.vector_load %arg10[%swap3A_825] {strides = array<i32>} : memref<272xf32, #tpu.memory_space<vmem>>, vector<16xf32>,
      tpu.vector_store %arg10[%swap3A_825], %masked_sort3A_823 {strides = array<i32>} : memref<272xf32, #tpu.memory_space<vmem>>, vector<16xf32>,
      %swap3A_827 = arith.constant 0 : index
      %swap3A_828 = tpu.vector_load %arg11[%swap3A_827] {strides = array<i32>} : memref<272xi32, #tpu.memory_space<vmem>>, vector<16xi32>,
      tpu.vector_store %arg11[%swap3A_827], %masked_sort3A_824 {strides = array<i32>} : memref<272xi32, #tpu.memory_space<vmem>>, vector<16xi32>,
      %masked_sort3A_829 = arith.constant dense<true> : vector<16xi1>
      %masked_sort3A_830, %masked_sort3A_831, %masked_sort3A_832 = tpu.sort %select_n3A_813, %select_n3A_815 masked %masked_sort3A_829 {descending = true} : (vector<16xf32>, vector<16xi32>, vector<16xi1>) -> (vector<16xi1>, vector<16xf32>, vector<16xi32>)
      %swap3A_833 = arith.constant 16 : index
      %swap3A_834 = tpu.vector_load %arg10[%swap3A_833] {strides = array<i32>} : memref<272xf32, #tpu.memory_space<vmem>>, vector<16xf32>,
      tpu.vector_store %arg10[%swap3A_833], %masked_sort3A_831 {strides = array<i32>} : memref<272xf32, #tpu.memory_space<vmem>>, vector<16xf32>,
      %swap3A_835 = arith.constant 16 : index
      %swap3A_836 = tpu.vector_load %arg11[%swap3A_835] {strides = array<i32>} : memref<272xi32, #tpu.memory_space<vmem>>, vector<16xi32>,
      tpu.vector_store %arg11[%swap3A_835], %masked_sort3A_832 {strides = array<i32>} : memref<272xi32, #tpu.memory_space<vmem>>, vector<16xi32>,
      %masked_sort3A_837 = arith.constant dense<true> : vector<16xi1>
      %masked_sort3A_838, %masked_sort3A_839, %masked_sort3A_840 = tpu.sort %select_n3A_817, %select_n3A_819 masked %masked_sort3A_837 {descending = true} : (vector<16xf32>, vector<16xi32>, vector<16xi1>) -> (vector<16xi1>, vector<16xf32>, vector<16xi32>)
      %swap3A_841 = arith.constant 32 : index
      %swap3A_842 = tpu.vector_load %arg10[%swap3A_841] {strides = array<i32>} : memref<272xf32, #tpu.memory_space<vmem>>, vector<16xf32>,
      tpu.vector_store %arg10[%swap3A_841], %masked_sort3A_839 {strides = array<i32>} : memref<272xf32, #tpu.memory_space<vmem>>, vector<16xf32>,
      %swap3A_843 = arith.constant 32 : index
      %swap3A_844 = tpu.vector_load %arg11[%swap3A_843] {strides = array<i32>} : memref<272xi32, #tpu.memory_space<vmem>>, vector<16xi32>,
      tpu.vector_store %arg11[%swap3A_843], %masked_sort3A_840 {strides = array<i32>} : memref<272xi32, #tpu.memory_space<vmem>>, vector<16xi32>,
      %masked_sort3A_845 = arith.constant dense<true> : vector<16xi1>
      %masked_sort3A_846, %masked_sort3A_847, %masked_sort3A_848 = tpu.sort %select_n3A_818, %select_n3A_820 masked %masked_sort3A_845 {descending = true} : (vector<16xf32>, vector<16xi32>, vector<16xi1>) -> (vector<16xi1>, vector<16xf32>, vector<16xi32>)
      %swap3A_849 = arith.constant 48 : index
      %swap3A_850 = tpu.vector_load %arg10[%swap3A_849] {strides = array<i32>} : memref<272xf32, #tpu.memory_space<vmem>>, vector<16xf32>,
      tpu.vector_store %arg10[%swap3A_849], %masked_sort3A_847 {strides = array<i32>} : memref<272xf32, #tpu.memory_space<vmem>>, vector<16xf32>,
      %swap3A_851 = arith.constant 48 : index
      %swap3A_852 = tpu.vector_load %arg11[%swap3A_851] {strides = array<i32>} : memref<272xi32, #tpu.memory_space<vmem>>, vector<16xi32>,
      tpu.vector_store %arg11[%swap3A_851], %masked_sort3A_848 {strides = array<i32>} : memref<272xi32, #tpu.memory_space<vmem>>, vector<16xi32>,
      %get3A_853 = arith.constant 64 : index
      %get3A_854 = tpu.vector_load %arg10[%get3A_853] {strides = array<i32>} : memref<272xf32, #tpu.memory_space<vmem>>, vector<16xf32>,
      %get3A_855 = arith.constant 80 : index
      %get3A_856 = tpu.vector_load %arg10[%get3A_855] {strides = array<i32>} : memref<272xf32, #tpu.memory_space<vmem>>, vector<16xf32>,
      %get3A_857 = arith.constant 96 : index
      %get3A_858 = tpu.vector_load %arg10[%get3A_857] {strides = array<i32>} : memref<272xf32, #tpu.memory_space<vmem>>, vector<16xf32>,
      %get3A_859 = arith.constant 112 : index
      %get3A_860 = tpu.vector_load %arg10[%get3A_859] {strides = array<i32>} : memref<272xf32, #tpu.memory_space<vmem>>, vector<16xf32>,
      %get3A_861 = arith.constant 64 : index
      %get3A_862 = tpu.vector_load %arg11[%get3A_861] {strides = array<i32>} : memref<272xi32, #tpu.memory_space<vmem>>, vector<16xi32>,
      %get3A_863 = arith.constant 80 : index
      %get3A_864 = tpu.vector_load %arg11[%get3A_863] {strides = array<i32>} : memref<272xi32, #tpu.memory_space<vmem>>, vector<16xi32>,
      %get3A_865 = arith.constant 96 : index
      %get3A_866 = tpu.vector_load %arg11[%get3A_865] {strides = array<i32>} : memref<272xi32, #tpu.memory_space<vmem>>, vector<16xi32>,
      %get3A_867 = arith.constant 112 : index
      %get3A_868 = tpu.vector_load %arg11[%get3A_867] {strides = array<i32>} : memref<272xi32, #tpu.memory_space<vmem>>, vector<16xi32>,
      %rev3A_869 = arith.constant 15 : i32
      %rev3A_870 = vector.broadcast %rev3A_869 : i32 to vector<16xi32>
      %rev3A_871 = tpu.iota {dimensions = array<i32: 0>} : vector<16xi32>
      %rev3A_872 = arith.subi %rev3A_870, %rev3A_871 : vector<16xi32>
      %rev3A_873 = tpu.dynamic_gather %get3A_860[%rev3A_872] in [0] : vector<16xf32>, vector<16xi32> -> vector<16xf32>
      %rev3A_874 = arith.constant 15 : i32
      %rev3A_875 = vector.broadcast %rev3A_874 : i32 to vector<16xi32>
      %rev3A_876 = tpu.iota {dimensions = array<i32: 0>} : vector<16xi32>
      %rev3A_877 = arith.subi %rev3A_875, %rev3A_876 : vector<16xi32>
      %rev3A_878 = tpu.dynamic_gather %get3A_858[%rev3A_877] in [0] : vector<16xf32>, vector<16xi32> -> vector<16xf32>
      %rev3A_879 = arith.constant 15 : i32
      %rev3A_880 = vector.broadcast %rev3A_879 : i32 to vector<16xi32>
      %rev3A_881 = tpu.iota {dimensions = array<i32: 0>} : vector<16xi32>
      %rev3A_882 = arith.subi %rev3A_880, %rev3A_881 : vector<16xi32>
      %rev3A_883 = tpu.dynamic_gather %get3A_868[%rev3A_882] in [0] : vector<16xi32>, vector<16xi32> -> vector<16xi32>
      %rev3A_884 = arith.constant 15 : i32
      %rev3A_885 = vector.broadcast %rev3A_884 : i32 to vector<16xi32>
      %rev3A_886 = tpu.iota {dimensions = array<i32: 0>} : vector<16xi32>
      %rev3A_887 = arith.subi %rev3A_885, %rev3A_886 : vector<16xi32>
      %rev3A_888 = tpu.dynamic_gather %get3A_866[%rev3A_887] in [0] : vector<16xi32>, vector<16xi32> -> vector<16xi32>
      %ge3A_889 = arith.cmpf oge, %get3A_854, %rev3A_873 : vector<16xf32>
      %select_n3A_890 = arith.select %ge3A_889, %get3A_854, %rev3A_873 : vector<16xi1>, vector<16xf32>
      %select_n3A_891 = arith.select %ge3A_889, %rev3A_873, %get3A_854 : vector<16xi1>, vector<16xf32>
      %select_n3A_892 = arith.select %ge3A_889, %get3A_862, %rev3A_883 : vector<16xi1>, vector<16xi32>
      %select_n3A_893 = arith.select %ge3A_889, %rev3A_883, %get3A_862 : vector<16xi1>, vector<16xi32>
      %ge3A_894 = arith.cmpf oge, %get3A_856, %rev3A_878 : vector<16xf32>
      %select_n3A_895 = arith.select %ge3A_894, %get3A_856, %rev3A_878 : vector<16xi1>, vector<16xf32>
      %select_n3A_896 = arith.select %ge3A_894, %rev3A_878, %get3A_856 : vector<16xi1>, vector<16xf32>
      %select_n3A_897 = arith.select %ge3A_894, %get3A_864, %rev3A_888 : vector<16xi1>, vector<16xi32>
      %select_n3A_898 = arith.select %ge3A_894, %rev3A_888, %get3A_864 : vector<16xi1>, vector<16xi32>
      %ge3A_899 = arith.cmpf oge, %select_n3A_890, %select_n3A_895 : vector<16xf32>
      %select_n3A_900 = arith.select %ge3A_899, %select_n3A_890, %select_n3A_895 : vector<16xi1>, vector<16xf32>
      %select_n3A_901 = arith.select %ge3A_899, %select_n3A_895, %select_n3A_890 : vector<16xi1>, vector<16xf32>
      %select_n3A_902 = arith.select %ge3A_899, %select_n3A_892, %select_n3A_897 : vector<16xi1>, vector<16xi32>
      %select_n3A_903 = arith.select %ge3A_899, %select_n3A_897, %select_n3A_892 : vector<16xi1>, vector<16xi32>
      %ge3A_904 = arith.cmpf oge, %select_n3A_891, %select_n3A_896 : vector<16xf32>
      %select_n3A_905 = arith.select %ge3A_904, %select_n3A_891, %select_n3A_896 : vector<16xi1>, vector<16xf32>
      %select_n3A_906 = arith.select %ge3A_904, %select_n3A_896, %select_n3A_891 : vector<16xi1>, vector<16xf32>
      %select_n3A_907 = arith.select %ge3A_904, %select_n3A_893, %select_n3A_898 : vector<16xi1>, vector<16xi32>
      %select_n3A_908 = arith.select %ge3A_904, %select_n3A_898, %select_n3A_893 : vector<16xi1>, vector<16xi32>
      %masked_sort3A_909 = arith.constant dense<true> : vector<16xi1>
      %masked_sort3A_910, %masked_sort3A_911, %masked_sort3A_912 = tpu.sort %select_n3A_900, %select_n3A_902 masked %masked_sort3A_909 {descending = true} : (vector<16xf32>, vector<16xi32>, vector<16xi1>) -> (vector<16xi1>, vector<16xf32>, vector<16xi32>)
      %swap3A_913 = arith.constant 64 : index
      %swap3A_914 = tpu.vector_load %arg10[%swap3A_913] {strides = array<i32>} : memref<272xf32, #tpu.memory_space<vmem>>, vector<16xf32>,
      tpu.vector_store %arg10[%swap3A_913], %masked_sort3A_911 {strides = array<i32>} : memref<272xf32, #tpu.memory_space<vmem>>, vector<16xf32>,
      %swap3A_915 = arith.constant 64 : index
      %swap3A_916 = tpu.vector_load %arg11[%swap3A_915] {strides = array<i32>} : memref<272xi32, #tpu.memory_space<vmem>>, vector<16xi32>,
      tpu.vector_store %arg11[%swap3A_915], %masked_sort3A_912 {strides = array<i32>} : memref<272xi32, #tpu.memory_space<vmem>>, vector<16xi32>,
      %masked_sort3A_917 = arith.constant dense<true> : vector<16xi1>
      %masked_sort3A_918, %masked_sort3A_919, %masked_sort3A_920 = tpu.sort %select_n3A_901, %select_n3A_903 masked %masked_sort3A_917 {descending = true} : (vector<16xf32>, vector<16xi32>, vector<16xi1>) -> (vector<16xi1>, vector<16xf32>, vector<16xi32>)
      %swap3A_921 = arith.constant 80 : index
      %swap3A_922 = tpu.vector_load %arg10[%swap3A_921] {strides = array<i32>} : memref<272xf32, #tpu.memory_space<vmem>>, vector<16xf32>,
      tpu.vector_store %arg10[%swap3A_921], %masked_sort3A_919 {strides = array<i32>} : memref<272xf32, #tpu.memory_space<vmem>>, vector<16xf32>,
      %swap3A_923 = arith.constant 80 : index
      %swap3A_924 = tpu.vector_load %arg11[%swap3A_923] {strides = array<i32>} : memref<272xi32, #tpu.memory_space<vmem>>, vector<16xi32>,
      tpu.vector_store %arg11[%swap3A_923], %masked_sort3A_920 {strides = array<i32>} : memref<272xi32, #tpu.memory_space<vmem>>, vector<16xi32>,
      %masked_sort3A_925 = arith.constant dense<true> : vector<16xi1>
      %masked_sort3A_926, %masked_sort3A_927, %masked_sort3A_928 = tpu.sort %select_n3A_905, %select_n3A_907 masked %masked_sort3A_925 {descending = true} : (vector<16xf32>, vector<16xi32>, vector<16xi1>) -> (vector<16xi1>, vector<16xf32>, vector<16xi32>)
      %swap3A_929 = arith.constant 96 : index
      %swap3A_930 = tpu.vector_load %arg10[%swap3A_929] {strides = array<i32>} : memref<272xf32, #tpu.memory_space<vmem>>, vector<16xf32>,
      tpu.vector_store %arg10[%swap3A_929], %masked_sort3A_927 {strides = array<i32>} : memref<272xf32, #tpu.memory_space<vmem>>, vector<16xf32>,
      %swap3A_931 = arith.constant 96 : index
      %swap3A_932 = tpu.vector_load %arg11[%swap3A_931] {strides = array<i32>} : memref<272xi32, #tpu.memory_space<vmem>>, vector<16xi32>,
      tpu.vector_store %arg11[%swap3A_931], %masked_sort3A_928 {strides = array<i32>} : memref<272xi32, #tpu.memory_space<vmem>>, vector<16xi32>,
      %masked_sort3A_933 = arith.constant dense<true> : vector<16xi1>
      %masked_sort3A_934, %masked_sort3A_935, %masked_sort3A_936 = tpu.sort %select_n3A_906, %select_n3A_908 masked %masked_sort3A_933 {descending = true} : (vector<16xf32>, vector<16xi32>, vector<16xi1>) -> (vector<16xi1>, vector<16xf32>, vector<16xi32>)
      %swap3A_937 = arith.constant 112 : index
      %swap3A_938 = tpu.vector_load %arg10[%swap3A_937] {strides = array<i32>} : memref<272xf32, #tpu.memory_space<vmem>>, vector<16xf32>,
      tpu.vector_store %arg10[%swap3A_937], %masked_sort3A_935 {strides = array<i32>} : memref<272xf32, #tpu.memory_space<vmem>>, vector<16xf32>,
      %swap3A_939 = arith.constant 112 : index
      %swap3A_940 = tpu.vector_load %arg11[%swap3A_939] {strides = array<i32>} : memref<272xi32, #tpu.memory_space<vmem>>, vector<16xi32>,
      tpu.vector_store %arg11[%swap3A_939], %masked_sort3A_936 {strides = array<i32>} : memref<272xi32, #tpu.memory_space<vmem>>, vector<16xi32>,
      %get3A_941 = arith.constant 128 : index
      %get3A_942 = tpu.vector_load %arg10[%get3A_941] {strides = array<i32>} : memref<272xf32, #tpu.memory_space<vmem>>, vector<16xf32>,
      %get3A_943 = arith.constant 144 : index
      %get3A_944 = tpu.vector_load %arg10[%get3A_943] {strides = array<i32>} : memref<272xf32, #tpu.memory_space<vmem>>, vector<16xf32>,
      %get3A_945 = arith.constant 160 : index
      %get3A_946 = tpu.vector_load %arg10[%get3A_945] {strides = array<i32>} : memref<272xf32, #tpu.memory_space<vmem>>, vector<16xf32>,
      %get3A_947 = arith.constant 176 : index
      %get3A_948 = tpu.vector_load %arg10[%get3A_947] {strides = array<i32>} : memref<272xf32, #tpu.memory_space<vmem>>, vector<16xf32>,
      %get3A_949 = arith.constant 128 : index
      %get3A_950 = tpu.vector_load %arg11[%get3A_949] {strides = array<i32>} : memref<272xi32, #tpu.memory_space<vmem>>, vector<16xi32>,
      %get3A_951 = arith.constant 144 : index
      %get3A_952 = tpu.vector_load %arg11[%get3A_951] {strides = array<i32>} : memref<272xi32, #tpu.memory_space<vmem>>, vector<16xi32>,
      %get3A_953 = arith.constant 160 : index
      %get3A_954 = tpu.vector_load %arg11[%get3A_953] {strides = array<i32>} : memref<272xi32, #tpu.memory_space<vmem>>, vector<16xi32>,
      %get3A_955 = arith.constant 176 : index
      %get3A_956 = tpu.vector_load %arg11[%get3A_955] {strides = array<i32>} : memref<272xi32, #tpu.memory_space<vmem>>, vector<16xi32>,
      %rev3A_957 = arith.constant 15 : i32
      %rev3A_958 = vector.broadcast %rev3A_957 : i32 to vector<16xi32>
      %rev3A_959 = tpu.iota {dimensions = array<i32: 0>} : vector<16xi32>
      %rev3A_960 = arith.subi %rev3A_958, %rev3A_959 : vector<16xi32>
      %rev3A_961 = tpu.dynamic_gather %get3A_948[%rev3A_960] in [0] : vector<16xf32>, vector<16xi32> -> vector<16xf32>
      %rev3A_962 = arith.constant 15 : i32
      %rev3A_963 = vector.broadcast %rev3A_962 : i32 to vector<16xi32>
      %rev3A_964 = tpu.iota {dimensions = array<i32: 0>} : vector<16xi32>
      %rev3A_965 = arith.subi %rev3A_963, %rev3A_964 : vector<16xi32>
      %rev3A_966 = tpu.dynamic_gather %get3A_946[%rev3A_965] in [0] : vector<16xf32>, vector<16xi32> -> vector<16xf32>
      %rev3A_967 = arith.constant 15 : i32
      %rev3A_968 = vector.broadcast %rev3A_967 : i32 to vector<16xi32>
      %rev3A_969 = tpu.iota {dimensions = array<i32: 0>} : vector<16xi32>
      %rev3A_970 = arith.subi %rev3A_968, %rev3A_969 : vector<16xi32>
      %rev3A_971 = tpu.dynamic_gather %get3A_956[%rev3A_970] in [0] : vector<16xi32>, vector<16xi32> -> vector<16xi32>
      %rev3A_972 = arith.constant 15 : i32
      %rev3A_973 = vector.broadcast %rev3A_972 : i32 to vector<16xi32>
      %rev3A_974 = tpu.iota {dimensions = array<i32: 0>} : vector<16xi32>
      %rev3A_975 = arith.subi %rev3A_973, %rev3A_974 : vector<16xi32>
      %rev3A_976 = tpu.dynamic_gather %get3A_954[%rev3A_975] in [0] : vector<16xi32>, vector<16xi32> -> vector<16xi32>
      %ge3A_977 = arith.cmpf oge, %get3A_942, %rev3A_961 : vector<16xf32>
      %select_n3A_978 = arith.select %ge3A_977, %get3A_942, %rev3A_961 : vector<16xi1>, vector<16xf32>
      %select_n3A_979 = arith.select %ge3A_977, %rev3A_961, %get3A_942 : vector<16xi1>, vector<16xf32>
      %select_n3A_980 = arith.select %ge3A_977, %get3A_950, %rev3A_971 : vector<16xi1>, vector<16xi32>
      %select_n3A_981 = arith.select %ge3A_977, %rev3A_971, %get3A_950 : vector<16xi1>, vector<16xi32>
      %ge3A_982 = arith.cmpf oge, %get3A_944, %rev3A_966 : vector<16xf32>
      %select_n3A_983 = arith.select %ge3A_982, %get3A_944, %rev3A_966 : vector<16xi1>, vector<16xf32>
      %select_n3A_984 = arith.select %ge3A_982, %rev3A_966, %get3A_944 : vector<16xi1>, vector<16xf32>
      %select_n3A_985 = arith.select %ge3A_982, %get3A_952, %rev3A_976 : vector<16xi1>, vector<16xi32>
      %select_n3A_986 = arith.select %ge3A_982, %rev3A_976, %get3A_952 : vector<16xi1>, vector<16xi32>
      %ge3A_987 = arith.cmpf oge, %select_n3A_978, %select_n3A_983 : vector<16xf32>
      %select_n3A_988 = arith.select %ge3A_987, %select_n3A_978, %select_n3A_983 : vector<16xi1>, vector<16xf32>
      %select_n3A_989 = arith.select %ge3A_987, %select_n3A_983, %select_n3A_978 : vector<16xi1>, vector<16xf32>
      %select_n3A_990 = arith.select %ge3A_987, %select_n3A_980, %select_n3A_985 : vector<16xi1>, vector<16xi32>
      %select_n3A_991 = arith.select %ge3A_987, %select_n3A_985, %select_n3A_980 : vector<16xi1>, vector<16xi32>
      %ge3A_992 = arith.cmpf oge, %select_n3A_979, %select_n3A_984 : vector<16xf32>
      %select_n3A_993 = arith.select %ge3A_992, %select_n3A_979, %select_n3A_984 : vector<16xi1>, vector<16xf32>
      %select_n3A_994 = arith.select %ge3A_992, %select_n3A_984, %select_n3A_979 : vector<16xi1>, vector<16xf32>
      %select_n3A_995 = arith.select %ge3A_992, %select_n3A_981, %select_n3A_986 : vector<16xi1>, vector<16xi32>
      %select_n3A_996 = arith.select %ge3A_992, %select_n3A_986, %select_n3A_981 : vector<16xi1>, vector<16xi32>
      %masked_sort3A_997 = arith.constant dense<true> : vector<16xi1>
      %masked_sort3A_998, %masked_sort3A_999, %masked_sort3A_1000 = tpu.sort %select_n3A_988, %select_n3A_990 masked %masked_sort3A_997 {descending = true} : (vector<16xf32>, vector<16xi32>, vector<16xi1>) -> (vector<16xi1>, vector<16xf32>, vector<16xi32>)
      %swap3A_1001 = arith.constant 128 : index
      %swap3A_1002 = tpu.vector_load %arg10[%swap3A_1001] {strides = array<i32>} : memref<272xf32, #tpu.memory_space<vmem>>, vector<16xf32>,
      tpu.vector_store %arg10[%swap3A_1001], %masked_sort3A_999 {strides = array<i32>} : memref<272xf32, #tpu.memory_space<vmem>>, vector<16xf32>,
      %swap3A_1003 = arith.constant 128 : index
      %swap3A_1004 = tpu.vector_load %arg11[%swap3A_1003] {strides = array<i32>} : memref<272xi32, #tpu.memory_space<vmem>>, vector<16xi32>,
      tpu.vector_store %arg11[%swap3A_1003], %masked_sort3A_1000 {strides = array<i32>} : memref<272xi32, #tpu.memory_space<vmem>>, vector<16xi32>,
      %masked_sort3A_1005 = arith.constant dense<true> : vector<16xi1>
      %masked_sort3A_1006, %masked_sort3A_1007, %masked_sort3A_1008 = tpu.sort %select_n3A_989, %select_n3A_991 masked %masked_sort3A_1005 {descending = true} : (vector<16xf32>, vector<16xi32>, vector<16xi1>) -> (vector<16xi1>, vector<16xf32>, vector<16xi32>)
      %swap3A_1009 = arith.constant 144 : index
      %swap3A_1010 = tpu.vector_load %arg10[%swap3A_1009] {strides = array<i32>} : memref<272xf32, #tpu.memory_space<vmem>>, vector<16xf32>,
      tpu.vector_store %arg10[%swap3A_1009], %masked_sort3A_1007 {strides = array<i32>} : memref<272xf32, #tpu.memory_space<vmem>>, vector<16xf32>,
      %swap3A_1011 = arith.constant 144 : index
      %swap3A_1012 = tpu.vector_load %arg11[%swap3A_1011] {strides = array<i32>} : memref<272xi32, #tpu.memory_space<vmem>>, vector<16xi32>,
      tpu.vector_store %arg11[%swap3A_1011], %masked_sort3A_1008 {strides = array<i32>} : memref<272xi32, #tpu.memory_space<vmem>>, vector<16xi32>,
      %masked_sort3A_1013 = arith.constant dense<true> : vector<16xi1>
      %masked_sort3A_1014, %masked_sort3A_1015, %masked_sort3A_1016 = tpu.sort %select_n3A_993, %select_n3A_995 masked %masked_sort3A_1013 {descending = true} : (vector<16xf32>, vector<16xi32>, vector<16xi1>) -> (vector<16xi1>, vector<16xf32>, vector<16xi32>)
      %swap3A_1017 = arith.constant 160 : index
      %swap3A_1018 = tpu.vector_load %arg10[%swap3A_1017] {strides = array<i32>} : memref<272xf32, #tpu.memory_space<vmem>>, vector<16xf32>,
      tpu.vector_store %arg10[%swap3A_1017], %masked_sort3A_1015 {strides = array<i32>} : memref<272xf32, #tpu.memory_space<vmem>>, vector<16xf32>,
      %swap3A_1019 = arith.constant 160 : index
      %swap3A_1020 = tpu.vector_load %arg11[%swap3A_1019] {strides = array<i32>} : memref<272xi32, #tpu.memory_space<vmem>>, vector<16xi32>,
      tpu.vector_store %arg11[%swap3A_1019], %masked_sort3A_1016 {strides = array<i32>} : memref<272xi32, #tpu.memory_space<vmem>>, vector<16xi32>,
      %masked_sort3A_1021 = arith.constant dense<true> : vector<16xi1>
      %masked_sort3A_1022, %masked_sort3A_1023, %masked_sort3A_1024 = tpu.sort %select_n3A_994, %select_n3A_996 masked %masked_sort3A_1021 {descending = true} : (vector<16xf32>, vector<16xi32>, vector<16xi1>) -> (vector<16xi1>, vector<16xf32>, vector<16xi32>)
      %swap3A_1025 = arith.constant 176 : index
      %swap3A_1026 = tpu.vector_load %arg10[%swap3A_1025] {strides = array<i32>} : memref<272xf32, #tpu.memory_space<vmem>>, vector<16xf32>,
      tpu.vector_store %arg10[%swap3A_1025], %masked_sort3A_1023 {strides = array<i32>} : memref<272xf32, #tpu.memory_space<vmem>>, vector<16xf32>,
      %swap3A_1027 = arith.constant 176 : index
      %swap3A_1028 = tpu.vector_load %arg11[%swap3A_1027] {strides = array<i32>} : memref<272xi32, #tpu.memory_space<vmem>>, vector<16xi32>,
      tpu.vector_store %arg11[%swap3A_1027], %masked_sort3A_1024 {strides = array<i32>} : memref<272xi32, #tpu.memory_space<vmem>>, vector<16xi32>,
      %get3A_1029 = arith.constant 192 : index
      %get3A_1030 = tpu.vector_load %arg10[%get3A_1029] {strides = array<i32>} : memref<272xf32, #tpu.memory_space<vmem>>, vector<16xf32>,
      %get3A_1031 = arith.constant 208 : index
      %get3A_1032 = tpu.vector_load %arg10[%get3A_1031] {strides = array<i32>} : memref<272xf32, #tpu.memory_space<vmem>>, vector<16xf32>,
      %get3A_1033 = arith.constant 224 : index
      %get3A_1034 = tpu.vector_load %arg10[%get3A_1033] {strides = array<i32>} : memref<272xf32, #tpu.memory_space<vmem>>, vector<16xf32>,
      %get3A_1035 = arith.constant 240 : index
      %get3A_1036 = tpu.vector_load %arg10[%get3A_1035] {strides = array<i32>} : memref<272xf32, #tpu.memory_space<vmem>>, vector<16xf32>,
      %get3A_1037 = arith.constant 192 : index
      %get3A_1038 = tpu.vector_load %arg11[%get3A_1037] {strides = array<i32>} : memref<272xi32, #tpu.memory_space<vmem>>, vector<16xi32>,
      %get3A_1039 = arith.constant 208 : index
      %get3A_1040 = tpu.vector_load %arg11[%get3A_1039] {strides = array<i32>} : memref<272xi32, #tpu.memory_space<vmem>>, vector<16xi32>,
      %get3A_1041 = arith.constant 224 : index
      %get3A_1042 = tpu.vector_load %arg11[%get3A_1041] {strides = array<i32>} : memref<272xi32, #tpu.memory_space<vmem>>, vector<16xi32>,
      %get3A_1043 = arith.constant 240 : index
      %get3A_1044 = tpu.vector_load %arg11[%get3A_1043] {strides = array<i32>} : memref<272xi32, #tpu.memory_space<vmem>>, vector<16xi32>,
      %rev3A_1045 = arith.constant 15 : i32
      %rev3A_1046 = vector.broadcast %rev3A_1045 : i32 to vector<16xi32>
      %rev3A_1047 = tpu.iota {dimensions = array<i32: 0>} : vector<16xi32>
      %rev3A_1048 = arith.subi %rev3A_1046, %rev3A_1047 : vector<16xi32>
      %rev3A_1049 = tpu.dynamic_gather %get3A_1036[%rev3A_1048] in [0] : vector<16xf32>, vector<16xi32> -> vector<16xf32>
      %rev3A_1050 = arith.constant 15 : i32
      %rev3A_1051 = vector.broadcast %rev3A_1050 : i32 to vector<16xi32>
      %rev3A_1052 = tpu.iota {dimensions = array<i32: 0>} : vector<16xi32>
      %rev3A_1053 = arith.subi %rev3A_1051, %rev3A_1052 : vector<16xi32>
      %rev3A_1054 = tpu.dynamic_gather %get3A_1034[%rev3A_1053] in [0] : vector<16xf32>, vector<16xi32> -> vector<16xf32>
      %rev3A_1055 = arith.constant 15 : i32
      %rev3A_1056 = vector.broadcast %rev3A_1055 : i32 to vector<16xi32>
      %rev3A_1057 = tpu.iota {dimensions = array<i32: 0>} : vector<16xi32>
      %rev3A_1058 = arith.subi %rev3A_1056, %rev3A_1057 : vector<16xi32>
      %rev3A_1059 = tpu.dynamic_gather %get3A_1044[%rev3A_1058] in [0] : vector<16xi32>, vector<16xi32> -> vector<16xi32>
      %rev3A_1060 = arith.constant 15 : i32
      %rev3A_1061 = vector.broadcast %rev3A_1060 : i32 to vector<16xi32>
      %rev3A_1062 = tpu.iota {dimensions = array<i32: 0>} : vector<16xi32>
      %rev3A_1063 = arith.subi %rev3A_1061, %rev3A_1062 : vector<16xi32>
      %rev3A_1064 = tpu.dynamic_gather %get3A_1042[%rev3A_1063] in [0] : vector<16xi32>, vector<16xi32> -> vector<16xi32>
      %ge3A_1065 = arith.cmpf oge, %get3A_1030, %rev3A_1049 : vector<16xf32>
      %select_n3A_1066 = arith.select %ge3A_1065, %get3A_1030, %rev3A_1049 : vector<16xi1>, vector<16xf32>
      %select_n3A_1067 = arith.select %ge3A_1065, %rev3A_1049, %get3A_1030 : vector<16xi1>, vector<16xf32>
      %select_n3A_1068 = arith.select %ge3A_1065, %get3A_1038, %rev3A_1059 : vector<16xi1>, vector<16xi32>
      %select_n3A_1069 = arith.select %ge3A_1065, %rev3A_1059, %get3A_1038 : vector<16xi1>, vector<16xi32>
      %ge3A_1070 = arith.cmpf oge, %get3A_1032, %rev3A_1054 : vector<16xf32>
      %select_n3A_1071 = arith.select %ge3A_1070, %get3A_1032, %rev3A_1054 : vector<16xi1>, vector<16xf32>
      %select_n3A_1072 = arith.select %ge3A_1070, %rev3A_1054, %get3A_1032 : vector<16xi1>, vector<16xf32>
      %select_n3A_1073 = arith.select %ge3A_1070, %get3A_1040, %rev3A_1064 : vector<16xi1>, vector<16xi32>
      %select_n3A_1074 = arith.select %ge3A_1070, %rev3A_1064, %get3A_1040 : vector<16xi1>, vector<16xi32>
      %ge3A_1075 = arith.cmpf oge, %select_n3A_1066, %select_n3A_1071 : vector<16xf32>
      %select_n3A_1076 = arith.select %ge3A_1075, %select_n3A_1066, %select_n3A_1071 : vector<16xi1>, vector<16xf32>
      %select_n3A_1077 = arith.select %ge3A_1075, %select_n3A_1071, %select_n3A_1066 : vector<16xi1>, vector<16xf32>
      %select_n3A_1078 = arith.select %ge3A_1075, %select_n3A_1068, %select_n3A_1073 : vector<16xi1>, vector<16xi32>
      %select_n3A_1079 = arith.select %ge3A_1075, %select_n3A_1073, %select_n3A_1068 : vector<16xi1>, vector<16xi32>
      %ge3A_1080 = arith.cmpf oge, %select_n3A_1067, %select_n3A_1072 : vector<16xf32>
      %select_n3A_1081 = arith.select %ge3A_1080, %select_n3A_1067, %select_n3A_1072 : vector<16xi1>, vector<16xf32>
      %select_n3A_1082 = arith.select %ge3A_1080, %select_n3A_1072, %select_n3A_1067 : vector<16xi1>, vector<16xf32>
      %select_n3A_1083 = arith.select %ge3A_1080, %select_n3A_1069, %select_n3A_1074 : vector<16xi1>, vector<16xi32>
      %select_n3A_1084 = arith.select %ge3A_1080, %select_n3A_1074, %select_n3A_1069 : vector<16xi1>, vector<16xi32>
      %masked_sort3A_1085 = arith.constant dense<true> : vector<16xi1>
      %masked_sort3A_1086, %masked_sort3A_1087, %masked_sort3A_1088 = tpu.sort %select_n3A_1076, %select_n3A_1078 masked %masked_sort3A_1085 {descending = true} : (vector<16xf32>, vector<16xi32>, vector<16xi1>) -> (vector<16xi1>, vector<16xf32>, vector<16xi32>)
      %swap3A_1089 = arith.constant 192 : index
      %swap3A_1090 = tpu.vector_load %arg10[%swap3A_1089] {strides = array<i32>} : memref<272xf32, #tpu.memory_space<vmem>>, vector<16xf32>,
      tpu.vector_store %arg10[%swap3A_1089], %masked_sort3A_1087 {strides = array<i32>} : memref<272xf32, #tpu.memory_space<vmem>>, vector<16xf32>,
      %swap3A_1091 = arith.constant 192 : index
      %swap3A_1092 = tpu.vector_load %arg11[%swap3A_1091] {strides = array<i32>} : memref<272xi32, #tpu.memory_space<vmem>>, vector<16xi32>,
      tpu.vector_store %arg11[%swap3A_1091], %masked_sort3A_1088 {strides = array<i32>} : memref<272xi32, #tpu.memory_space<vmem>>, vector<16xi32>,
      %masked_sort3A_1093 = arith.constant dense<true> : vector<16xi1>
      %masked_sort3A_1094, %masked_sort3A_1095, %masked_sort3A_1096 = tpu.sort %select_n3A_1077, %select_n3A_1079 masked %masked_sort3A_1093 {descending = true} : (vector<16xf32>, vector<16xi32>, vector<16xi1>) -> (vector<16xi1>, vector<16xf32>, vector<16xi32>)
      %swap3A_1097 = arith.constant 208 : index
      %swap3A_1098 = tpu.vector_load %arg10[%swap3A_1097] {strides = array<i32>} : memref<272xf32, #tpu.memory_space<vmem>>, vector<16xf32>,
      tpu.vector_store %arg10[%swap3A_1097], %masked_sort3A_1095 {strides = array<i32>} : memref<272xf32, #tpu.memory_space<vmem>>, vector<16xf32>,
      %swap3A_1099 = arith.constant 208 : index
      %swap3A_1100 = tpu.vector_load %arg11[%swap3A_1099] {strides = array<i32>} : memref<272xi32, #tpu.memory_space<vmem>>, vector<16xi32>,
      tpu.vector_store %arg11[%swap3A_1099], %masked_sort3A_1096 {strides = array<i32>} : memref<272xi32, #tpu.memory_space<vmem>>, vector<16xi32>,
      %masked_sort3A_1101 = arith.constant dense<true> : vector<16xi1>
      %masked_sort3A_1102, %masked_sort3A_1103, %masked_sort3A_1104 = tpu.sort %select_n3A_1081, %select_n3A_1083 masked %masked_sort3A_1101 {descending = true} : (vector<16xf32>, vector<16xi32>, vector<16xi1>) -> (vector<16xi1>, vector<16xf32>, vector<16xi32>)
      %swap3A_1105 = arith.constant 224 : index
      %swap3A_1106 = tpu.vector_load %arg10[%swap3A_1105] {strides = array<i32>} : memref<272xf32, #tpu.memory_space<vmem>>, vector<16xf32>,
      tpu.vector_store %arg10[%swap3A_1105], %masked_sort3A_1103 {strides = array<i32>} : memref<272xf32, #tpu.memory_space<vmem>>, vector<16xf32>,
      %swap3A_1107 = arith.constant 224 : index
      %swap3A_1108 = tpu.vector_load %arg11[%swap3A_1107] {strides = array<i32>} : memref<272xi32, #tpu.memory_space<vmem>>, vector<16xi32>,
      tpu.vector_store %arg11[%swap3A_1107], %masked_sort3A_1104 {strides = array<i32>} : memref<272xi32, #tpu.memory_space<vmem>>, vector<16xi32>,
      %masked_sort3A_1109 = arith.constant dense<true> : vector<16xi1>
      %masked_sort3A_1110, %masked_sort3A_1111, %masked_sort3A_1112 = tpu.sort %select_n3A_1082, %select_n3A_1084 masked %masked_sort3A_1109 {descending = true} : (vector<16xf32>, vector<16xi32>, vector<16xi1>) -> (vector<16xi1>, vector<16xf32>, vector<16xi32>)
      %swap3A_1113 = arith.constant 240 : index
      %swap3A_1114 = tpu.vector_load %arg10[%swap3A_1113] {strides = array<i32>} : memref<272xf32, #tpu.memory_space<vmem>>, vector<16xf32>,
      tpu.vector_store %arg10[%swap3A_1113], %masked_sort3A_1111 {strides = array<i32>} : memref<272xf32, #tpu.memory_space<vmem>>, vector<16xf32>,
      %swap3A_1115 = arith.constant 240 : index
      %swap3A_1116 = tpu.vector_load %arg11[%swap3A_1115] {strides = array<i32>} : memref<272xi32, #tpu.memory_space<vmem>>, vector<16xi32>,
      tpu.vector_store %arg11[%swap3A_1115], %masked_sort3A_1112 {strides = array<i32>} : memref<272xi32, #tpu.memory_space<vmem>>, vector<16xi32>,
      %get3A_1117 = arith.constant 0 : index
      %get3A_1118 = tpu.vector_load %arg10[%get3A_1117] {strides = array<i32>} : memref<272xf32, #tpu.memory_space<vmem>>, vector<16xf32>,
      %get3A_1119 = arith.constant 16 : index
      %get3A_1120 = tpu.vector_load %arg10[%get3A_1119] {strides = array<i32>} : memref<272xf32, #tpu.memory_space<vmem>>, vector<16xf32>,
      %get3A_1121 = arith.constant 32 : index
      %get3A_1122 = tpu.vector_load %arg10[%get3A_1121] {strides = array<i32>} : memref<272xf32, #tpu.memory_space<vmem>>, vector<16xf32>,
      %get3A_1123 = arith.constant 48 : index
      %get3A_1124 = tpu.vector_load %arg10[%get3A_1123] {strides = array<i32>} : memref<272xf32, #tpu.memory_space<vmem>>, vector<16xf32>,
      %get3A_1125 = arith.constant 64 : index
      %get3A_1126 = tpu.vector_load %arg10[%get3A_1125] {strides = array<i32>} : memref<272xf32, #tpu.memory_space<vmem>>, vector<16xf32>,
      %get3A_1127 = arith.constant 80 : index
      %get3A_1128 = tpu.vector_load %arg10[%get3A_1127] {strides = array<i32>} : memref<272xf32, #tpu.memory_space<vmem>>, vector<16xf32>,
      %get3A_1129 = arith.constant 96 : index
      %get3A_1130 = tpu.vector_load %arg10[%get3A_1129] {strides = array<i32>} : memref<272xf32, #tpu.memory_space<vmem>>, vector<16xf32>,
      %get3A_1131 = arith.constant 112 : index
      %get3A_1132 = tpu.vector_load %arg10[%get3A_1131] {strides = array<i32>} : memref<272xf32, #tpu.memory_space<vmem>>, vector<16xf32>,
      %get3A_1133 = arith.constant 0 : index
      %get3A_1134 = tpu.vector_load %arg11[%get3A_1133] {strides = array<i32>} : memref<272xi32, #tpu.memory_space<vmem>>, vector<16xi32>,
      %get3A_1135 = arith.constant 16 : index
      %get3A_1136 = tpu.vector_load %arg11[%get3A_1135] {strides = array<i32>} : memref<272xi32, #tpu.memory_space<vmem>>, vector<16xi32>,
      %get3A_1137 = arith.constant 32 : index
      %get3A_1138 = tpu.vector_load %arg11[%get3A_1137] {strides = array<i32>} : memref<272xi32, #tpu.memory_space<vmem>>, vector<16xi32>,
      %get3A_1139 = arith.constant 48 : index
      %get3A_1140 = tpu.vector_load %arg11[%get3A_1139] {strides = array<i32>} : memref<272xi32, #tpu.memory_space<vmem>>, vector<16xi32>,
      %get3A_1141 = arith.constant 64 : index
      %get3A_1142 = tpu.vector_load %arg11[%get3A_1141] {strides = array<i32>} : memref<272xi32, #tpu.memory_space<vmem>>, vector<16xi32>,
      %get3A_1143 = arith.constant 80 : index
      %get3A_1144 = tpu.vector_load %arg11[%get3A_1143] {strides = array<i32>} : memref<272xi32, #tpu.memory_space<vmem>>, vector<16xi32>,
      %get3A_1145 = arith.constant 96 : index
      %get3A_1146 = tpu.vector_load %arg11[%get3A_1145] {strides = array<i32>} : memref<272xi32, #tpu.memory_space<vmem>>, vector<16xi32>,
      %get3A_1147 = arith.constant 112 : index
      %get3A_1148 = tpu.vector_load %arg11[%get3A_1147] {strides = array<i32>} : memref<272xi32, #tpu.memory_space<vmem>>, vector<16xi32>,
      %rev3A_1149 = arith.constant 15 : i32
      %rev3A_1150 = vector.broadcast %rev3A_1149 : i32 to vector<16xi32>
      %rev3A_1151 = tpu.iota {dimensions = array<i32: 0>} : vector<16xi32>
      %rev3A_1152 = arith.subi %rev3A_1150, %rev3A_1151 : vector<16xi32>
      %rev3A_1153 = tpu.dynamic_gather %get3A_1132[%rev3A_1152] in [0] : vector<16xf32>, vector<16xi32> -> vector<16xf32>
      %rev3A_1154 = arith.constant 15 : i32
      %rev3A_1155 = vector.broadcast %rev3A_1154 : i32 to vector<16xi32>
      %rev3A_1156 = tpu.iota {dimensions = array<i32: 0>} : vector<16xi32>
      %rev3A_1157 = arith.subi %rev3A_1155, %rev3A_1156 : vector<16xi32>
      %rev3A_1158 = tpu.dynamic_gather %get3A_1130[%rev3A_1157] in [0] : vector<16xf32>, vector<16xi32> -> vector<16xf32>
      %rev3A_1159 = arith.constant 15 : i32
      %rev3A_1160 = vector.broadcast %rev3A_1159 : i32 to vector<16xi32>
      %rev3A_1161 = tpu.iota {dimensions = array<i32: 0>} : vector<16xi32>
      %rev3A_1162 = arith.subi %rev3A_1160, %rev3A_1161 : vector<16xi32>
      %rev3A_1163 = tpu.dynamic_gather %get3A_1128[%rev3A_1162] in [0] : vector<16xf32>, vector<16xi32> -> vector<16xf32>
      %rev3A_1164 = arith.constant 15 : i32
      %rev3A_1165 = vector.broadcast %rev3A_1164 : i32 to vector<16xi32>
      %rev3A_1166 = tpu.iota {dimensions = array<i32: 0>} : vector<16xi32>
      %rev3A_1167 = arith.subi %rev3A_1165, %rev3A_1166 : vector<16xi32>
      %rev3A_1168 = tpu.dynamic_gather %get3A_1126[%rev3A_1167] in [0] : vector<16xf32>, vector<16xi32> -> vector<16xf32>
      %rev3A_1169 = arith.constant 15 : i32
      %rev3A_1170 = vector.broadcast %rev3A_1169 : i32 to vector<16xi32>
      %rev3A_1171 = tpu.iota {dimensions = array<i32: 0>} : vector<16xi32>
      %rev3A_1172 = arith.subi %rev3A_1170, %rev3A_1171 : vector<16xi32>
      %rev3A_1173 = tpu.dynamic_gather %get3A_1148[%rev3A_1172] in [0] : vector<16xi32>, vector<16xi32> -> vector<16xi32>
      %rev3A_1174 = arith.constant 15 : i32
      %rev3A_1175 = vector.broadcast %rev3A_1174 : i32 to vector<16xi32>
      %rev3A_1176 = tpu.iota {dimensions = array<i32: 0>} : vector<16xi32>
      %rev3A_1177 = arith.subi %rev3A_1175, %rev3A_1176 : vector<16xi32>
      %rev3A_1178 = tpu.dynamic_gather %get3A_1146[%rev3A_1177] in [0] : vector<16xi32>, vector<16xi32> -> vector<16xi32>
      %rev3A_1179 = arith.constant 15 : i32
      %rev3A_1180 = vector.broadcast %rev3A_1179 : i32 to vector<16xi32>
      %rev3A_1181 = tpu.iota {dimensions = array<i32: 0>} : vector<16xi32>
      %rev3A_1182 = arith.subi %rev3A_1180, %rev3A_1181 : vector<16xi32>
      %rev3A_1183 = tpu.dynamic_gather %get3A_1144[%rev3A_1182] in [0] : vector<16xi32>, vector<16xi32> -> vector<16xi32>
      %rev3A_1184 = arith.constant 15 : i32
      %rev3A_1185 = vector.broadcast %rev3A_1184 : i32 to vector<16xi32>
      %rev3A_1186 = tpu.iota {dimensions = array<i32: 0>} : vector<16xi32>
      %rev3A_1187 = arith.subi %rev3A_1185, %rev3A_1186 : vector<16xi32>
      %rev3A_1188 = tpu.dynamic_gather %get3A_1142[%rev3A_1187] in [0] : vector<16xi32>, vector<16xi32> -> vector<16xi32>
      %ge3A_1189 = arith.cmpf oge, %get3A_1118, %rev3A_1153 : vector<16xf32>
      %select_n3A_1190 = arith.select %ge3A_1189, %get3A_1118, %rev3A_1153 : vector<16xi1>, vector<16xf32>
      %select_n3A_1191 = arith.select %ge3A_1189, %rev3A_1153, %get3A_1118 : vector<16xi1>, vector<16xf32>
      %select_n3A_1192 = arith.select %ge3A_1189, %get3A_1134, %rev3A_1173 : vector<16xi1>, vector<16xi32>
      %select_n3A_1193 = arith.select %ge3A_1189, %rev3A_1173, %get3A_1134 : vector<16xi1>, vector<16xi32>
      %ge3A_1194 = arith.cmpf oge, %get3A_1120, %rev3A_1158 : vector<16xf32>
      %select_n3A_1195 = arith.select %ge3A_1194, %get3A_1120, %rev3A_1158 : vector<16xi1>, vector<16xf32>
      %select_n3A_1196 = arith.select %ge3A_1194, %rev3A_1158, %get3A_1120 : vector<16xi1>, vector<16xf32>
      %select_n3A_1197 = arith.select %ge3A_1194, %get3A_1136, %rev3A_1178 : vector<16xi1>, vector<16xi32>
      %select_n3A_1198 = arith.select %ge3A_1194, %rev3A_1178, %get3A_1136 : vector<16xi1>, vector<16xi32>
      %ge3A_1199 = arith.cmpf oge, %get3A_1122, %rev3A_1163 : vector<16xf32>
      %select_n3A_1200 = arith.select %ge3A_1199, %get3A_1122, %rev3A_1163 : vector<16xi1>, vector<16xf32>
      %select_n3A_1201 = arith.select %ge3A_1199, %rev3A_1163, %get3A_1122 : vector<16xi1>, vector<16xf32>
      %select_n3A_1202 = arith.select %ge3A_1199, %get3A_1138, %rev3A_1183 : vector<16xi1>, vector<16xi32>
      %select_n3A_1203 = arith.select %ge3A_1199, %rev3A_1183, %get3A_1138 : vector<16xi1>, vector<16xi32>
      %ge3A_1204 = arith.cmpf oge, %get3A_1124, %rev3A_1168 : vector<16xf32>
      %select_n3A_1205 = arith.select %ge3A_1204, %get3A_1124, %rev3A_1168 : vector<16xi1>, vector<16xf32>
      %select_n3A_1206 = arith.select %ge3A_1204, %rev3A_1168, %get3A_1124 : vector<16xi1>, vector<16xf32>
      %select_n3A_1207 = arith.select %ge3A_1204, %get3A_1140, %rev3A_1188 : vector<16xi1>, vector<16xi32>
      %select_n3A_1208 = arith.select %ge3A_1204, %rev3A_1188, %get3A_1140 : vector<16xi1>, vector<16xi32>
      %ge3A_1209 = arith.cmpf oge, %select_n3A_1190, %select_n3A_1200 : vector<16xf32>
      %select_n3A_1210 = arith.select %ge3A_1209, %select_n3A_1190, %select_n3A_1200 : vector<16xi1>, vector<16xf32>
      %select_n3A_1211 = arith.select %ge3A_1209, %select_n3A_1200, %select_n3A_1190 : vector<16xi1>, vector<16xf32>
      %select_n3A_1212 = arith.select %ge3A_1209, %select_n3A_1192, %select_n3A_1202 : vector<16xi1>, vector<16xi32>
      %select_n3A_1213 = arith.select %ge3A_1209, %select_n3A_1202, %select_n3A_1192 : vector<16xi1>, vector<16xi32>
      %ge3A_1214 = arith.cmpf oge, %select_n3A_1195, %select_n3A_1205 : vector<16xf32>
      %select_n3A_1215 = arith.select %ge3A_1214, %select_n3A_1195, %select_n3A_1205 : vector<16xi1>, vector<16xf32>
      %select_n3A_1216 = arith.select %ge3A_1214, %select_n3A_1205, %select_n3A_1195 : vector<16xi1>, vector<16xf32>
      %select_n3A_1217 = arith.select %ge3A_1214, %select_n3A_1197, %select_n3A_1207 : vector<16xi1>, vector<16xi32>
      %select_n3A_1218 = arith.select %ge3A_1214, %select_n3A_1207, %select_n3A_1197 : vector<16xi1>, vector<16xi32>
      %ge3A_1219 = arith.cmpf oge, %select_n3A_1191, %select_n3A_1201 : vector<16xf32>
      %select_n3A_1220 = arith.select %ge3A_1219, %select_n3A_1191, %select_n3A_1201 : vector<16xi1>, vector<16xf32>
      %select_n3A_1221 = arith.select %ge3A_1219, %select_n3A_1201, %select_n3A_1191 : vector<16xi1>, vector<16xf32>
      %select_n3A_1222 = arith.select %ge3A_1219, %select_n3A_1193, %select_n3A_1203 : vector<16xi1>, vector<16xi32>
      %select_n3A_1223 = arith.select %ge3A_1219, %select_n3A_1203, %select_n3A_1193 : vector<16xi1>, vector<16xi32>
      %ge3A_1224 = arith.cmpf oge, %select_n3A_1196, %select_n3A_1206 : vector<16xf32>
      %select_n3A_1225 = arith.select %ge3A_1224, %select_n3A_1196, %select_n3A_1206 : vector<16xi1>, vector<16xf32>
      %select_n3A_1226 = arith.select %ge3A_1224, %select_n3A_1206, %select_n3A_1196 : vector<16xi1>, vector<16xf32>
      %select_n3A_1227 = arith.select %ge3A_1224, %select_n3A_1198, %select_n3A_1208 : vector<16xi1>, vector<16xi32>
      %select_n3A_1228 = arith.select %ge3A_1224, %select_n3A_1208, %select_n3A_1198 : vector<16xi1>, vector<16xi32>
      %ge3A_1229 = arith.cmpf oge, %select_n3A_1210, %select_n3A_1215 : vector<16xf32>
      %select_n3A_1230 = arith.select %ge3A_1229, %select_n3A_1210, %select_n3A_1215 : vector<16xi1>, vector<16xf32>
      %select_n3A_1231 = arith.select %ge3A_1229, %select_n3A_1215, %select_n3A_1210 : vector<16xi1>, vector<16xf32>
      %select_n3A_1232 = arith.select %ge3A_1229, %select_n3A_1212, %select_n3A_1217 : vector<16xi1>, vector<16xi32>
      %select_n3A_1233 = arith.select %ge3A_1229, %select_n3A_1217, %select_n3A_1212 : vector<16xi1>, vector<16xi32>
      %ge3A_1234 = arith.cmpf oge, %select_n3A_1211, %select_n3A_1216 : vector<16xf32>
      %select_n3A_1235 = arith.select %ge3A_1234, %select_n3A_1211, %select_n3A_1216 : vector<16xi1>, vector<16xf32>
      %select_n3A_1236 = arith.select %ge3A_1234, %select_n3A_1216, %select_n3A_1211 : vector<16xi1>, vector<16xf32>
      %select_n3A_1237 = arith.select %ge3A_1234, %select_n3A_1213, %select_n3A_1218 : vector<16xi1>, vector<16xi32>
      %select_n3A_1238 = arith.select %ge3A_1234, %select_n3A_1218, %select_n3A_1213 : vector<16xi1>, vector<16xi32>
      %ge3A_1239 = arith.cmpf oge, %select_n3A_1220, %select_n3A_1225 : vector<16xf32>
      %select_n3A_1240 = arith.select %ge3A_1239, %select_n3A_1220, %select_n3A_1225 : vector<16xi1>, vector<16xf32>
      %select_n3A_1241 = arith.select %ge3A_1239, %select_n3A_1225, %select_n3A_1220 : vector<16xi1>, vector<16xf32>
      %select_n3A_1242 = arith.select %ge3A_1239, %select_n3A_1222, %select_n3A_1227 : vector<16xi1>, vector<16xi32>
      %select_n3A_1243 = arith.select %ge3A_1239, %select_n3A_1227, %select_n3A_1222 : vector<16xi1>, vector<16xi32>
      %ge3A_1244 = arith.cmpf oge, %select_n3A_1221, %select_n3A_1226 : vector<16xf32>
      %select_n3A_1245 = arith.select %ge3A_1244, %select_n3A_1221, %select_n3A_1226 : vector<16xi1>, vector<16xf32>
      %select_n3A_1246 = arith.select %ge3A_1244, %select_n3A_1226, %select_n3A_1221 : vector<16xi1>, vector<16xf32>
      %select_n3A_1247 = arith.select %ge3A_1244, %select_n3A_1223, %select_n3A_1228 : vector<16xi1>, vector<16xi32>
      %select_n3A_1248 = arith.select %ge3A_1244, %select_n3A_1228, %select_n3A_1223 : vector<16xi1>, vector<16xi32>
      %masked_sort3A_1249 = arith.constant dense<true> : vector<16xi1>
      %masked_sort3A_1250, %masked_sort3A_1251, %masked_sort3A_1252 = tpu.sort %select_n3A_1230, %select_n3A_1232 masked %masked_sort3A_1249 {descending = true} : (vector<16xf32>, vector<16xi32>, vector<16xi1>) -> (vector<16xi1>, vector<16xf32>, vector<16xi32>)
      %swap3A_1253 = arith.constant 0 : index
      %swap3A_1254 = tpu.vector_load %arg10[%swap3A_1253] {strides = array<i32>} : memref<272xf32, #tpu.memory_space<vmem>>, vector<16xf32>,
      tpu.vector_store %arg10[%swap3A_1253], %masked_sort3A_1251 {strides = array<i32>} : memref<272xf32, #tpu.memory_space<vmem>>, vector<16xf32>,
      %swap3A_1255 = arith.constant 0 : index
      %swap3A_1256 = tpu.vector_load %arg11[%swap3A_1255] {strides = array<i32>} : memref<272xi32, #tpu.memory_space<vmem>>, vector<16xi32>,
      tpu.vector_store %arg11[%swap3A_1255], %masked_sort3A_1252 {strides = array<i32>} : memref<272xi32, #tpu.memory_space<vmem>>, vector<16xi32>,
      %masked_sort3A_1257 = arith.constant dense<true> : vector<16xi1>
      %masked_sort3A_1258, %masked_sort3A_1259, %masked_sort3A_1260 = tpu.sort %select_n3A_1231, %select_n3A_1233 masked %masked_sort3A_1257 {descending = true} : (vector<16xf32>, vector<16xi32>, vector<16xi1>) -> (vector<16xi1>, vector<16xf32>, vector<16xi32>)
      %swap3A_1261 = arith.constant 16 : index
      %swap3A_1262 = tpu.vector_load %arg10[%swap3A_1261] {strides = array<i32>} : memref<272xf32, #tpu.memory_space<vmem>>, vector<16xf32>,
      tpu.vector_store %arg10[%swap3A_1261], %masked_sort3A_1259 {strides = array<i32>} : memref<272xf32, #tpu.memory_space<vmem>>, vector<16xf32>,
      %swap3A_1263 = arith.constant 16 : index
      %swap3A_1264 = tpu.vector_load %arg11[%swap3A_1263] {strides = array<i32>} : memref<272xi32, #tpu.memory_space<vmem>>, vector<16xi32>,
      tpu.vector_store %arg11[%swap3A_1263], %masked_sort3A_1260 {strides = array<i32>} : memref<272xi32, #tpu.memory_space<vmem>>, vector<16xi32>,
      %masked_sort3A_1265 = arith.constant dense<true> : vector<16xi1>
      %masked_sort3A_1266, %masked_sort3A_1267, %masked_sort3A_1268 = tpu.sort %select_n3A_1235, %select_n3A_1237 masked %masked_sort3A_1265 {descending = true} : (vector<16xf32>, vector<16xi32>, vector<16xi1>) -> (vector<16xi1>, vector<16xf32>, vector<16xi32>)
      %swap3A_1269 = arith.constant 32 : index
      %swap3A_1270 = tpu.vector_load %arg10[%swap3A_1269] {strides = array<i32>} : memref<272xf32, #tpu.memory_space<vmem>>, vector<16xf32>,
      tpu.vector_store %arg10[%swap3A_1269], %masked_sort3A_1267 {strides = array<i32>} : memref<272xf32, #tpu.memory_space<vmem>>, vector<16xf32>,
      %swap3A_1271 = arith.constant 32 : index
      %swap3A_1272 = tpu.vector_load %arg11[%swap3A_1271] {strides = array<i32>} : memref<272xi32, #tpu.memory_space<vmem>>, vector<16xi32>,
      tpu.vector_store %arg11[%swap3A_1271], %masked_sort3A_1268 {strides = array<i32>} : memref<272xi32, #tpu.memory_space<vmem>>, vector<16xi32>,
      %masked_sort3A_1273 = arith.constant dense<true> : vector<16xi1>
      %masked_sort3A_1274, %masked_sort3A_1275, %masked_sort3A_1276 = tpu.sort %select_n3A_1236, %select_n3A_1238 masked %masked_sort3A_1273 {descending = true} : (vector<16xf32>, vector<16xi32>, vector<16xi1>) -> (vector<16xi1>, vector<16xf32>, vector<16xi32>)
      %swap3A_1277 = arith.constant 48 : index
      %swap3A_1278 = tpu.vector_load %arg10[%swap3A_1277] {strides = array<i32>} : memref<272xf32, #tpu.memory_space<vmem>>, vector<16xf32>,
      tpu.vector_store %arg10[%swap3A_1277], %masked_sort3A_1275 {strides = array<i32>} : memref<272xf32, #tpu.memory_space<vmem>>, vector<16xf32>,
      %swap3A_1279 = arith.constant 48 : index
      %swap3A_1280 = tpu.vector_load %arg11[%swap3A_1279] {strides = array<i32>} : memref<272xi32, #tpu.memory_space<vmem>>, vector<16xi32>,
      tpu.vector_store %arg11[%swap3A_1279], %masked_sort3A_1276 {strides = array<i32>} : memref<272xi32, #tpu.memory_space<vmem>>, vector<16xi32>,
      %masked_sort3A_1281 = arith.constant dense<true> : vector<16xi1>
      %masked_sort3A_1282, %masked_sort3A_1283, %masked_sort3A_1284 = tpu.sort %select_n3A_1240, %select_n3A_1242 masked %masked_sort3A_1281 {descending = true} : (vector<16xf32>, vector<16xi32>, vector<16xi1>) -> (vector<16xi1>, vector<16xf32>, vector<16xi32>)
      %swap3A_1285 = arith.constant 64 : index
      %swap3A_1286 = tpu.vector_load %arg10[%swap3A_1285] {strides = array<i32>} : memref<272xf32, #tpu.memory_space<vmem>>, vector<16xf32>,
      tpu.vector_store %arg10[%swap3A_1285], %masked_sort3A_1283 {strides = array<i32>} : memref<272xf32, #tpu.memory_space<vmem>>, vector<16xf32>,
      %swap3A_1287 = arith.constant 64 : index
      %swap3A_1288 = tpu.vector_load %arg11[%swap3A_1287] {strides = array<i32>} : memref<272xi32, #tpu.memory_space<vmem>>, vector<16xi32>,
      tpu.vector_store %arg11[%swap3A_1287], %masked_sort3A_1284 {strides = array<i32>} : memref<272xi32, #tpu.memory_space<vmem>>, vector<16xi32>,
      %masked_sort3A_1289 = arith.constant dense<true> : vector<16xi1>
      %masked_sort3A_1290, %masked_sort3A_1291, %masked_sort3A_1292 = tpu.sort %select_n3A_1241, %select_n3A_1243 masked %masked_sort3A_1289 {descending = true} : (vector<16xf32>, vector<16xi32>, vector<16xi1>) -> (vector<16xi1>, vector<16xf32>, vector<16xi32>)
      %swap3A_1293 = arith.constant 80 : index
      %swap3A_1294 = tpu.vector_load %arg10[%swap3A_1293] {strides = array<i32>} : memref<272xf32, #tpu.memory_space<vmem>>, vector<16xf32>,
      tpu.vector_store %arg10[%swap3A_1293], %masked_sort3A_1291 {strides = array<i32>} : memref<272xf32, #tpu.memory_space<vmem>>, vector<16xf32>,
      %swap3A_1295 = arith.constant 80 : index
      %swap3A_1296 = tpu.vector_load %arg11[%swap3A_1295] {strides = array<i32>} : memref<272xi32, #tpu.memory_space<vmem>>, vector<16xi32>,
      tpu.vector_store %arg11[%swap3A_1295], %masked_sort3A_1292 {strides = array<i32>} : memref<272xi32, #tpu.memory_space<vmem>>, vector<16xi32>,
      %masked_sort3A_1297 = arith.constant dense<true> : vector<16xi1>
      %masked_sort3A_1298, %masked_sort3A_1299, %masked_sort3A_1300 = tpu.sort %select_n3A_1245, %select_n3A_1247 masked %masked_sort3A_1297 {descending = true} : (vector<16xf32>, vector<16xi32>, vector<16xi1>) -> (vector<16xi1>, vector<16xf32>, vector<16xi32>)
      %swap3A_1301 = arith.constant 96 : index
      %swap3A_1302 = tpu.vector_load %arg10[%swap3A_1301] {strides = array<i32>} : memref<272xf32, #tpu.memory_space<vmem>>, vector<16xf32>,
      tpu.vector_store %arg10[%swap3A_1301], %masked_sort3A_1299 {strides = array<i32>} : memref<272xf32, #tpu.memory_space<vmem>>, vector<16xf32>,
      %swap3A_1303 = arith.constant 96 : index
      %swap3A_1304 = tpu.vector_load %arg11[%swap3A_1303] {strides = array<i32>} : memref<272xi32, #tpu.memory_space<vmem>>, vector<16xi32>,
      tpu.vector_store %arg11[%swap3A_1303], %masked_sort3A_1300 {strides = array<i32>} : memref<272xi32, #tpu.memory_space<vmem>>, vector<16xi32>,
      %masked_sort3A_1305 = arith.constant dense<true> : vector<16xi1>
      %masked_sort3A_1306, %masked_sort3A_1307, %masked_sort3A_1308 = tpu.sort %select_n3A_1246, %select_n3A_1248 masked %masked_sort3A_1305 {descending = true} : (vector<16xf32>, vector<16xi32>, vector<16xi1>) -> (vector<16xi1>, vector<16xf32>, vector<16xi32>)
      %swap3A_1309 = arith.constant 112 : index
      %swap3A_1310 = tpu.vector_load %arg10[%swap3A_1309] {strides = array<i32>} : memref<272xf32, #tpu.memory_space<vmem>>, vector<16xf32>,
      tpu.vector_store %arg10[%swap3A_1309], %masked_sort3A_1307 {strides = array<i32>} : memref<272xf32, #tpu.memory_space<vmem>>, vector<16xf32>,
      %swap3A_1311 = arith.constant 112 : index
      %swap3A_1312 = tpu.vector_load %arg11[%swap3A_1311] {strides = array<i32>} : memref<272xi32, #tpu.memory_space<vmem>>, vector<16xi32>,
      tpu.vector_store %arg11[%swap3A_1311], %masked_sort3A_1308 {strides = array<i32>} : memref<272xi32, #tpu.memory_space<vmem>>, vector<16xi32>,
      %get3A_1313 = arith.constant 128 : index
      %get3A_1314 = tpu.vector_load %arg10[%get3A_1313] {strides = array<i32>} : memref<272xf32, #tpu.memory_space<vmem>>, vector<16xf32>,
      %get3A_1315 = arith.constant 144 : index
      %get3A_1316 = tpu.vector_load %arg10[%get3A_1315] {strides = array<i32>} : memref<272xf32, #tpu.memory_space<vmem>>, vector<16xf32>,
      %get3A_1317 = arith.constant 160 : index
      %get3A_1318 = tpu.vector_load %arg10[%get3A_1317] {strides = array<i32>} : memref<272xf32, #tpu.memory_space<vmem>>, vector<16xf32>,
      %get3A_1319 = arith.constant 176 : index
      %get3A_1320 = tpu.vector_load %arg10[%get3A_1319] {strides = array<i32>} : memref<272xf32, #tpu.memory_space<vmem>>, vector<16xf32>,
      %get3A_1321 = arith.constant 192 : index
      %get3A_1322 = tpu.vector_load %arg10[%get3A_1321] {strides = array<i32>} : memref<272xf32, #tpu.memory_space<vmem>>, vector<16xf32>,
      %get3A_1323 = arith.constant 208 : index
      %get3A_1324 = tpu.vector_load %arg10[%get3A_1323] {strides = array<i32>} : memref<272xf32, #tpu.memory_space<vmem>>, vector<16xf32>,
      %get3A_1325 = arith.constant 224 : index
      %get3A_1326 = tpu.vector_load %arg10[%get3A_1325] {strides = array<i32>} : memref<272xf32, #tpu.memory_space<vmem>>, vector<16xf32>,
      %get3A_1327 = arith.constant 240 : index
      %get3A_1328 = tpu.vector_load %arg10[%get3A_1327] {strides = array<i32>} : memref<272xf32, #tpu.memory_space<vmem>>, vector<16xf32>,
      %get3A_1329 = arith.constant 128 : index
      %get3A_1330 = tpu.vector_load %arg11[%get3A_1329] {strides = array<i32>} : memref<272xi32, #tpu.memory_space<vmem>>, vector<16xi32>,
      %get3A_1331 = arith.constant 144 : index
      %get3A_1332 = tpu.vector_load %arg11[%get3A_1331] {strides = array<i32>} : memref<272xi32, #tpu.memory_space<vmem>>, vector<16xi32>,
      %get3A_1333 = arith.constant 160 : index
      %get3A_1334 = tpu.vector_load %arg11[%get3A_1333] {strides = array<i32>} : memref<272xi32, #tpu.memory_space<vmem>>, vector<16xi32>,
      %get3A_1335 = arith.constant 176 : index
      %get3A_1336 = tpu.vector_load %arg11[%get3A_1335] {strides = array<i32>} : memref<272xi32, #tpu.memory_space<vmem>>, vector<16xi32>,
      %get3A_1337 = arith.constant 192 : index
      %get3A_1338 = tpu.vector_load %arg11[%get3A_1337] {strides = array<i32>} : memref<272xi32, #tpu.memory_space<vmem>>, vector<16xi32>,
      %get3A_1339 = arith.constant 208 : index
      %get3A_1340 = tpu.vector_load %arg11[%get3A_1339] {strides = array<i32>} : memref<272xi32, #tpu.memory_space<vmem>>, vector<16xi32>,
      %get3A_1341 = arith.constant 224 : index
      %get3A_1342 = tpu.vector_load %arg11[%get3A_1341] {strides = array<i32>} : memref<272xi32, #tpu.memory_space<vmem>>, vector<16xi32>,
      %get3A_1343 = arith.constant 240 : index
      %get3A_1344 = tpu.vector_load %arg11[%get3A_1343] {strides = array<i32>} : memref<272xi32, #tpu.memory_space<vmem>>, vector<16xi32>,
      %rev3A_1345 = arith.constant 15 : i32
      %rev3A_1346 = vector.broadcast %rev3A_1345 : i32 to vector<16xi32>
      %rev3A_1347 = tpu.iota {dimensions = array<i32: 0>} : vector<16xi32>
      %rev3A_1348 = arith.subi %rev3A_1346, %rev3A_1347 : vector<16xi32>
      %rev3A_1349 = tpu.dynamic_gather %get3A_1328[%rev3A_1348] in [0] : vector<16xf32>, vector<16xi32> -> vector<16xf32>
      %rev3A_1350 = arith.constant 15 : i32
      %rev3A_1351 = vector.broadcast %rev3A_1350 : i32 to vector<16xi32>
      %rev3A_1352 = tpu.iota {dimensions = array<i32: 0>} : vector<16xi32>
      %rev3A_1353 = arith.subi %rev3A_1351, %rev3A_1352 : vector<16xi32>
      %rev3A_1354 = tpu.dynamic_gather %get3A_1326[%rev3A_1353] in [0] : vector<16xf32>, vector<16xi32> -> vector<16xf32>
      %rev3A_1355 = arith.constant 15 : i32
      %rev3A_1356 = vector.broadcast %rev3A_1355 : i32 to vector<16xi32>
      %rev3A_1357 = tpu.iota {dimensions = array<i32: 0>} : vector<16xi32>
      %rev3A_1358 = arith.subi %rev3A_1356, %rev3A_1357 : vector<16xi32>
      %rev3A_1359 = tpu.dynamic_gather %get3A_1324[%rev3A_1358] in [0] : vector<16xf32>, vector<16xi32> -> vector<16xf32>
      %rev3A_1360 = arith.constant 15 : i32
      %rev3A_1361 = vector.broadcast %rev3A_1360 : i32 to vector<16xi32>
      %rev3A_1362 = tpu.iota {dimensions = array<i32: 0>} : vector<16xi32>
      %rev3A_1363 = arith.subi %rev3A_1361, %rev3A_1362 : vector<16xi32>
      %rev3A_1364 = tpu.dynamic_gather %get3A_1322[%rev3A_1363] in [0] : vector<16xf32>, vector<16xi32> -> vector<16xf32>
      %rev3A_1365 = arith.constant 15 : i32
      %rev3A_1366 = vector.broadcast %rev3A_1365 : i32 to vector<16xi32>
      %rev3A_1367 = tpu.iota {dimensions = array<i32: 0>} : vector<16xi32>
      %rev3A_1368 = arith.subi %rev3A_1366, %rev3A_1367 : vector<16xi32>
      %rev3A_1369 = tpu.dynamic_gather %get3A_1344[%rev3A_1368] in [0] : vector<16xi32>, vector<16xi32> -> vector<16xi32>
      %rev3A_1370 = arith.constant 15 : i32
      %rev3A_1371 = vector.broadcast %rev3A_1370 : i32 to vector<16xi32>
      %rev3A_1372 = tpu.iota {dimensions = array<i32: 0>} : vector<16xi32>
      %rev3A_1373 = arith.subi %rev3A_1371, %rev3A_1372 : vector<16xi32>
      %rev3A_1374 = tpu.dynamic_gather %get3A_1342[%rev3A_1373] in [0] : vector<16xi32>, vector<16xi32> -> vector<16xi32>
      %rev3A_1375 = arith.constant 15 : i32
      %rev3A_1376 = vector.broadcast %rev3A_1375 : i32 to vector<16xi32>
      %rev3A_1377 = tpu.iota {dimensions = array<i32: 0>} : vector<16xi32>
      %rev3A_1378 = arith.subi %rev3A_1376, %rev3A_1377 : vector<16xi32>
      %rev3A_1379 = tpu.dynamic_gather %get3A_1340[%rev3A_1378] in [0] : vector<16xi32>, vector<16xi32> -> vector<16xi32>
      %rev3A_1380 = arith.constant 15 : i32
      %rev3A_1381 = vector.broadcast %rev3A_1380 : i32 to vector<16xi32>
      %rev3A_1382 = tpu.iota {dimensions = array<i32: 0>} : vector<16xi32>
      %rev3A_1383 = arith.subi %rev3A_1381, %rev3A_1382 : vector<16xi32>
      %rev3A_1384 = tpu.dynamic_gather %get3A_1338[%rev3A_1383] in [0] : vector<16xi32>, vector<16xi32> -> vector<16xi32>
      %ge3A_1385 = arith.cmpf oge, %get3A_1314, %rev3A_1349 : vector<16xf32>
      %select_n3A_1386 = arith.select %ge3A_1385, %get3A_1314, %rev3A_1349 : vector<16xi1>, vector<16xf32>
      %select_n3A_1387 = arith.select %ge3A_1385, %rev3A_1349, %get3A_1314 : vector<16xi1>, vector<16xf32>
      %select_n3A_1388 = arith.select %ge3A_1385, %get3A_1330, %rev3A_1369 : vector<16xi1>, vector<16xi32>
      %select_n3A_1389 = arith.select %ge3A_1385, %rev3A_1369, %get3A_1330 : vector<16xi1>, vector<16xi32>
      %ge3A_1390 = arith.cmpf oge, %get3A_1316, %rev3A_1354 : vector<16xf32>
      %select_n3A_1391 = arith.select %ge3A_1390, %get3A_1316, %rev3A_1354 : vector<16xi1>, vector<16xf32>
      %select_n3A_1392 = arith.select %ge3A_1390, %rev3A_1354, %get3A_1316 : vector<16xi1>, vector<16xf32>
      %select_n3A_1393 = arith.select %ge3A_1390, %get3A_1332, %rev3A_1374 : vector<16xi1>, vector<16xi32>
      %select_n3A_1394 = arith.select %ge3A_1390, %rev3A_1374, %get3A_1332 : vector<16xi1>, vector<16xi32>
      %ge3A_1395 = arith.cmpf oge, %get3A_1318, %rev3A_1359 : vector<16xf32>
      %select_n3A_1396 = arith.select %ge3A_1395, %get3A_1318, %rev3A_1359 : vector<16xi1>, vector<16xf32>
      %select_n3A_1397 = arith.select %ge3A_1395, %rev3A_1359, %get3A_1318 : vector<16xi1>, vector<16xf32>
      %select_n3A_1398 = arith.select %ge3A_1395, %get3A_1334, %rev3A_1379 : vector<16xi1>, vector<16xi32>
      %select_n3A_1399 = arith.select %ge3A_1395, %rev3A_1379, %get3A_1334 : vector<16xi1>, vector<16xi32>
      %ge3A_1400 = arith.cmpf oge, %get3A_1320, %rev3A_1364 : vector<16xf32>
      %select_n3A_1401 = arith.select %ge3A_1400, %get3A_1320, %rev3A_1364 : vector<16xi1>, vector<16xf32>
      %select_n3A_1402 = arith.select %ge3A_1400, %rev3A_1364, %get3A_1320 : vector<16xi1>, vector<16xf32>
      %select_n3A_1403 = arith.select %ge3A_1400, %get3A_1336, %rev3A_1384 : vector<16xi1>, vector<16xi32>
      %select_n3A_1404 = arith.select %ge3A_1400, %rev3A_1384, %get3A_1336 : vector<16xi1>, vector<16xi32>
      %ge3A_1405 = arith.cmpf oge, %select_n3A_1386, %select_n3A_1396 : vector<16xf32>
      %select_n3A_1406 = arith.select %ge3A_1405, %select_n3A_1386, %select_n3A_1396 : vector<16xi1>, vector<16xf32>
      %select_n3A_1407 = arith.select %ge3A_1405, %select_n3A_1396, %select_n3A_1386 : vector<16xi1>, vector<16xf32>
      %select_n3A_1408 = arith.select %ge3A_1405, %select_n3A_1388, %select_n3A_1398 : vector<16xi1>, vector<16xi32>
      %select_n3A_1409 = arith.select %ge3A_1405, %select_n3A_1398, %select_n3A_1388 : vector<16xi1>, vector<16xi32>
      %ge3A_1410 = arith.cmpf oge, %select_n3A_1391, %select_n3A_1401 : vector<16xf32>
      %select_n3A_1411 = arith.select %ge3A_1410, %select_n3A_1391, %select_n3A_1401 : vector<16xi1>, vector<16xf32>
      %select_n3A_1412 = arith.select %ge3A_1410, %select_n3A_1401, %select_n3A_1391 : vector<16xi1>, vector<16xf32>
      %select_n3A_1413 = arith.select %ge3A_1410, %select_n3A_1393, %select_n3A_1403 : vector<16xi1>, vector<16xi32>
      %select_n3A_1414 = arith.select %ge3A_1410, %select_n3A_1403, %select_n3A_1393 : vector<16xi1>, vector<16xi32>
      %ge3A_1415 = arith.cmpf oge, %select_n3A_1387, %select_n3A_1397 : vector<16xf32>
      %select_n3A_1416 = arith.select %ge3A_1415, %select_n3A_1387, %select_n3A_1397 : vector<16xi1>, vector<16xf32>
      %select_n3A_1417 = arith.select %ge3A_1415, %select_n3A_1397, %select_n3A_1387 : vector<16xi1>, vector<16xf32>
      %select_n3A_1418 = arith.select %ge3A_1415, %select_n3A_1389, %select_n3A_1399 : vector<16xi1>, vector<16xi32>
      %select_n3A_1419 = arith.select %ge3A_1415, %select_n3A_1399, %select_n3A_1389 : vector<16xi1>, vector<16xi32>
      %ge3A_1420 = arith.cmpf oge, %select_n3A_1392, %select_n3A_1402 : vector<16xf32>
      %select_n3A_1421 = arith.select %ge3A_1420, %select_n3A_1392, %select_n3A_1402 : vector<16xi1>, vector<16xf32>
      %select_n3A_1422 = arith.select %ge3A_1420, %select_n3A_1402, %select_n3A_1392 : vector<16xi1>, vector<16xf32>
      %select_n3A_1423 = arith.select %ge3A_1420, %select_n3A_1394, %select_n3A_1404 : vector<16xi1>, vector<16xi32>
      %select_n3A_1424 = arith.select %ge3A_1420, %select_n3A_1404, %select_n3A_1394 : vector<16xi1>, vector<16xi32>
      %ge3A_1425 = arith.cmpf oge, %select_n3A_1406, %select_n3A_1411 : vector<16xf32>
      %select_n3A_1426 = arith.select %ge3A_1425, %select_n3A_1406, %select_n3A_1411 : vector<16xi1>, vector<16xf32>
      %select_n3A_1427 = arith.select %ge3A_1425, %select_n3A_1411, %select_n3A_1406 : vector<16xi1>, vector<16xf32>
      %select_n3A_1428 = arith.select %ge3A_1425, %select_n3A_1408, %select_n3A_1413 : vector<16xi1>, vector<16xi32>
      %select_n3A_1429 = arith.select %ge3A_1425, %select_n3A_1413, %select_n3A_1408 : vector<16xi1>, vector<16xi32>
      %ge3A_1430 = arith.cmpf oge, %select_n3A_1407, %select_n3A_1412 : vector<16xf32>
      %select_n3A_1431 = arith.select %ge3A_1430, %select_n3A_1407, %select_n3A_1412 : vector<16xi1>, vector<16xf32>
      %select_n3A_1432 = arith.select %ge3A_1430, %select_n3A_1412, %select_n3A_1407 : vector<16xi1>, vector<16xf32>
      %select_n3A_1433 = arith.select %ge3A_1430, %select_n3A_1409, %select_n3A_1414 : vector<16xi1>, vector<16xi32>
      %select_n3A_1434 = arith.select %ge3A_1430, %select_n3A_1414, %select_n3A_1409 : vector<16xi1>, vector<16xi32>
      %ge3A_1435 = arith.cmpf oge, %select_n3A_1416, %select_n3A_1421 : vector<16xf32>
      %select_n3A_1436 = arith.select %ge3A_1435, %select_n3A_1416, %select_n3A_1421 : vector<16xi1>, vector<16xf32>
      %select_n3A_1437 = arith.select %ge3A_1435, %select_n3A_1421, %select_n3A_1416 : vector<16xi1>, vector<16xf32>
      %select_n3A_1438 = arith.select %ge3A_1435, %select_n3A_1418, %select_n3A_1423 : vector<16xi1>, vector<16xi32>
      %select_n3A_1439 = arith.select %ge3A_1435, %select_n3A_1423, %select_n3A_1418 : vector<16xi1>, vector<16xi32>
      %ge3A_1440 = arith.cmpf oge, %select_n3A_1417, %select_n3A_1422 : vector<16xf32>
      %select_n3A_1441 = arith.select %ge3A_1440, %select_n3A_1417, %select_n3A_1422 : vector<16xi1>, vector<16xf32>
      %select_n3A_1442 = arith.select %ge3A_1440, %select_n3A_1422, %select_n3A_1417 : vector<16xi1>, vector<16xf32>
      %select_n3A_1443 = arith.select %ge3A_1440, %select_n3A_1419, %select_n3A_1424 : vector<16xi1>, vector<16xi32>
      %select_n3A_1444 = arith.select %ge3A_1440, %select_n3A_1424, %select_n3A_1419 : vector<16xi1>, vector<16xi32>
      %masked_sort3A_1445 = arith.constant dense<true> : vector<16xi1>
      %masked_sort3A_1446, %masked_sort3A_1447, %masked_sort3A_1448 = tpu.sort %select_n3A_1426, %select_n3A_1428 masked %masked_sort3A_1445 {descending = true} : (vector<16xf32>, vector<16xi32>, vector<16xi1>) -> (vector<16xi1>, vector<16xf32>, vector<16xi32>)
      %swap3A_1449 = arith.constant 128 : index
      %swap3A_1450 = tpu.vector_load %arg10[%swap3A_1449] {strides = array<i32>} : memref<272xf32, #tpu.memory_space<vmem>>, vector<16xf32>,
      tpu.vector_store %arg10[%swap3A_1449], %masked_sort3A_1447 {strides = array<i32>} : memref<272xf32, #tpu.memory_space<vmem>>, vector<16xf32>,
      %swap3A_1451 = arith.constant 128 : index
      %swap3A_1452 = tpu.vector_load %arg11[%swap3A_1451] {strides = array<i32>} : memref<272xi32, #tpu.memory_space<vmem>>, vector<16xi32>,
      tpu.vector_store %arg11[%swap3A_1451], %masked_sort3A_1448 {strides = array<i32>} : memref<272xi32, #tpu.memory_space<vmem>>, vector<16xi32>,
      %masked_sort3A_1453 = arith.constant dense<true> : vector<16xi1>
      %masked_sort3A_1454, %masked_sort3A_1455, %masked_sort3A_1456 = tpu.sort %select_n3A_1427, %select_n3A_1429 masked %masked_sort3A_1453 {descending = true} : (vector<16xf32>, vector<16xi32>, vector<16xi1>) -> (vector<16xi1>, vector<16xf32>, vector<16xi32>)
      %swap3A_1457 = arith.constant 144 : index
      %swap3A_1458 = tpu.vector_load %arg10[%swap3A_1457] {strides = array<i32>} : memref<272xf32, #tpu.memory_space<vmem>>, vector<16xf32>,
      tpu.vector_store %arg10[%swap3A_1457], %masked_sort3A_1455 {strides = array<i32>} : memref<272xf32, #tpu.memory_space<vmem>>, vector<16xf32>,
      %swap3A_1459 = arith.constant 144 : index
      %swap3A_1460 = tpu.vector_load %arg11[%swap3A_1459] {strides = array<i32>} : memref<272xi32, #tpu.memory_space<vmem>>, vector<16xi32>,
      tpu.vector_store %arg11[%swap3A_1459], %masked_sort3A_1456 {strides = array<i32>} : memref<272xi32, #tpu.memory_space<vmem>>, vector<16xi32>,
      %masked_sort3A_1461 = arith.constant dense<true> : vector<16xi1>
      %masked_sort3A_1462, %masked_sort3A_1463, %masked_sort3A_1464 = tpu.sort %select_n3A_1431, %select_n3A_1433 masked %masked_sort3A_1461 {descending = true} : (vector<16xf32>, vector<16xi32>, vector<16xi1>) -> (vector<16xi1>, vector<16xf32>, vector<16xi32>)
      %swap3A_1465 = arith.constant 160 : index
      %swap3A_1466 = tpu.vector_load %arg10[%swap3A_1465] {strides = array<i32>} : memref<272xf32, #tpu.memory_space<vmem>>, vector<16xf32>,
      tpu.vector_store %arg10[%swap3A_1465], %masked_sort3A_1463 {strides = array<i32>} : memref<272xf32, #tpu.memory_space<vmem>>, vector<16xf32>,
      %swap3A_1467 = arith.constant 160 : index
      %swap3A_1468 = tpu.vector_load %arg11[%swap3A_1467] {strides = array<i32>} : memref<272xi32, #tpu.memory_space<vmem>>, vector<16xi32>,
      tpu.vector_store %arg11[%swap3A_1467], %masked_sort3A_1464 {strides = array<i32>} : memref<272xi32, #tpu.memory_space<vmem>>, vector<16xi32>,
      %masked_sort3A_1469 = arith.constant dense<true> : vector<16xi1>
      %masked_sort3A_1470, %masked_sort3A_1471, %masked_sort3A_1472 = tpu.sort %select_n3A_1432, %select_n3A_1434 masked %masked_sort3A_1469 {descending = true} : (vector<16xf32>, vector<16xi32>, vector<16xi1>) -> (vector<16xi1>, vector<16xf32>, vector<16xi32>)
      %swap3A_1473 = arith.constant 176 : index
      %swap3A_1474 = tpu.vector_load %arg10[%swap3A_1473] {strides = array<i32>} : memref<272xf32, #tpu.memory_space<vmem>>, vector<16xf32>,
      tpu.vector_store %arg10[%swap3A_1473], %masked_sort3A_1471 {strides = array<i32>} : memref<272xf32, #tpu.memory_space<vmem>>, vector<16xf32>,
      %swap3A_1475 = arith.constant 176 : index
      %swap3A_1476 = tpu.vector_load %arg11[%swap3A_1475] {strides = array<i32>} : memref<272xi32, #tpu.memory_space<vmem>>, vector<16xi32>,
      tpu.vector_store %arg11[%swap3A_1475], %masked_sort3A_1472 {strides = array<i32>} : memref<272xi32, #tpu.memory_space<vmem>>, vector<16xi32>,
      %masked_sort3A_1477 = arith.constant dense<true> : vector<16xi1>
      %masked_sort3A_1478, %masked_sort3A_1479, %masked_sort3A_1480 = tpu.sort %select_n3A_1436, %select_n3A_1438 masked %masked_sort3A_1477 {descending = true} : (vector<16xf32>, vector<16xi32>, vector<16xi1>) -> (vector<16xi1>, vector<16xf32>, vector<16xi32>)
      %swap3A_1481 = arith.constant 192 : index
      %swap3A_1482 = tpu.vector_load %arg10[%swap3A_1481] {strides = array<i32>} : memref<272xf32, #tpu.memory_space<vmem>>, vector<16xf32>,
      tpu.vector_store %arg10[%swap3A_1481], %masked_sort3A_1479 {strides = array<i32>} : memref<272xf32, #tpu.memory_space<vmem>>, vector<16xf32>,
      %swap3A_1483 = arith.constant 192 : index
      %swap3A_1484 = tpu.vector_load %arg11[%swap3A_1483] {strides = array<i32>} : memref<272xi32, #tpu.memory_space<vmem>>, vector<16xi32>,
      tpu.vector_store %arg11[%swap3A_1483], %masked_sort3A_1480 {strides = array<i32>} : memref<272xi32, #tpu.memory_space<vmem>>, vector<16xi32>,
      %masked_sort3A_1485 = arith.constant dense<true> : vector<16xi1>
      %masked_sort3A_1486, %masked_sort3A_1487, %masked_sort3A_1488 = tpu.sort %select_n3A_1437, %select_n3A_1439 masked %masked_sort3A_1485 {descending = true} : (vector<16xf32>, vector<16xi32>, vector<16xi1>) -> (vector<16xi1>, vector<16xf32>, vector<16xi32>)
      %swap3A_1489 = arith.constant 208 : index
      %swap3A_1490 = tpu.vector_load %arg10[%swap3A_1489] {strides = array<i32>} : memref<272xf32, #tpu.memory_space<vmem>>, vector<16xf32>,
      tpu.vector_store %arg10[%swap3A_1489], %masked_sort3A_1487 {strides = array<i32>} : memref<272xf32, #tpu.memory_space<vmem>>, vector<16xf32>,
      %swap3A_1491 = arith.constant 208 : index
      %swap3A_1492 = tpu.vector_load %arg11[%swap3A_1491] {strides = array<i32>} : memref<272xi32, #tpu.memory_space<vmem>>, vector<16xi32>,
      tpu.vector_store %arg11[%swap3A_1491], %masked_sort3A_1488 {strides = array<i32>} : memref<272xi32, #tpu.memory_space<vmem>>, vector<16xi32>,
      %masked_sort3A_1493 = arith.constant dense<true> : vector<16xi1>
      %masked_sort3A_1494, %masked_sort3A_1495, %masked_sort3A_1496 = tpu.sort %select_n3A_1441, %select_n3A_1443 masked %masked_sort3A_1493 {descending = true} : (vector<16xf32>, vector<16xi32>, vector<16xi1>) -> (vector<16xi1>, vector<16xf32>, vector<16xi32>)
      %swap3A_1497 = arith.constant 224 : index
      %swap3A_1498 = tpu.vector_load %arg10[%swap3A_1497] {strides = array<i32>} : memref<272xf32, #tpu.memory_space<vmem>>, vector<16xf32>,
      tpu.vector_store %arg10[%swap3A_1497], %masked_sort3A_1495 {strides = array<i32>} : memref<272xf32, #tpu.memory_space<vmem>>, vector<16xf32>,
      %swap3A_1499 = arith.constant 224 : index
      %swap3A_1500 = tpu.vector_load %arg11[%swap3A_1499] {strides = array<i32>} : memref<272xi32, #tpu.memory_space<vmem>>, vector<16xi32>,
      tpu.vector_store %arg11[%swap3A_1499], %masked_sort3A_1496 {strides = array<i32>} : memref<272xi32, #tpu.memory_space<vmem>>, vector<16xi32>,
      %masked_sort3A_1501 = arith.constant dense<true> : vector<16xi1>
      %masked_sort3A_1502, %masked_sort3A_1503, %masked_sort3A_1504 = tpu.sort %select_n3A_1442, %select_n3A_1444 masked %masked_sort3A_1501 {descending = true} : (vector<16xf32>, vector<16xi32>, vector<16xi1>) -> (vector<16xi1>, vector<16xf32>, vector<16xi32>)
      %swap3A_1505 = arith.constant 240 : index
      %swap3A_1506 = tpu.vector_load %arg10[%swap3A_1505] {strides = array<i32>} : memref<272xf32, #tpu.memory_space<vmem>>, vector<16xf32>,
      tpu.vector_store %arg10[%swap3A_1505], %masked_sort3A_1503 {strides = array<i32>} : memref<272xf32, #tpu.memory_space<vmem>>, vector<16xf32>,
      %swap3A_1507 = arith.constant 240 : index
      %swap3A_1508 = tpu.vector_load %arg11[%swap3A_1507] {strides = array<i32>} : memref<272xi32, #tpu.memory_space<vmem>>, vector<16xi32>,
      tpu.vector_store %arg11[%swap3A_1507], %masked_sort3A_1504 {strides = array<i32>} : memref<272xi32, #tpu.memory_space<vmem>>, vector<16xi32>,
      %get3A_1509 = arith.constant 0 : index
      %get3A_1510 = tpu.vector_load %arg10[%get3A_1509] {strides = array<i32>} : memref<272xf32, #tpu.memory_space<vmem>>, vector<16xf32>,
      %get3A_1511 = arith.constant 16 : index
      %get3A_1512 = tpu.vector_load %arg10[%get3A_1511] {strides = array<i32>} : memref<272xf32, #tpu.memory_space<vmem>>, vector<16xf32>,
      %get3A_1513 = arith.constant 32 : index
      %get3A_1514 = tpu.vector_load %arg10[%get3A_1513] {strides = array<i32>} : memref<272xf32, #tpu.memory_space<vmem>>, vector<16xf32>,
      %get3A_1515 = arith.constant 48 : index
      %get3A_1516 = tpu.vector_load %arg10[%get3A_1515] {strides = array<i32>} : memref<272xf32, #tpu.memory_space<vmem>>, vector<16xf32>,
      %get3A_1517 = arith.constant 64 : index
      %get3A_1518 = tpu.vector_load %arg10[%get3A_1517] {strides = array<i32>} : memref<272xf32, #tpu.memory_space<vmem>>, vector<16xf32>,
      %get3A_1519 = arith.constant 80 : index
      %get3A_1520 = tpu.vector_load %arg10[%get3A_1519] {strides = array<i32>} : memref<272xf32, #tpu.memory_space<vmem>>, vector<16xf32>,
      %get3A_1521 = arith.constant 96 : index
      %get3A_1522 = tpu.vector_load %arg10[%get3A_1521] {strides = array<i32>} : memref<272xf32, #tpu.memory_space<vmem>>, vector<16xf32>,
      %get3A_1523 = arith.constant 112 : index
      %get3A_1524 = tpu.vector_load %arg10[%get3A_1523] {strides = array<i32>} : memref<272xf32, #tpu.memory_space<vmem>>, vector<16xf32>,
      %get3A_1525 = arith.constant 128 : index
      %get3A_1526 = tpu.vector_load %arg10[%get3A_1525] {strides = array<i32>} : memref<272xf32, #tpu.memory_space<vmem>>, vector<16xf32>,
      %get3A_1527 = arith.constant 144 : index
      %get3A_1528 = tpu.vector_load %arg10[%get3A_1527] {strides = array<i32>} : memref<272xf32, #tpu.memory_space<vmem>>, vector<16xf32>,
      %get3A_1529 = arith.constant 160 : index
      %get3A_1530 = tpu.vector_load %arg10[%get3A_1529] {strides = array<i32>} : memref<272xf32, #tpu.memory_space<vmem>>, vector<16xf32>,
      %get3A_1531 = arith.constant 176 : index
      %get3A_1532 = tpu.vector_load %arg10[%get3A_1531] {strides = array<i32>} : memref<272xf32, #tpu.memory_space<vmem>>, vector<16xf32>,
      %get3A_1533 = arith.constant 192 : index
      %get3A_1534 = tpu.vector_load %arg10[%get3A_1533] {strides = array<i32>} : memref<272xf32, #tpu.memory_space<vmem>>, vector<16xf32>,
      %get3A_1535 = arith.constant 208 : index
      %get3A_1536 = tpu.vector_load %arg10[%get3A_1535] {strides = array<i32>} : memref<272xf32, #tpu.memory_space<vmem>>, vector<16xf32>,
      %get3A_1537 = arith.constant 224 : index
      %get3A_1538 = tpu.vector_load %arg10[%get3A_1537] {strides = array<i32>} : memref<272xf32, #tpu.memory_space<vmem>>, vector<16xf32>,
      %get3A_1539 = arith.constant 240 : index
      %get3A_1540 = tpu.vector_load %arg10[%get3A_1539] {strides = array<i32>} : memref<272xf32, #tpu.memory_space<vmem>>, vector<16xf32>,
      %get3A_1541 = arith.constant 0 : index
      %get3A_1542 = tpu.vector_load %arg11[%get3A_1541] {strides = array<i32>} : memref<272xi32, #tpu.memory_space<vmem>>, vector<16xi32>,
      %get3A_1543 = arith.constant 16 : index
      %get3A_1544 = tpu.vector_load %arg11[%get3A_1543] {strides = array<i32>} : memref<272xi32, #tpu.memory_space<vmem>>, vector<16xi32>,
      %get3A_1545 = arith.constant 32 : index
      %get3A_1546 = tpu.vector_load %arg11[%get3A_1545] {strides = array<i32>} : memref<272xi32, #tpu.memory_space<vmem>>, vector<16xi32>,
      %get3A_1547 = arith.constant 48 : index
      %get3A_1548 = tpu.vector_load %arg11[%get3A_1547] {strides = array<i32>} : memref<272xi32, #tpu.memory_space<vmem>>, vector<16xi32>,
      %get3A_1549 = arith.constant 64 : index
      %get3A_1550 = tpu.vector_load %arg11[%get3A_1549] {strides = array<i32>} : memref<272xi32, #tpu.memory_space<vmem>>, vector<16xi32>,
      %get3A_1551 = arith.constant 80 : index
      %get3A_1552 = tpu.vector_load %arg11[%get3A_1551] {strides = array<i32>} : memref<272xi32, #tpu.memory_space<vmem>>, vector<16xi32>,
      %get3A_1553 = arith.constant 96 : index
      %get3A_1554 = tpu.vector_load %arg11[%get3A_1553] {strides = array<i32>} : memref<272xi32, #tpu.memory_space<vmem>>, vector<16xi32>,
      %get3A_1555 = arith.constant 112 : index
      %get3A_1556 = tpu.vector_load %arg11[%get3A_1555] {strides = array<i32>} : memref<272xi32, #tpu.memory_space<vmem>>, vector<16xi32>,
      %get3A_1557 = arith.constant 128 : index
      %get3A_1558 = tpu.vector_load %arg11[%get3A_1557] {strides = array<i32>} : memref<272xi32, #tpu.memory_space<vmem>>, vector<16xi32>,
      %get3A_1559 = arith.constant 144 : index
      %get3A_1560 = tpu.vector_load %arg11[%get3A_1559] {strides = array<i32>} : memref<272xi32, #tpu.memory_space<vmem>>, vector<16xi32>,
      %get3A_1561 = arith.constant 160 : index
      %get3A_1562 = tpu.vector_load %arg11[%get3A_1561] {strides = array<i32>} : memref<272xi32, #tpu.memory_space<vmem>>, vector<16xi32>,
      %get3A_1563 = arith.constant 176 : index
      %get3A_1564 = tpu.vector_load %arg11[%get3A_1563] {strides = array<i32>} : memref<272xi32, #tpu.memory_space<vmem>>, vector<16xi32>,
      %get3A_1565 = arith.constant 192 : index
      %get3A_1566 = tpu.vector_load %arg11[%get3A_1565] {strides = array<i32>} : memref<272xi32, #tpu.memory_space<vmem>>, vector<16xi32>,
      %get3A_1567 = arith.constant 208 : index
      %get3A_1568 = tpu.vector_load %arg11[%get3A_1567] {strides = array<i32>} : memref<272xi32, #tpu.memory_space<vmem>>, vector<16xi32>,
      %get3A_1569 = arith.constant 224 : index
      %get3A_1570 = tpu.vector_load %arg11[%get3A_1569] {strides = array<i32>} : memref<272xi32, #tpu.memory_space<vmem>>, vector<16xi32>,
      %get3A_1571 = arith.constant 240 : index
      %get3A_1572 = tpu.vector_load %arg11[%get3A_1571] {strides = array<i32>} : memref<272xi32, #tpu.memory_space<vmem>>, vector<16xi32>,
      %rev3A_1573 = arith.constant 15 : i32
      %rev3A_1574 = vector.broadcast %rev3A_1573 : i32 to vector<16xi32>
      %rev3A_1575 = tpu.iota {dimensions = array<i32: 0>} : vector<16xi32>
      %rev3A_1576 = arith.subi %rev3A_1574, %rev3A_1575 : vector<16xi32>
      %rev3A_1577 = tpu.dynamic_gather %get3A_1540[%rev3A_1576] in [0] : vector<16xf32>, vector<16xi32> -> vector<16xf32>
      %rev3A_1578 = arith.constant 15 : i32
      %rev3A_1579 = vector.broadcast %rev3A_1578 : i32 to vector<16xi32>
      %rev3A_1580 = tpu.iota {dimensions = array<i32: 0>} : vector<16xi32>
      %rev3A_1581 = arith.subi %rev3A_1579, %rev3A_1580 : vector<16xi32>
      %rev3A_1582 = tpu.dynamic_gather %get3A_1538[%rev3A_1581] in [0] : vector<16xf32>, vector<16xi32> -> vector<16xf32>
      %rev3A_1583 = arith.constant 15 : i32
      %rev3A_1584 = vector.broadcast %rev3A_1583 : i32 to vector<16xi32>
      %rev3A_1585 = tpu.iota {dimensions = array<i32: 0>} : vector<16xi32>
      %rev3A_1586 = arith.subi %rev3A_1584, %rev3A_1585 : vector<16xi32>
      %rev3A_1587 = tpu.dynamic_gather %get3A_1536[%rev3A_1586] in [0] : vector<16xf32>, vector<16xi32> -> vector<16xf32>
      %rev3A_1588 = arith.constant 15 : i32
      %rev3A_1589 = vector.broadcast %rev3A_1588 : i32 to vector<16xi32>
      %rev3A_1590 = tpu.iota {dimensions = array<i32: 0>} : vector<16xi32>
      %rev3A_1591 = arith.subi %rev3A_1589, %rev3A_1590 : vector<16xi32>
      %rev3A_1592 = tpu.dynamic_gather %get3A_1534[%rev3A_1591] in [0] : vector<16xf32>, vector<16xi32> -> vector<16xf32>
      %rev3A_1593 = arith.constant 15 : i32
      %rev3A_1594 = vector.broadcast %rev3A_1593 : i32 to vector<16xi32>
      %rev3A_1595 = tpu.iota {dimensions = array<i32: 0>} : vector<16xi32>
      %rev3A_1596 = arith.subi %rev3A_1594, %rev3A_1595 : vector<16xi32>
      %rev3A_1597 = tpu.dynamic_gather %get3A_1532[%rev3A_1596] in [0] : vector<16xf32>, vector<16xi32> -> vector<16xf32>
      %rev3A_1598 = arith.constant 15 : i32
      %rev3A_1599 = vector.broadcast %rev3A_1598 : i32 to vector<16xi32>
      %rev3A_1600 = tpu.iota {dimensions = array<i32: 0>} : vector<16xi32>
      %rev3A_1601 = arith.subi %rev3A_1599, %rev3A_1600 : vector<16xi32>
      %rev3A_1602 = tpu.dynamic_gather %get3A_1530[%rev3A_1601] in [0] : vector<16xf32>, vector<16xi32> -> vector<16xf32>
      %rev3A_1603 = arith.constant 15 : i32
      %rev3A_1604 = vector.broadcast %rev3A_1603 : i32 to vector<16xi32>
      %rev3A_1605 = tpu.iota {dimensions = array<i32: 0>} : vector<16xi32>
      %rev3A_1606 = arith.subi %rev3A_1604, %rev3A_1605 : vector<16xi32>
      %rev3A_1607 = tpu.dynamic_gather %get3A_1528[%rev3A_1606] in [0] : vector<16xf32>, vector<16xi32> -> vector<16xf32>
      %rev3A_1608 = arith.constant 15 : i32
      %rev3A_1609 = vector.broadcast %rev3A_1608 : i32 to vector<16xi32>
      %rev3A_1610 = tpu.iota {dimensions = array<i32: 0>} : vector<16xi32>
      %rev3A_1611 = arith.subi %rev3A_1609, %rev3A_1610 : vector<16xi32>
      %rev3A_1612 = tpu.dynamic_gather %get3A_1526[%rev3A_1611] in [0] : vector<16xf32>, vector<16xi32> -> vector<16xf32>
      %rev3A_1613 = arith.constant 15 : i32
      %rev3A_1614 = vector.broadcast %rev3A_1613 : i32 to vector<16xi32>
      %rev3A_1615 = tpu.iota {dimensions = array<i32: 0>} : vector<16xi32>
      %rev3A_1616 = arith.subi %rev3A_1614, %rev3A_1615 : vector<16xi32>
      %rev3A_1617 = tpu.dynamic_gather %get3A_1572[%rev3A_1616] in [0] : vector<16xi32>, vector<16xi32> -> vector<16xi32>
      %rev3A_1618 = arith.constant 15 : i32
      %rev3A_1619 = vector.broadcast %rev3A_1618 : i32 to vector<16xi32>
      %rev3A_1620 = tpu.iota {dimensions = array<i32: 0>} : vector<16xi32>
      %rev3A_1621 = arith.subi %rev3A_1619, %rev3A_1620 : vector<16xi32>
      %rev3A_1622 = tpu.dynamic_gather %get3A_1570[%rev3A_1621] in [0] : vector<16xi32>, vector<16xi32> -> vector<16xi32>
      %rev3A_1623 = arith.constant 15 : i32
      %rev3A_1624 = vector.broadcast %rev3A_1623 : i32 to vector<16xi32>
      %rev3A_1625 = tpu.iota {dimensions = array<i32: 0>} : vector<16xi32>
      %rev3A_1626 = arith.subi %rev3A_1624, %rev3A_1625 : vector<16xi32>
      %rev3A_1627 = tpu.dynamic_gather %get3A_1568[%rev3A_1626] in [0] : vector<16xi32>, vector<16xi32> -> vector<16xi32>
      %rev3A_1628 = arith.constant 15 : i32
      %rev3A_1629 = vector.broadcast %rev3A_1628 : i32 to vector<16xi32>
      %rev3A_1630 = tpu.iota {dimensions = array<i32: 0>} : vector<16xi32>
      %rev3A_1631 = arith.subi %rev3A_1629, %rev3A_1630 : vector<16xi32>
      %rev3A_1632 = tpu.dynamic_gather %get3A_1566[%rev3A_1631] in [0] : vector<16xi32>, vector<16xi32> -> vector<16xi32>
      %rev3A_1633 = arith.constant 15 : i32
      %rev3A_1634 = vector.broadcast %rev3A_1633 : i32 to vector<16xi32>
      %rev3A_1635 = tpu.iota {dimensions = array<i32: 0>} : vector<16xi32>
      %rev3A_1636 = arith.subi %rev3A_1634, %rev3A_1635 : vector<16xi32>
      %rev3A_1637 = tpu.dynamic_gather %get3A_1564[%rev3A_1636] in [0] : vector<16xi32>, vector<16xi32> -> vector<16xi32>
      %rev3A_1638 = arith.constant 15 : i32
      %rev3A_1639 = vector.broadcast %rev3A_1638 : i32 to vector<16xi32>
      %rev3A_1640 = tpu.iota {dimensions = array<i32: 0>} : vector<16xi32>
      %rev3A_1641 = arith.subi %rev3A_1639, %rev3A_1640 : vector<16xi32>
      %rev3A_1642 = tpu.dynamic_gather %get3A_1562[%rev3A_1641] in [0] : vector<16xi32>, vector<16xi32> -> vector<16xi32>
      %rev3A_1643 = arith.constant 15 : i32
      %rev3A_1644 = vector.broadcast %rev3A_1643 : i32 to vector<16xi32>
      %rev3A_1645 = tpu.iota {dimensions = array<i32: 0>} : vector<16xi32>
      %rev3A_1646 = arith.subi %rev3A_1644, %rev3A_1645 : vector<16xi32>
      %rev3A_1647 = tpu.dynamic_gather %get3A_1560[%rev3A_1646] in [0] : vector<16xi32>, vector<16xi32> -> vector<16xi32>
      %rev3A_1648 = arith.constant 15 : i32
      %rev3A_1649 = vector.broadcast %rev3A_1648 : i32 to vector<16xi32>
      %rev3A_1650 = tpu.iota {dimensions = array<i32: 0>} : vector<16xi32>
      %rev3A_1651 = arith.subi %rev3A_1649, %rev3A_1650 : vector<16xi32>
      %rev3A_1652 = tpu.dynamic_gather %get3A_1558[%rev3A_1651] in [0] : vector<16xi32>, vector<16xi32> -> vector<16xi32>
      %ge3A_1653 = arith.cmpf oge, %get3A_1510, %rev3A_1577 : vector<16xf32>
      %select_n3A_1654 = arith.select %ge3A_1653, %get3A_1510, %rev3A_1577 : vector<16xi1>, vector<16xf32>
      %select_n3A_1655 = arith.select %ge3A_1653, %rev3A_1577, %get3A_1510 : vector<16xi1>, vector<16xf32>
      %select_n3A_1656 = arith.select %ge3A_1653, %get3A_1542, %rev3A_1617 : vector<16xi1>, vector<16xi32>
      %select_n3A_1657 = arith.select %ge3A_1653, %rev3A_1617, %get3A_1542 : vector<16xi1>, vector<16xi32>
      %ge3A_1658 = arith.cmpf oge, %get3A_1512, %rev3A_1582 : vector<16xf32>
      %select_n3A_1659 = arith.select %ge3A_1658, %get3A_1512, %rev3A_1582 : vector<16xi1>, vector<16xf32>
      %select_n3A_1660 = arith.select %ge3A_1658, %rev3A_1582, %get3A_1512 : vector<16xi1>, vector<16xf32>
      %select_n3A_1661 = arith.select %ge3A_1658, %get3A_1544, %rev3A_1622 : vector<16xi1>, vector<16xi32>
      %select_n3A_1662 = arith.select %ge3A_1658, %rev3A_1622, %get3A_1544 : vector<16xi1>, vector<16xi32>
      %ge3A_1663 = arith.cmpf oge, %get3A_1514, %rev3A_1587 : vector<16xf32>
      %select_n3A_1664 = arith.select %ge3A_1663, %get3A_1514, %rev3A_1587 : vector<16xi1>, vector<16xf32>
      %select_n3A_1665 = arith.select %ge3A_1663, %rev3A_1587, %get3A_1514 : vector<16xi1>, vector<16xf32>
      %select_n3A_1666 = arith.select %ge3A_1663, %get3A_1546, %rev3A_1627 : vector<16xi1>, vector<16xi32>
      %select_n3A_1667 = arith.select %ge3A_1663, %rev3A_1627, %get3A_1546 : vector<16xi1>, vector<16xi32>
      %ge3A_1668 = arith.cmpf oge, %get3A_1516, %rev3A_1592 : vector<16xf32>
      %select_n3A_1669 = arith.select %ge3A_1668, %get3A_1516, %rev3A_1592 : vector<16xi1>, vector<16xf32>
      %select_n3A_1670 = arith.select %ge3A_1668, %rev3A_1592, %get3A_1516 : vector<16xi1>, vector<16xf32>
      %select_n3A_1671 = arith.select %ge3A_1668, %get3A_1548, %rev3A_1632 : vector<16xi1>, vector<16xi32>
      %select_n3A_1672 = arith.select %ge3A_1668, %rev3A_1632, %get3A_1548 : vector<16xi1>, vector<16xi32>
      %ge3A_1673 = arith.cmpf oge, %get3A_1518, %rev3A_1597 : vector<16xf32>
      %select_n3A_1674 = arith.select %ge3A_1673, %get3A_1518, %rev3A_1597 : vector<16xi1>, vector<16xf32>
      %select_n3A_1675 = arith.select %ge3A_1673, %rev3A_1597, %get3A_1518 : vector<16xi1>, vector<16xf32>
      %select_n3A_1676 = arith.select %ge3A_1673, %get3A_1550, %rev3A_1637 : vector<16xi1>, vector<16xi32>
      %select_n3A_1677 = arith.select %ge3A_1673, %rev3A_1637, %get3A_1550 : vector<16xi1>, vector<16xi32>
      %ge3A_1678 = arith.cmpf oge, %get3A_1520, %rev3A_1602 : vector<16xf32>
      %select_n3A_1679 = arith.select %ge3A_1678, %get3A_1520, %rev3A_1602 : vector<16xi1>, vector<16xf32>
      %select_n3A_1680 = arith.select %ge3A_1678, %rev3A_1602, %get3A_1520 : vector<16xi1>, vector<16xf32>
      %select_n3A_1681 = arith.select %ge3A_1678, %get3A_1552, %rev3A_1642 : vector<16xi1>, vector<16xi32>
      %select_n3A_1682 = arith.select %ge3A_1678, %rev3A_1642, %get3A_1552 : vector<16xi1>, vector<16xi32>
      %ge3A_1683 = arith.cmpf oge, %get3A_1522, %rev3A_1607 : vector<16xf32>
      %select_n3A_1684 = arith.select %ge3A_1683, %get3A_1522, %rev3A_1607 : vector<16xi1>, vector<16xf32>
      %select_n3A_1685 = arith.select %ge3A_1683, %rev3A_1607, %get3A_1522 : vector<16xi1>, vector<16xf32>
      %select_n3A_1686 = arith.select %ge3A_1683, %get3A_1554, %rev3A_1647 : vector<16xi1>, vector<16xi32>
      %select_n3A_1687 = arith.select %ge3A_1683, %rev3A_1647, %get3A_1554 : vector<16xi1>, vector<16xi32>
      %ge3A_1688 = arith.cmpf oge, %get3A_1524, %rev3A_1612 : vector<16xf32>
      %select_n3A_1689 = arith.select %ge3A_1688, %get3A_1524, %rev3A_1612 : vector<16xi1>, vector<16xf32>
      %select_n3A_1690 = arith.select %ge3A_1688, %rev3A_1612, %get3A_1524 : vector<16xi1>, vector<16xf32>
      %select_n3A_1691 = arith.select %ge3A_1688, %get3A_1556, %rev3A_1652 : vector<16xi1>, vector<16xi32>
      %select_n3A_1692 = arith.select %ge3A_1688, %rev3A_1652, %get3A_1556 : vector<16xi1>, vector<16xi32>
      %ge3A_1693 = arith.cmpf oge, %select_n3A_1654, %select_n3A_1674 : vector<16xf32>
      %select_n3A_1694 = arith.select %ge3A_1693, %select_n3A_1654, %select_n3A_1674 : vector<16xi1>, vector<16xf32>
      %select_n3A_1695 = arith.select %ge3A_1693, %select_n3A_1674, %select_n3A_1654 : vector<16xi1>, vector<16xf32>
      %select_n3A_1696 = arith.select %ge3A_1693, %select_n3A_1656, %select_n3A_1676 : vector<16xi1>, vector<16xi32>
      %select_n3A_1697 = arith.select %ge3A_1693, %select_n3A_1676, %select_n3A_1656 : vector<16xi1>, vector<16xi32>
      %ge3A_1698 = arith.cmpf oge, %select_n3A_1659, %select_n3A_1679 : vector<16xf32>
      %select_n3A_1699 = arith.select %ge3A_1698, %select_n3A_1659, %select_n3A_1679 : vector<16xi1>, vector<16xf32>
      %select_n3A_1700 = arith.select %ge3A_1698, %select_n3A_1679, %select_n3A_1659 : vector<16xi1>, vector<16xf32>
      %select_n3A_1701 = arith.select %ge3A_1698, %select_n3A_1661, %select_n3A_1681 : vector<16xi1>, vector<16xi32>
      %select_n3A_1702 = arith.select %ge3A_1698, %select_n3A_1681, %select_n3A_1661 : vector<16xi1>, vector<16xi32>
      %ge3A_1703 = arith.cmpf oge, %select_n3A_1664, %select_n3A_1684 : vector<16xf32>
      %select_n3A_1704 = arith.select %ge3A_1703, %select_n3A_1664, %select_n3A_1684 : vector<16xi1>, vector<16xf32>
      %select_n3A_1705 = arith.select %ge3A_1703, %select_n3A_1684, %select_n3A_1664 : vector<16xi1>, vector<16xf32>
      %select_n3A_1706 = arith.select %ge3A_1703, %select_n3A_1666, %select_n3A_1686 : vector<16xi1>, vector<16xi32>
      %select_n3A_1707 = arith.select %ge3A_1703, %select_n3A_1686, %select_n3A_1666 : vector<16xi1>, vector<16xi32>
      %ge3A_1708 = arith.cmpf oge, %select_n3A_1669, %select_n3A_1689 : vector<16xf32>
      %select_n3A_1709 = arith.select %ge3A_1708, %select_n3A_1669, %select_n3A_1689 : vector<16xi1>, vector<16xf32>
      %select_n3A_1710 = arith.select %ge3A_1708, %select_n3A_1689, %select_n3A_1669 : vector<16xi1>, vector<16xf32>
      %select_n3A_1711 = arith.select %ge3A_1708, %select_n3A_1671, %select_n3A_1691 : vector<16xi1>, vector<16xi32>
      %select_n3A_1712 = arith.select %ge3A_1708, %select_n3A_1691, %select_n3A_1671 : vector<16xi1>, vector<16xi32>
      %ge3A_1713 = arith.cmpf oge, %select_n3A_1655, %select_n3A_1675 : vector<16xf32>
      %select_n3A_1714 = arith.select %ge3A_1713, %select_n3A_1655, %select_n3A_1675 : vector<16xi1>, vector<16xf32>
      %select_n3A_1715 = arith.select %ge3A_1713, %select_n3A_1675, %select_n3A_1655 : vector<16xi1>, vector<16xf32>
      %select_n3A_1716 = arith.select %ge3A_1713, %select_n3A_1657, %select_n3A_1677 : vector<16xi1>, vector<16xi32>
      %select_n3A_1717 = arith.select %ge3A_1713, %select_n3A_1677, %select_n3A_1657 : vector<16xi1>, vector<16xi32>
      %ge3A_1718 = arith.cmpf oge, %select_n3A_1660, %select_n3A_1680 : vector<16xf32>
      %select_n3A_1719 = arith.select %ge3A_1718, %select_n3A_1660, %select_n3A_1680 : vector<16xi1>, vector<16xf32>
      %select_n3A_1720 = arith.select %ge3A_1718, %select_n3A_1680, %select_n3A_1660 : vector<16xi1>, vector<16xf32>
      %select_n3A_1721 = arith.select %ge3A_1718, %select_n3A_1662, %select_n3A_1682 : vector<16xi1>, vector<16xi32>
      %select_n3A_1722 = arith.select %ge3A_1718, %select_n3A_1682, %select_n3A_1662 : vector<16xi1>, vector<16xi32>
      %ge3A_1723 = arith.cmpf oge, %select_n3A_1665, %select_n3A_1685 : vector<16xf32>
      %select_n3A_1724 = arith.select %ge3A_1723, %select_n3A_1665, %select_n3A_1685 : vector<16xi1>, vector<16xf32>
      %select_n3A_1725 = arith.select %ge3A_1723, %select_n3A_1685, %select_n3A_1665 : vector<16xi1>, vector<16xf32>
      %select_n3A_1726 = arith.select %ge3A_1723, %select_n3A_1667, %select_n3A_1687 : vector<16xi1>, vector<16xi32>
      %select_n3A_1727 = arith.select %ge3A_1723, %select_n3A_1687, %select_n3A_1667 : vector<16xi1>, vector<16xi32>
      %ge3A_1728 = arith.cmpf oge, %select_n3A_1670, %select_n3A_1690 : vector<16xf32>
      %select_n3A_1729 = arith.select %ge3A_1728, %select_n3A_1670, %select_n3A_1690 : vector<16xi1>, vector<16xf32>
      %select_n3A_1730 = arith.select %ge3A_1728, %select_n3A_1690, %select_n3A_1670 : vector<16xi1>, vector<16xf32>
      %select_n3A_1731 = arith.select %ge3A_1728, %select_n3A_1672, %select_n3A_1692 : vector<16xi1>, vector<16xi32>
      %select_n3A_1732 = arith.select %ge3A_1728, %select_n3A_1692, %select_n3A_1672 : vector<16xi1>, vector<16xi32>
      %ge3A_1733 = arith.cmpf oge, %select_n3A_1694, %select_n3A_1704 : vector<16xf32>
      %select_n3A_1734 = arith.select %ge3A_1733, %select_n3A_1694, %select_n3A_1704 : vector<16xi1>, vector<16xf32>
      %select_n3A_1735 = arith.select %ge3A_1733, %select_n3A_1704, %select_n3A_1694 : vector<16xi1>, vector<16xf32>
      %select_n3A_1736 = arith.select %ge3A_1733, %select_n3A_1696, %select_n3A_1706 : vector<16xi1>, vector<16xi32>
      %select_n3A_1737 = arith.select %ge3A_1733, %select_n3A_1706, %select_n3A_1696 : vector<16xi1>, vector<16xi32>
      %ge3A_1738 = arith.cmpf oge, %select_n3A_1699, %select_n3A_1709 : vector<16xf32>
      %select_n3A_1739 = arith.select %ge3A_1738, %select_n3A_1699, %select_n3A_1709 : vector<16xi1>, vector<16xf32>
      %select_n3A_1740 = arith.select %ge3A_1738, %select_n3A_1709, %select_n3A_1699 : vector<16xi1>, vector<16xf32>
      %select_n3A_1741 = arith.select %ge3A_1738, %select_n3A_1701, %select_n3A_1711 : vector<16xi1>, vector<16xi32>
      %select_n3A_1742 = arith.select %ge3A_1738, %select_n3A_1711, %select_n3A_1701 : vector<16xi1>, vector<16xi32>
      %ge3A_1743 = arith.cmpf oge, %select_n3A_1695, %select_n3A_1705 : vector<16xf32>
      %select_n3A_1744 = arith.select %ge3A_1743, %select_n3A_1695, %select_n3A_1705 : vector<16xi1>, vector<16xf32>
      %select_n3A_1745 = arith.select %ge3A_1743, %select_n3A_1705, %select_n3A_1695 : vector<16xi1>, vector<16xf32>
      %select_n3A_1746 = arith.select %ge3A_1743, %select_n3A_1697, %select_n3A_1707 : vector<16xi1>, vector<16xi32>
      %select_n3A_1747 = arith.select %ge3A_1743, %select_n3A_1707, %select_n3A_1697 : vector<16xi1>, vector<16xi32>
      %ge3A_1748 = arith.cmpf oge, %select_n3A_1700, %select_n3A_1710 : vector<16xf32>
      %select_n3A_1749 = arith.select %ge3A_1748, %select_n3A_1700, %select_n3A_1710 : vector<16xi1>, vector<16xf32>
      %select_n3A_1750 = arith.select %ge3A_1748, %select_n3A_1710, %select_n3A_1700 : vector<16xi1>, vector<16xf32>
      %select_n3A_1751 = arith.select %ge3A_1748, %select_n3A_1702, %select_n3A_1712 : vector<16xi1>, vector<16xi32>
      %select_n3A_1752 = arith.select %ge3A_1748, %select_n3A_1712, %select_n3A_1702 : vector<16xi1>, vector<16xi32>
      %ge3A_1753 = arith.cmpf oge, %select_n3A_1714, %select_n3A_1724 : vector<16xf32>
      %select_n3A_1754 = arith.select %ge3A_1753, %select_n3A_1714, %select_n3A_1724 : vector<16xi1>, vector<16xf32>
      %select_n3A_1755 = arith.select %ge3A_1753, %select_n3A_1724, %select_n3A_1714 : vector<16xi1>, vector<16xf32>
      %select_n3A_1756 = arith.select %ge3A_1753, %select_n3A_1716, %select_n3A_1726 : vector<16xi1>, vector<16xi32>
      %select_n3A_1757 = arith.select %ge3A_1753, %select_n3A_1726, %select_n3A_1716 : vector<16xi1>, vector<16xi32>
      %ge3A_1758 = arith.cmpf oge, %select_n3A_1719, %select_n3A_1729 : vector<16xf32>
      %select_n3A_1759 = arith.select %ge3A_1758, %select_n3A_1719, %select_n3A_1729 : vector<16xi1>, vector<16xf32>
      %select_n3A_1760 = arith.select %ge3A_1758, %select_n3A_1729, %select_n3A_1719 : vector<16xi1>, vector<16xf32>
      %select_n3A_1761 = arith.select %ge3A_1758, %select_n3A_1721, %select_n3A_1731 : vector<16xi1>, vector<16xi32>
      %select_n3A_1762 = arith.select %ge3A_1758, %select_n3A_1731, %select_n3A_1721 : vector<16xi1>, vector<16xi32>
      %ge3A_1763 = arith.cmpf oge, %select_n3A_1715, %select_n3A_1725 : vector<16xf32>
      %select_n3A_1764 = arith.select %ge3A_1763, %select_n3A_1715, %select_n3A_1725 : vector<16xi1>, vector<16xf32>
      %select_n3A_1765 = arith.select %ge3A_1763, %select_n3A_1725, %select_n3A_1715 : vector<16xi1>, vector<16xf32>
      %select_n3A_1766 = arith.select %ge3A_1763, %select_n3A_1717, %select_n3A_1727 : vector<16xi1>, vector<16xi32>
      %select_n3A_1767 = arith.select %ge3A_1763, %select_n3A_1727, %select_n3A_1717 : vector<16xi1>, vector<16xi32>
      %ge3A_1768 = arith.cmpf oge, %select_n3A_1720, %select_n3A_1730 : vector<16xf32>
      %select_n3A_1769 = arith.select %ge3A_1768, %select_n3A_1720, %select_n3A_1730 : vector<16xi1>, vector<16xf32>
      %select_n3A_1770 = arith.select %ge3A_1768, %select_n3A_1730, %select_n3A_1720 : vector<16xi1>, vector<16xf32>
      %select_n3A_1771 = arith.select %ge3A_1768, %select_n3A_1722, %select_n3A_1732 : vector<16xi1>, vector<16xi32>
      %select_n3A_1772 = arith.select %ge3A_1768, %select_n3A_1732, %select_n3A_1722 : vector<16xi1>, vector<16xi32>
      %ge3A_1773 = arith.cmpf oge, %select_n3A_1734, %select_n3A_1739 : vector<16xf32>
      %select_n3A_1774 = arith.select %ge3A_1773, %select_n3A_1734, %select_n3A_1739 : vector<16xi1>, vector<16xf32>
      %select_n3A_1775 = arith.select %ge3A_1773, %select_n3A_1739, %select_n3A_1734 : vector<16xi1>, vector<16xf32>
      %select_n3A_1776 = arith.select %ge3A_1773, %select_n3A_1736, %select_n3A_1741 : vector<16xi1>, vector<16xi32>
      %select_n3A_1777 = arith.select %ge3A_1773, %select_n3A_1741, %select_n3A_1736 : vector<16xi1>, vector<16xi32>
      %ge3A_1778 = arith.cmpf oge, %select_n3A_1735, %select_n3A_1740 : vector<16xf32>
      %select_n3A_1779 = arith.select %ge3A_1778, %select_n3A_1735, %select_n3A_1740 : vector<16xi1>, vector<16xf32>
      %select_n3A_1780 = arith.select %ge3A_1778, %select_n3A_1740, %select_n3A_1735 : vector<16xi1>, vector<16xf32>
      %select_n3A_1781 = arith.select %ge3A_1778, %select_n3A_1737, %select_n3A_1742 : vector<16xi1>, vector<16xi32>
      %select_n3A_1782 = arith.select %ge3A_1778, %select_n3A_1742, %select_n3A_1737 : vector<16xi1>, vector<16xi32>
      %ge3A_1783 = arith.cmpf oge, %select_n3A_1744, %select_n3A_1749 : vector<16xf32>
      %select_n3A_1784 = arith.select %ge3A_1783, %select_n3A_1744, %select_n3A_1749 : vector<16xi1>, vector<16xf32>
      %select_n3A_1785 = arith.select %ge3A_1783, %select_n3A_1749, %select_n3A_1744 : vector<16xi1>, vector<16xf32>
      %select_n3A_1786 = arith.select %ge3A_1783, %select_n3A_1746, %select_n3A_1751 : vector<16xi1>, vector<16xi32>
      %select_n3A_1787 = arith.select %ge3A_1783, %select_n3A_1751, %select_n3A_1746 : vector<16xi1>, vector<16xi32>
      %ge3A_1788 = arith.cmpf oge, %select_n3A_1745, %select_n3A_1750 : vector<16xf32>
      %select_n3A_1789 = arith.select %ge3A_1788, %select_n3A_1745, %select_n3A_1750 : vector<16xi1>, vector<16xf32>
      %select_n3A_1790 = arith.select %ge3A_1788, %select_n3A_1750, %select_n3A_1745 : vector<16xi1>, vector<16xf32>
      %select_n3A_1791 = arith.select %ge3A_1788, %select_n3A_1747, %select_n3A_1752 : vector<16xi1>, vector<16xi32>
      %select_n3A_1792 = arith.select %ge3A_1788, %select_n3A_1752, %select_n3A_1747 : vector<16xi1>, vector<16xi32>
      %ge3A_1793 = arith.cmpf oge, %select_n3A_1754, %select_n3A_1759 : vector<16xf32>
      %select_n3A_1794 = arith.select %ge3A_1793, %select_n3A_1754, %select_n3A_1759 : vector<16xi1>, vector<16xf32>
      %select_n3A_1795 = arith.select %ge3A_1793, %select_n3A_1759, %select_n3A_1754 : vector<16xi1>, vector<16xf32>
      %select_n3A_1796 = arith.select %ge3A_1793, %select_n3A_1756, %select_n3A_1761 : vector<16xi1>, vector<16xi32>
      %select_n3A_1797 = arith.select %ge3A_1793, %select_n3A_1761, %select_n3A_1756 : vector<16xi1>, vector<16xi32>
      %ge3A_1798 = arith.cmpf oge, %select_n3A_1755, %select_n3A_1760 : vector<16xf32>
      %select_n3A_1799 = arith.select %ge3A_1798, %select_n3A_1755, %select_n3A_1760 : vector<16xi1>, vector<16xf32>
      %select_n3A_1800 = arith.select %ge3A_1798, %select_n3A_1760, %select_n3A_1755 : vector<16xi1>, vector<16xf32>
      %select_n3A_1801 = arith.select %ge3A_1798, %select_n3A_1757, %select_n3A_1762 : vector<16xi1>, vector<16xi32>
      %select_n3A_1802 = arith.select %ge3A_1798, %select_n3A_1762, %select_n3A_1757 : vector<16xi1>, vector<16xi32>
      %ge3A_1803 = arith.cmpf oge, %select_n3A_1764, %select_n3A_1769 : vector<16xf32>
      %select_n3A_1804 = arith.select %ge3A_1803, %select_n3A_1764, %select_n3A_1769 : vector<16xi1>, vector<16xf32>
      %select_n3A_1805 = arith.select %ge3A_1803, %select_n3A_1769, %select_n3A_1764 : vector<16xi1>, vector<16xf32>
      %select_n3A_1806 = arith.select %ge3A_1803, %select_n3A_1766, %select_n3A_1771 : vector<16xi1>, vector<16xi32>
      %select_n3A_1807 = arith.select %ge3A_1803, %select_n3A_1771, %select_n3A_1766 : vector<16xi1>, vector<16xi32>
      %ge3A_1808 = arith.cmpf oge, %select_n3A_1765, %select_n3A_1770 : vector<16xf32>
      %select_n3A_1809 = arith.select %ge3A_1808, %select_n3A_1765, %select_n3A_1770 : vector<16xi1>, vector<16xf32>
      %select_n3A_1810 = arith.select %ge3A_1808, %select_n3A_1770, %select_n3A_1765 : vector<16xi1>, vector<16xf32>
      %select_n3A_1811 = arith.select %ge3A_1808, %select_n3A_1767, %select_n3A_1772 : vector<16xi1>, vector<16xi32>
      %select_n3A_1812 = arith.select %ge3A_1808, %select_n3A_1772, %select_n3A_1767 : vector<16xi1>, vector<16xi32>
      %masked_sort3A_1813 = arith.constant dense<true> : vector<16xi1>
      %masked_sort3A_1814, %masked_sort3A_1815, %masked_sort3A_1816 = tpu.sort %select_n3A_1774, %select_n3A_1776 masked %masked_sort3A_1813 {descending = true} : (vector<16xf32>, vector<16xi32>, vector<16xi1>) -> (vector<16xi1>, vector<16xf32>, vector<16xi32>)
      %swap3A_1817 = arith.constant 0 : index
      %swap3A_1818 = tpu.vector_load %arg10[%swap3A_1817] {strides = array<i32>} : memref<272xf32, #tpu.memory_space<vmem>>, vector<16xf32>,
      tpu.vector_store %arg10[%swap3A_1817], %masked_sort3A_1815 {strides = array<i32>} : memref<272xf32, #tpu.memory_space<vmem>>, vector<16xf32>,
      %swap3A_1819 = arith.constant 0 : index
      %swap3A_1820 = tpu.vector_load %arg11[%swap3A_1819] {strides = array<i32>} : memref<272xi32, #tpu.memory_space<vmem>>, vector<16xi32>,
      tpu.vector_store %arg11[%swap3A_1819], %masked_sort3A_1816 {strides = array<i32>} : memref<272xi32, #tpu.memory_space<vmem>>, vector<16xi32>,
      %masked_sort3A_1821 = arith.constant dense<true> : vector<16xi1>
      %masked_sort3A_1822, %masked_sort3A_1823, %masked_sort3A_1824 = tpu.sort %select_n3A_1775, %select_n3A_1777 masked %masked_sort3A_1821 {descending = true} : (vector<16xf32>, vector<16xi32>, vector<16xi1>) -> (vector<16xi1>, vector<16xf32>, vector<16xi32>)
      %swap3A_1825 = arith.constant 16 : index
      %swap3A_1826 = tpu.vector_load %arg10[%swap3A_1825] {strides = array<i32>} : memref<272xf32, #tpu.memory_space<vmem>>, vector<16xf32>,
      tpu.vector_store %arg10[%swap3A_1825], %masked_sort3A_1823 {strides = array<i32>} : memref<272xf32, #tpu.memory_space<vmem>>, vector<16xf32>,
      %swap3A_1827 = arith.constant 16 : index
      %swap3A_1828 = tpu.vector_load %arg11[%swap3A_1827] {strides = array<i32>} : memref<272xi32, #tpu.memory_space<vmem>>, vector<16xi32>,
      tpu.vector_store %arg11[%swap3A_1827], %masked_sort3A_1824 {strides = array<i32>} : memref<272xi32, #tpu.memory_space<vmem>>, vector<16xi32>,
      %masked_sort3A_1829 = arith.constant dense<true> : vector<16xi1>
      %masked_sort3A_1830, %masked_sort3A_1831, %masked_sort3A_1832 = tpu.sort %select_n3A_1779, %select_n3A_1781 masked %masked_sort3A_1829 {descending = true} : (vector<16xf32>, vector<16xi32>, vector<16xi1>) -> (vector<16xi1>, vector<16xf32>, vector<16xi32>)
      %swap3A_1833 = arith.constant 32 : index
      %swap3A_1834 = tpu.vector_load %arg10[%swap3A_1833] {strides = array<i32>} : memref<272xf32, #tpu.memory_space<vmem>>, vector<16xf32>,
      tpu.vector_store %arg10[%swap3A_1833], %masked_sort3A_1831 {strides = array<i32>} : memref<272xf32, #tpu.memory_space<vmem>>, vector<16xf32>,
      %swap3A_1835 = arith.constant 32 : index
      %swap3A_1836 = tpu.vector_load %arg11[%swap3A_1835] {strides = array<i32>} : memref<272xi32, #tpu.memory_space<vmem>>, vector<16xi32>,
      tpu.vector_store %arg11[%swap3A_1835], %masked_sort3A_1832 {strides = array<i32>} : memref<272xi32, #tpu.memory_space<vmem>>, vector<16xi32>,
      %masked_sort3A_1837 = arith.constant dense<true> : vector<16xi1>
      %masked_sort3A_1838, %masked_sort3A_1839, %masked_sort3A_1840 = tpu.sort %select_n3A_1780, %select_n3A_1782 masked %masked_sort3A_1837 {descending = true} : (vector<16xf32>, vector<16xi32>, vector<16xi1>) -> (vector<16xi1>, vector<16xf32>, vector<16xi32>)
      %swap3A_1841 = arith.constant 48 : index
      %swap3A_1842 = tpu.vector_load %arg10[%swap3A_1841] {strides = array<i32>} : memref<272xf32, #tpu.memory_space<vmem>>, vector<16xf32>,
      tpu.vector_store %arg10[%swap3A_1841], %masked_sort3A_1839 {strides = array<i32>} : memref<272xf32, #tpu.memory_space<vmem>>, vector<16xf32>,
      %swap3A_1843 = arith.constant 48 : index
      %swap3A_1844 = tpu.vector_load %arg11[%swap3A_1843] {strides = array<i32>} : memref<272xi32, #tpu.memory_space<vmem>>, vector<16xi32>,
      tpu.vector_store %arg11[%swap3A_1843], %masked_sort3A_1840 {strides = array<i32>} : memref<272xi32, #tpu.memory_space<vmem>>, vector<16xi32>,
      %masked_sort3A_1845 = arith.constant dense<true> : vector<16xi1>
      %masked_sort3A_1846, %masked_sort3A_1847, %masked_sort3A_1848 = tpu.sort %select_n3A_1784, %select_n3A_1786 masked %masked_sort3A_1845 {descending = true} : (vector<16xf32>, vector<16xi32>, vector<16xi1>) -> (vector<16xi1>, vector<16xf32>, vector<16xi32>)
      %swap3A_1849 = arith.constant 64 : index
      %swap3A_1850 = tpu.vector_load %arg10[%swap3A_1849] {strides = array<i32>} : memref<272xf32, #tpu.memory_space<vmem>>, vector<16xf32>,
      tpu.vector_store %arg10[%swap3A_1849], %masked_sort3A_1847 {strides = array<i32>} : memref<272xf32, #tpu.memory_space<vmem>>, vector<16xf32>,
      %swap3A_1851 = arith.constant 64 : index
      %swap3A_1852 = tpu.vector_load %arg11[%swap3A_1851] {strides = array<i32>} : memref<272xi32, #tpu.memory_space<vmem>>, vector<16xi32>,
      tpu.vector_store %arg11[%swap3A_1851], %masked_sort3A_1848 {strides = array<i32>} : memref<272xi32, #tpu.memory_space<vmem>>, vector<16xi32>,
      %masked_sort3A_1853 = arith.constant dense<true> : vector<16xi1>
      %masked_sort3A_1854, %masked_sort3A_1855, %masked_sort3A_1856 = tpu.sort %select_n3A_1785, %select_n3A_1787 masked %masked_sort3A_1853 {descending = true} : (vector<16xf32>, vector<16xi32>, vector<16xi1>) -> (vector<16xi1>, vector<16xf32>, vector<16xi32>)
      %swap3A_1857 = arith.constant 80 : index
      %swap3A_1858 = tpu.vector_load %arg10[%swap3A_1857] {strides = array<i32>} : memref<272xf32, #tpu.memory_space<vmem>>, vector<16xf32>,
      tpu.vector_store %arg10[%swap3A_1857], %masked_sort3A_1855 {strides = array<i32>} : memref<272xf32, #tpu.memory_space<vmem>>, vector<16xf32>,
      %swap3A_1859 = arith.constant 80 : index
      %swap3A_1860 = tpu.vector_load %arg11[%swap3A_1859] {strides = array<i32>} : memref<272xi32, #tpu.memory_space<vmem>>, vector<16xi32>,
      tpu.vector_store %arg11[%swap3A_1859], %masked_sort3A_1856 {strides = array<i32>} : memref<272xi32, #tpu.memory_space<vmem>>, vector<16xi32>,
      %masked_sort3A_1861 = arith.constant dense<true> : vector<16xi1>
      %masked_sort3A_1862, %masked_sort3A_1863, %masked_sort3A_1864 = tpu.sort %select_n3A_1789, %select_n3A_1791 masked %masked_sort3A_1861 {descending = true} : (vector<16xf32>, vector<16xi32>, vector<16xi1>) -> (vector<16xi1>, vector<16xf32>, vector<16xi32>)
      %swap3A_1865 = arith.constant 96 : index
      %swap3A_1866 = tpu.vector_load %arg10[%swap3A_1865] {strides = array<i32>} : memref<272xf32, #tpu.memory_space<vmem>>, vector<16xf32>,
      tpu.vector_store %arg10[%swap3A_1865], %masked_sort3A_1863 {strides = array<i32>} : memref<272xf32, #tpu.memory_space<vmem>>, vector<16xf32>,
      %swap3A_1867 = arith.constant 96 : index
      %swap3A_1868 = tpu.vector_load %arg11[%swap3A_1867] {strides = array<i32>} : memref<272xi32, #tpu.memory_space<vmem>>, vector<16xi32>,
      tpu.vector_store %arg11[%swap3A_1867], %masked_sort3A_1864 {strides = array<i32>} : memref<272xi32, #tpu.memory_space<vmem>>, vector<16xi32>,
      %masked_sort3A_1869 = arith.constant dense<true> : vector<16xi1>
      %masked_sort3A_1870, %masked_sort3A_1871, %masked_sort3A_1872 = tpu.sort %select_n3A_1790, %select_n3A_1792 masked %masked_sort3A_1869 {descending = true} : (vector<16xf32>, vector<16xi32>, vector<16xi1>) -> (vector<16xi1>, vector<16xf32>, vector<16xi32>)
      %swap3A_1873 = arith.constant 112 : index
      %swap3A_1874 = tpu.vector_load %arg10[%swap3A_1873] {strides = array<i32>} : memref<272xf32, #tpu.memory_space<vmem>>, vector<16xf32>,
      tpu.vector_store %arg10[%swap3A_1873], %masked_sort3A_1871 {strides = array<i32>} : memref<272xf32, #tpu.memory_space<vmem>>, vector<16xf32>,
      %swap3A_1875 = arith.constant 112 : index
      %swap3A_1876 = tpu.vector_load %arg11[%swap3A_1875] {strides = array<i32>} : memref<272xi32, #tpu.memory_space<vmem>>, vector<16xi32>,
      tpu.vector_store %arg11[%swap3A_1875], %masked_sort3A_1872 {strides = array<i32>} : memref<272xi32, #tpu.memory_space<vmem>>, vector<16xi32>,
      %masked_sort3A_1877 = arith.constant dense<true> : vector<16xi1>
      %masked_sort3A_1878, %masked_sort3A_1879, %masked_sort3A_1880 = tpu.sort %select_n3A_1794, %select_n3A_1796 masked %masked_sort3A_1877 {descending = true} : (vector<16xf32>, vector<16xi32>, vector<16xi1>) -> (vector<16xi1>, vector<16xf32>, vector<16xi32>)
      %swap3A_1881 = arith.constant 128 : index
      %swap3A_1882 = tpu.vector_load %arg10[%swap3A_1881] {strides = array<i32>} : memref<272xf32, #tpu.memory_space<vmem>>, vector<16xf32>,
      tpu.vector_store %arg10[%swap3A_1881], %masked_sort3A_1879 {strides = array<i32>} : memref<272xf32, #tpu.memory_space<vmem>>, vector<16xf32>,
      %swap3A_1883 = arith.constant 128 : index
      %swap3A_1884 = tpu.vector_load %arg11[%swap3A_1883] {strides = array<i32>} : memref<272xi32, #tpu.memory_space<vmem>>, vector<16xi32>,
      tpu.vector_store %arg11[%swap3A_1883], %masked_sort3A_1880 {strides = array<i32>} : memref<272xi32, #tpu.memory_space<vmem>>, vector<16xi32>,
      %masked_sort3A_1885 = arith.constant dense<true> : vector<16xi1>
      %masked_sort3A_1886, %masked_sort3A_1887, %masked_sort3A_1888 = tpu.sort %select_n3A_1795, %select_n3A_1797 masked %masked_sort3A_1885 {descending = true} : (vector<16xf32>, vector<16xi32>, vector<16xi1>) -> (vector<16xi1>, vector<16xf32>, vector<16xi32>)
      %swap3A_1889 = arith.constant 144 : index
      %swap3A_1890 = tpu.vector_load %arg10[%swap3A_1889] {strides = array<i32>} : memref<272xf32, #tpu.memory_space<vmem>>, vector<16xf32>,
      tpu.vector_store %arg10[%swap3A_1889], %masked_sort3A_1887 {strides = array<i32>} : memref<272xf32, #tpu.memory_space<vmem>>, vector<16xf32>,
      %swap3A_1891 = arith.constant 144 : index
      %swap3A_1892 = tpu.vector_load %arg11[%swap3A_1891] {strides = array<i32>} : memref<272xi32, #tpu.memory_space<vmem>>, vector<16xi32>,
      tpu.vector_store %arg11[%swap3A_1891], %masked_sort3A_1888 {strides = array<i32>} : memref<272xi32, #tpu.memory_space<vmem>>, vector<16xi32>,
      %masked_sort3A_1893 = arith.constant dense<true> : vector<16xi1>
      %masked_sort3A_1894, %masked_sort3A_1895, %masked_sort3A_1896 = tpu.sort %select_n3A_1799, %select_n3A_1801 masked %masked_sort3A_1893 {descending = true} : (vector<16xf32>, vector<16xi32>, vector<16xi1>) -> (vector<16xi1>, vector<16xf32>, vector<16xi32>)
      %swap3A_1897 = arith.constant 160 : index
      %swap3A_1898 = tpu.vector_load %arg10[%swap3A_1897] {strides = array<i32>} : memref<272xf32, #tpu.memory_space<vmem>>, vector<16xf32>,
      tpu.vector_store %arg10[%swap3A_1897], %masked_sort3A_1895 {strides = array<i32>} : memref<272xf32, #tpu.memory_space<vmem>>, vector<16xf32>,
      %swap3A_1899 = arith.constant 160 : index
      %swap3A_1900 = tpu.vector_load %arg11[%swap3A_1899] {strides = array<i32>} : memref<272xi32, #tpu.memory_space<vmem>>, vector<16xi32>,
      tpu.vector_store %arg11[%swap3A_1899], %masked_sort3A_1896 {strides = array<i32>} : memref<272xi32, #tpu.memory_space<vmem>>, vector<16xi32>,
      %masked_sort3A_1901 = arith.constant dense<true> : vector<16xi1>
      %masked_sort3A_1902, %masked_sort3A_1903, %masked_sort3A_1904 = tpu.sort %select_n3A_1800, %select_n3A_1802 masked %masked_sort3A_1901 {descending = true} : (vector<16xf32>, vector<16xi32>, vector<16xi1>) -> (vector<16xi1>, vector<16xf32>, vector<16xi32>)
      %swap3A_1905 = arith.constant 176 : index
      %swap3A_1906 = tpu.vector_load %arg10[%swap3A_1905] {strides = array<i32>} : memref<272xf32, #tpu.memory_space<vmem>>, vector<16xf32>,
      tpu.vector_store %arg10[%swap3A_1905], %masked_sort3A_1903 {strides = array<i32>} : memref<272xf32, #tpu.memory_space<vmem>>, vector<16xf32>,
      %swap3A_1907 = arith.constant 176 : index
      %swap3A_1908 = tpu.vector_load %arg11[%swap3A_1907] {strides = array<i32>} : memref<272xi32, #tpu.memory_space<vmem>>, vector<16xi32>,
      tpu.vector_store %arg11[%swap3A_1907], %masked_sort3A_1904 {strides = array<i32>} : memref<272xi32, #tpu.memory_space<vmem>>, vector<16xi32>,
      %masked_sort3A_1909 = arith.constant dense<true> : vector<16xi1>
      %masked_sort3A_1910, %masked_sort3A_1911, %masked_sort3A_1912 = tpu.sort %select_n3A_1804, %select_n3A_1806 masked %masked_sort3A_1909 {descending = true} : (vector<16xf32>, vector<16xi32>, vector<16xi1>) -> (vector<16xi1>, vector<16xf32>, vector<16xi32>)
      %swap3A_1913 = arith.constant 192 : index
      %swap3A_1914 = tpu.vector_load %arg10[%swap3A_1913] {strides = array<i32>} : memref<272xf32, #tpu.memory_space<vmem>>, vector<16xf32>,
      tpu.vector_store %arg10[%swap3A_1913], %masked_sort3A_1911 {strides = array<i32>} : memref<272xf32, #tpu.memory_space<vmem>>, vector<16xf32>,
      %swap3A_1915 = arith.constant 192 : index
      %swap3A_1916 = tpu.vector_load %arg11[%swap3A_1915] {strides = array<i32>} : memref<272xi32, #tpu.memory_space<vmem>>, vector<16xi32>,
      tpu.vector_store %arg11[%swap3A_1915], %masked_sort3A_1912 {strides = array<i32>} : memref<272xi32, #tpu.memory_space<vmem>>, vector<16xi32>,
      %masked_sort3A_1917 = arith.constant dense<true> : vector<16xi1>
      %masked_sort3A_1918, %masked_sort3A_1919, %masked_sort3A_1920 = tpu.sort %select_n3A_1805, %select_n3A_1807 masked %masked_sort3A_1917 {descending = true} : (vector<16xf32>, vector<16xi32>, vector<16xi1>) -> (vector<16xi1>, vector<16xf32>, vector<16xi32>)
      %swap3A_1921 = arith.constant 208 : index
      %swap3A_1922 = tpu.vector_load %arg10[%swap3A_1921] {strides = array<i32>} : memref<272xf32, #tpu.memory_space<vmem>>, vector<16xf32>,
      tpu.vector_store %arg10[%swap3A_1921], %masked_sort3A_1919 {strides = array<i32>} : memref<272xf32, #tpu.memory_space<vmem>>, vector<16xf32>,
      %swap3A_1923 = arith.constant 208 : index
      %swap3A_1924 = tpu.vector_load %arg11[%swap3A_1923] {strides = array<i32>} : memref<272xi32, #tpu.memory_space<vmem>>, vector<16xi32>,
      tpu.vector_store %arg11[%swap3A_1923], %masked_sort3A_1920 {strides = array<i32>} : memref<272xi32, #tpu.memory_space<vmem>>, vector<16xi32>,
      %masked_sort3A_1925 = arith.constant dense<true> : vector<16xi1>
      %masked_sort3A_1926, %masked_sort3A_1927, %masked_sort3A_1928 = tpu.sort %select_n3A_1809, %select_n3A_1811 masked %masked_sort3A_1925 {descending = true} : (vector<16xf32>, vector<16xi32>, vector<16xi1>) -> (vector<16xi1>, vector<16xf32>, vector<16xi32>)
      %swap3A_1929 = arith.constant 224 : index
      %swap3A_1930 = tpu.vector_load %arg10[%swap3A_1929] {strides = array<i32>} : memref<272xf32, #tpu.memory_space<vmem>>, vector<16xf32>,
      tpu.vector_store %arg10[%swap3A_1929], %masked_sort3A_1927 {strides = array<i32>} : memref<272xf32, #tpu.memory_space<vmem>>, vector<16xf32>,
      %swap3A_1931 = arith.constant 224 : index
      %swap3A_1932 = tpu.vector_load %arg11[%swap3A_1931] {strides = array<i32>} : memref<272xi32, #tpu.memory_space<vmem>>, vector<16xi32>,
      tpu.vector_store %arg11[%swap3A_1931], %masked_sort3A_1928 {strides = array<i32>} : memref<272xi32, #tpu.memory_space<vmem>>, vector<16xi32>,
      %masked_sort3A_1933 = arith.constant dense<true> : vector<16xi1>
      %masked_sort3A_1934, %masked_sort3A_1935, %masked_sort3A_1936 = tpu.sort %select_n3A_1810, %select_n3A_1812 masked %masked_sort3A_1933 {descending = true} : (vector<16xf32>, vector<16xi32>, vector<16xi1>) -> (vector<16xi1>, vector<16xf32>, vector<16xi32>)
      %swap3A_1937 = arith.constant 240 : index
      %swap3A_1938 = tpu.vector_load %arg10[%swap3A_1937] {strides = array<i32>} : memref<272xf32, #tpu.memory_space<vmem>>, vector<16xf32>,
      tpu.vector_store %arg10[%swap3A_1937], %masked_sort3A_1935 {strides = array<i32>} : memref<272xf32, #tpu.memory_space<vmem>>, vector<16xf32>,
      %swap3A_1939 = arith.constant 240 : index
      %swap3A_1940 = tpu.vector_load %arg11[%swap3A_1939] {strides = array<i32>} : memref<272xi32, #tpu.memory_space<vmem>>, vector<16xi32>,
      tpu.vector_store %arg11[%swap3A_1939], %masked_sort3A_1936 {strides = array<i32>} : memref<272xi32, #tpu.memory_space<vmem>>, vector<16xi32>,
      %get3A_1941 = arith.constant 0 : index
      %get3A_1942 = tpu.vector_load %arg11[%get3A_1941] {strides = array<i32>} : memref<272xi32, #tpu.memory_space<vmem>>, vector<16xi32>,
      %swap3A_1943 = arith.constant 0 : i32
      %swap3A_1944 = arith.index_cast %swap3A_1943 : i32 to index
      %swap3A_1945 = arith.constant 0 : index
      %swap3A_1946 = tpu.vector_load %arg12[%swap3A_1944, %swap3A_1945] {strides = array<i32>} : memref<2x128xi32, #tpu.memory_space<vmem>>, vector<16xi32>,
      tpu.vector_store %arg12[%swap3A_1944, %swap3A_1945], %get3A_1942 {strides = array<i32>} : memref<2x128xi32, #tpu.memory_space<vmem>>, vector<16xi32>,
      %get3A_1947 = arith.constant 16 : index
      %get3A_1948 = tpu.vector_load %arg11[%get3A_1947] {strides = array<i32>} : memref<272xi32, #tpu.memory_space<vmem>>, vector<16xi32>,
      %swap3A_1949 = arith.constant 0 : i32
      %swap3A_1950 = arith.index_cast %swap3A_1949 : i32 to index
      %swap3A_1951 = arith.constant 16 : index
      %swap3A_1952 = tpu.vector_load %arg12[%swap3A_1950, %swap3A_1951] {strides = array<i32>} : memref<2x128xi32, #tpu.memory_space<vmem>>, vector<16xi32>,
      tpu.vector_store %arg12[%swap3A_1950, %swap3A_1951], %get3A_1948 {strides = array<i32>} : memref<2x128xi32, #tpu.memory_space<vmem>>, vector<16xi32>,
      %get3A_1953 = arith.constant 32 : index
      %get3A_1954 = tpu.vector_load %arg11[%get3A_1953] {strides = array<i32>} : memref<272xi32, #tpu.memory_space<vmem>>, vector<16xi32>,
      %swap3A_1955 = arith.constant 0 : i32
      %swap3A_1956 = arith.index_cast %swap3A_1955 : i32 to index
      %swap3A_1957 = arith.constant 32 : index
      %swap3A_1958 = tpu.vector_load %arg12[%swap3A_1956, %swap3A_1957] {strides = array<i32>} : memref<2x128xi32, #tpu.memory_space<vmem>>, vector<16xi32>,
      tpu.vector_store %arg12[%swap3A_1956, %swap3A_1957], %get3A_1954 {strides = array<i32>} : memref<2x128xi32, #tpu.memory_space<vmem>>, vector<16xi32>,
      %get3A_1959 = arith.constant 48 : index
      %get3A_1960 = tpu.vector_load %arg11[%get3A_1959] {strides = array<i32>} : memref<272xi32, #tpu.memory_space<vmem>>, vector<16xi32>,
      %swap3A_1961 = arith.constant 0 : i32
      %swap3A_1962 = arith.index_cast %swap3A_1961 : i32 to index
      %swap3A_1963 = arith.constant 48 : index
      %swap3A_1964 = tpu.vector_load %arg12[%swap3A_1962, %swap3A_1963] {strides = array<i32>} : memref<2x128xi32, #tpu.memory_space<vmem>>, vector<16xi32>,
      tpu.vector_store %arg12[%swap3A_1962, %swap3A_1963], %get3A_1960 {strides = array<i32>} : memref<2x128xi32, #tpu.memory_space<vmem>>, vector<16xi32>,
      %get3A_1965 = arith.constant 64 : index
      %get3A_1966 = tpu.vector_load %arg11[%get3A_1965] {strides = array<i32>} : memref<272xi32, #tpu.memory_space<vmem>>, vector<16xi32>,
      %swap3A_1967 = arith.constant 0 : i32
      %swap3A_1968 = arith.index_cast %swap3A_1967 : i32 to index
      %swap3A_1969 = arith.constant 64 : index
      %swap3A_1970 = tpu.vector_load %arg12[%swap3A_1968, %swap3A_1969] {strides = array<i32>} : memref<2x128xi32, #tpu.memory_space<vmem>>, vector<16xi32>,
      tpu.vector_store %arg12[%swap3A_1968, %swap3A_1969], %get3A_1966 {strides = array<i32>} : memref<2x128xi32, #tpu.memory_space<vmem>>, vector<16xi32>,
      %get3A_1971 = arith.constant 80 : index
      %get3A_1972 = tpu.vector_load %arg11[%get3A_1971] {strides = array<i32>} : memref<272xi32, #tpu.memory_space<vmem>>, vector<16xi32>,
      %swap3A_1973 = arith.constant 0 : i32
      %swap3A_1974 = arith.index_cast %swap3A_1973 : i32 to index
      %swap3A_1975 = arith.constant 80 : index
      %swap3A_1976 = tpu.vector_load %arg12[%swap3A_1974, %swap3A_1975] {strides = array<i32>} : memref<2x128xi32, #tpu.memory_space<vmem>>, vector<16xi32>,
      tpu.vector_store %arg12[%swap3A_1974, %swap3A_1975], %get3A_1972 {strides = array<i32>} : memref<2x128xi32, #tpu.memory_space<vmem>>, vector<16xi32>,
      %get3A_1977 = arith.constant 96 : index
      %get3A_1978 = tpu.vector_load %arg11[%get3A_1977] {strides = array<i32>} : memref<272xi32, #tpu.memory_space<vmem>>, vector<16xi32>,
      %swap3A_1979 = arith.constant 0 : i32
      %swap3A_1980 = arith.index_cast %swap3A_1979 : i32 to index
      %swap3A_1981 = arith.constant 96 : index
      %swap3A_1982 = tpu.vector_load %arg12[%swap3A_1980, %swap3A_1981] {strides = array<i32>} : memref<2x128xi32, #tpu.memory_space<vmem>>, vector<16xi32>,
      tpu.vector_store %arg12[%swap3A_1980, %swap3A_1981], %get3A_1978 {strides = array<i32>} : memref<2x128xi32, #tpu.memory_space<vmem>>, vector<16xi32>,
      %get3A_1983 = arith.constant 112 : index
      %get3A_1984 = tpu.vector_load %arg11[%get3A_1983] {strides = array<i32>} : memref<272xi32, #tpu.memory_space<vmem>>, vector<16xi32>,
      %swap3A_1985 = arith.constant 0 : i32
      %swap3A_1986 = arith.index_cast %swap3A_1985 : i32 to index
      %swap3A_1987 = arith.constant 112 : index
      %swap3A_1988 = tpu.vector_load %arg12[%swap3A_1986, %swap3A_1987] {strides = array<i32>} : memref<2x128xi32, #tpu.memory_space<vmem>>, vector<16xi32>,
      tpu.vector_store %arg12[%swap3A_1986, %swap3A_1987], %get3A_1984 {strides = array<i32>} : memref<2x128xi32, #tpu.memory_space<vmem>>, vector<16xi32>,
      %get3A_1989 = arith.constant 128 : index
      %get3A_1990 = tpu.vector_load %arg11[%get3A_1989] {strides = array<i32>} : memref<272xi32, #tpu.memory_space<vmem>>, vector<16xi32>,
      %swap3A_1991 = arith.constant 1 : i32
      %swap3A_1992 = arith.index_cast %swap3A_1991 : i32 to index
      %swap3A_1993 = arith.constant 0 : index
      %swap3A_1994 = tpu.vector_load %arg12[%swap3A_1992, %swap3A_1993] {strides = array<i32>} : memref<2x128xi32, #tpu.memory_space<vmem>>, vector<16xi32>,
      tpu.vector_store %arg12[%swap3A_1992, %swap3A_1993], %get3A_1990 {strides = array<i32>} : memref<2x128xi32, #tpu.memory_space<vmem>>, vector<16xi32>,
      %get3A_1995 = arith.constant 144 : index
      %get3A_1996 = tpu.vector_load %arg11[%get3A_1995] {strides = array<i32>} : memref<272xi32, #tpu.memory_space<vmem>>, vector<16xi32>,
      %swap3A_1997 = arith.constant 1 : i32
      %swap3A_1998 = arith.index_cast %swap3A_1997 : i32 to index
      %swap3A_1999 = arith.constant 16 : index
      %swap3A_2000 = tpu.vector_load %arg12[%swap3A_1998, %swap3A_1999] {strides = array<i32>} : memref<2x128xi32, #tpu.memory_space<vmem>>, vector<16xi32>,
      tpu.vector_store %arg12[%swap3A_1998, %swap3A_1999], %get3A_1996 {strides = array<i32>} : memref<2x128xi32, #tpu.memory_space<vmem>>, vector<16xi32>,
      %get3A_2001 = arith.constant 160 : index
      %get3A_2002 = tpu.vector_load %arg11[%get3A_2001] {strides = array<i32>} : memref<272xi32, #tpu.memory_space<vmem>>, vector<16xi32>,
      %swap3A_2003 = arith.constant 1 : i32
      %swap3A_2004 = arith.index_cast %swap3A_2003 : i32 to index
      %swap3A_2005 = arith.constant 32 : index
      %swap3A_2006 = tpu.vector_load %arg12[%swap3A_2004, %swap3A_2005] {strides = array<i32>} : memref<2x128xi32, #tpu.memory_space<vmem>>, vector<16xi32>,
      tpu.vector_store %arg12[%swap3A_2004, %swap3A_2005], %get3A_2002 {strides = array<i32>} : memref<2x128xi32, #tpu.memory_space<vmem>>, vector<16xi32>,
      %get3A_2007 = arith.constant 176 : index
      %get3A_2008 = tpu.vector_load %arg11[%get3A_2007] {strides = array<i32>} : memref<272xi32, #tpu.memory_space<vmem>>, vector<16xi32>,
      %swap3A_2009 = arith.constant 1 : i32
      %swap3A_2010 = arith.index_cast %swap3A_2009 : i32 to index
      %swap3A_2011 = arith.constant 48 : index
      %swap3A_2012 = tpu.vector_load %arg12[%swap3A_2010, %swap3A_2011] {strides = array<i32>} : memref<2x128xi32, #tpu.memory_space<vmem>>, vector<16xi32>,
      tpu.vector_store %arg12[%swap3A_2010, %swap3A_2011], %get3A_2008 {strides = array<i32>} : memref<2x128xi32, #tpu.memory_space<vmem>>, vector<16xi32>,
      %get3A_2013 = arith.constant 192 : index
      %get3A_2014 = tpu.vector_load %arg11[%get3A_2013] {strides = array<i32>} : memref<272xi32, #tpu.memory_space<vmem>>, vector<16xi32>,
      %swap3A_2015 = arith.constant 1 : i32
      %swap3A_2016 = arith.index_cast %swap3A_2015 : i32 to index
      %swap3A_2017 = arith.constant 64 : index
      %swap3A_2018 = tpu.vector_load %arg12[%swap3A_2016, %swap3A_2017] {strides = array<i32>} : memref<2x128xi32, #tpu.memory_space<vmem>>, vector<16xi32>,
      tpu.vector_store %arg12[%swap3A_2016, %swap3A_2017], %get3A_2014 {strides = array<i32>} : memref<2x128xi32, #tpu.memory_space<vmem>>, vector<16xi32>,
      %get3A_2019 = arith.constant 208 : index
      %get3A_2020 = tpu.vector_load %arg11[%get3A_2019] {strides = array<i32>} : memref<272xi32, #tpu.memory_space<vmem>>, vector<16xi32>,
      %swap3A_2021 = arith.constant 1 : i32
      %swap3A_2022 = arith.index_cast %swap3A_2021 : i32 to index
      %swap3A_2023 = arith.constant 80 : index
      %swap3A_2024 = tpu.vector_load %arg12[%swap3A_2022, %swap3A_2023] {strides = array<i32>} : memref<2x128xi32, #tpu.memory_space<vmem>>, vector<16xi32>,
      tpu.vector_store %arg12[%swap3A_2022, %swap3A_2023], %get3A_2020 {strides = array<i32>} : memref<2x128xi32, #tpu.memory_space<vmem>>, vector<16xi32>,
      %get3A_2025 = arith.constant 224 : index
      %get3A_2026 = tpu.vector_load %arg11[%get3A_2025] {strides = array<i32>} : memref<272xi32, #tpu.memory_space<vmem>>, vector<16xi32>,
      %swap3A_2027 = arith.constant 1 : i32
      %swap3A_2028 = arith.index_cast %swap3A_2027 : i32 to index
      %swap3A_2029 = arith.constant 96 : index
      %swap3A_2030 = tpu.vector_load %arg12[%swap3A_2028, %swap3A_2029] {strides = array<i32>} : memref<2x128xi32, #tpu.memory_space<vmem>>, vector<16xi32>,
      tpu.vector_store %arg12[%swap3A_2028, %swap3A_2029], %get3A_2026 {strides = array<i32>} : memref<2x128xi32, #tpu.memory_space<vmem>>, vector<16xi32>,
      %get3A_2031 = arith.constant 240 : index
      %get3A_2032 = tpu.vector_load %arg11[%get3A_2031] {strides = array<i32>} : memref<272xi32, #tpu.memory_space<vmem>>, vector<16xi32>,
      %swap3A_2033 = arith.constant 1 : i32
      %swap3A_2034 = arith.index_cast %swap3A_2033 : i32 to index
      %swap3A_2035 = arith.constant 112 : index
      %swap3A_2036 = tpu.vector_load %arg12[%swap3A_2034, %swap3A_2035] {strides = array<i32>} : memref<2x128xi32, #tpu.memory_space<vmem>>, vector<16xi32>,
      tpu.vector_store %arg12[%swap3A_2034, %swap3A_2035], %get3A_2032 {strides = array<i32>} : memref<2x128xi32, #tpu.memory_space<vmem>>, vector<16xi32>,
      %dma_start3A = arith.constant 0 : i32
      %dma_start3A_2037 = arith.constant 0 : i32
      %dma_start3A_2038 = arith.constant 0 : i32
      %dma_start3A_2039 = tpu.memref_slice %arg13[%dma_start3A_2037, %dma_start3A_2038] : memref<256x128xf32, #tpu.memory_space<vmem>> -> memref<128x128xf32, #tpu.memory_space<vmem>>
      %dma_start3A_2040 = arith.constant 0 : i32
      %dma_start3A_2041 = tpu.memref_slice %arg12[%dma_start3A, %dma_start3A_2040] : memref<2x128xi32, #tpu.memory_space<vmem>> -> memref<1x128xi32, #tpu.memory_space<vmem>>
      %dma_start3A_2042 = tpu.memref_squeeze %dma_start3A_2041 : memref<1x128xi32, #tpu.memory_space<vmem>> -> memref<128xi32, #tpu.memory_space<vmem>>
      %dma_start3A_2043 = arith.constant 0 : i32
      %dma_start3A_2044 = arith.constant 0 : i32
      %dma_start3A_2045 = tpu.memref_slice %arg3[%dma_start3A_2043, %dma_start3A_2044] : memref<8192x128xf32, #tpu.memory_space<hbm>> -> memref<8192x128xf32, #tpu.memory_space<hbm>>
      tpu.enqueue_indirect_dma source(%dma_start3A_2045 : memref<8192x128xf32, #tpu.memory_space<hbm>>) target(%dma_start3A_2039 : memref<128x128xf32, #tpu.memory_space<vmem>>) offsets(%dma_start3A_2042 : memref<128xi32, #tpu.memory_space<vmem>>) semaphore(%arg14 : memref<!tpu.dma_semaphore, #tpu.memory_space<semaphore_mem>>)
      %dma_start3A_2046 = arith.constant 1 : i32
      %dma_start3A_2047 = arith.constant 128 : i32
      %dma_start3A_2048 = arith.constant 0 : i32
      %dma_start3A_2049 = tpu.memref_slice %arg13[%dma_start3A_2047, %dma_start3A_2048] : memref<256x128xf32, #tpu.memory_space<vmem>> -> memref<128x128xf32, #tpu.memory_space<vmem>>
      %dma_start3A_2050 = arith.constant 0 : i32
      %dma_start3A_2051 = tpu.memref_slice %arg12[%dma_start3A_2046, %dma_start3A_2050] : memref<2x128xi32, #tpu.memory_space<vmem>> -> memref<1x128xi32, #tpu.memory_space<vmem>>
      %dma_start3A_2052 = tpu.memref_squeeze %dma_start3A_2051 : memref<1x128xi32, #tpu.memory_space<vmem>> -> memref<128xi32, #tpu.memory_space<vmem>>
      %dma_start3A_2053 = arith.constant 0 : i32
      %dma_start3A_2054 = arith.constant 0 : i32
      %dma_start3A_2055 = tpu.memref_slice %arg3[%dma_start3A_2053, %dma_start3A_2054] : memref<8192x128xf32, #tpu.memory_space<hbm>> -> memref<8192x128xf32, #tpu.memory_space<hbm>>
      tpu.enqueue_indirect_dma source(%dma_start3A_2055 : memref<8192x128xf32, #tpu.memory_space<hbm>>) target(%dma_start3A_2049 : memref<128x128xf32, #tpu.memory_space<vmem>>) offsets(%dma_start3A_2052 : memref<128xi32, #tpu.memory_space<vmem>>) semaphore(%arg14 : memref<!tpu.dma_semaphore, #tpu.memory_space<semaphore_mem>>)
      %dma_wait3A = arith.constant 0 : i32
      %dma_wait3A_2056 = arith.constant 0 : i32
      %dma_wait3A_2057 = arith.constant 0 : i32
      %dma_wait3A_2058 = tpu.memref_slice %arg13[%dma_wait3A_2056, %dma_wait3A_2057] : memref<256x128xf32, #tpu.memory_space<vmem>> -> memref<128x128xf32, #tpu.memory_space<vmem>>
      %dma_wait3A_2059 = arith.constant 0 : i32
      %dma_wait3A_2060 = tpu.memref_slice %arg12[%dma_wait3A, %dma_wait3A_2059] : memref<2x128xi32, #tpu.memory_space<vmem>> -> memref<1x128xi32, #tpu.memory_space<vmem>>
      %dma_wait3A_2061 = tpu.memref_squeeze %dma_wait3A_2060 : memref<1x128xi32, #tpu.memory_space<vmem>> -> memref<128xi32, #tpu.memory_space<vmem>>
      %dma_wait3A_2062 = arith.constant 0 : i32
      %dma_wait3A_2063 = arith.constant 0 : i32
      %dma_wait3A_2064 = tpu.memref_slice %arg3[%dma_wait3A_2062, %dma_wait3A_2063] : memref<8192x128xf32, #tpu.memory_space<hbm>> -> memref<8192x128xf32, #tpu.memory_space<hbm>>
      tpu.wait_indirect_dma semaphore(%arg14 : memref<!tpu.dma_semaphore, #tpu.memory_space<semaphore_mem>>) src(%dma_wait3A_2064 : memref<8192x128xf32, #tpu.memory_space<hbm>>) dst(%dma_wait3A_2058 : memref<128x128xf32, #tpu.memory_space<vmem>>)
      %dma_wait3A_2065 = arith.constant 1 : i32
      %dma_wait3A_2066 = arith.constant 128 : i32
      %dma_wait3A_2067 = arith.constant 0 : i32
      %dma_wait3A_2068 = tpu.memref_slice %arg13[%dma_wait3A_2066, %dma_wait3A_2067] : memref<256x128xf32, #tpu.memory_space<vmem>> -> memref<128x128xf32, #tpu.memory_space<vmem>>
      %dma_wait3A_2069 = arith.constant 0 : i32
      %dma_wait3A_2070 = tpu.memref_slice %arg12[%dma_wait3A_2065, %dma_wait3A_2069] : memref<2x128xi32, #tpu.memory_space<vmem>> -> memref<1x128xi32, #tpu.memory_space<vmem>>
      %dma_wait3A_2071 = tpu.memref_squeeze %dma_wait3A_2070 : memref<1x128xi32, #tpu.memory_space<vmem>> -> memref<128xi32, #tpu.memory_space<vmem>>
      %dma_wait3A_2072 = arith.constant 0 : i32
      %dma_wait3A_2073 = arith.constant 0 : i32
      %dma_wait3A_2074 = tpu.memref_slice %arg3[%dma_wait3A_2072, %dma_wait3A_2073] : memref<8192x128xf32, #tpu.memory_space<hbm>> -> memref<8192x128xf32, #tpu.memory_space<hbm>>
      tpu.wait_indirect_dma semaphore(%arg14 : memref<!tpu.dma_semaphore, #tpu.memory_space<semaphore_mem>>) src(%dma_wait3A_2074 : memref<8192x128xf32, #tpu.memory_space<hbm>>) dst(%dma_wait3A_2068 : memref<128x128xf32, #tpu.memory_space<vmem>>)
      "tpu.region"() ({
        %run_scoped3A = tpu.sem_alloc : memref<!tpu.dma_semaphore, #tpu.memory_space<semaphore_mem>>
        %dma_start3A_2076 = arith.constant 0 : i32
        %dma_start3A_2077 = tpu.memref_slice %arg10[%dma_start3A_2076] : memref<272xf32, #tpu.memory_space<vmem>> -> memref<256xf32, #tpu.memory_space<vmem>>
        %dma_start3A_2078 = arith.constant 0 : i32
        %dma_start3A_2079 = tpu.memref_slice %arg4[%add3A_11, %dma_start3A_2078] : memref<64x256xf32, #tpu.memory_space<hbm>> -> memref<1x256xf32, #tpu.memory_space<hbm>>
        %dma_start3A_2080 = tpu.memref_squeeze %dma_start3A_2079 : memref<1x256xf32, #tpu.memory_space<hbm>> -> memref<256xf32, #tpu.memory_space<hbm>>
        %dma_start3A_2081 = arith.constant 0 : i32
        %dma_start3A_2082 = tpu.memref_slice %arg4[%add3A_11, %dma_start3A_2081] : memref<64x256xf32, #tpu.memory_space<hbm>> -> memref<1x256xf32, #tpu.memory_space<hbm>>
        %dma_start3A_2083 = tpu.memref_squeeze %dma_start3A_2082 : memref<1x256xf32, #tpu.memory_space<hbm>> -> memref<256xf32, #tpu.memory_space<hbm>>
        %dma_start3A_2084 = arith.constant 0 : i32
        %dma_start3A_2085 = tpu.memref_slice %arg10[%dma_start3A_2084] : memref<272xf32, #tpu.memory_space<vmem>> -> memref<256xf32, #tpu.memory_space<vmem>>
        tpu.enqueue_dma source(%dma_start3A_2085 : memref<256xf32, #tpu.memory_space<vmem>>) target(%dma_start3A_2083 : memref<256xf32, #tpu.memory_space<hbm>>) target_semaphore(%run_scoped3A : memref<!tpu.dma_semaphore, #tpu.memory_space<semaphore_mem>>)
        %dma_wait3A_2086 = arith.constant 0 : i32
        %dma_wait3A_2087 = tpu.memref_slice %arg10[%dma_wait3A_2086] : memref<272xf32, #tpu.memory_space<vmem>> -> memref<256xf32, #tpu.memory_space<vmem>>
        %dma_wait3A_2088 = arith.constant 0 : i32
        %dma_wait3A_2089 = tpu.memref_slice %arg4[%add3A_11, %dma_wait3A_2088] : memref<64x256xf32, #tpu.memory_space<hbm>> -> memref<1x256xf32, #tpu.memory_space<hbm>>
        %dma_wait3A_2090 = tpu.memref_squeeze %dma_wait3A_2089 : memref<1x256xf32, #tpu.memory_space<hbm>> -> memref<256xf32, #tpu.memory_space<hbm>>
        %dma_wait3A_2091 = arith.constant 0 : i32
        %dma_wait3A_2092 = tpu.memref_slice %arg4[%add3A_11, %dma_wait3A_2091] : memref<64x256xf32, #tpu.memory_space<hbm>> -> memref<1x256xf32, #tpu.memory_space<hbm>>
        %dma_wait3A_2093 = tpu.memref_squeeze %dma_wait3A_2092 : memref<1x256xf32, #tpu.memory_space<hbm>> -> memref<256xf32, #tpu.memory_space<hbm>>
        %dma_wait3A_2094 = arith.constant 0 : i32
        %dma_wait3A_2095 = tpu.memref_slice %arg10[%dma_wait3A_2094] : memref<272xf32, #tpu.memory_space<vmem>> -> memref<256xf32, #tpu.memory_space<vmem>>
        tpu.wait_dma2 semaphore(%run_scoped3A : memref<!tpu.dma_semaphore, #tpu.memory_space<semaphore_mem>>) src(%dma_wait3A_2095 : memref<256xf32, #tpu.memory_space<vmem>>) dst(%dma_wait3A_2093 : memref<256xf32, #tpu.memory_space<hbm>>)
        tpu.yield
      }) : () -> ()
      "tpu.region"() ({
        %run_scoped3A = tpu.sem_alloc : memref<!tpu.dma_semaphore, #tpu.memory_space<semaphore_mem>>
        %dma_start3A_2076 = arith.constant 0 : i32
        %dma_start3A_2077 = arith.constant 0 : i32
        %dma_start3A_2078 = tpu.memref_slice %arg5[%add3A_11, %dma_start3A_2076, %dma_start3A_2077] : memref<64x256x128xf32, #tpu.memory_space<hbm>> -> memref<1x256x128xf32, #tpu.memory_space<hbm>>
        %dma_start3A_2079 = tpu.memref_squeeze %dma_start3A_2078 : memref<1x256x128xf32, #tpu.memory_space<hbm>> -> memref<256x128xf32, #tpu.memory_space<hbm>>
        %dma_start3A_2080 = arith.constant 0 : i32
        %dma_start3A_2081 = arith.constant 0 : i32
        %dma_start3A_2082 = tpu.memref_slice %arg5[%add3A_11, %dma_start3A_2080, %dma_start3A_2081] : memref<64x256x128xf32, #tpu.memory_space<hbm>> -> memref<1x256x128xf32, #tpu.memory_space<hbm>>
        %dma_start3A_2083 = tpu.memref_squeeze %dma_start3A_2082 : memref<1x256x128xf32, #tpu.memory_space<hbm>> -> memref<256x128xf32, #tpu.memory_space<hbm>>
        tpu.enqueue_dma source(%arg13 : memref<256x128xf32, #tpu.memory_space<vmem>>) target(%dma_start3A_2083 : memref<256x128xf32, #tpu.memory_space<hbm>>) target_semaphore(%run_scoped3A : memref<!tpu.dma_semaphore, #tpu.memory_space<semaphore_mem>>)
        %dma_wait3A_2084 = arith.constant 0 : i32
        %dma_wait3A_2085 = arith.constant 0 : i32
        %dma_wait3A_2086 = tpu.memref_slice %arg5[%add3A_11, %dma_wait3A_2084, %dma_wait3A_2085] : memref<64x256x128xf32, #tpu.memory_space<hbm>> -> memref<1x256x128xf32, #tpu.memory_space<hbm>>
        %dma_wait3A_2087 = tpu.memref_squeeze %dma_wait3A_2086 : memref<1x256x128xf32, #tpu.memory_space<hbm>> -> memref<256x128xf32, #tpu.memory_space<hbm>>
        %dma_wait3A_2088 = arith.constant 0 : i32
        %dma_wait3A_2089 = arith.constant 0 : i32
        %dma_wait3A_2090 = tpu.memref_slice %arg5[%add3A_11, %dma_wait3A_2088, %dma_wait3A_2089] : memref<64x256x128xf32, #tpu.memory_space<hbm>> -> memref<1x256x128xf32, #tpu.memory_space<hbm>>
        %dma_wait3A_2091 = tpu.memref_squeeze %dma_wait3A_2090 : memref<1x256x128xf32, #tpu.memory_space<hbm>> -> memref<256x128xf32, #tpu.memory_space<hbm>>
        tpu.wait_dma2 semaphore(%run_scoped3A : memref<!tpu.dma_semaphore, #tpu.memory_space<semaphore_mem>>) src(%arg13 : memref<256x128xf32, #tpu.memory_space<vmem>>) dst(%dma_wait3A_2091 : memref<256x128xf32, #tpu.memory_space<hbm>>)
        tpu.yield
      }) : () -> ()
      %scan3A_2075 = arith.constant 0 : i32
      scf.yield %scan3A_2075 : i32
    }
    %scan3A_6 = arith.constant 2 : i32
    return
  }
}

module attributes {stable_mosaic.version = 14 : i64} {
  func.func @_head_body(%arg0: memref<64x1024xf32, #tpu.memory_space<vmem>>, %arg1: memref<1024x1024xf32, #tpu.memory_space<vmem>>, %arg2: memref<1x1024xf32, #tpu.memory_space<vmem>>, %arg3: memref<1024x1024xf32, #tpu.memory_space<vmem>>, %arg4: memref<1x1024xf32, #tpu.memory_space<vmem>>, %arg5: memref<1024x1024xf32, #tpu.memory_space<vmem>>, %arg6: memref<1x1024xf32, #tpu.memory_space<vmem>>, %arg7: memref<1024x64xf32, #tpu.memory_space<vmem>>, %arg8: memref<1x64xf32, #tpu.memory_space<vmem>>, %arg9: memref<8192x64xf32, #tpu.memory_space<vmem>>, %arg10: memref<1024x1152xf32, #tpu.memory_space<vmem>>, %arg11: memref<1x1152xf32, #tpu.memory_space<vmem>>, %arg12: memref<64x8192xf32, #tpu.memory_space<vmem>>, %arg13: memref<64x1152xf32, #tpu.memory_space<vmem>>) attributes {dimension_semantics = [], scalar_prefetch = 0 : i64, scratch_operands = 0 : i64, tpu.core_type = #tpu.core_type<tc>} {
    %get3A = arith.constant 0 : index
    %get3A_0 = arith.constant 0 : index
    %get3A_1 = vector.load %arg0[%get3A, %get3A_0] : memref<64x1024xf32, #tpu.memory_space<vmem>>, vector<64x1024xf32>
    %get3A_2 = arith.constant 0 : index
    %get3A_3 = arith.constant 0 : index
    %get3A_4 = vector.load %arg1[%get3A_2, %get3A_3] : memref<1024x1024xf32, #tpu.memory_space<vmem>>, vector<1024x1024xf32>
    %dot_general3A = arith.constant dense<0.000000e+00> : vector<64x1024xf32>
    %dot_general3A_5 = tpu.matmul %get3A_1, %get3A_4, %dot_general3A {dimension_numbers = #tpu.dot_dimension_numbers<[1], [0], [0], [1], [0, 0, 1, 1], [], []>, transpose_lhs_hint = false} : vector<64x1024xf32>, vector<1024x1024xf32>, vector<64x1024xf32> -> vector<64x1024xf32>
    %get3A_6 = arith.constant 0 : index
    %get3A_7 = arith.constant 0 : index
    %get3A_8 = vector.load %arg2[%get3A_6, %get3A_7] : memref<1x1024xf32, #tpu.memory_space<vmem>>, vector<1x1024xf32>
    %add3A = vector.broadcast %get3A_8 : vector<1x1024xf32> to vector<64x1024xf32>
    %add3A_9 = arith.addf %dot_general3A_5, %add3A : vector<64x1024xf32>
    %max3A = arith.constant 0.000000e+00 : f32
    %max3A_10 = vector.broadcast %max3A : f32 to vector<64x1024xf32>
    %max3A_11 = arith.maximumf %add3A_9, %max3A_10 : vector<64x1024xf32>
    %get3A_12 = arith.constant 0 : index
    %get3A_13 = arith.constant 0 : index
    %get3A_14 = vector.load %arg3[%get3A_12, %get3A_13] : memref<1024x1024xf32, #tpu.memory_space<vmem>>, vector<1024x1024xf32>
    %dot_general3A_15 = arith.constant dense<0.000000e+00> : vector<64x1024xf32>
    %dot_general3A_16 = tpu.matmul %max3A_11, %get3A_14, %dot_general3A_15 {dimension_numbers = #tpu.dot_dimension_numbers<[1], [0], [0], [1], [0, 0, 1, 1], [], []>, transpose_lhs_hint = false} : vector<64x1024xf32>, vector<1024x1024xf32>, vector<64x1024xf32> -> vector<64x1024xf32>
    %get3A_17 = arith.constant 0 : index
    %get3A_18 = arith.constant 0 : index
    %get3A_19 = vector.load %arg4[%get3A_17, %get3A_18] : memref<1x1024xf32, #tpu.memory_space<vmem>>, vector<1x1024xf32>
    %add3A_20 = vector.broadcast %get3A_19 : vector<1x1024xf32> to vector<64x1024xf32>
    %add3A_21 = arith.addf %dot_general3A_16, %add3A_20 : vector<64x1024xf32>
    %max3A_22 = arith.constant 0.000000e+00 : f32
    %max3A_23 = vector.broadcast %max3A_22 : f32 to vector<64x1024xf32>
    %max3A_24 = arith.maximumf %add3A_21, %max3A_23 : vector<64x1024xf32>
    %get3A_25 = arith.constant 0 : index
    %get3A_26 = arith.constant 0 : index
    %get3A_27 = vector.load %arg5[%get3A_25, %get3A_26] : memref<1024x1024xf32, #tpu.memory_space<vmem>>, vector<1024x1024xf32>
    %dot_general3A_28 = arith.constant dense<0.000000e+00> : vector<64x1024xf32>
    %dot_general3A_29 = tpu.matmul %max3A_24, %get3A_27, %dot_general3A_28 {dimension_numbers = #tpu.dot_dimension_numbers<[1], [0], [0], [1], [0, 0, 1, 1], [], []>, transpose_lhs_hint = false} : vector<64x1024xf32>, vector<1024x1024xf32>, vector<64x1024xf32> -> vector<64x1024xf32>
    %get3A_30 = arith.constant 0 : index
    %get3A_31 = arith.constant 0 : index
    %get3A_32 = vector.load %arg6[%get3A_30, %get3A_31] : memref<1x1024xf32, #tpu.memory_space<vmem>>, vector<1x1024xf32>
    %add3A_33 = vector.broadcast %get3A_32 : vector<1x1024xf32> to vector<64x1024xf32>
    %add3A_34 = arith.addf %dot_general3A_29, %add3A_33 : vector<64x1024xf32>
    %max3A_35 = arith.constant 0.000000e+00 : f32
    %max3A_36 = vector.broadcast %max3A_35 : f32 to vector<64x1024xf32>
    %max3A_37 = arith.maximumf %add3A_34, %max3A_36 : vector<64x1024xf32>
    %get3A_38 = arith.constant 0 : index
    %get3A_39 = arith.constant 0 : index
    %get3A_40 = vector.load %arg7[%get3A_38, %get3A_39] : memref<1024x64xf32, #tpu.memory_space<vmem>>, vector<1024x64xf32>
    %dot_general3A_41 = arith.constant dense<0.000000e+00> : vector<64x64xf32>
    %dot_general3A_42 = tpu.matmul %max3A_37, %get3A_40, %dot_general3A_41 {dimension_numbers = #tpu.dot_dimension_numbers<[1], [0], [0], [1], [0, 0, 1, 1], [], []>, transpose_lhs_hint = false} : vector<64x1024xf32>, vector<1024x64xf32>, vector<64x64xf32> -> vector<64x64xf32>
    %get3A_43 = arith.constant 0 : index
    %get3A_44 = arith.constant 0 : index
    %get3A_45 = vector.load %arg8[%get3A_43, %get3A_44] : memref<1x64xf32, #tpu.memory_space<vmem>>, vector<1x64xf32>
    %add3A_46 = vector.broadcast %get3A_45 : vector<1x64xf32> to vector<64x64xf32>
    %add3A_47 = arith.addf %dot_general3A_42, %add3A_46 : vector<64x64xf32>
    %mul3A = arith.mulf %add3A_47, %add3A_47 : vector<64x64xf32>
    %reduce_sum3A = arith.constant dense<0.000000e+00> : vector<64xf32>
    %reduce_sum3A_48 = vector.multi_reduction <add>, %mul3A, %reduce_sum3A [1] : vector<64x64xf32> to vector<64xf32>
    %broadcast_in_dim3A = vector.shape_cast %reduce_sum3A_48 : vector<64xf32> to vector<64x1xf32>
    %sqrt3A = math.sqrt %broadcast_in_dim3A : vector<64x1xf32>
    %add3A_49 = arith.constant 9.99999974E-6 : f32
    %add3A_50 = vector.broadcast %add3A_49 : f32 to vector<64x1xf32>
    %add3A_51 = arith.addf %sqrt3A, %add3A_50 : vector<64x1xf32>
    %div3A = vector.broadcast %add3A_51 : vector<64x1xf32> to vector<64x64xf32>
    %div3A_52 = arith.divf %add3A_47, %div3A : vector<64x64xf32>
    %get3A_53 = arith.constant 0 : index
    %get3A_54 = arith.constant 0 : index
    %get3A_55 = vector.load %arg9[%get3A_53, %get3A_54] : memref<8192x64xf32, #tpu.memory_space<vmem>>, vector<8192x64xf32>
    %dot_general3A_56 = arith.constant dense<0.000000e+00> : vector<64x8192xf32>
    %dot_general3A_57 = tpu.matmul %div3A_52, %get3A_55, %dot_general3A_56 {dimension_numbers = #tpu.dot_dimension_numbers<[1], [1], [0], [0], [0, 0, 1, 0], [], []>, transpose_lhs_hint = false} : vector<64x64xf32>, vector<8192x64xf32>, vector<64x8192xf32> -> vector<64x8192xf32>
    %reduce_max3A = arith.constant dense<0xFF800000> : vector<64xf32>
    %reduce_max3A_58 = vector.multi_reduction <maximumf>, %dot_general3A_57, %reduce_max3A [1] : vector<64x8192xf32> to vector<64xf32>
    %broadcast_in_dim3A_59 = vector.shape_cast %reduce_max3A_58 : vector<64xf32> to vector<64x1xf32>
    %sub3A = vector.broadcast %broadcast_in_dim3A_59 : vector<64x1xf32> to vector<64x8192xf32>
    %sub3A_60 = arith.subf %dot_general3A_57, %sub3A : vector<64x8192xf32>
    %exp3A = math.exp %sub3A_60 : vector<64x8192xf32>
    %reduce_sum3A_61 = arith.constant dense<0.000000e+00> : vector<64xf32>
    %reduce_sum3A_62 = vector.multi_reduction <add>, %exp3A, %reduce_sum3A_61 [1] : vector<64x8192xf32> to vector<64xf32>
    %broadcast_in_dim3A_63 = vector.shape_cast %reduce_sum3A_62 : vector<64xf32> to vector<64x1xf32>
    %div3A_64 = vector.broadcast %broadcast_in_dim3A_63 : vector<64x1xf32> to vector<64x8192xf32>
    %div3A_65 = arith.divf %exp3A, %div3A_64 : vector<64x8192xf32>
    %swap3A = arith.constant 0 : index
    %swap3A_66 = arith.constant 0 : index
    %swap3A_67 = vector.load %arg12[%swap3A, %swap3A_66] : memref<64x8192xf32, #tpu.memory_space<vmem>>, vector<64x8192xf32>
    tpu.vector_store %arg12[%swap3A, %swap3A_66], %div3A_65 {strides = array<i32>} : memref<64x8192xf32, #tpu.memory_space<vmem>>, vector<64x8192xf32>,
    %get3A_68 = arith.constant 0 : index
    %get3A_69 = arith.constant 0 : index
    %get3A_70 = vector.load %arg10[%get3A_68, %get3A_69] : memref<1024x1152xf32, #tpu.memory_space<vmem>>, vector<1024x1152xf32>
    %dot_general3A_71 = arith.constant dense<0.000000e+00> : vector<64x1152xf32>
    %dot_general3A_72 = tpu.matmul %get3A_1, %get3A_70, %dot_general3A_71 {dimension_numbers = #tpu.dot_dimension_numbers<[1], [0], [0], [1], [0, 0, 1, 1], [], []>, transpose_lhs_hint = false} : vector<64x1024xf32>, vector<1024x1152xf32>, vector<64x1152xf32> -> vector<64x1152xf32>
    %get3A_73 = arith.constant 0 : index
    %get3A_74 = arith.constant 0 : index
    %get3A_75 = vector.load %arg11[%get3A_73, %get3A_74] : memref<1x1152xf32, #tpu.memory_space<vmem>>, vector<1x1152xf32>
    %add3A_76 = vector.broadcast %get3A_75 : vector<1x1152xf32> to vector<64x1152xf32>
    %add3A_77 = arith.addf %dot_general3A_72, %add3A_76 : vector<64x1152xf32>
    %swap3A_78 = arith.constant 0 : index
    %swap3A_79 = arith.constant 0 : index
    %swap3A_80 = vector.load %arg13[%swap3A_78, %swap3A_79] : memref<64x1152xf32, #tpu.memory_space<vmem>>, vector<64x1152xf32>
    tpu.vector_store %arg13[%swap3A_78, %swap3A_79], %add3A_77 {strides = array<i32>} : memref<64x1152xf32, #tpu.memory_space<vmem>>, vector<64x1152xf32>,
    return
  }
}

module attributes {stable_mosaic.version = 14 : i64} {
  func.func @_tail_body(%arg0: i32, %arg1: memref<8x256x128xf32, #tpu.memory_space<vmem>>, %arg2: memref<8x256x1xf32, #tpu.memory_space<vmem>>, %arg3: memref<8x1x1152xf32, #tpu.memory_space<vmem>>, %arg4: memref<1x128xf32, #tpu.memory_space<vmem>>, %arg5: memref<1x128xf32, #tpu.memory_space<vmem>>, %arg6: memref<1x128xf32, #tpu.memory_space<vmem>>, %arg7: memref<1x128xf32, #tpu.memory_space<vmem>>, %arg8: memref<128x1152xf32, #tpu.memory_space<vmem>>, %arg9: memref<1152x128xf32, #tpu.memory_space<vmem>>, %arg10: memref<1x128xf32, #tpu.memory_space<vmem>>, %arg11: memref<128x128xf32, #tpu.memory_space<vmem>>, %arg12: memref<1x128xf32, #tpu.memory_space<vmem>>, %arg13: memref<8x256x128xf32, #tpu.memory_space<vmem>>) attributes {dimension_semantics = [#tpu.dimension_semantics<arbitrary>], iteration_bounds = array<i64: 8>, scalar_prefetch = 0 : i64, scratch_operands = 0 : i64, tpu.core_type = #tpu.core_type<tc>, window_params = [{transform_indices = @transform_0, window_bounds = array<i64: 8, 256, 128>}, {transform_indices = @transform_1, window_bounds = array<i64: 8, 256, 1>}, {transform_indices = @transform_2, window_bounds = array<i64: 8, 1, 1152>}, {pipeline_mode = #tpu.pipeline_mode<synchronous>, transform_indices = @transform_3, window_bounds = array<i64: 1, 128>}, {pipeline_mode = #tpu.pipeline_mode<synchronous>, transform_indices = @transform_4, window_bounds = array<i64: 1, 128>}, {pipeline_mode = #tpu.pipeline_mode<synchronous>, transform_indices = @transform_5, window_bounds = array<i64: 1, 128>}, {pipeline_mode = #tpu.pipeline_mode<synchronous>, transform_indices = @transform_6, window_bounds = array<i64: 1, 128>}, {pipeline_mode = #tpu.pipeline_mode<synchronous>, transform_indices = @transform_7, window_bounds = array<i64: 128, 1152>}, {pipeline_mode = #tpu.pipeline_mode<synchronous>, transform_indices = @transform_8, window_bounds = array<i64: 1152, 128>}, {pipeline_mode = #tpu.pipeline_mode<synchronous>, transform_indices = @transform_9, window_bounds = array<i64: 1, 128>}, {pipeline_mode = #tpu.pipeline_mode<synchronous>, transform_indices = @transform_10, window_bounds = array<i64: 128, 128>}, {pipeline_mode = #tpu.pipeline_mode<synchronous>, transform_indices = @transform_11, window_bounds = array<i64: 1, 128>}, {transform_indices = @transform_12, window_bounds = array<i64: 8, 256, 128>}]} {
    %get3A = arith.constant 0 : index
    %get3A_0 = arith.constant 0 : index
    %get3A_1 = vector.load %arg8[%get3A, %get3A_0] : memref<128x1152xf32, #tpu.memory_space<vmem>>, vector<128x1152xf32>
    %get3A_2 = arith.constant 0 : index
    %get3A_3 = arith.constant 0 : index
    %get3A_4 = vector.load %arg9[%get3A_2, %get3A_3] : memref<1152x128xf32, #tpu.memory_space<vmem>>, vector<1152x128xf32>
    %get3A_5 = arith.constant 0 : index
    %get3A_6 = arith.constant 0 : index
    %get3A_7 = vector.load %arg10[%get3A_5, %get3A_6] : memref<1x128xf32, #tpu.memory_space<vmem>>, vector<1x128xf32>
    %get3A_8 = arith.constant 0 : index
    %get3A_9 = arith.constant 0 : index
    %get3A_10 = vector.load %arg11[%get3A_8, %get3A_9] : memref<128x128xf32, #tpu.memory_space<vmem>>, vector<128x128xf32>
    %get3A_11 = arith.constant 0 : index
    %get3A_12 = arith.constant 0 : index
    %get3A_13 = vector.load %arg12[%get3A_11, %get3A_12] : memref<1x128xf32, #tpu.memory_space<vmem>>, vector<1x128xf32>
    %get3A_14 = arith.constant 0 : index
    %get3A_15 = arith.constant 0 : index
    %get3A_16 = vector.load %arg4[%get3A_14, %get3A_15] : memref<1x128xf32, #tpu.memory_space<vmem>>, vector<1x128xf32>
    %get3A_17 = arith.constant 0 : index
    %get3A_18 = arith.constant 0 : index
    %get3A_19 = vector.load %arg5[%get3A_17, %get3A_18] : memref<1x128xf32, #tpu.memory_space<vmem>>, vector<1x128xf32>
    %get3A_20 = arith.constant 0 : index
    %get3A_21 = arith.constant 0 : index
    %get3A_22 = vector.load %arg6[%get3A_20, %get3A_21] : memref<1x128xf32, #tpu.memory_space<vmem>>, vector<1x128xf32>
    %get3A_23 = arith.constant 0 : index
    %get3A_24 = arith.constant 0 : index
    %get3A_25 = vector.load %arg7[%get3A_23, %get3A_24] : memref<1x128xf32, #tpu.memory_space<vmem>>, vector<1x128xf32>
    %get3A_26 = arith.constant 0 : index
    %get3A_27 = arith.constant 0 : index
    %get3A_28 = arith.constant 0 : index
    %get3A_29 = vector.load %arg2[%get3A_26, %get3A_27, %get3A_28] : memref<8x256x1xf32, #tpu.memory_space<vmem>>, vector<1x256x1xf32>
    %get3A_30 = vector.shape_cast %get3A_29 : vector<1x256x1xf32> to vector<256x1xf32>
    %mul3A = arith.constant 2.560000e+02 : f32
    %mul3A_31 = vector.broadcast %mul3A : f32 to vector<256x1xf32>
    %mul3A_32 = arith.mulf %mul3A_31, %get3A_30 : vector<256x1xf32>
    %mul3A_33 = vector.broadcast %mul3A_32 : vector<256x1xf32> to vector<256x128xf32>
    %mul3A_34 = vector.broadcast %get3A_16 : vector<1x128xf32> to vector<256x128xf32>
    %mul3A_35 = arith.mulf %mul3A_33, %mul3A_34 : vector<256x128xf32>
    %add3A = vector.broadcast %get3A_19 : vector<1x128xf32> to vector<256x128xf32>
    %add3A_36 = arith.addf %mul3A_35, %add3A : vector<256x128xf32>
    %mul3A_37 = vector.broadcast %mul3A_32 : vector<256x1xf32> to vector<256x128xf32>
    %mul3A_38 = vector.broadcast %get3A_22 : vector<1x128xf32> to vector<256x128xf32>
    %mul3A_39 = arith.mulf %mul3A_37, %mul3A_38 : vector<256x128xf32>
    %add3A_40 = vector.broadcast %get3A_25 : vector<1x128xf32> to vector<256x128xf32>
    %add3A_41 = arith.addf %mul3A_39, %add3A_40 : vector<256x128xf32>
    %get3A_42 = arith.constant 0 : index
    %get3A_43 = arith.constant 0 : index
    %get3A_44 = arith.constant 0 : index
    %get3A_45 = vector.load %arg1[%get3A_42, %get3A_43, %get3A_44] : memref<8x256x128xf32, #tpu.memory_space<vmem>>, vector<1x256x128xf32>
    %get3A_46 = vector.shape_cast %get3A_45 : vector<1x256x128xf32> to vector<256x128xf32>
    %mul3A_47 = arith.mulf %add3A_36, %get3A_46 : vector<256x128xf32>
    %add3A_48 = arith.addf %mul3A_47, %add3A_41 : vector<256x128xf32>
    %dot_general3A = arith.constant dense<0.000000e+00> : vector<256x1152xf32>
    %dot_general3A_49 = tpu.matmul %add3A_48, %get3A_1, %dot_general3A {dimension_numbers = #tpu.dot_dimension_numbers<[1], [0], [0], [1], [0, 0, 1, 1], [], []>, transpose_lhs_hint = false} : vector<256x128xf32>, vector<128x1152xf32>, vector<256x1152xf32> -> vector<256x1152xf32>
    %get3A_50 = arith.constant 0 : index
    %get3A_51 = arith.constant 0 : index
    %get3A_52 = arith.constant 0 : index
    %get3A_53 = vector.load %arg3[%get3A_50, %get3A_51, %get3A_52] : memref<8x1x1152xf32, #tpu.memory_space<vmem>>, vector<1x1x1152xf32>
    %get3A_54 = vector.shape_cast %get3A_53 : vector<1x1x1152xf32> to vector<1x1152xf32>
    %add3A_55 = vector.broadcast %get3A_54 : vector<1x1152xf32> to vector<256x1152xf32>
    %add3A_56 = arith.addf %dot_general3A_49, %add3A_55 : vector<256x1152xf32>
    %max3A = arith.constant 0.000000e+00 : f32
    %max3A_57 = vector.broadcast %max3A : f32 to vector<256x1152xf32>
    %max3A_58 = arith.maximumf %add3A_56, %max3A_57 : vector<256x1152xf32>
    %dot_general3A_59 = arith.constant dense<0.000000e+00> : vector<256x128xf32>
    %dot_general3A_60 = tpu.matmul %max3A_58, %get3A_4, %dot_general3A_59 {dimension_numbers = #tpu.dot_dimension_numbers<[1], [0], [0], [1], [0, 0, 1, 1], [], []>, transpose_lhs_hint = false} : vector<256x1152xf32>, vector<1152x128xf32>, vector<256x128xf32> -> vector<256x128xf32>
    %add3A_61 = vector.broadcast %get3A_7 : vector<1x128xf32> to vector<256x128xf32>
    %add3A_62 = arith.addf %dot_general3A_60, %add3A_61 : vector<256x128xf32>
    %max3A_63 = arith.constant 0.000000e+00 : f32
    %max3A_64 = vector.broadcast %max3A_63 : f32 to vector<256x128xf32>
    %max3A_65 = arith.maximumf %add3A_62, %max3A_64 : vector<256x128xf32>
    %dot_general3A_66 = arith.constant dense<0.000000e+00> : vector<256x128xf32>
    %dot_general3A_67 = tpu.matmul %max3A_65, %get3A_10, %dot_general3A_66 {dimension_numbers = #tpu.dot_dimension_numbers<[1], [0], [0], [1], [0, 0, 1, 1], [], []>, transpose_lhs_hint = false} : vector<256x128xf32>, vector<128x128xf32>, vector<256x128xf32> -> vector<256x128xf32>
    %add3A_68 = vector.broadcast %get3A_13 : vector<1x128xf32> to vector<256x128xf32>
    %add3A_69 = arith.addf %dot_general3A_67, %add3A_68 : vector<256x128xf32>
    %swap3A = arith.constant 0 : index
    %swap3A_70 = arith.constant 0 : index
    %swap3A_71 = arith.constant 0 : index
    %swap3A_72 = vector.load %arg13[%swap3A, %swap3A_70, %swap3A_71] : memref<8x256x128xf32, #tpu.memory_space<vmem>>, vector<1x256x128xf32>
    %swap3A_73 = vector.shape_cast %swap3A_72 : vector<1x256x128xf32> to vector<256x128xf32>
    %swap3A_74 = vector.shape_cast %add3A_69 : vector<256x128xf32> to vector<1x256x128xf32>
    tpu.vector_store %arg13[%swap3A, %swap3A_70, %swap3A_71], %swap3A_74 {strides = array<i32>} : memref<8x256x128xf32, #tpu.memory_space<vmem>>, vector<1x256x128xf32>,
    %get3A_75 = arith.constant 1 : index
    %get3A_76 = arith.constant 0 : index
    %get3A_77 = arith.constant 0 : index
    %get3A_78 = vector.load %arg2[%get3A_75, %get3A_76, %get3A_77] : memref<8x256x1xf32, #tpu.memory_space<vmem>>, vector<1x256x1xf32>
    %get3A_79 = vector.shape_cast %get3A_78 : vector<1x256x1xf32> to vector<256x1xf32>
    %mul3A_80 = arith.constant 2.560000e+02 : f32
    %mul3A_81 = vector.broadcast %mul3A_80 : f32 to vector<256x1xf32>
    %mul3A_82 = arith.mulf %mul3A_81, %get3A_79 : vector<256x1xf32>
    %mul3A_83 = vector.broadcast %mul3A_82 : vector<256x1xf32> to vector<256x128xf32>
    %mul3A_84 = vector.broadcast %get3A_16 : vector<1x128xf32> to vector<256x128xf32>
    %mul3A_85 = arith.mulf %mul3A_83, %mul3A_84 : vector<256x128xf32>
    %add3A_86 = vector.broadcast %get3A_19 : vector<1x128xf32> to vector<256x128xf32>
    %add3A_87 = arith.addf %mul3A_85, %add3A_86 : vector<256x128xf32>
    %mul3A_88 = vector.broadcast %mul3A_82 : vector<256x1xf32> to vector<256x128xf32>
    %mul3A_89 = vector.broadcast %get3A_22 : vector<1x128xf32> to vector<256x128xf32>
    %mul3A_90 = arith.mulf %mul3A_88, %mul3A_89 : vector<256x128xf32>
    %add3A_91 = vector.broadcast %get3A_25 : vector<1x128xf32> to vector<256x128xf32>
    %add3A_92 = arith.addf %mul3A_90, %add3A_91 : vector<256x128xf32>
    %get3A_93 = arith.constant 1 : index
    %get3A_94 = arith.constant 0 : index
    %get3A_95 = arith.constant 0 : index
    %get3A_96 = vector.load %arg1[%get3A_93, %get3A_94, %get3A_95] : memref<8x256x128xf32, #tpu.memory_space<vmem>>, vector<1x256x128xf32>
    %get3A_97 = vector.shape_cast %get3A_96 : vector<1x256x128xf32> to vector<256x128xf32>
    %mul3A_98 = arith.mulf %add3A_87, %get3A_97 : vector<256x128xf32>
    %add3A_99 = arith.addf %mul3A_98, %add3A_92 : vector<256x128xf32>
    %dot_general3A_100 = arith.constant dense<0.000000e+00> : vector<256x1152xf32>
    %dot_general3A_101 = tpu.matmul %add3A_99, %get3A_1, %dot_general3A_100 {dimension_numbers = #tpu.dot_dimension_numbers<[1], [0], [0], [1], [0, 0, 1, 1], [], []>, transpose_lhs_hint = false} : vector<256x128xf32>, vector<128x1152xf32>, vector<256x1152xf32> -> vector<256x1152xf32>
    %get3A_102 = arith.constant 1 : index
    %get3A_103 = arith.constant 0 : index
    %get3A_104 = arith.constant 0 : index
    %get3A_105 = vector.load %arg3[%get3A_102, %get3A_103, %get3A_104] : memref<8x1x1152xf32, #tpu.memory_space<vmem>>, vector<1x1x1152xf32>
    %get3A_106 = vector.shape_cast %get3A_105 : vector<1x1x1152xf32> to vector<1x1152xf32>
    %add3A_107 = vector.broadcast %get3A_106 : vector<1x1152xf32> to vector<256x1152xf32>
    %add3A_108 = arith.addf %dot_general3A_101, %add3A_107 : vector<256x1152xf32>
    %max3A_109 = arith.constant 0.000000e+00 : f32
    %max3A_110 = vector.broadcast %max3A_109 : f32 to vector<256x1152xf32>
    %max3A_111 = arith.maximumf %add3A_108, %max3A_110 : vector<256x1152xf32>
    %dot_general3A_112 = arith.constant dense<0.000000e+00> : vector<256x128xf32>
    %dot_general3A_113 = tpu.matmul %max3A_111, %get3A_4, %dot_general3A_112 {dimension_numbers = #tpu.dot_dimension_numbers<[1], [0], [0], [1], [0, 0, 1, 1], [], []>, transpose_lhs_hint = false} : vector<256x1152xf32>, vector<1152x128xf32>, vector<256x128xf32> -> vector<256x128xf32>
    %add3A_114 = vector.broadcast %get3A_7 : vector<1x128xf32> to vector<256x128xf32>
    %add3A_115 = arith.addf %dot_general3A_113, %add3A_114 : vector<256x128xf32>
    %max3A_116 = arith.constant 0.000000e+00 : f32
    %max3A_117 = vector.broadcast %max3A_116 : f32 to vector<256x128xf32>
    %max3A_118 = arith.maximumf %add3A_115, %max3A_117 : vector<256x128xf32>
    %dot_general3A_119 = arith.constant dense<0.000000e+00> : vector<256x128xf32>
    %dot_general3A_120 = tpu.matmul %max3A_118, %get3A_10, %dot_general3A_119 {dimension_numbers = #tpu.dot_dimension_numbers<[1], [0], [0], [1], [0, 0, 1, 1], [], []>, transpose_lhs_hint = false} : vector<256x128xf32>, vector<128x128xf32>, vector<256x128xf32> -> vector<256x128xf32>
    %add3A_121 = vector.broadcast %get3A_13 : vector<1x128xf32> to vector<256x128xf32>
    %add3A_122 = arith.addf %dot_general3A_120, %add3A_121 : vector<256x128xf32>
    %swap3A_123 = arith.constant 1 : index
    %swap3A_124 = arith.constant 0 : index
    %swap3A_125 = arith.constant 0 : index
    %swap3A_126 = vector.load %arg13[%swap3A_123, %swap3A_124, %swap3A_125] : memref<8x256x128xf32, #tpu.memory_space<vmem>>, vector<1x256x128xf32>
    %swap3A_127 = vector.shape_cast %swap3A_126 : vector<1x256x128xf32> to vector<256x128xf32>
    %swap3A_128 = vector.shape_cast %add3A_122 : vector<256x128xf32> to vector<1x256x128xf32>
    tpu.vector_store %arg13[%swap3A_123, %swap3A_124, %swap3A_125], %swap3A_128 {strides = array<i32>} : memref<8x256x128xf32, #tpu.memory_space<vmem>>, vector<1x256x128xf32>,
    %get3A_129 = arith.constant 2 : index
    %get3A_130 = arith.constant 0 : index
    %get3A_131 = arith.constant 0 : index
    %get3A_132 = vector.load %arg2[%get3A_129, %get3A_130, %get3A_131] : memref<8x256x1xf32, #tpu.memory_space<vmem>>, vector<1x256x1xf32>
    %get3A_133 = vector.shape_cast %get3A_132 : vector<1x256x1xf32> to vector<256x1xf32>
    %mul3A_134 = arith.constant 2.560000e+02 : f32
    %mul3A_135 = vector.broadcast %mul3A_134 : f32 to vector<256x1xf32>
    %mul3A_136 = arith.mulf %mul3A_135, %get3A_133 : vector<256x1xf32>
    %mul3A_137 = vector.broadcast %mul3A_136 : vector<256x1xf32> to vector<256x128xf32>
    %mul3A_138 = vector.broadcast %get3A_16 : vector<1x128xf32> to vector<256x128xf32>
    %mul3A_139 = arith.mulf %mul3A_137, %mul3A_138 : vector<256x128xf32>
    %add3A_140 = vector.broadcast %get3A_19 : vector<1x128xf32> to vector<256x128xf32>
    %add3A_141 = arith.addf %mul3A_139, %add3A_140 : vector<256x128xf32>
    %mul3A_142 = vector.broadcast %mul3A_136 : vector<256x1xf32> to vector<256x128xf32>
    %mul3A_143 = vector.broadcast %get3A_22 : vector<1x128xf32> to vector<256x128xf32>
    %mul3A_144 = arith.mulf %mul3A_142, %mul3A_143 : vector<256x128xf32>
    %add3A_145 = vector.broadcast %get3A_25 : vector<1x128xf32> to vector<256x128xf32>
    %add3A_146 = arith.addf %mul3A_144, %add3A_145 : vector<256x128xf32>
    %get3A_147 = arith.constant 2 : index
    %get3A_148 = arith.constant 0 : index
    %get3A_149 = arith.constant 0 : index
    %get3A_150 = vector.load %arg1[%get3A_147, %get3A_148, %get3A_149] : memref<8x256x128xf32, #tpu.memory_space<vmem>>, vector<1x256x128xf32>
    %get3A_151 = vector.shape_cast %get3A_150 : vector<1x256x128xf32> to vector<256x128xf32>
    %mul3A_152 = arith.mulf %add3A_141, %get3A_151 : vector<256x128xf32>
    %add3A_153 = arith.addf %mul3A_152, %add3A_146 : vector<256x128xf32>
    %dot_general3A_154 = arith.constant dense<0.000000e+00> : vector<256x1152xf32>
    %dot_general3A_155 = tpu.matmul %add3A_153, %get3A_1, %dot_general3A_154 {dimension_numbers = #tpu.dot_dimension_numbers<[1], [0], [0], [1], [0, 0, 1, 1], [], []>, transpose_lhs_hint = false} : vector<256x128xf32>, vector<128x1152xf32>, vector<256x1152xf32> -> vector<256x1152xf32>
    %get3A_156 = arith.constant 2 : index
    %get3A_157 = arith.constant 0 : index
    %get3A_158 = arith.constant 0 : index
    %get3A_159 = vector.load %arg3[%get3A_156, %get3A_157, %get3A_158] : memref<8x1x1152xf32, #tpu.memory_space<vmem>>, vector<1x1x1152xf32>
    %get3A_160 = vector.shape_cast %get3A_159 : vector<1x1x1152xf32> to vector<1x1152xf32>
    %add3A_161 = vector.broadcast %get3A_160 : vector<1x1152xf32> to vector<256x1152xf32>
    %add3A_162 = arith.addf %dot_general3A_155, %add3A_161 : vector<256x1152xf32>
    %max3A_163 = arith.constant 0.000000e+00 : f32
    %max3A_164 = vector.broadcast %max3A_163 : f32 to vector<256x1152xf32>
    %max3A_165 = arith.maximumf %add3A_162, %max3A_164 : vector<256x1152xf32>
    %dot_general3A_166 = arith.constant dense<0.000000e+00> : vector<256x128xf32>
    %dot_general3A_167 = tpu.matmul %max3A_165, %get3A_4, %dot_general3A_166 {dimension_numbers = #tpu.dot_dimension_numbers<[1], [0], [0], [1], [0, 0, 1, 1], [], []>, transpose_lhs_hint = false} : vector<256x1152xf32>, vector<1152x128xf32>, vector<256x128xf32> -> vector<256x128xf32>
    %add3A_168 = vector.broadcast %get3A_7 : vector<1x128xf32> to vector<256x128xf32>
    %add3A_169 = arith.addf %dot_general3A_167, %add3A_168 : vector<256x128xf32>
    %max3A_170 = arith.constant 0.000000e+00 : f32
    %max3A_171 = vector.broadcast %max3A_170 : f32 to vector<256x128xf32>
    %max3A_172 = arith.maximumf %add3A_169, %max3A_171 : vector<256x128xf32>
    %dot_general3A_173 = arith.constant dense<0.000000e+00> : vector<256x128xf32>
    %dot_general3A_174 = tpu.matmul %max3A_172, %get3A_10, %dot_general3A_173 {dimension_numbers = #tpu.dot_dimension_numbers<[1], [0], [0], [1], [0, 0, 1, 1], [], []>, transpose_lhs_hint = false} : vector<256x128xf32>, vector<128x128xf32>, vector<256x128xf32> -> vector<256x128xf32>
    %add3A_175 = vector.broadcast %get3A_13 : vector<1x128xf32> to vector<256x128xf32>
    %add3A_176 = arith.addf %dot_general3A_174, %add3A_175 : vector<256x128xf32>
    %swap3A_177 = arith.constant 2 : index
    %swap3A_178 = arith.constant 0 : index
    %swap3A_179 = arith.constant 0 : index
    %swap3A_180 = vector.load %arg13[%swap3A_177, %swap3A_178, %swap3A_179] : memref<8x256x128xf32, #tpu.memory_space<vmem>>, vector<1x256x128xf32>
    %swap3A_181 = vector.shape_cast %swap3A_180 : vector<1x256x128xf32> to vector<256x128xf32>
    %swap3A_182 = vector.shape_cast %add3A_176 : vector<256x128xf32> to vector<1x256x128xf32>
    tpu.vector_store %arg13[%swap3A_177, %swap3A_178, %swap3A_179], %swap3A_182 {strides = array<i32>} : memref<8x256x128xf32, #tpu.memory_space<vmem>>, vector<1x256x128xf32>,
    %get3A_183 = arith.constant 3 : index
    %get3A_184 = arith.constant 0 : index
    %get3A_185 = arith.constant 0 : index
    %get3A_186 = vector.load %arg2[%get3A_183, %get3A_184, %get3A_185] : memref<8x256x1xf32, #tpu.memory_space<vmem>>, vector<1x256x1xf32>
    %get3A_187 = vector.shape_cast %get3A_186 : vector<1x256x1xf32> to vector<256x1xf32>
    %mul3A_188 = arith.constant 2.560000e+02 : f32
    %mul3A_189 = vector.broadcast %mul3A_188 : f32 to vector<256x1xf32>
    %mul3A_190 = arith.mulf %mul3A_189, %get3A_187 : vector<256x1xf32>
    %mul3A_191 = vector.broadcast %mul3A_190 : vector<256x1xf32> to vector<256x128xf32>
    %mul3A_192 = vector.broadcast %get3A_16 : vector<1x128xf32> to vector<256x128xf32>
    %mul3A_193 = arith.mulf %mul3A_191, %mul3A_192 : vector<256x128xf32>
    %add3A_194 = vector.broadcast %get3A_19 : vector<1x128xf32> to vector<256x128xf32>
    %add3A_195 = arith.addf %mul3A_193, %add3A_194 : vector<256x128xf32>
    %mul3A_196 = vector.broadcast %mul3A_190 : vector<256x1xf32> to vector<256x128xf32>
    %mul3A_197 = vector.broadcast %get3A_22 : vector<1x128xf32> to vector<256x128xf32>
    %mul3A_198 = arith.mulf %mul3A_196, %mul3A_197 : vector<256x128xf32>
    %add3A_199 = vector.broadcast %get3A_25 : vector<1x128xf32> to vector<256x128xf32>
    %add3A_200 = arith.addf %mul3A_198, %add3A_199 : vector<256x128xf32>
    %get3A_201 = arith.constant 3 : index
    %get3A_202 = arith.constant 0 : index
    %get3A_203 = arith.constant 0 : index
    %get3A_204 = vector.load %arg1[%get3A_201, %get3A_202, %get3A_203] : memref<8x256x128xf32, #tpu.memory_space<vmem>>, vector<1x256x128xf32>
    %get3A_205 = vector.shape_cast %get3A_204 : vector<1x256x128xf32> to vector<256x128xf32>
    %mul3A_206 = arith.mulf %add3A_195, %get3A_205 : vector<256x128xf32>
    %add3A_207 = arith.addf %mul3A_206, %add3A_200 : vector<256x128xf32>
    %dot_general3A_208 = arith.constant dense<0.000000e+00> : vector<256x1152xf32>
    %dot_general3A_209 = tpu.matmul %add3A_207, %get3A_1, %dot_general3A_208 {dimension_numbers = #tpu.dot_dimension_numbers<[1], [0], [0], [1], [0, 0, 1, 1], [], []>, transpose_lhs_hint = false} : vector<256x128xf32>, vector<128x1152xf32>, vector<256x1152xf32> -> vector<256x1152xf32>
    %get3A_210 = arith.constant 3 : index
    %get3A_211 = arith.constant 0 : index
    %get3A_212 = arith.constant 0 : index
    %get3A_213 = vector.load %arg3[%get3A_210, %get3A_211, %get3A_212] : memref<8x1x1152xf32, #tpu.memory_space<vmem>>, vector<1x1x1152xf32>
    %get3A_214 = vector.shape_cast %get3A_213 : vector<1x1x1152xf32> to vector<1x1152xf32>
    %add3A_215 = vector.broadcast %get3A_214 : vector<1x1152xf32> to vector<256x1152xf32>
    %add3A_216 = arith.addf %dot_general3A_209, %add3A_215 : vector<256x1152xf32>
    %max3A_217 = arith.constant 0.000000e+00 : f32
    %max3A_218 = vector.broadcast %max3A_217 : f32 to vector<256x1152xf32>
    %max3A_219 = arith.maximumf %add3A_216, %max3A_218 : vector<256x1152xf32>
    %dot_general3A_220 = arith.constant dense<0.000000e+00> : vector<256x128xf32>
    %dot_general3A_221 = tpu.matmul %max3A_219, %get3A_4, %dot_general3A_220 {dimension_numbers = #tpu.dot_dimension_numbers<[1], [0], [0], [1], [0, 0, 1, 1], [], []>, transpose_lhs_hint = false} : vector<256x1152xf32>, vector<1152x128xf32>, vector<256x128xf32> -> vector<256x128xf32>
    %add3A_222 = vector.broadcast %get3A_7 : vector<1x128xf32> to vector<256x128xf32>
    %add3A_223 = arith.addf %dot_general3A_221, %add3A_222 : vector<256x128xf32>
    %max3A_224 = arith.constant 0.000000e+00 : f32
    %max3A_225 = vector.broadcast %max3A_224 : f32 to vector<256x128xf32>
    %max3A_226 = arith.maximumf %add3A_223, %max3A_225 : vector<256x128xf32>
    %dot_general3A_227 = arith.constant dense<0.000000e+00> : vector<256x128xf32>
    %dot_general3A_228 = tpu.matmul %max3A_226, %get3A_10, %dot_general3A_227 {dimension_numbers = #tpu.dot_dimension_numbers<[1], [0], [0], [1], [0, 0, 1, 1], [], []>, transpose_lhs_hint = false} : vector<256x128xf32>, vector<128x128xf32>, vector<256x128xf32> -> vector<256x128xf32>
    %add3A_229 = vector.broadcast %get3A_13 : vector<1x128xf32> to vector<256x128xf32>
    %add3A_230 = arith.addf %dot_general3A_228, %add3A_229 : vector<256x128xf32>
    %swap3A_231 = arith.constant 3 : index
    %swap3A_232 = arith.constant 0 : index
    %swap3A_233 = arith.constant 0 : index
    %swap3A_234 = vector.load %arg13[%swap3A_231, %swap3A_232, %swap3A_233] : memref<8x256x128xf32, #tpu.memory_space<vmem>>, vector<1x256x128xf32>
    %swap3A_235 = vector.shape_cast %swap3A_234 : vector<1x256x128xf32> to vector<256x128xf32>
    %swap3A_236 = vector.shape_cast %add3A_230 : vector<256x128xf32> to vector<1x256x128xf32>
    tpu.vector_store %arg13[%swap3A_231, %swap3A_232, %swap3A_233], %swap3A_236 {strides = array<i32>} : memref<8x256x128xf32, #tpu.memory_space<vmem>>, vector<1x256x128xf32>,
    %get3A_237 = arith.constant 4 : index
    %get3A_238 = arith.constant 0 : index
    %get3A_239 = arith.constant 0 : index
    %get3A_240 = vector.load %arg2[%get3A_237, %get3A_238, %get3A_239] : memref<8x256x1xf32, #tpu.memory_space<vmem>>, vector<1x256x1xf32>
    %get3A_241 = vector.shape_cast %get3A_240 : vector<1x256x1xf32> to vector<256x1xf32>
    %mul3A_242 = arith.constant 2.560000e+02 : f32
    %mul3A_243 = vector.broadcast %mul3A_242 : f32 to vector<256x1xf32>
    %mul3A_244 = arith.mulf %mul3A_243, %get3A_241 : vector<256x1xf32>
    %mul3A_245 = vector.broadcast %mul3A_244 : vector<256x1xf32> to vector<256x128xf32>
    %mul3A_246 = vector.broadcast %get3A_16 : vector<1x128xf32> to vector<256x128xf32>
    %mul3A_247 = arith.mulf %mul3A_245, %mul3A_246 : vector<256x128xf32>
    %add3A_248 = vector.broadcast %get3A_19 : vector<1x128xf32> to vector<256x128xf32>
    %add3A_249 = arith.addf %mul3A_247, %add3A_248 : vector<256x128xf32>
    %mul3A_250 = vector.broadcast %mul3A_244 : vector<256x1xf32> to vector<256x128xf32>
    %mul3A_251 = vector.broadcast %get3A_22 : vector<1x128xf32> to vector<256x128xf32>
    %mul3A_252 = arith.mulf %mul3A_250, %mul3A_251 : vector<256x128xf32>
    %add3A_253 = vector.broadcast %get3A_25 : vector<1x128xf32> to vector<256x128xf32>
    %add3A_254 = arith.addf %mul3A_252, %add3A_253 : vector<256x128xf32>
    %get3A_255 = arith.constant 4 : index
    %get3A_256 = arith.constant 0 : index
    %get3A_257 = arith.constant 0 : index
    %get3A_258 = vector.load %arg1[%get3A_255, %get3A_256, %get3A_257] : memref<8x256x128xf32, #tpu.memory_space<vmem>>, vector<1x256x128xf32>
    %get3A_259 = vector.shape_cast %get3A_258 : vector<1x256x128xf32> to vector<256x128xf32>
    %mul3A_260 = arith.mulf %add3A_249, %get3A_259 : vector<256x128xf32>
    %add3A_261 = arith.addf %mul3A_260, %add3A_254 : vector<256x128xf32>
    %dot_general3A_262 = arith.constant dense<0.000000e+00> : vector<256x1152xf32>
    %dot_general3A_263 = tpu.matmul %add3A_261, %get3A_1, %dot_general3A_262 {dimension_numbers = #tpu.dot_dimension_numbers<[1], [0], [0], [1], [0, 0, 1, 1], [], []>, transpose_lhs_hint = false} : vector<256x128xf32>, vector<128x1152xf32>, vector<256x1152xf32> -> vector<256x1152xf32>
    %get3A_264 = arith.constant 4 : index
    %get3A_265 = arith.constant 0 : index
    %get3A_266 = arith.constant 0 : index
    %get3A_267 = vector.load %arg3[%get3A_264, %get3A_265, %get3A_266] : memref<8x1x1152xf32, #tpu.memory_space<vmem>>, vector<1x1x1152xf32>
    %get3A_268 = vector.shape_cast %get3A_267 : vector<1x1x1152xf32> to vector<1x1152xf32>
    %add3A_269 = vector.broadcast %get3A_268 : vector<1x1152xf32> to vector<256x1152xf32>
    %add3A_270 = arith.addf %dot_general3A_263, %add3A_269 : vector<256x1152xf32>
    %max3A_271 = arith.constant 0.000000e+00 : f32
    %max3A_272 = vector.broadcast %max3A_271 : f32 to vector<256x1152xf32>
    %max3A_273 = arith.maximumf %add3A_270, %max3A_272 : vector<256x1152xf32>
    %dot_general3A_274 = arith.constant dense<0.000000e+00> : vector<256x128xf32>
    %dot_general3A_275 = tpu.matmul %max3A_273, %get3A_4, %dot_general3A_274 {dimension_numbers = #tpu.dot_dimension_numbers<[1], [0], [0], [1], [0, 0, 1, 1], [], []>, transpose_lhs_hint = false} : vector<256x1152xf32>, vector<1152x128xf32>, vector<256x128xf32> -> vector<256x128xf32>
    %add3A_276 = vector.broadcast %get3A_7 : vector<1x128xf32> to vector<256x128xf32>
    %add3A_277 = arith.addf %dot_general3A_275, %add3A_276 : vector<256x128xf32>
    %max3A_278 = arith.constant 0.000000e+00 : f32
    %max3A_279 = vector.broadcast %max3A_278 : f32 to vector<256x128xf32>
    %max3A_280 = arith.maximumf %add3A_277, %max3A_279 : vector<256x128xf32>
    %dot_general3A_281 = arith.constant dense<0.000000e+00> : vector<256x128xf32>
    %dot_general3A_282 = tpu.matmul %max3A_280, %get3A_10, %dot_general3A_281 {dimension_numbers = #tpu.dot_dimension_numbers<[1], [0], [0], [1], [0, 0, 1, 1], [], []>, transpose_lhs_hint = false} : vector<256x128xf32>, vector<128x128xf32>, vector<256x128xf32> -> vector<256x128xf32>
    %add3A_283 = vector.broadcast %get3A_13 : vector<1x128xf32> to vector<256x128xf32>
    %add3A_284 = arith.addf %dot_general3A_282, %add3A_283 : vector<256x128xf32>
    %swap3A_285 = arith.constant 4 : index
    %swap3A_286 = arith.constant 0 : index
    %swap3A_287 = arith.constant 0 : index
    %swap3A_288 = vector.load %arg13[%swap3A_285, %swap3A_286, %swap3A_287] : memref<8x256x128xf32, #tpu.memory_space<vmem>>, vector<1x256x128xf32>
    %swap3A_289 = vector.shape_cast %swap3A_288 : vector<1x256x128xf32> to vector<256x128xf32>
    %swap3A_290 = vector.shape_cast %add3A_284 : vector<256x128xf32> to vector<1x256x128xf32>
    tpu.vector_store %arg13[%swap3A_285, %swap3A_286, %swap3A_287], %swap3A_290 {strides = array<i32>} : memref<8x256x128xf32, #tpu.memory_space<vmem>>, vector<1x256x128xf32>,
    %get3A_291 = arith.constant 5 : index
    %get3A_292 = arith.constant 0 : index
    %get3A_293 = arith.constant 0 : index
    %get3A_294 = vector.load %arg2[%get3A_291, %get3A_292, %get3A_293] : memref<8x256x1xf32, #tpu.memory_space<vmem>>, vector<1x256x1xf32>
    %get3A_295 = vector.shape_cast %get3A_294 : vector<1x256x1xf32> to vector<256x1xf32>
    %mul3A_296 = arith.constant 2.560000e+02 : f32
    %mul3A_297 = vector.broadcast %mul3A_296 : f32 to vector<256x1xf32>
    %mul3A_298 = arith.mulf %mul3A_297, %get3A_295 : vector<256x1xf32>
    %mul3A_299 = vector.broadcast %mul3A_298 : vector<256x1xf32> to vector<256x128xf32>
    %mul3A_300 = vector.broadcast %get3A_16 : vector<1x128xf32> to vector<256x128xf32>
    %mul3A_301 = arith.mulf %mul3A_299, %mul3A_300 : vector<256x128xf32>
    %add3A_302 = vector.broadcast %get3A_19 : vector<1x128xf32> to vector<256x128xf32>
    %add3A_303 = arith.addf %mul3A_301, %add3A_302 : vector<256x128xf32>
    %mul3A_304 = vector.broadcast %mul3A_298 : vector<256x1xf32> to vector<256x128xf32>
    %mul3A_305 = vector.broadcast %get3A_22 : vector<1x128xf32> to vector<256x128xf32>
    %mul3A_306 = arith.mulf %mul3A_304, %mul3A_305 : vector<256x128xf32>
    %add3A_307 = vector.broadcast %get3A_25 : vector<1x128xf32> to vector<256x128xf32>
    %add3A_308 = arith.addf %mul3A_306, %add3A_307 : vector<256x128xf32>
    %get3A_309 = arith.constant 5 : index
    %get3A_310 = arith.constant 0 : index
    %get3A_311 = arith.constant 0 : index
    %get3A_312 = vector.load %arg1[%get3A_309, %get3A_310, %get3A_311] : memref<8x256x128xf32, #tpu.memory_space<vmem>>, vector<1x256x128xf32>
    %get3A_313 = vector.shape_cast %get3A_312 : vector<1x256x128xf32> to vector<256x128xf32>
    %mul3A_314 = arith.mulf %add3A_303, %get3A_313 : vector<256x128xf32>
    %add3A_315 = arith.addf %mul3A_314, %add3A_308 : vector<256x128xf32>
    %dot_general3A_316 = arith.constant dense<0.000000e+00> : vector<256x1152xf32>
    %dot_general3A_317 = tpu.matmul %add3A_315, %get3A_1, %dot_general3A_316 {dimension_numbers = #tpu.dot_dimension_numbers<[1], [0], [0], [1], [0, 0, 1, 1], [], []>, transpose_lhs_hint = false} : vector<256x128xf32>, vector<128x1152xf32>, vector<256x1152xf32> -> vector<256x1152xf32>
    %get3A_318 = arith.constant 5 : index
    %get3A_319 = arith.constant 0 : index
    %get3A_320 = arith.constant 0 : index
    %get3A_321 = vector.load %arg3[%get3A_318, %get3A_319, %get3A_320] : memref<8x1x1152xf32, #tpu.memory_space<vmem>>, vector<1x1x1152xf32>
    %get3A_322 = vector.shape_cast %get3A_321 : vector<1x1x1152xf32> to vector<1x1152xf32>
    %add3A_323 = vector.broadcast %get3A_322 : vector<1x1152xf32> to vector<256x1152xf32>
    %add3A_324 = arith.addf %dot_general3A_317, %add3A_323 : vector<256x1152xf32>
    %max3A_325 = arith.constant 0.000000e+00 : f32
    %max3A_326 = vector.broadcast %max3A_325 : f32 to vector<256x1152xf32>
    %max3A_327 = arith.maximumf %add3A_324, %max3A_326 : vector<256x1152xf32>
    %dot_general3A_328 = arith.constant dense<0.000000e+00> : vector<256x128xf32>
    %dot_general3A_329 = tpu.matmul %max3A_327, %get3A_4, %dot_general3A_328 {dimension_numbers = #tpu.dot_dimension_numbers<[1], [0], [0], [1], [0, 0, 1, 1], [], []>, transpose_lhs_hint = false} : vector<256x1152xf32>, vector<1152x128xf32>, vector<256x128xf32> -> vector<256x128xf32>
    %add3A_330 = vector.broadcast %get3A_7 : vector<1x128xf32> to vector<256x128xf32>
    %add3A_331 = arith.addf %dot_general3A_329, %add3A_330 : vector<256x128xf32>
    %max3A_332 = arith.constant 0.000000e+00 : f32
    %max3A_333 = vector.broadcast %max3A_332 : f32 to vector<256x128xf32>
    %max3A_334 = arith.maximumf %add3A_331, %max3A_333 : vector<256x128xf32>
    %dot_general3A_335 = arith.constant dense<0.000000e+00> : vector<256x128xf32>
    %dot_general3A_336 = tpu.matmul %max3A_334, %get3A_10, %dot_general3A_335 {dimension_numbers = #tpu.dot_dimension_numbers<[1], [0], [0], [1], [0, 0, 1, 1], [], []>, transpose_lhs_hint = false} : vector<256x128xf32>, vector<128x128xf32>, vector<256x128xf32> -> vector<256x128xf32>
    %add3A_337 = vector.broadcast %get3A_13 : vector<1x128xf32> to vector<256x128xf32>
    %add3A_338 = arith.addf %dot_general3A_336, %add3A_337 : vector<256x128xf32>
    %swap3A_339 = arith.constant 5 : index
    %swap3A_340 = arith.constant 0 : index
    %swap3A_341 = arith.constant 0 : index
    %swap3A_342 = vector.load %arg13[%swap3A_339, %swap3A_340, %swap3A_341] : memref<8x256x128xf32, #tpu.memory_space<vmem>>, vector<1x256x128xf32>
    %swap3A_343 = vector.shape_cast %swap3A_342 : vector<1x256x128xf32> to vector<256x128xf32>
    %swap3A_344 = vector.shape_cast %add3A_338 : vector<256x128xf32> to vector<1x256x128xf32>
    tpu.vector_store %arg13[%swap3A_339, %swap3A_340, %swap3A_341], %swap3A_344 {strides = array<i32>} : memref<8x256x128xf32, #tpu.memory_space<vmem>>, vector<1x256x128xf32>,
    %get3A_345 = arith.constant 6 : index
    %get3A_346 = arith.constant 0 : index
    %get3A_347 = arith.constant 0 : index
    %get3A_348 = vector.load %arg2[%get3A_345, %get3A_346, %get3A_347] : memref<8x256x1xf32, #tpu.memory_space<vmem>>, vector<1x256x1xf32>
    %get3A_349 = vector.shape_cast %get3A_348 : vector<1x256x1xf32> to vector<256x1xf32>
    %mul3A_350 = arith.constant 2.560000e+02 : f32
    %mul3A_351 = vector.broadcast %mul3A_350 : f32 to vector<256x1xf32>
    %mul3A_352 = arith.mulf %mul3A_351, %get3A_349 : vector<256x1xf32>
    %mul3A_353 = vector.broadcast %mul3A_352 : vector<256x1xf32> to vector<256x128xf32>
    %mul3A_354 = vector.broadcast %get3A_16 : vector<1x128xf32> to vector<256x128xf32>
    %mul3A_355 = arith.mulf %mul3A_353, %mul3A_354 : vector<256x128xf32>
    %add3A_356 = vector.broadcast %get3A_19 : vector<1x128xf32> to vector<256x128xf32>
    %add3A_357 = arith.addf %mul3A_355, %add3A_356 : vector<256x128xf32>
    %mul3A_358 = vector.broadcast %mul3A_352 : vector<256x1xf32> to vector<256x128xf32>
    %mul3A_359 = vector.broadcast %get3A_22 : vector<1x128xf32> to vector<256x128xf32>
    %mul3A_360 = arith.mulf %mul3A_358, %mul3A_359 : vector<256x128xf32>
    %add3A_361 = vector.broadcast %get3A_25 : vector<1x128xf32> to vector<256x128xf32>
    %add3A_362 = arith.addf %mul3A_360, %add3A_361 : vector<256x128xf32>
    %get3A_363 = arith.constant 6 : index
    %get3A_364 = arith.constant 0 : index
    %get3A_365 = arith.constant 0 : index
    %get3A_366 = vector.load %arg1[%get3A_363, %get3A_364, %get3A_365] : memref<8x256x128xf32, #tpu.memory_space<vmem>>, vector<1x256x128xf32>
    %get3A_367 = vector.shape_cast %get3A_366 : vector<1x256x128xf32> to vector<256x128xf32>
    %mul3A_368 = arith.mulf %add3A_357, %get3A_367 : vector<256x128xf32>
    %add3A_369 = arith.addf %mul3A_368, %add3A_362 : vector<256x128xf32>
    %dot_general3A_370 = arith.constant dense<0.000000e+00> : vector<256x1152xf32>
    %dot_general3A_371 = tpu.matmul %add3A_369, %get3A_1, %dot_general3A_370 {dimension_numbers = #tpu.dot_dimension_numbers<[1], [0], [0], [1], [0, 0, 1, 1], [], []>, transpose_lhs_hint = false} : vector<256x128xf32>, vector<128x1152xf32>, vector<256x1152xf32> -> vector<256x1152xf32>
    %get3A_372 = arith.constant 6 : index
    %get3A_373 = arith.constant 0 : index
    %get3A_374 = arith.constant 0 : index
    %get3A_375 = vector.load %arg3[%get3A_372, %get3A_373, %get3A_374] : memref<8x1x1152xf32, #tpu.memory_space<vmem>>, vector<1x1x1152xf32>
    %get3A_376 = vector.shape_cast %get3A_375 : vector<1x1x1152xf32> to vector<1x1152xf32>
    %add3A_377 = vector.broadcast %get3A_376 : vector<1x1152xf32> to vector<256x1152xf32>
    %add3A_378 = arith.addf %dot_general3A_371, %add3A_377 : vector<256x1152xf32>
    %max3A_379 = arith.constant 0.000000e+00 : f32
    %max3A_380 = vector.broadcast %max3A_379 : f32 to vector<256x1152xf32>
    %max3A_381 = arith.maximumf %add3A_378, %max3A_380 : vector<256x1152xf32>
    %dot_general3A_382 = arith.constant dense<0.000000e+00> : vector<256x128xf32>
    %dot_general3A_383 = tpu.matmul %max3A_381, %get3A_4, %dot_general3A_382 {dimension_numbers = #tpu.dot_dimension_numbers<[1], [0], [0], [1], [0, 0, 1, 1], [], []>, transpose_lhs_hint = false} : vector<256x1152xf32>, vector<1152x128xf32>, vector<256x128xf32> -> vector<256x128xf32>
    %add3A_384 = vector.broadcast %get3A_7 : vector<1x128xf32> to vector<256x128xf32>
    %add3A_385 = arith.addf %dot_general3A_383, %add3A_384 : vector<256x128xf32>
    %max3A_386 = arith.constant 0.000000e+00 : f32
    %max3A_387 = vector.broadcast %max3A_386 : f32 to vector<256x128xf32>
    %max3A_388 = arith.maximumf %add3A_385, %max3A_387 : vector<256x128xf32>
    %dot_general3A_389 = arith.constant dense<0.000000e+00> : vector<256x128xf32>
    %dot_general3A_390 = tpu.matmul %max3A_388, %get3A_10, %dot_general3A_389 {dimension_numbers = #tpu.dot_dimension_numbers<[1], [0], [0], [1], [0, 0, 1, 1], [], []>, transpose_lhs_hint = false} : vector<256x128xf32>, vector<128x128xf32>, vector<256x128xf32> -> vector<256x128xf32>
    %add3A_391 = vector.broadcast %get3A_13 : vector<1x128xf32> to vector<256x128xf32>
    %add3A_392 = arith.addf %dot_general3A_390, %add3A_391 : vector<256x128xf32>
    %swap3A_393 = arith.constant 6 : index
    %swap3A_394 = arith.constant 0 : index
    %swap3A_395 = arith.constant 0 : index
    %swap3A_396 = vector.load %arg13[%swap3A_393, %swap3A_394, %swap3A_395] : memref<8x256x128xf32, #tpu.memory_space<vmem>>, vector<1x256x128xf32>
    %swap3A_397 = vector.shape_cast %swap3A_396 : vector<1x256x128xf32> to vector<256x128xf32>
    %swap3A_398 = vector.shape_cast %add3A_392 : vector<256x128xf32> to vector<1x256x128xf32>
    tpu.vector_store %arg13[%swap3A_393, %swap3A_394, %swap3A_395], %swap3A_398 {strides = array<i32>} : memref<8x256x128xf32, #tpu.memory_space<vmem>>, vector<1x256x128xf32>,
    %get3A_399 = arith.constant 7 : index
    %get3A_400 = arith.constant 0 : index
    %get3A_401 = arith.constant 0 : index
    %get3A_402 = vector.load %arg2[%get3A_399, %get3A_400, %get3A_401] : memref<8x256x1xf32, #tpu.memory_space<vmem>>, vector<1x256x1xf32>
    %get3A_403 = vector.shape_cast %get3A_402 : vector<1x256x1xf32> to vector<256x1xf32>
    %mul3A_404 = arith.constant 2.560000e+02 : f32
    %mul3A_405 = vector.broadcast %mul3A_404 : f32 to vector<256x1xf32>
    %mul3A_406 = arith.mulf %mul3A_405, %get3A_403 : vector<256x1xf32>
    %mul3A_407 = vector.broadcast %mul3A_406 : vector<256x1xf32> to vector<256x128xf32>
    %mul3A_408 = vector.broadcast %get3A_16 : vector<1x128xf32> to vector<256x128xf32>
    %mul3A_409 = arith.mulf %mul3A_407, %mul3A_408 : vector<256x128xf32>
    %add3A_410 = vector.broadcast %get3A_19 : vector<1x128xf32> to vector<256x128xf32>
    %add3A_411 = arith.addf %mul3A_409, %add3A_410 : vector<256x128xf32>
    %mul3A_412 = vector.broadcast %mul3A_406 : vector<256x1xf32> to vector<256x128xf32>
    %mul3A_413 = vector.broadcast %get3A_22 : vector<1x128xf32> to vector<256x128xf32>
    %mul3A_414 = arith.mulf %mul3A_412, %mul3A_413 : vector<256x128xf32>
    %add3A_415 = vector.broadcast %get3A_25 : vector<1x128xf32> to vector<256x128xf32>
    %add3A_416 = arith.addf %mul3A_414, %add3A_415 : vector<256x128xf32>
    %get3A_417 = arith.constant 7 : index
    %get3A_418 = arith.constant 0 : index
    %get3A_419 = arith.constant 0 : index
    %get3A_420 = vector.load %arg1[%get3A_417, %get3A_418, %get3A_419] : memref<8x256x128xf32, #tpu.memory_space<vmem>>, vector<1x256x128xf32>
    %get3A_421 = vector.shape_cast %get3A_420 : vector<1x256x128xf32> to vector<256x128xf32>
    %mul3A_422 = arith.mulf %add3A_411, %get3A_421 : vector<256x128xf32>
    %add3A_423 = arith.addf %mul3A_422, %add3A_416 : vector<256x128xf32>
    %dot_general3A_424 = arith.constant dense<0.000000e+00> : vector<256x1152xf32>
    %dot_general3A_425 = tpu.matmul %add3A_423, %get3A_1, %dot_general3A_424 {dimension_numbers = #tpu.dot_dimension_numbers<[1], [0], [0], [1], [0, 0, 1, 1], [], []>, transpose_lhs_hint = false} : vector<256x128xf32>, vector<128x1152xf32>, vector<256x1152xf32> -> vector<256x1152xf32>
    %get3A_426 = arith.constant 7 : index
    %get3A_427 = arith.constant 0 : index
    %get3A_428 = arith.constant 0 : index
    %get3A_429 = vector.load %arg3[%get3A_426, %get3A_427, %get3A_428] : memref<8x1x1152xf32, #tpu.memory_space<vmem>>, vector<1x1x1152xf32>
    %get3A_430 = vector.shape_cast %get3A_429 : vector<1x1x1152xf32> to vector<1x1152xf32>
    %add3A_431 = vector.broadcast %get3A_430 : vector<1x1152xf32> to vector<256x1152xf32>
    %add3A_432 = arith.addf %dot_general3A_425, %add3A_431 : vector<256x1152xf32>
    %max3A_433 = arith.constant 0.000000e+00 : f32
    %max3A_434 = vector.broadcast %max3A_433 : f32 to vector<256x1152xf32>
    %max3A_435 = arith.maximumf %add3A_432, %max3A_434 : vector<256x1152xf32>
    %dot_general3A_436 = arith.constant dense<0.000000e+00> : vector<256x128xf32>
    %dot_general3A_437 = tpu.matmul %max3A_435, %get3A_4, %dot_general3A_436 {dimension_numbers = #tpu.dot_dimension_numbers<[1], [0], [0], [1], [0, 0, 1, 1], [], []>, transpose_lhs_hint = false} : vector<256x1152xf32>, vector<1152x128xf32>, vector<256x128xf32> -> vector<256x128xf32>
    %add3A_438 = vector.broadcast %get3A_7 : vector<1x128xf32> to vector<256x128xf32>
    %add3A_439 = arith.addf %dot_general3A_437, %add3A_438 : vector<256x128xf32>
    %max3A_440 = arith.constant 0.000000e+00 : f32
    %max3A_441 = vector.broadcast %max3A_440 : f32 to vector<256x128xf32>
    %max3A_442 = arith.maximumf %add3A_439, %max3A_441 : vector<256x128xf32>
    %dot_general3A_443 = arith.constant dense<0.000000e+00> : vector<256x128xf32>
    %dot_general3A_444 = tpu.matmul %max3A_442, %get3A_10, %dot_general3A_443 {dimension_numbers = #tpu.dot_dimension_numbers<[1], [0], [0], [1], [0, 0, 1, 1], [], []>, transpose_lhs_hint = false} : vector<256x128xf32>, vector<128x128xf32>, vector<256x128xf32> -> vector<256x128xf32>
    %add3A_445 = vector.broadcast %get3A_13 : vector<1x128xf32> to vector<256x128xf32>
    %add3A_446 = arith.addf %dot_general3A_444, %add3A_445 : vector<256x128xf32>
    %swap3A_447 = arith.constant 7 : index
    %swap3A_448 = arith.constant 0 : index
    %swap3A_449 = arith.constant 0 : index
    %swap3A_450 = vector.load %arg13[%swap3A_447, %swap3A_448, %swap3A_449] : memref<8x256x128xf32, #tpu.memory_space<vmem>>, vector<1x256x128xf32>
    %swap3A_451 = vector.shape_cast %swap3A_450 : vector<1x256x128xf32> to vector<256x128xf32>
    %swap3A_452 = vector.shape_cast %add3A_446 : vector<256x128xf32> to vector<1x256x128xf32>
    tpu.vector_store %arg13[%swap3A_447, %swap3A_448, %swap3A_449], %swap3A_452 {strides = array<i32>} : memref<8x256x128xf32, #tpu.memory_space<vmem>>, vector<1x256x128xf32>,
    return
  }
  func.func @transform_0(%arg0: i32) -> (i32, i32, i32) {
    %c0_i32 = arith.constant 0 : i32
    %c0_i32_0 = arith.constant 0 : i32
    %c0_i32_1 = arith.constant 0 : i32
    return %arg0, %c0_i32, %c0_i32_0 : i32, i32, i32
  }
  func.func @transform_1(%arg0: i32) -> (i32, i32, i32) {
    %c0_i32 = arith.constant 0 : i32
    %c0_i32_0 = arith.constant 0 : i32
    %c0_i32_1 = arith.constant 0 : i32
    return %arg0, %c0_i32, %c0_i32_0 : i32, i32, i32
  }
  func.func @transform_2(%arg0: i32) -> (i32, i32, i32) {
    %c0_i32 = arith.constant 0 : i32
    %c0_i32_0 = arith.constant 0 : i32
    %c0_i32_1 = arith.constant 0 : i32
    return %arg0, %c0_i32, %c0_i32_0 : i32, i32, i32
  }
  func.func @transform_3(%arg0: i32) -> (i32, i32) {
    %c0_i32 = arith.constant 0 : i32
    %c0_i32_0 = arith.constant 0 : i32
    %c0_i32_1 = arith.constant 0 : i32
    return %c0_i32, %c0_i32_0 : i32, i32
  }
  func.func @transform_4(%arg0: i32) -> (i32, i32) {
    %c0_i32 = arith.constant 0 : i32
    %c0_i32_0 = arith.constant 0 : i32
    %c0_i32_1 = arith.constant 0 : i32
    return %c0_i32, %c0_i32_0 : i32, i32
  }
  func.func @transform_5(%arg0: i32) -> (i32, i32) {
    %c0_i32 = arith.constant 0 : i32
    %c0_i32_0 = arith.constant 0 : i32
    %c0_i32_1 = arith.constant 0 : i32
    return %c0_i32, %c0_i32_0 : i32, i32
  }
  func.func @transform_6(%arg0: i32) -> (i32, i32) {
    %c0_i32 = arith.constant 0 : i32
    %c0_i32_0 = arith.constant 0 : i32
    %c0_i32_1 = arith.constant 0 : i32
    return %c0_i32, %c0_i32_0 : i32, i32
  }
  func.func @transform_7(%arg0: i32) -> (i32, i32) {
    %c0_i32 = arith.constant 0 : i32
    %c0_i32_0 = arith.constant 0 : i32
    %c0_i32_1 = arith.constant 0 : i32
    return %c0_i32, %c0_i32_0 : i32, i32
  }
  func.func @transform_8(%arg0: i32) -> (i32, i32) {
    %c0_i32 = arith.constant 0 : i32
    %c0_i32_0 = arith.constant 0 : i32
    %c0_i32_1 = arith.constant 0 : i32
    return %c0_i32, %c0_i32_0 : i32, i32
  }
  func.func @transform_9(%arg0: i32) -> (i32, i32) {
    %c0_i32 = arith.constant 0 : i32
    %c0_i32_0 = arith.constant 0 : i32
    %c0_i32_1 = arith.constant 0 : i32
    return %c0_i32, %c0_i32_0 : i32, i32
  }
  func.func @transform_10(%arg0: i32) -> (i32, i32) {
    %c0_i32 = arith.constant 0 : i32
    %c0_i32_0 = arith.constant 0 : i32
    %c0_i32_1 = arith.constant 0 : i32
    return %c0_i32, %c0_i32_0 : i32, i32
  }
  func.func @transform_11(%arg0: i32) -> (i32, i32) {
    %c0_i32 = arith.constant 0 : i32
    %c0_i32_0 = arith.constant 0 : i32
    %c0_i32_1 = arith.constant 0 : i32
    return %c0_i32, %c0_i32_0 : i32, i32
  }
  func.func @transform_12(%arg0: i32) -> (i32, i32, i32) {
    %c0_i32 = arith.constant 0 : i32
    %c0_i32_0 = arith.constant 0 : i32
    %c0_i32_1 = arith.constant 0 : i32
    return %arg0, %c0_i32, %c0_i32_0 : i32, i32, i32
  }
}

</mosaic_0001>

<sc_bundles>
// kernel: kernel.5.cloned.1.call-start
scs
__scs_entry_jumppad:
0x0: {  	(pc) =	sbr.rel $0x88, $3  }
0x1: {  	(tag) =	ssettag $0x0;
	lr =	simm.s32 $0x1  }
0x2: {  	[smem:$0x3F8C] =	sst lr;
	_ =	strace $0xD0000000  }
0x3: {  	_ = 	snop  }
0x4: {  	_ = 	snop  }
0x5: {  	_ = 	snop  }
0x6: {  	_ = 	snop  }
0x7: {  	_ = 	snop  }
__scs_overlays_trampoline_lowered:
0x8: {  	[smem:$0x3F9B] =	sst s0  }
0x9: {  	[smem:$0x3F9C] =	sst s1  }
0xa: {  	[smem:$0x3F9D] =	sst s2  }
0xb: {  	[smem:$0x3F9E] =	sst s3  }
0xc: {  	[smem:$0x3F9F] =	sst s4  }
0xd: {  	[smem:$0x3FA0] =	sst s5  }
0xe: {  	[smem:$0x3FA1] =	sst s6  }
0xf: {  	[smem:$0x3FA2] =	sst s7  }
0x10: {  	[smem:$0x3FA3] =	sst s8  }
0x11: {  	[smem:$0x3FA4] =	sst s9;
	s0 =	simm.s32 @!p0 $0x0  }
0x12: {  	s1 =	sld [smem:$0x3F8A];
	s0 =	simm.s32 @p0 $0x1  }
0x13: {  	[smem:$0x3FA5] =	sst s0;
	s0 =	simm.s32 @!p1 $0x0  }
0x14: {  	s2 =	sld [smem:$0x3F89];
	s0 =	simm.s32 @p1 $0x1  }
0x15: {  	[smem:$0x3FA6] =	sst s0;
	s0 =	simm.s32 @!p2 $0x0  }
0x16: {  	s3 =	sld [smem:$0x3FDB];
	s0 =	simm.s32 @p2 $0x1  }
0x17: {  	s4 =	simm.s32 $0x1BF5;
	[smem:$0x3FA8] =	sst s0  }
0x18: {  	s0 =	sld [smem:$0x3F8B];
	_ =	swait.ge [sflag:s4], $0x0  }
0x19: {  	s7 =	sld [smem:$0x3F8C]  }
0x1a: {  	s8 =	sadd.s32 $0xFFFFE003, lr  }
0x1b: {  	s9 =	sadd.s32 $0xFFFFFEF7, lr;
	s5 =	simm.s32 $0xFFFFFFFF;
	p2 =	slt.u32 s8, $0xFFFFF086  }
0x1c: {  	p1 =	slt.u32 s9, $0xF7A;
	s5 =	simm.s32 @!p2 $0x0  }
0x1d: {  	s5 =	simm.s32 @p1 $0x1;
	p0 =	seq.s32 s7, s2  }
0x1e: {  	s7 =	smul.u32 @!p0 $0xF7A, s2;
	p2 =	seq.s32 @!p0 s5, $0x0  }
0x1f: {  	s9 =	smul.u32 $0xF7A, s1;
	s8 =	simm.s32 @!p0 $0x1BF5;
	p2 =	por !p2, p0  }
0x20: {  	[sflag:s8] =	ssyncset.s32 @!p0 $0xFFFFF086;
	s6 =	sadd.s32 @!p0 s3, s7;
	s7 =	simm.s32 @!p0 $0x108  }
0x21: {  	s3 =	sadd.s32 s3, s9;
	s6 =	sadd.s32 @!p0 $0x88, s6;
	s7 =	simm.s32 @p2 $0x1082  }
0x22: {  	[simem:s7], [sflag:s8] =	dma.local @!p0 [hbm:s6], $0xF7A  }
0x23: {  	s9 =	sor.u32 $0xD0000000, s2;
	s6 =	simm.s32 $0x108;
	_ =	swait.ge @!p0 [sflag:s8], $0x0  }
0x24: {  	s3 =	sadd.s32 $0x88, s3;
	s6 =	simm.s32 @!p1 $0x1082;
	[sflag:s4] =	ssyncset.s32 $0xFFFFF086  }
0x25: {  	[simem:s6], [sflag:s4] =	dma.local [hbm:s3], $0xF7A  }
0x26: {  	[smem:$0x3F8C] =	sst s1;
	(tag) =	ssettag s2;
	_ =	strace s9  }
0x27: {  	s1 =	sld [smem:$0x3F9C]  }
0x28: {  	s2 =	sld [smem:$0x3F9D]  }
0x29: {  	s4 =	sld [smem:$0x3F9F]  }
0x2a: {  	p0 =	seq.s32 s5, $0x0;
	s5 =	sld [smem:$0x3FA0]  }
0x2b: {  	s6 =	sld [smem:$0x3FA1]  }
0x2c: {  	s7 =	sld [smem:$0x3FA2]  }
0x2d: {  	s3 =	simm.s32 $0x108;
	s8 =	sld [smem:$0x3FA3]  }
0x2e: {  	s3 =	simm.s32 @!p0 $0x1082;
	s9 =	sld [smem:$0x3FA4]  }
0x2f: {  	lr =	sadd.s32 s0, s3;
	s0 =	sld [smem:$0x3F9B]  }
0x30: {  	s3 =	sld [smem:$0x3F9E]  }
0x31: {  	[smem:$0x3FA7] =	sst s10  }
0x32: {  	s10 =	sld [smem:$0x3FA5];
	_ =	sdelay $0x3  }
0x33: {  	p0 =	seq.s32 s10, $0x1;
	s10 =	sld [smem:$0x3FA7];
	_ =	sdelay $0x3  }
0x34: {  	[smem:$0x3FA7] =	sst s10  }
0x35: {  	s10 =	sld [smem:$0x3FA6];
	_ =	sdelay $0x3  }
0x36: {  	p1 =	seq.s32 s10, $0x1;
	s10 =	sld [smem:$0x3FA7];
	_ =	sdelay $0x3  }
0x37: {  	[smem:$0x3FA7] =	sst s10  }
0x38: {  	s10 =	sld [smem:$0x3FA8]  }
0x39: {  	_ = 	snop;
	(pc) =	sbr.ind lr, $3  }
0x3a: {  	_ = 	snop  }
0x3b: {  	_ = 	snop  }
0x3c: {  	p2 =	seq.s32 s10, $0x1;
	s10 =	sld [smem:$0x3FA7]  }
0x3d: {  	_ =	shalt  }
0x3e: {  	_ =	shalt  }
0x3f: {  	_ =	shalt  }
0x40: {  	_ =	shalt  }
0x41: {  	_ =	shalt  }
0x42: {  	_ =	shalt  }
0x43: {  	_ =	shalt  }
0x44: {  	_ =	shalt  }
0x45: {  	_ =	shalt  }
0x46: {  	_ =	shalt  }
0x47: {  	_ =	shalt  }
0x48: {  	_ =	shalt  }
0x49: {  	_ =	shalt  }
0x4a: {  	_ =	shalt  }
0x4b: {  	_ =	shalt  }
0x4c: {  	_ =	shalt  }
0x4d: {  	_ =	shalt  }
0x4e: {  	_ =	shalt  }
0x4f: {  	_ =	shalt  }
0x50: {  	_ =	shalt  }
0x51: {  	_ =	shalt  }
0x52: {  	_ =	shalt  }
0x53: {  	_ =	shalt  }
0x54: {  	_ =	shalt  }
0x55: {  	_ =	shalt  }
0x56: {  	_ =	shalt  }
0x57: {  	_ =	shalt  }
0x58: {  	_ =	shalt  }
0x59: {  	_ =	shalt  }
0x5a: {  	_ =	shalt  }
0x5b: {  	_ =	shalt  }
0x5c: {  	_ =	shalt  }
0x5d: {  	_ =	shalt  }
0x5e: {  	_ =	shalt  }
0x5f: {  	_ =	shalt  }
0x60: {  	_ =	shalt  }
0x61: {  	_ =	shalt  }
0x62: {  	_ =	shalt  }
0x63: {  	_ =	shalt  }
0x64: {  	_ =	shalt  }
0x65: {  	_ =	shalt  }
0x66: {  	_ =	shalt  }
0x67: {  	_ =	shalt  }
0x68: {  	_ =	shalt  }
0x69: {  	_ =	shalt  }
0x6a: {  	_ =	shalt  }
0x6b: {  	_ =	shalt  }
0x6c: {  	_ =	shalt  }
0x6d: {  	_ =	shalt  }
0x6e: {  	_ =	shalt  }
0x6f: {  	_ =	shalt  }
0x70: {  	_ =	shalt  }
0x71: {  	_ =	shalt  }
0x72: {  	_ =	shalt  }
0x73: {  	_ =	shalt  }
0x74: {  	_ =	shalt  }
0x75: {  	_ =	shalt  }
0x76: {  	_ =	shalt  }
0x77: {  	_ =	shalt  }
0x78: {  	_ =	shalt  }
0x79: {  	_ =	shalt  }
0x7a: {  	_ =	shalt  }
0x7b: {  	_ =	shalt  }
0x7c: {  	_ =	shalt  }
0x7d: {  	_ =	shalt  }
0x7e: {  	_ =	shalt  }
0x7f: {  	_ =	shalt  }
0x80: {  	_ =	shalt  }
0x81: {  	_ =	shalt  }
0x82: {  	_ =	shalt  }
0x83: {  	_ =	shalt  }
0x84: {  	_ =	shalt  }
0x85: {  	_ =	shalt  }
0x86: {  	_ =	shalt  }
0x87: {  	_ =	shalt  }
.Lfunc_end0:
.L_simem_size_0:
called_computation_lowered:
.L_overlay_start_0:
0x88: {  	s2 =	sld [smem:$0x3FD9]  }
0x89: {  	s3 =	sld [smem:$0x3FFE];
	_ =	sdelay $0x1  }
0x8a: {  	s1 =	srdreg.scid  }
0x8b: {  	s0 =	sand.u32 $0x1, s1  }
0x8c: {  	s14 =	sshll.u32 s0, $0xA;
	s2 =	sadd.s32 s3, s2  }
0x8d: {  	s2 =	sadd.s32 s2, s14  }
0x8e: {  	[smem:$0x3FB3] =	sst s2  }
0x8f: {  	_ = 	snop  }
0x90: {  	s2 =	sld [smem:$0x3FD0];
	_ =	sdelay $0x2  }
0x91: {  	s4 =	simm.s32 $0xA;
	s5 =	simm.s32 $0x10;
	s15 =	sld [smem:$0x3FB5]  }
0x92: {  	[smem:s5], [sflag:s4] =	dma.local [hbm:s2], $0x1  }
0x93: {  	_ =	swait.eq [sflag:s4], $0x1  }
0x94: {  	[sflag:s4] =	ssyncset.done $0x0  }
0x95: {  	s16 =	sld [smem:$0x10];
	[sflag:s4] =	ssyncadd.s32 $0xFFFFFFFF  }
0x96: {  	s17 =	sld [smem:$0x11];
	(tm) =	ssettm $0x1  }
0x97: {  	s18 =	sld [smem:$0x3FFB];
	_ =	sdelay $0x3  }
0x98: {  	_ =	strace s18  }
0x99: {  	s5 =	sld [smem:$0x3FFC];
	_ =	sdelay $0x3  }
0x9a: {  	_ =	strace s5  }
0x9b: {  	s5 =	sld [smem:$0x3FFD];
	_ =	sdelay $0x3  }
0x9c: {  	_ =	strace s5  }
0x9d: {  	_ =	strace $0x8FFFFFFF  }
0x9e: {  	s19 =	sld [smem:$0x3FDB];
	_ =	sdelay $0x1  }
0x9f: {  	s6 =	simm.s32 $_scs_section_size  }
0xa0: {  	s7 =	simm.s32 $_size__tile_overlayer_lowered;
	s8 =	simm.s32 $_tile_overlayer_lowered  }
0xa1: {  	s22 =	simm.s32 $0x1BFF;
	s21 =	sshll.u32 s8, $0x1;
	s5 =	sadd.s32 s6, s19  }
0xa2: {  	s9 =	simm.s32 $0x0;
	s20 =	sshll.u32 s7, $0x1;
	s7 =	sadd.s32 s21, s5  }
0xa3: {  	[timem:s9], [sflag:s22] =	dma.local [hbm:s7], s20  }
0xa4: {  	_ =	swait.ge [sflag:s22], s20  }
0xa5: {  	s6 =	ssub.s32 $0x0, s20;
	[sflag:s22] =	ssyncset.done $0x0  }
0xa6: {  	[sflag:s22] =	ssyncadd.s32 s6;
	_ =	sdelay $0x1  }
0xa7: {  	s23 =	simm.s32 $0x1B8B  }
0xa8: {  	_ =	swait.ge [sflag:s23], $0x1  }
0xa9: {  	[sflag:s23] =	ssyncset.done $0x0  }
0xaa: {  	s25 =	simm.s32 $0x1B8E;
	s24 =	sld [smem:$0x3FFE];
	[sflag:s23] =	ssyncadd.s32 $0xFFFFFFFF  }
0xab: {  	s26 =	simm.s32 $execute0_lowered;
	[smem:$0x3FD2] =	sst s25  }
0xac: {  	s7 =	sshll.u32 s26, $0x1;
	_ =	strace $0x80000046;
	[dreg:$0x1] =	wrdreg $0xFFFFFFFF  }
0xad: {  	s28 =	simm.s32 $_size_execute0_lowered;
	s5 =	sadd.s32 s5, s7;
	[dreg:$0x0] =	wrdreg $0x0  }
0xae: {  	s7 =	sshll.u32 s28, $0x1;
	[dreg:$0x2] =	wrdreg s5  }
0xaf: {  	[dreg:$0x3] =	wrdreg s7  }
0xb0: {  	[dreg:$0x4] =	wrdreg $0xC0  }
0xb1: {  	_ =	task [dreg:s9], $0x5FFFF  }
0xb2: {  	[dreg:$0x1] =	wrdreg $0xFFFFFFFF  }
0xb3: {  	[dreg:$0x0] =	wrdreg $0x60  }
0xb4: {  	[dreg:$0x2] =	wrdreg s24  }
0xb5: {  	[dreg:$0x3] =	wrdreg s15  }
0xb6: {  	[dreg:$0x4] =	wrdreg s17  }
0xb7: {  	[dreg:$0x5] =	wrdreg s16  }
0xb8: {  	[dreg:$0x6] =	wrdreg $0x9  }
0xb9: {  	_ =	task.clear_ibuf [dreg:s9], $0x7FFFF;
	_ =	strace $0x90000046  }
0xba: {  	s29 =	simm.s32 $0x9;
	_ =	strace $0x80000048  }
0xbb: {  	_ =	swait.ge [sflag:s29], $0x1  }
0xbc: {  	[sflag:s29] =	ssyncadd.s32 $0xFFFFFFFF  }
0xbd: {  	_ =	strace $0x90000048  }
0xbe: {  	_ =	sfence  }
0xbf: {  	s30 =	sld [smem:$0x0];
	_ =	sdelay $0x2  }
0xc0: {  	s31 =	sshll.u32 s1, $0xD;
	s1 =	sshrl.u32 s1, $0x2  }
0xc1: {  	s3 =	sand.u32 $0x4000, s31;
	s1 =	sadd.s32 s1, s30  }
0xc2: {  	s0 =	sor.u32 s3, s0;
	s1 =	sshll.u32 s1, $0x11  }
0xc3: {  	s0 =	sor.u32 s1, s0  }
0xc4: {  	s0 =	sadd.s32 $0x8F2B, s0  }
0xc5: {  	[sflag:s0] =	ssyncadd.remote.s32 $0x1  }
0xc6: {  	_ =	sfence.sel $0xFFFF  }
0xc7: {  	[dreg:$0x0] =	wrdreg $0xFFFFFFFF;
	(pc) =	sbr.abs _section_cstart, $3  }
0xc8: {  	[dreg:$0x1] =	wrdreg $0xFFFFFFFF  }
0xc9: {  	_ =	task.clear_ibuf [dreg:s9], $0x2FFFF;
	_ =	strace $0x9FFFFFFF  }
0xca: {  	(tm) =	ssettm $0x7FFFFFFF  }
0xcb: {  	_ =	shalt  }
tec
execute0_lowered:
.L_overlay_start_1:
0x0: {  	(tag) =	ssettag $0x1  }
0x1: {  	s5 =	rddreg [dreg:$0x0]  }
0x2: {  	s1 =	rddreg [dreg:$0x1]  }
0x3: {  	s2 =	rddreg [dreg:$0x2]  }
0x4: {  	s3 =	rddreg [dreg:$0x3];
	s4 =	simm.s32 $0x0;
	s6 =	srdreg.scid  }
0x5: {  	s12 =	simm.s32 $0x400;
	s13 =	simm.s32 $0x2;
	s14 =	simm.s32 $0x3000  }
0x6: {  	s15 =	simm.s32 $0x3100;
	s16 =	simm.s32 $0x3200;
	s17 =	simm.s32 $0x3380  }
0x7: {  	s18 =	simm.s32 $0x3500;
	s19 =	simm.s32 $0x3600;
	s20 =	simm.s32 $0x3580  }
0x8: {  	s21 =	simm.s32 $0x7600;
	s22 =	simm.s32 $0x0;
	[smem:$0x7FF] =	sst s4  }
0x9: {  	s7 =	sand.u32 $0x1, s6;
	s6 =	sadd.s32 $0x3200, s5;
	s5 =	stileid.u32  }
0xa: {  	v0 =	vlaneseq.u32;
	_ =	strace $0x80000047;
	s8 =	ssub.s32 $0x2, s7;
	s10 =	sshll.u32 s5, $0x2  }
0xb: {  	v4 =	vmul.u32 $0xFFFFFFFF, v0;
	s7 =	sshll.u32 s7, $0x1;
	s31 =	sshrl.u32 s5, $0x1;
	s9 =	sshrl.u32 s8, $0x1  }
0xc: {  	v1 =	vimm.s32 $0x0;
	s7 =	sor.u32 s7, s10;
	s11 =	ssub.s32 s8, s9;
	s8 =	sshll.u32 s31, $0x10  }
0xd: {  	v3 =	vimm.s32 $0x1;
	v2 =	vmul.u32 $0x100, v0;
	v4 =	vadd.s32 $0xF, v4;
	s9 =	sshll.u32 s31, $0xB;
	s10 =	smax.u32 s11, $0x1;
	s11 =	simm.s32 $0x80  }
.LBB2_1:
0xe: {  	p1 =	por $0x1, $0x1;
	s25 =	simm.s32 $0x0  }
.LBB2_2:
0xf: {  	s23 =	sor.u32 s7, s25  }
0x10: {  	s24 =	sshll.u32 s23, $0x7  }
0x11: {  	s24 =	sand.u32 $0x380, s24  }
0x12: {  	s31 =	sor.u32 s8, s24  }
0x13: {  	s25 =	sshrl.u32 s31, $0x3  }
0x14: {  	s26 =	sadd.s32 s6, s25;
	s25 =	simm.s32 $0x0  }
0x15: {  	[tilespmem:s25], [sflag:$0x2] =	stream.strided.gather [hbm4b:s26+s11], $0x2000, s12, s11, $0x38;
	[tilespmem:$0xB600] =	vst v63  }
0x16: {  	_ =	swait.ge [sflag:s13], $0x2000  }
0x17: {  	p0 =	por p1, p1;
	[sflag:s13] =	ssyncset.done $0x0  }
0x18: {  	s28 =	simm.s32 $0x0;
	s26 =	simm.s32 $0x40;
	[sflag:s13] =	ssyncadd.s32 $0xFFFFE000  }
.LBB2_3:
0x19: {  	p1 =	sne.s32 s26, $0x3FC0;
	[tilespmem:s28+$0x2000] =	vst v1;
	s28 =	smov.u32 s26;
	s26 =	sadd.s32 $0x40, s26  }
.Ltmp0:
0x1a: {  	(pc) =	sbr.rel @p1 .LBB2_3-.Ltmp0, $2  }
0x1b: {  	_ =	sdelay $0x2  }
0x1c: {  	s28 =	sshra.s32 s28, $0x2  }
0x1d: {  	[tilespmem:s28+$0x2000] =	vst v1  }
.LBB2_5:
0x1e: {  	s26 =	sshra.s32 s25, $0x2  }
0x1f: {  	v5 =	vld [tilespmem:s26+$0x0];
	_ =	sdelay $0x4  }
0x20: {  	v5 =	vshrl.u32 v5, $0x18  }
0x21: {  	v6 =	vand.u32 $0x80, v5  }
0x22: {  	v5 =	vand.u32 $0x7F, v5;
	v6 =	vor.u32 v2, v6  }
0x23: {  	p1 =	sne.s32 s25, $0x7FC0;
	v5 =	vor.u32 v5, v6  }
.Ltmp1:
0x24: {  	_ = 	snop;
	(pc) =	sbr.rel @p1 .LBB2_5-.Ltmp1, $3  }
0x25: {  	_ =	sdelay $0x1  }
0x26: {  	s26 =	simm.s32 $0x2000  }
0x27: {  	s25 =	sadd.s32 $0x40, s25;
	[tilespmem:v5+s26+$0x0] =	vst.idx.add.s32.msk $0xffff, v3  }
0x28: {  	s25 =	simm.s32 $0x0  }
0x29: {  	v6 =	vld [tilespmem:s26+$0x0];
	s28 =	sand.u32 $0xF0, s25  }
0x2a: {  	v5 =	vld [tilespmem:s28+$0x2100]  }
0x2b: {  	v7 =	vld [tilespmem:s28+$0x2200]  }
0x2c: {  	v8 =	vld [tilespmem:s28+$0x2300]  }
0x2d: {  	v9 =	vld [tilespmem:s28+$0x2400]  }
0x2e: {  	v10 =	vld [tilespmem:s28+$0x2500]  }
0x2f: {  	v5 =	vadd.s32 v6, v5;
	v6 =	vld [tilespmem:s28+$0x2600]  }
0x30: {  	v5 =	vadd.s32 v7, v5;
	v7 =	vld [tilespmem:s28+$0x2700]  }
0x31: {  	v58 =	vld [tilespmem:s28+$0x2800];
	v5 =	vadd.s32 v8, v5  }
0x32: {  	v59 =	vld [tilespmem:s28+$0x2900];
	v5 =	vadd.s32 v9, v5  }
0x33: {  	v60 =	vld [tilespmem:s28+$0x2A00];
	v5 =	vadd.s32 v10, v5  }
0x34: {  	v5 =	vadd.s32 v6, v5;
	v6 =	vld [tilespmem:s28+$0x2B00]  }
0x35: {  	v5 =	vadd.s32 v7, v5;
	v7 =	vld [tilespmem:s28+$0x2C00]  }
0x36: {  	v61 =	vld [tilespmem:s28+$0x2D00];
	v5 =	vadd.s32 v58, v5  }
0x37: {  	v62 =	vld [tilespmem:s28+$0x2E00];
	v5 =	vadd.s32 v59, v5  }
0x38: {  	v63 =	vld [tilespmem:s28+$0x2F00];
	v5 =	vadd.s32 v60, v5  }
0x39: {  	v5 =	vadd.s32 v6, v5  }
0x3a: {  	v5 =	vadd.s32 v7, v5  }
0x3b: {  	v5 =	vadd.s32 v61, v5  }
0x3c: {  	v5 =	vadd.s32 v62, v5  }
0x3d: {  	s26 =	simm.s32 $0x3000;
	s28 =	simm.s32 $0x10;
	v5 =	vadd.s32 v63, v5  }
0x3e: {  	s28 =	sand.u32 $0xF0, s28;
	[tilespmem:s26+$0x0] =	vst v5  }
0x3f: {  	s30 =	simm.s32 $0x20;
	s29 =	simm.s32 $0x2010;
	v5 =	vld [tilespmem:s28+$0x2100]  }
.LBB2_7:
0x40: {  	p1 =	sne.s32 s30, $0xF0;
	v6 =	vld [tilespmem:s29+$0x0]  }
0x41: {  	v7 =	vld [tilespmem:s28+$0x2200]  }
0x42: {  	v8 =	vld [tilespmem:s28+$0x2300]  }
0x43: {  	v9 =	vld [tilespmem:s28+$0x2400]  }
0x44: {  	v10 =	vld [tilespmem:s28+$0x2500]  }
0x45: {  	v5 =	vadd.s32 v6, v5;
	v6 =	vld [tilespmem:s28+$0x2600]  }
0x46: {  	v5 =	vadd.s32 v7, v5;
	v7 =	vld [tilespmem:s28+$0x2700]  }
0x47: {  	v5 =	vadd.s32 v8, v5;
	v8 =	vld [tilespmem:s28+$0x2800]  }
0x48: {  	v5 =	vadd.s32 v9, v5;
	v9 =	vld [tilespmem:s28+$0x2900]  }
0x49: {  	v5 =	vadd.s32 v10, v5;
	v10 =	vld [tilespmem:s28+$0x2A00]  }
0x4a: {  	v5 =	vadd.s32 v6, v5;
	v6 =	vld [tilespmem:s28+$0x2B00]  }
0x4b: {  	v5 =	vadd.s32 v7, v5;
	v7 =	vld [tilespmem:s28+$0x2C00]  }
0x4c: {  	v5 =	vadd.s32 v8, v5;
	v8 =	vld [tilespmem:s28+$0x2D00]  }
0x4d: {  	v5 =	vadd.s32 v9, v5;
	v9 =	vld [tilespmem:s28+$0x2E00]  }
0x4e: {  	v5 =	vadd.s32 v10, v5;
	v10 =	vld [tilespmem:s28+$0x2F00]  }
0x4f: {  	v5 =	vadd.s32 v6, v5  }
0x50: {  	v5 =	vadd.s32 v7, v5  }
.Ltmp2:
0x51: {  	v5 =	vadd.s32 v8, v5;
	(pc) =	sbr.rel @p1 .LBB2_7-.Ltmp2, $4  }
0x52: {  	v5 =	vadd.s32 v9, v5  }
0x53: {  	s26 =	sadd.s32 $0x10, s26;
	v5 =	vadd.s32 v10, v5  }
0x54: {  	s28 =	sand.u32 $0xF0, s30;
	[tilespmem:s26+$0x0] =	vst v5  }
0x55: {  	s29 =	sadd.s32 $0x10, s29;
	s30 =	sadd.s32 $0x10, s30;
	v5 =	vld [tilespmem:s28+$0x2100]  }
0x56: {  	v6 =	vld [tilespmem:s29+$0x0]  }
0x57: {  	v7 =	vld [tilespmem:s28+$0x2200]  }
0x58: {  	v8 =	vld [tilespmem:s28+$0x2300]  }
0x59: {  	v9 =	vld [tilespmem:s28+$0x2400]  }
0x5a: {  	v10 =	vld [tilespmem:s28+$0x2500]  }
0x5b: {  	v5 =	vadd.s32 v6, v5;
	v6 =	vld [tilespmem:s28+$0x2600]  }
0x5c: {  	v5 =	vadd.s32 v7, v5;
	v7 =	vld [tilespmem:s28+$0x2700]  }
0x5d: {  	v58 =	vld [tilespmem:s28+$0x2800];
	v5 =	vadd.s32 v8, v5  }
0x5e: {  	v59 =	vld [tilespmem:s28+$0x2900];
	v5 =	vadd.s32 v9, v5  }
0x5f: {  	v60 =	vld [tilespmem:s28+$0x2A00];
	v5 =	vadd.s32 v10, v5  }
0x60: {  	v5 =	vadd.s32 v6, v5;
	v6 =	vld [tilespmem:s28+$0x2B00]  }
0x61: {  	v5 =	vadd.s32 v7, v5;
	v7 =	vld [tilespmem:s28+$0x2C00]  }
0x62: {  	v61 =	vld [tilespmem:s28+$0x2D00];
	v5 =	vadd.s32 v58, v5  }
0x63: {  	v62 =	vld [tilespmem:s28+$0x2E00];
	v5 =	vadd.s32 v59, v5  }
0x64: {  	v63 =	vld [tilespmem:s28+$0x2F00];
	v5 =	vadd.s32 v60, v5  }
0x65: {  	v5 =	vadd.s32 v6, v5  }
0x66: {  	v5 =	vadd.s32 v7, v5  }
0x67: {  	v5 =	vadd.s32 v61, v5  }
0x68: {  	v5 =	vadd.s32 v62, v5  }
0x69: {  	s26 =	sadd.s32 $0x10, s26;
	v5 =	vadd.s32 v63, v5  }
0x6a: {  	s28 =	simm.s32 $0xF0;
	[tilespmem:s26+$0x0] =	vst v5  }
0x6b: {  	v5 =	vld [tilespmem:s28+$0x3000];
	_ =	sdelay $0x4  }
0x6c: {  	v5 =	vperm.xlane v5, v4;
	_ =	sdelay $0x1  }
0x6d: {  	(xrf0) =	vadd.scan.msk.s32 $0xffff, v5;
	_ =	sdelay $0x5  }
0x6e: {  	v5, _, _ =	vpop (xrf0)  }
0x6f: {  	v5 =	vadd.s32 s25, v5  }
0x70: {  	vm0 =	vgt.s32 v5, $0xFF;
	v6 =	vxor.u32 $0x80000000, v5  }
0x71: {  	v7 =	vsel vm0, $0x1, v1;
	(xrf0) =	vmax.scan.msk.u32 $0xffff, v6  }
0x72: {  	(xrf0) =	vadd.scan.msk.s32 $0xffff, v7;
	_ =	sdelay $0x4  }
0x73: {  	v5 =	vperm.xlane v5, v4;
	v6, _, _ =	vpop (xrf0)  }
0x74: {  	v7, _, _ =	vpop (xrf0);
	(v2sf) =	vpush v6, $0xF  }
0x75: {  	s26 =	simm.s32 $0x380;
	[tilespmem:s28+$0x3100] =	vst v5;
	s28 =	simm.s32 $0x340;
	(v2sf) =	vpush v7, $0xF  }
.LBB2_9:
0x76: {  	p1 =	sne.s32 s28, $0x0;
	s29 =	sshra.s32 s26, $0x2;
	s26 =	smov.u32 s28  }
0x77: {  	v5 =	vld [tilespmem:s29+$0x3000];
	_ =	sdelay $0x4  }
0x78: {  	v5 =	vperm.xlane v5, v4;
	_ =	sdelay $0x1  }
0x79: {  	(xrf0) =	vadd.scan.msk.s32 $0xffff, v5;
	_ =	sdelay $0x4  }
0x7a: {  	s30 =	spop (v2sf)  }
0x7b: {  	v5, _, _ =	vpop (xrf0);
	s30 =	sxor.u32 $0x80000000, s30;
	s31 =	spop (v2sf)  }
0x7c: {  	v5 =	vadd.s32 s30, v5;
	s25 =	sadd.s32 s25, s31  }
0x7d: {  	v6 =	vperm.xlane v5, v4;
	vm0 =	vgt.s32 v5, $0xFF;
	v5 =	vxor.u32 $0x80000000, v5  }
0x7e: {  	v7 =	vsel vm0, $0x1, v1;
	(xrf0) =	vmax.scan.msk.u32 $0xffff, v5  }
0x7f: {  	[tilespmem:s29+$0x3100] =	vst v6;
	(xrf0) =	vadd.scan.msk.s32 $0xffff, v7;
	_ =	sdelay $0x2  }
.Ltmp3:
0x80: {  	(pc) =	sbr.rel @p1 .LBB2_9-.Ltmp3, $4  }
0x81: {  	_ = 	snop  }
0x82: {  	v5, _, _ =	vpop (xrf0)  }
0x83: {  	v6, _, _ =	vpop (xrf0);
	(v2sf) =	vpush v5, $0xF  }
0x84: {  	s28 =	sadd.s32 $0xFFFFFFC0, s28;
	(v2sf) =	vpush v6, $0xF  }
0x85: {  	s26 =	sshra.s32 s26, $0x2  }
0x86: {  	v5 =	vld [tilespmem:s26+$0x3000];
	_ =	sdelay $0x4  }
0x87: {  	v5 =	vperm.xlane v5, v4;
	_ =	sdelay $0x1  }
0x88: {  	(xrf0) =	vadd.scan.msk.s32 $0xffff, v5;
	_ =	sdelay $0x4  }
0x89: {  	s28 =	spop (v2sf)  }
0x8a: {  	v5, _, _ =	vpop (xrf0);
	s28 =	sxor.u32 $0x80000000, s28  }
0x8b: {  	v5 =	vadd.s32 s28, v5  }
0x8c: {  	vm0 =	vgt.s32 v5, $0xFF;
	v6 =	vxor.u32 $0x80000000, v5  }
0x8d: {  	v7 =	vsel vm0, $0x1, v1;
	(xrf0) =	vmax.scan.msk.u32 $0xffff, v6  }
0x8e: {  	(xrf0) =	vadd.scan.msk.s32 $0xffff, v7;
	_ =	sdelay $0x4  }
0x8f: {  	v6, _, _ =	vpop (xrf0)  }
0x90: {  	v7, _, _ =	vpop (xrf0);
	(v2sf) =	vpush v6, $0xF  }
0x91: {  	(v2sf) =	vpush v7, $0xF;
	_ =	sdelay $0xc  }
0x92: {  	s28 =	spop (v2sf)  }
0x93: {  	s29 =	spop (v2sf)  }
0x94: {  	s25 =	sadd.s32 s25, s28;
	s28 =	spop (v2sf)  }
0x95: {  	s25 =	sadd.s32 s25, s28  }
0x96: {  	s25 =	sadd.s32 $0xFFFFFFFF, s25  }
0x97: {  	v7 =	vmov s25;
	_ =	sdelay $0x1  }
0x98: {  	v5 =	vperm.xlane v5, v4;
	_ =	sdelay $0x1  }
0x99: {  	[tilespmem:s26+$0x3100] =	vst v5  }
0x9a: {  	v6 =	vld.idx.msk [tilespmem:v7+s14+$0x0], $0xffff  }
0x9b: {  	s26 =	simm.s32 $0x40;
	s28 =	simm.s32 $0x0;
	v5 =	vld.idx.msk [tilespmem:v7+s15+$0x0], $0xffff  }
.LBB2_11:
0x9c: {  	p1 =	seq.s32 s26, $0x3FC0;
	[tilespmem:s28+$0x2000] =	vst v1;
	s28 =	smov.u32 s26;
	s26 =	sadd.s32 $0x40, s26  }
.Ltmp4:
0x9d: {  	(pc) =	sbr.rel @!p1 .LBB2_11-.Ltmp4, $2  }
0x9e: {  	_ =	sdelay $0x2  }
0x9f: {  	s28 =	sshra.s32 s28, $0x2  }
0xa0: {  	s25 =	sshll.u32 s25, $0x18  }
0xa1: {  	[tilespmem:s28+$0x2000] =	vst v1;
	s28 =	simm.s32 $0x0;
	s26 =	simm.s32 $0x0;
	v7 =	vmov s25  }
.LBB2_13:
0xa2: {  	s29 =	sshra.s32 s26, $0x2  }
0xa3: {  	v8 =	vld [tilespmem:s29+$0x0];
	_ =	sdelay $0x4  }
0xa4: {  	v9 =	vand.u32 $0xFF000000, v8;
	v8 =	vshrl.u32 v8, $0x10  }
0xa5: {  	vm0 =	veq.s32 v9, v7;
	v8 =	vand.u32 $0xFF, v8  }
0xa6: {  	p1 =	seq.s32 s26, $0x7FC0;
	v8 =	vor.u32 v2, v8  }
.Ltmp5:
0xa7: {  	_ = 	snop;
	(pc) =	sbr.rel @!p1 .LBB2_13-.Ltmp5, $3  }
0xa8: {  	_ =	sdelay $0x1  }
0xa9: {  	s29 =	simm.s32 $0x2000  }
0xaa: {  	s26 =	sadd.s32 $0x40, s26;
	[tilespmem:v8+s29+$0x0] =	vst.idx.add.s32.msk vm0, v3  }
0xab: {  	s28 =	sand.u32 $0xF0, s28;
	v8 =	vld [tilespmem:s29+$0x0]  }
0xac: {  	v7 =	vld [tilespmem:s28+$0x2100]  }
0xad: {  	v9 =	vld [tilespmem:s28+$0x2200]  }
0xae: {  	v10 =	vld [tilespmem:s28+$0x2300]  }
0xaf: {  	v11 =	vld [tilespmem:s28+$0x2400]  }
0xb0: {  	v12 =	vld [tilespmem:s28+$0x2500]  }
0xb1: {  	v7 =	vadd.s32 v8, v7;
	v8 =	vld [tilespmem:s28+$0x2600]  }
0xb2: {  	v56 =	vld [tilespmem:s28+$0x2700];
	v7 =	vadd.s32 v9, v7  }
0xb3: {  	v57 =	vld [tilespmem:s28+$0x2800];
	v7 =	vadd.s32 v10, v7  }
0xb4: {  	v58 =	vld [tilespmem:s28+$0x2900];
	v7 =	vadd.s32 v11, v7  }
0xb5: {  	v59 =	vld [tilespmem:s28+$0x2A00];
	v7 =	vadd.s32 v12, v7  }
0xb6: {  	v7 =	vadd.s32 v8, v7;
	v8 =	vld [tilespmem:s28+$0x2B00]  }
0xb7: {  	v60 =	vld [tilespmem:s28+$0x2C00];
	v7 =	vadd.s32 v56, v7  }
0xb8: {  	v61 =	vld [tilespmem:s28+$0x2D00];
	v7 =	vadd.s32 v57, v7  }
0xb9: {  	v62 =	vld [tilespmem:s28+$0x2E00];
	v7 =	vadd.s32 v58, v7  }
0xba: {  	v63 =	vld [tilespmem:s28+$0x2F00];
	v7 =	vadd.s32 v59, v7  }
0xbb: {  	v7 =	vadd.s32 v8, v7  }
0xbc: {  	v7 =	vadd.s32 v60, v7  }
0xbd: {  	v7 =	vadd.s32 v61, v7  }
0xbe: {  	v7 =	vadd.s32 v62, v7  }
0xbf: {  	s26 =	simm.s32 $0x3000;
	s28 =	simm.s32 $0x10;
	v7 =	vadd.s32 v63, v7  }
0xc0: {  	s28 =	sand.u32 $0xF0, s28;
	[tilespmem:s26+$0x0] =	vst v7  }
0xc1: {  	s30 =	simm.s32 $0x20;
	s29 =	simm.s32 $0x2010;
	v7 =	vld [tilespmem:s28+$0x2100]  }
.LBB2_15:
0xc2: {  	p1 =	seq.s32 s30, $0xF0;
	v8 =	vld [tilespmem:s29+$0x0]  }
0xc3: {  	v9 =	vld [tilespmem:s28+$0x2200]  }
0xc4: {  	v10 =	vld [tilespmem:s28+$0x2300]  }
0xc5: {  	v11 =	vld [tilespmem:s28+$0x2400]  }
0xc6: {  	v12 =	vld [tilespmem:s28+$0x2500]  }
0xc7: {  	v7 =	vadd.s32 v8, v7;
	v8 =	vld [tilespmem:s28+$0x2600]  }
0xc8: {  	v7 =	vadd.s32 v9, v7;
	v9 =	vld [tilespmem:s28+$0x2700]  }
0xc9: {  	v7 =	vadd.s32 v10, v7;
	v10 =	vld [tilespmem:s28+$0x2800]  }
0xca: {  	v7 =	vadd.s32 v11, v7;
	v11 =	vld [tilespmem:s28+$0x2900]  }
0xcb: {  	v7 =	vadd.s32 v12, v7;
	v12 =	vld [tilespmem:s28+$0x2A00]  }
0xcc: {  	v7 =	vadd.s32 v8, v7;
	v8 =	vld [tilespmem:s28+$0x2B00]  }
0xcd: {  	v7 =	vadd.s32 v9, v7;
	v9 =	vld [tilespmem:s28+$0x2C00]  }
0xce: {  	v7 =	vadd.s32 v10, v7;
	v10 =	vld [tilespmem:s28+$0x2D00]  }
0xcf: {  	v7 =	vadd.s32 v11, v7;
	v11 =	vld [tilespmem:s28+$0x2E00]  }
0xd0: {  	v7 =	vadd.s32 v12, v7;
	v12 =	vld [tilespmem:s28+$0x2F00]  }
0xd1: {  	v7 =	vadd.s32 v8, v7  }
0xd2: {  	v7 =	vadd.s32 v9, v7  }
.Ltmp6:
0xd3: {  	v7 =	vadd.s32 v10, v7;
	(pc) =	sbr.rel @!p1 .LBB2_15-.Ltmp6, $4  }
0xd4: {  	v7 =	vadd.s32 v11, v7  }
0xd5: {  	s26 =	sadd.s32 $0x10, s26;
	v7 =	vadd.s32 v12, v7  }
0xd6: {  	s28 =	sand.u32 $0xF0, s30;
	[tilespmem:s26+$0x0] =	vst v7  }
0xd7: {  	s29 =	sadd.s32 $0x10, s29;
	s30 =	sadd.s32 $0x10, s30;
	v7 =	vld [tilespmem:s28+$0x2100]  }
0xd8: {  	v8 =	vld [tilespmem:s29+$0x0]  }
0xd9: {  	v9 =	vld [tilespmem:s28+$0x2200]  }
0xda: {  	v10 =	vld [tilespmem:s28+$0x2300]  }
0xdb: {  	v11 =	vld [tilespmem:s28+$0x2400]  }
0xdc: {  	v12 =	vld [tilespmem:s28+$0x2500]  }
0xdd: {  	v53 =	vld [tilespmem:s28+$0x2600];
	v7 =	vadd.s32 v8, v7  }
0xde: {  	v54 =	vld [tilespmem:s28+$0x2700];
	v7 =	vadd.s32 v9, v7  }
0xdf: {  	v55 =	vld [tilespmem:s28+$0x2800];
	v7 =	vadd.s32 v10, v7  }
0xe0: {  	v56 =	vld [tilespmem:s28+$0x2900];
	v6 =	vxor.u32 $0x80000000, v6;
	v7 =	vadd.s32 v11, v7  }
0xe1: {  	v57 =	vld [tilespmem:s28+$0x2A00];
	v5 =	vxor.u32 $0x80000000, v5;
	(xrf0) =	vmax.scan.msk.u32 $0xffff, v6;
	v7 =	vadd.s32 v12, v7  }
0xe2: {  	v58 =	vld [tilespmem:s28+$0x2B00];
	(xrf0) =	vmax.scan.msk.u32 $0xffff, v5;
	v7 =	vadd.s32 v53, v7  }
0xe3: {  	v59 =	vld [tilespmem:s28+$0x2C00];
	v7 =	vadd.s32 v54, v7  }
0xe4: {  	v60 =	vld [tilespmem:s28+$0x2D00];
	v7 =	vadd.s32 v55, v7  }
0xe5: {  	v61 =	vld [tilespmem:s28+$0x2E00];
	v7 =	vadd.s32 v56, v7  }
0xe6: {  	v62 =	vld [tilespmem:s28+$0x2F00];
	v7 =	vadd.s32 v57, v7  }
0xe7: {  	v5, _, _ =	vpop (xrf0);
	v7 =	vadd.s32 v58, v7  }
0xe8: {  	(v2sf) =	vpush v5, $0xF;
	v5, _, _ =	vpop (xrf0);
	v7 =	vadd.s32 v59, v7  }
0xe9: {  	(v2sf) =	vpush v5, $0xF;
	v7 =	vadd.s32 v60, v7  }
0xea: {  	v7 =	vadd.s32 v61, v7  }
0xeb: {  	s26 =	sadd.s32 $0x10, s26;
	v7 =	vadd.s32 v62, v7  }
0xec: {  	s30 =	simm.s32 $0xF0;
	[tilespmem:s26+$0x0] =	vst v7  }
0xed: {  	v6 =	vld [tilespmem:s30+$0x3000];
	_ =	sdelay $0x4  }
0xee: {  	v6 =	vperm.xlane v6, v4;
	_ =	sdelay $0x1  }
0xef: {  	(xrf0) =	vadd.scan.msk.s32 $0xffff, v6;
	_ =	sdelay $0x2  }
0xf0: {  	s31 =	spop (v2sf)  }
0xf1: {  	s28 =	spop (v2sf)  }
0xf2: {  	s26 =	sxor.u32 $0x80000000, s31;
	s28 =	sxor.u32 $0x80000000, s28  }
0xf3: {  	s26 =	ssub.s32 s28, s26;
	s28 =	simm.s32 $0x0;
	v6, _, _ =	vpop (xrf0)  }
0xf4: {  	v6 =	vadd.s32 s28, v6  }
0xf5: {  	v7 =	vxor.u32 $0x80000000, v6  }
0xf6: {  	(xrf0) =	vmax.scan.msk.u32 $0xffff, v7;
	_ =	sdelay $0x1  }
0xf7: {  	v5 =	vmov s26  }
0xf8: {  	v7 =	vadd.s32 v5, v6  }
0xf9: {  	vm0 =	vgt.s32 v7, $0xFF  }
0xfa: {  	v7 =	vsel vm0, $0x1, v1  }
0xfb: {  	v63, _, _ =	vpop (xrf0);
	(xrf0) =	vadd.scan.msk.s32 $0xffff, v7;
	_ =	sdelay $0x2  }
0xfc: {  	v6 =	vperm.xlane v6, v4;
	_ =	sdelay $0x1  }
0xfd: {  	s29 =	simm.s32 $0x380;
	[tilespmem:s30+$0x3100] =	vst v6;
	s30 =	simm.s32 $0x340;
	(v2sf) =	vpush v63, $0xF  }
.LBB2_17:
0xfe: {  	p1 =	sne.s32 s30, $0x0;
	v6, _, _ =	vpop (xrf0)  }
0xff: {  	s31 =	sshra.s32 s29, $0x2;
	s29 =	smov.u32 s30;
	(v2sf) =	vpush v6, $0xF  }
0x100: {  	v6 =	vld [tilespmem:s31+$0x3000];
	_ =	sdelay $0x4  }
0x101: {  	v6 =	vperm.xlane v6, v4;
	_ =	sdelay $0x1  }
0x102: {  	(xrf0) =	vadd.scan.msk.s32 $0xffff, v6;
	_ =	sdelay $0x4  }
0x103: {  	s0 =	spop (v2sf)  }
0x104: {  	v6, _, _ =	vpop (xrf0);
	s0 =	sxor.u32 $0x80000000, s0  }
0x105: {  	v6 =	vadd.s32 s0, v6;
	s0 =	spop (v2sf)  }
0x106: {  	v7 =	vperm.xlane v6, v4;
	v8 =	vadd.s32 v5, v6;
	v6 =	vxor.u32 $0x80000000, v6;
	s28 =	sadd.s32 s28, s0  }
0x107: {  	vm0 =	vgt.s32 v8, $0xFF;
	(xrf0) =	vmax.scan.msk.u32 $0xffff, v6  }
0x108: {  	[tilespmem:s31+$0x3100] =	vst v7;
	v6 =	vsel vm0, $0x1, v1  }
0x109: {  	(xrf0) =	vadd.scan.msk.s32 $0xffff, v6  }
.Ltmp7:
0x10a: {  	(pc) =	sbr.rel @p1 .LBB2_17-.Ltmp7, $3  }
0x10b: {  	_ =	sdelay $0x1  }
0x10c: {  	v6, _, _ =	vpop (xrf0)  }
0x10d: {  	s30 =	sadd.s32 $0xFFFFFFC0, s30;
	(v2sf) =	vpush v6, $0xF  }
0x10e: {  	_ = 	snop  }
0x10f: {  	s0 =	sshra.s32 s29, $0x2  }
0x110: {  	v6 =	vld [tilespmem:s0+$0x3000];
	_ =	sdelay $0x4  }
0x111: {  	v6 =	vperm.xlane v6, v4;
	_ =	sdelay $0x1  }
0x112: {  	(xrf0) =	vadd.scan.msk.s32 $0xffff, v6;
	_ =	sdelay $0x4  }
0x113: {  	v6, _, _ =	vpop (xrf0);
	s29 =	spop (v2sf)  }
0x114: {  	v7, _, _ =	vpop (xrf0);
	s29 =	sxor.u32 $0x80000000, s29  }
0x115: {  	v7 =	vadd.s32 s29, v7  }
0x116: {  	v5 =	vadd.s32 v5, v7  }
0x117: {  	vm0 =	vgt.s32 v5, $0xFF;
	v5 =	vxor.u32 $0x80000000, v7  }
0x118: {  	(xrf0) =	vmax.scan.msk.u32 $0xffff, v5;
	v5 =	vsel vm0, $0x1, v1  }
0x119: {  	(xrf0) =	vadd.scan.msk.s32 $0xffff, v5;
	_ =	sdelay $0x4  }
0x11a: {  	(v2sf) =	vpush v6, $0xF;
	v5, _, _ =	vpop (xrf0)  }
0x11b: {  	(v2sf) =	vpush v5, $0xF;
	v5, _, _ =	vpop (xrf0)  }
0x11c: {  	(v2sf) =	vpush v5, $0xF;
	_ =	sdelay $0xc  }
0x11d: {  	s29 =	spop (v2sf)  }
0x11e: {  	s30 =	spop (v2sf)  }
0x11f: {  	s28 =	sadd.s32 s28, s29;
	s29 =	spop (v2sf)  }
0x120: {  	s28 =	sadd.s32 s28, s29  }
0x121: {  	s28 =	sadd.s32 $0xFFFFFFFF, s28  }
0x122: {  	v5 =	vmov s28;
	_ =	sdelay $0x1  }
0x123: {  	v6 =	vperm.xlane v7, v4;
	_ =	sdelay $0x1  }
0x124: {  	[tilespmem:s0+$0x3100] =	vst v6  }
0x125: {  	v6 =	vld.idx.msk [tilespmem:v5+s14+$0x0], $0xffff  }
0x126: {  	s30 =	simm.s32 $0x0;
	s29 =	simm.s32 $0x40;
	v5 =	vld.idx.msk [tilespmem:v5+s15+$0x0], $0xffff  }
.LBB2_19:
0x127: {  	p1 =	seq.s32 s29, $0x3FC0;
	[tilespmem:s30+$0x2000] =	vst v1;
	s0 =	smov.u32 s29;
	s29 =	sadd.s32 $0x40, s29  }
.Ltmp8:
0x128: {  	(pc) =	sbr.rel @!p1 .LBB2_19-.Ltmp8, $2  }
0x129: {  	_ =	sdelay $0x2  }
0x12a: {  	s30 =	sshra.s32 s0, $0x2  }
0x12b: {  	s0 =	sshll.u32 s28, $0x10  }
0x12c: {  	s25 =	sor.u32 s25, s0  }
0x12d: {  	[tilespmem:s30+$0x2000] =	vst v1;
	s29 =	simm.s32 $0x0;
	s28 =	simm.s32 $0x0;
	v7 =	vmov s25  }
.LBB2_21:
0x12e: {  	s0 =	sshra.s32 s28, $0x2  }
0x12f: {  	v8 =	vld [tilespmem:s0+$0x0];
	_ =	sdelay $0x4  }
0x130: {  	v9 =	vand.u32 $0xFFFF0000, v8;
	v8 =	vshrl.u32 v8, $0x8  }
0x131: {  	vm0 =	veq.s32 v9, v7;
	v8 =	vand.u32 $0xFF, v8  }
0x132: {  	p1 =	seq.s32 s28, $0x7FC0;
	v8 =	vor.u32 v2, v8  }
.Ltmp9:
0x133: {  	_ = 	snop;
	(pc) =	sbr.rel @!p1 .LBB2_21-.Ltmp9, $3  }
0x134: {  	_ =	sdelay $0x1  }
0x135: {  	s30 =	simm.s32 $0x2000  }
0x136: {  	s28 =	sadd.s32 $0x40, s28;
	[tilespmem:v8+s30+$0x0] =	vst.idx.add.s32.msk vm0, v3  }
0x137: {  	s0 =	sand.u32 $0xF0, s29;
	v8 =	vld [tilespmem:s30+$0x0]  }
0x138: {  	v7 =	vld [tilespmem:s0+$0x2100]  }
0x139: {  	v9 =	vld [tilespmem:s0+$0x2200]  }
0x13a: {  	v10 =	vld [tilespmem:s0+$0x2300]  }
0x13b: {  	v11 =	vld [tilespmem:s0+$0x2400]  }
0x13c: {  	v12 =	vld [tilespmem:s0+$0x2500]  }
0x13d: {  	v7 =	vadd.s32 v8, v7;
	v8 =	vld [tilespmem:s0+$0x2600]  }
0x13e: {  	v56 =	vld [tilespmem:s0+$0x2700];
	v7 =	vadd.s32 v9, v7  }
0x13f: {  	v57 =	vld [tilespmem:s0+$0x2800];
	v7 =	vadd.s32 v10, v7  }
0x140: {  	v58 =	vld [tilespmem:s0+$0x2900];
	v7 =	vadd.s32 v11, v7  }
0x141: {  	v59 =	vld [tilespmem:s0+$0x2A00];
	v7 =	vadd.s32 v12, v7  }
0x142: {  	v7 =	vadd.s32 v8, v7;
	v8 =	vld [tilespmem:s0+$0x2B00]  }
0x143: {  	v60 =	vld [tilespmem:s0+$0x2C00];
	v7 =	vadd.s32 v56, v7  }
0x144: {  	v61 =	vld [tilespmem:s0+$0x2D00];
	v7 =	vadd.s32 v57, v7  }
0x145: {  	v62 =	vld [tilespmem:s0+$0x2E00];
	v7 =	vadd.s32 v58, v7  }
0x146: {  	v63 =	vld [tilespmem:s0+$0x2F00];
	v7 =	vadd.s32 v59, v7  }
0x147: {  	v7 =	vadd.s32 v8, v7  }
0x148: {  	v7 =	vadd.s32 v60, v7  }
0x149: {  	v7 =	vadd.s32 v61, v7  }
0x14a: {  	v7 =	vadd.s32 v62, v7  }
0x14b: {  	s28 =	simm.s32 $0x3000;
	s0 =	simm.s32 $0x10;
	v7 =	vadd.s32 v63, v7  }
0x14c: {  	s29 =	sand.u32 $0xF0, s0;
	[tilespmem:s28+$0x0] =	vst v7  }
0x14d: {  	s31 =	simm.s32 $0x20;
	s30 =	simm.s32 $0x2010;
	v7 =	vld [tilespmem:s29+$0x2100]  }
.LBB2_23:
0x14e: {  	p1 =	seq.s32 s31, $0xF0;
	v8 =	vld [tilespmem:s30+$0x0]  }
0x14f: {  	v9 =	vld [tilespmem:s29+$0x2200]  }
0x150: {  	v10 =	vld [tilespmem:s29+$0x2300]  }
0x151: {  	v11 =	vld [tilespmem:s29+$0x2400]  }
0x152: {  	v12 =	vld [tilespmem:s29+$0x2500]  }
0x153: {  	v7 =	vadd.s32 v8, v7;
	v8 =	vld [tilespmem:s29+$0x2600]  }
0x154: {  	v7 =	vadd.s32 v9, v7;
	v9 =	vld [tilespmem:s29+$0x2700]  }
0x155: {  	v7 =	vadd.s32 v10, v7;
	v10 =	vld [tilespmem:s29+$0x2800]  }
0x156: {  	v7 =	vadd.s32 v11, v7;
	v11 =	vld [tilespmem:s29+$0x2900]  }
0x157: {  	v7 =	vadd.s32 v12, v7;
	v12 =	vld [tilespmem:s29+$0x2A00]  }
0x158: {  	v7 =	vadd.s32 v8, v7;
	v8 =	vld [tilespmem:s29+$0x2B00]  }
0x159: {  	v7 =	vadd.s32 v9, v7;
	v9 =	vld [tilespmem:s29+$0x2C00]  }
0x15a: {  	v7 =	vadd.s32 v10, v7;
	v10 =	vld [tilespmem:s29+$0x2D00]  }
0x15b: {  	v7 =	vadd.s32 v11, v7;
	v11 =	vld [tilespmem:s29+$0x2E00]  }
0x15c: {  	v7 =	vadd.s32 v12, v7;
	v12 =	vld [tilespmem:s29+$0x2F00]  }
0x15d: {  	v7 =	vadd.s32 v8, v7  }
0x15e: {  	v7 =	vadd.s32 v9, v7  }
.Ltmp10:
0x15f: {  	v7 =	vadd.s32 v10, v7;
	(pc) =	sbr.rel @!p1 .LBB2_23-.Ltmp10, $4  }
0x160: {  	v7 =	vadd.s32 v11, v7  }
0x161: {  	s28 =	sadd.s32 $0x10, s28;
	v7 =	vadd.s32 v12, v7  }
0x162: {  	s29 =	sand.u32 $0xF0, s31;
	[tilespmem:s28+$0x0] =	vst v7  }
0x163: {  	s30 =	sadd.s32 $0x10, s30;
	s31 =	sadd.s32 $0x10, s31;
	v7 =	vld [tilespmem:s29+$0x2100]  }
0x164: {  	v6 =	vxor.u32 $0x80000000, v6  }
0x165: {  	(xrf0) =	vmax.scan.msk.u32 $0xffff, v6  }
0x166: {  	v5 =	vxor.u32 $0x80000000, v5  }
0x167: {  	(xrf0) =	vmax.scan.msk.u32 $0xffff, v5  }
0x168: {  	v8 =	vld [tilespmem:s30+$0x0]  }
0x169: {  	v9 =	vld [tilespmem:s29+$0x2200]  }
0x16a: {  	v10 =	vld [tilespmem:s29+$0x2300]  }
0x16b: {  	v11 =	vld [tilespmem:s29+$0x2400];
	v5, _, _ =	vpop (xrf0)  }
0x16c: {  	v12 =	vld [tilespmem:s29+$0x2500];
	(v2sf) =	vpush v5, $0xF  }
0x16d: {  	v53 =	vld [tilespmem:s29+$0x2600];
	v7 =	vadd.s32 v8, v7;
	v5, _, _ =	vpop (xrf0)  }
0x16e: {  	v54 =	vld [tilespmem:s29+$0x2700];
	v7 =	vadd.s32 v9, v7;
	(v2sf) =	vpush v5, $0xF  }
0x16f: {  	v55 =	vld [tilespmem:s29+$0x2800];
	v7 =	vadd.s32 v10, v7  }
0x170: {  	v56 =	vld [tilespmem:s29+$0x2900];
	v7 =	vadd.s32 v11, v7  }
0x171: {  	v57 =	vld [tilespmem:s29+$0x2A00];
	v7 =	vadd.s32 v12, v7  }
0x172: {  	v58 =	vld [tilespmem:s29+$0x2B00];
	v7 =	vadd.s32 v53, v7  }
0x173: {  	v59 =	vld [tilespmem:s29+$0x2C00];
	v7 =	vadd.s32 v54, v7  }
0x174: {  	v60 =	vld [tilespmem:s29+$0x2D00];
	v7 =	vadd.s32 v55, v7  }
0x175: {  	v61 =	vld [tilespmem:s29+$0x2E00];
	v7 =	vadd.s32 v56, v7  }
0x176: {  	v62 =	vld [tilespmem:s29+$0x2F00];
	v7 =	vadd.s32 v57, v7  }
0x177: {  	v7 =	vadd.s32 v58, v7  }
0x178: {  	v7 =	vadd.s32 v59, v7  }
0x179: {  	v7 =	vadd.s32 v60, v7  }
0x17a: {  	v7 =	vadd.s32 v61, v7  }
0x17b: {  	s0 =	sadd.s32 $0x10, s28;
	v7 =	vadd.s32 v62, v7;
	s31 =	spop (v2sf)  }
0x17c: {  	[tilespmem:s0+$0x0] =	vst v7;
	s0 =	sxor.u32 $0x7FFFFFFF, s31  }
0x17d: {  	s31 =	spop (v2sf);
	s0 =	sadd.s32 s26, s0  }
0x17e: {  	s0 =	sadd.s32 s31, s0;
	s31 =	simm.s32 $0xF0  }
0x17f: {  	v6 =	vld [tilespmem:s31+$0x3000];
	_ =	sdelay $0x4  }
0x180: {  	v6 =	vperm.xlane v6, v4;
	_ =	sdelay $0x1  }
0x181: {  	(xrf0) =	vadd.scan.msk.s32 $0xffff, v6;
	_ =	sdelay $0x5  }
0x182: {  	s28 =	simm.s32 $0x0;
	v6, _, _ =	vpop (xrf0)  }
0x183: {  	v6 =	vadd.s32 s28, v6  }
0x184: {  	v7 =	vxor.u32 $0x80000000, v6  }
0x185: {  	(xrf0) =	vmax.scan.msk.u32 $0xffff, v7  }
0x186: {  	s26 =	sadd.s32 $0x80000001, s0  }
0x187: {  	v5 =	vmov s26  }
0x188: {  	v7 =	vadd.s32 v5, v6  }
0x189: {  	vm0 =	vgt.s32 v7, $0xFF  }
0x18a: {  	v7 =	vsel vm0, $0x1, v1  }
0x18b: {  	v63, _, _ =	vpop (xrf0);
	(xrf0) =	vadd.scan.msk.s32 $0xffff, v7;
	_ =	sdelay $0x2  }
0x18c: {  	v6 =	vperm.xlane v6, v4;
	_ =	sdelay $0x1  }
0x18d: {  	s29 =	simm.s32 $0x380;
	s30 =	simm.s32 $0x340;
	[tilespmem:s31+$0x3100] =	vst v6;
	(v2sf) =	vpush v63, $0xF  }
.LBB2_25:
0x18e: {  	p1 =	sne.s32 s30, $0x0;
	v6, _, _ =	vpop (xrf0)  }
0x18f: {  	s0 =	sshra.s32 s29, $0x2;
	s29 =	smov.u32 s30;
	(v2sf) =	vpush v6, $0xF  }
0x190: {  	v6 =	vld [tilespmem:s0+$0x3000];
	_ =	sdelay $0x4  }
0x191: {  	v6 =	vperm.xlane v6, v4;
	_ =	sdelay $0x1  }
0x192: {  	(xrf0) =	vadd.scan.msk.s32 $0xffff, v6;
	_ =	sdelay $0x4  }
0x193: {  	s31 =	spop (v2sf)  }
0x194: {  	v6, _, _ =	vpop (xrf0);
	s31 =	sxor.u32 $0x80000000, s31  }
0x195: {  	v6 =	vadd.s32 s31, v6;
	s31 =	spop (v2sf)  }
0x196: {  	v7 =	vperm.xlane v6, v4;
	v8 =	vadd.s32 v5, v6;
	v6 =	vxor.u32 $0x80000000, v6;
	s28 =	sadd.s32 s28, s31  }
0x197: {  	vm0 =	vgt.s32 v8, $0xFF;
	(xrf0) =	vmax.scan.msk.u32 $0xffff, v6  }
0x198: {  	[tilespmem:s0+$0x3100] =	vst v7;
	v6 =	vsel vm0, $0x1, v1  }
0x199: {  	(xrf0) =	vadd.scan.msk.s32 $0xffff, v6  }
.Ltmp11:
0x19a: {  	(pc) =	sbr.rel @p1 .LBB2_25-.Ltmp11, $3  }
0x19b: {  	_ =	sdelay $0x1  }
0x19c: {  	v6, _, _ =	vpop (xrf0)  }
0x19d: {  	s30 =	sadd.s32 $0xFFFFFFC0, s30;
	(v2sf) =	vpush v6, $0xF  }
0x19e: {  	_ = 	snop  }
0x19f: {  	s0 =	sshra.s32 s29, $0x2  }
0x1a0: {  	v6 =	vld [tilespmem:s0+$0x3000];
	_ =	sdelay $0x4  }
0x1a1: {  	v6 =	vperm.xlane v6, v4;
	_ =	sdelay $0x1  }
0x1a2: {  	(xrf0) =	vadd.scan.msk.s32 $0xffff, v6;
	_ =	sdelay $0x4  }
0x1a3: {  	v6, _, _ =	vpop (xrf0);
	s29 =	spop (v2sf)  }
0x1a4: {  	v7, _, _ =	vpop (xrf0);
	s29 =	sxor.u32 $0x80000000, s29  }
0x1a5: {  	v7 =	vadd.s32 s29, v7  }
0x1a6: {  	v5 =	vadd.s32 v5, v7  }
0x1a7: {  	vm0 =	vgt.s32 v5, $0xFF;
	v5 =	vxor.u32 $0x80000000, v7  }
0x1a8: {  	(xrf0) =	vmax.scan.msk.u32 $0xffff, v5;
	v5 =	vsel vm0, $0x1, v1  }
0x1a9: {  	(xrf0) =	vadd.scan.msk.s32 $0xffff, v5;
	_ =	sdelay $0x4  }
0x1aa: {  	(v2sf) =	vpush v6, $0xF;
	v5, _, _ =	vpop (xrf0)  }
0x1ab: {  	(v2sf) =	vpush v5, $0xF;
	v5, _, _ =	vpop (xrf0)  }
0x1ac: {  	(v2sf) =	vpush v5, $0xF;
	_ =	sdelay $0xc  }
0x1ad: {  	s29 =	spop (v2sf)  }
0x1ae: {  	s30 =	spop (v2sf)  }
0x1af: {  	s28 =	sadd.s32 s28, s29;
	s29 =	spop (v2sf)  }
0x1b0: {  	s28 =	sadd.s32 s28, s29  }
0x1b1: {  	s28 =	sadd.s32 $0xFFFFFFFF, s28  }
0x1b2: {  	v5 =	vmov s28;
	_ =	sdelay $0x1  }
0x1b3: {  	v6 =	vperm.xlane v7, v4;
	_ =	sdelay $0x1  }
0x1b4: {  	[tilespmem:s0+$0x3100] =	vst v6  }
0x1b5: {  	v6 =	vld.idx.msk [tilespmem:v5+s14+$0x0], $0xffff  }
0x1b6: {  	s30 =	simm.s32 $0x0;
	s29 =	simm.s32 $0x40;
	v5 =	vld.idx.msk [tilespmem:v5+s15+$0x0], $0xffff  }
.LBB2_27:
0x1b7: {  	p1 =	seq.s32 s29, $0x3FC0;
	[tilespmem:s30+$0x2000] =	vst v1;
	s0 =	smov.u32 s29;
	s29 =	sadd.s32 $0x40, s29  }
.Ltmp12:
0x1b8: {  	(pc) =	sbr.rel @!p1 .LBB2_27-.Ltmp12, $2  }
0x1b9: {  	_ =	sdelay $0x2  }
0x1ba: {  	s30 =	sshra.s32 s0, $0x2  }
0x1bb: {  	s0 =	sshll.u32 s28, $0x8  }
0x1bc: {  	s25 =	sor.u32 s25, s0  }
0x1bd: {  	[tilespmem:s30+$0x2000] =	vst v1;
	s29 =	simm.s32 $0x0;
	s28 =	simm.s32 $0x0;
	v7 =	vmov s25  }
.LBB2_29:
0x1be: {  	s0 =	sshra.s32 s28, $0x2  }
0x1bf: {  	v8 =	vld [tilespmem:s0+$0x0];
	_ =	sdelay $0x4  }
0x1c0: {  	v9 =	vand.u32 $0xFFFFFF00, v8  }
0x1c1: {  	v8 =	vand.u32 $0xFF, v8;
	vm0 =	veq.s32 v9, v7  }
0x1c2: {  	p1 =	seq.s32 s28, $0x7FC0;
	v8 =	vor.u32 v2, v8  }
.Ltmp13:
0x1c3: {  	_ = 	snop;
	(pc) =	sbr.rel @!p1 .LBB2_29-.Ltmp13, $3  }
0x1c4: {  	_ =	sdelay $0x1  }
0x1c5: {  	s30 =	simm.s32 $0x2000  }
0x1c6: {  	s28 =	sadd.s32 $0x40, s28;
	[tilespmem:v8+s30+$0x0] =	vst.idx.add.s32.msk vm0, v3  }
0x1c7: {  	s0 =	sand.u32 $0xF0, s29;
	v8 =	vld [tilespmem:s30+$0x0]  }
0x1c8: {  	v7 =	vld [tilespmem:s0+$0x2100]  }
0x1c9: {  	v9 =	vld [tilespmem:s0+$0x2200]  }
0x1ca: {  	v10 =	vld [tilespmem:s0+$0x2300]  }
0x1cb: {  	v11 =	vld [tilespmem:s0+$0x2400]  }
0x1cc: {  	v12 =	vld [tilespmem:s0+$0x2500]  }
0x1cd: {  	v7 =	vadd.s32 v8, v7;
	v8 =	vld [tilespmem:s0+$0x2600]  }
0x1ce: {  	v56 =	vld [tilespmem:s0+$0x2700];
	v7 =	vadd.s32 v9, v7  }
0x1cf: {  	v57 =	vld [tilespmem:s0+$0x2800];
	v7 =	vadd.s32 v10, v7  }
0x1d0: {  	v58 =	vld [tilespmem:s0+$0x2900];
	v7 =	vadd.s32 v11, v7  }
0x1d1: {  	v59 =	vld [tilespmem:s0+$0x2A00];
	v7 =	vadd.s32 v12, v7  }
0x1d2: {  	v7 =	vadd.s32 v8, v7;
	v8 =	vld [tilespmem:s0+$0x2B00]  }
0x1d3: {  	v60 =	vld [tilespmem:s0+$0x2C00];
	v7 =	vadd.s32 v56, v7  }
0x1d4: {  	v61 =	vld [tilespmem:s0+$0x2D00];
	v7 =	vadd.s32 v57, v7  }
0x1d5: {  	v62 =	vld [tilespmem:s0+$0x2E00];
	v7 =	vadd.s32 v58, v7  }
0x1d6: {  	v63 =	vld [tilespmem:s0+$0x2F00];
	v7 =	vadd.s32 v59, v7  }
0x1d7: {  	v7 =	vadd.s32 v8, v7  }
0x1d8: {  	v7 =	vadd.s32 v60, v7  }
0x1d9: {  	v7 =	vadd.s32 v61, v7  }
0x1da: {  	v7 =	vadd.s32 v62, v7  }
0x1db: {  	s28 =	simm.s32 $0x3000;
	s0 =	simm.s32 $0x10;
	v7 =	vadd.s32 v63, v7  }
0x1dc: {  	s29 =	sand.u32 $0xF0, s0;
	[tilespmem:s28+$0x0] =	vst v7  }
0x1dd: {  	s31 =	simm.s32 $0x20;
	s30 =	simm.s32 $0x2010;
	v7 =	vld [tilespmem:s29+$0x2100]  }
.LBB2_31:
0x1de: {  	p1 =	seq.s32 s31, $0xF0;
	v8 =	vld [tilespmem:s30+$0x0]  }
0x1df: {  	v9 =	vld [tilespmem:s29+$0x2200]  }
0x1e0: {  	v10 =	vld [tilespmem:s29+$0x2300]  }
0x1e1: {  	v11 =	vld [tilespmem:s29+$0x2400]  }
0x1e2: {  	v12 =	vld [tilespmem:s29+$0x2500]  }
0x1e3: {  	v7 =	vadd.s32 v8, v7;
	v8 =	vld [tilespmem:s29+$0x2600]  }
0x1e4: {  	v7 =	vadd.s32 v9, v7;
	v9 =	vld [tilespmem:s29+$0x2700]  }
0x1e5: {  	v7 =	vadd.s32 v10, v7;
	v10 =	vld [tilespmem:s29+$0x2800]  }
0x1e6: {  	v7 =	vadd.s32 v11, v7;
	v11 =	vld [tilespmem:s29+$0x2900]  }
0x1e7: {  	v7 =	vadd.s32 v12, v7;
	v12 =	vld [tilespmem:s29+$0x2A00]  }
0x1e8: {  	v7 =	vadd.s32 v8, v7;
	v8 =	vld [tilespmem:s29+$0x2B00]  }
0x1e9: {  	v7 =	vadd.s32 v9, v7;
	v9 =	vld [tilespmem:s29+$0x2C00]  }
0x1ea: {  	v7 =	vadd.s32 v10, v7;
	v10 =	vld [tilespmem:s29+$0x2D00]  }
0x1eb: {  	v7 =	vadd.s32 v11, v7;
	v11 =	vld [tilespmem:s29+$0x2E00]  }
0x1ec: {  	v7 =	vadd.s32 v12, v7;
	v12 =	vld [tilespmem:s29+$0x2F00]  }
0x1ed: {  	v7 =	vadd.s32 v8, v7  }
0x1ee: {  	v7 =	vadd.s32 v9, v7  }
.Ltmp14:
0x1ef: {  	v7 =	vadd.s32 v10, v7;
	(pc) =	sbr.rel @!p1 .LBB2_31-.Ltmp14, $4  }
0x1f0: {  	v7 =	vadd.s32 v11, v7  }
0x1f1: {  	s28 =	sadd.s32 $0x10, s28;
	v7 =	vadd.s32 v12, v7  }
0x1f2: {  	s29 =	sand.u32 $0xF0, s31;
	[tilespmem:s28+$0x0] =	vst v7  }
0x1f3: {  	s30 =	sadd.s32 $0x10, s30;
	s31 =	sadd.s32 $0x10, s31;
	v7 =	vld [tilespmem:s29+$0x2100]  }
0x1f4: {  	v6 =	vxor.u32 $0x80000000, v6  }
0x1f5: {  	(xrf0) =	vmax.scan.msk.u32 $0xffff, v6  }
0x1f6: {  	v5 =	vxor.u32 $0x80000000, v5  }
0x1f7: {  	(xrf0) =	vmax.scan.msk.u32 $0xffff, v5  }
0x1f8: {  	v8 =	vld [tilespmem:s30+$0x0]  }
0x1f9: {  	v9 =	vld [tilespmem:s29+$0x2200]  }
0x1fa: {  	v10 =	vld [tilespmem:s29+$0x2300]  }
0x1fb: {  	v11 =	vld [tilespmem:s29+$0x2400];
	v5, _, _ =	vpop (xrf0)  }
0x1fc: {  	v12 =	vld [tilespmem:s29+$0x2500];
	(v2sf) =	vpush v5, $0xF  }
0x1fd: {  	v53 =	vld [tilespmem:s29+$0x2600];
	v7 =	vadd.s32 v8, v7;
	v5, _, _ =	vpop (xrf0)  }
0x1fe: {  	v54 =	vld [tilespmem:s29+$0x2700];
	v7 =	vadd.s32 v9, v7;
	(v2sf) =	vpush v5, $0xF  }
0x1ff: {  	v55 =	vld [tilespmem:s29+$0x2800];
	v7 =	vadd.s32 v10, v7  }
0x200: {  	v56 =	vld [tilespmem:s29+$0x2900];
	v7 =	vadd.s32 v11, v7  }
0x201: {  	v57 =	vld [tilespmem:s29+$0x2A00];
	v7 =	vadd.s32 v12, v7  }
0x202: {  	v58 =	vld [tilespmem:s29+$0x2B00];
	v7 =	vadd.s32 v53, v7  }
0x203: {  	v59 =	vld [tilespmem:s29+$0x2C00];
	v7 =	vadd.s32 v54, v7  }
0x204: {  	v60 =	vld [tilespmem:s29+$0x2D00];
	v7 =	vadd.s32 v55, v7  }
0x205: {  	v61 =	vld [tilespmem:s29+$0x2E00];
	v7 =	vadd.s32 v56, v7  }
0x206: {  	v62 =	vld [tilespmem:s29+$0x2F00];
	v7 =	vadd.s32 v57, v7  }
0x207: {  	v7 =	vadd.s32 v58, v7  }
0x208: {  	v7 =	vadd.s32 v59, v7  }
0x209: {  	v7 =	vadd.s32 v60, v7  }
0x20a: {  	v7 =	vadd.s32 v61, v7  }
0x20b: {  	s0 =	sadd.s32 $0x10, s28;
	v7 =	vadd.s32 v62, v7;
	s31 =	spop (v2sf)  }
0x20c: {  	[tilespmem:s0+$0x0] =	vst v7;
	s0 =	sxor.u32 $0x7FFFFFFF, s31  }
0x20d: {  	s31 =	spop (v2sf);
	s0 =	sadd.s32 s26, s0  }
0x20e: {  	s0 =	sadd.s32 s31, s0;
	s31 =	simm.s32 $0xF0  }
0x20f: {  	v6 =	vld [tilespmem:s31+$0x3000];
	_ =	sdelay $0x4  }
0x210: {  	v6 =	vperm.xlane v6, v4;
	_ =	sdelay $0x1  }
0x211: {  	(xrf0) =	vadd.scan.msk.s32 $0xffff, v6;
	_ =	sdelay $0x5  }
0x212: {  	s28 =	simm.s32 $0x0;
	v6, _, _ =	vpop (xrf0)  }
0x213: {  	v6 =	vadd.s32 s28, v6  }
0x214: {  	v7 =	vxor.u32 $0x80000000, v6  }
0x215: {  	(xrf0) =	vmax.scan.msk.u32 $0xffff, v7  }
0x216: {  	s26 =	sadd.s32 $0x80000001, s0  }
0x217: {  	v5 =	vmov s26  }
0x218: {  	v7 =	vadd.s32 v5, v6  }
0x219: {  	vm0 =	vgt.s32 v7, $0xFF  }
0x21a: {  	v7 =	vsel vm0, $0x1, v1  }
0x21b: {  	v63, _, _ =	vpop (xrf0);
	(xrf0) =	vadd.scan.msk.s32 $0xffff, v7;
	_ =	sdelay $0x2  }
0x21c: {  	v6 =	vperm.xlane v6, v4;
	_ =	sdelay $0x1  }
0x21d: {  	s29 =	simm.s32 $0x380;
	s30 =	simm.s32 $0x340;
	[tilespmem:s31+$0x3100] =	vst v6;
	(v2sf) =	vpush v63, $0xF  }
.LBB2_33:
0x21e: {  	p1 =	sne.s32 s30, $0x0;
	v6, _, _ =	vpop (xrf0)  }
0x21f: {  	s0 =	sshra.s32 s29, $0x2;
	s29 =	smov.u32 s30;
	(v2sf) =	vpush v6, $0xF  }
0x220: {  	v6 =	vld [tilespmem:s0+$0x3000];
	_ =	sdelay $0x4  }
0x221: {  	v6 =	vperm.xlane v6, v4;
	_ =	sdelay $0x1  }
0x222: {  	(xrf0) =	vadd.scan.msk.s32 $0xffff, v6;
	_ =	sdelay $0x4  }
0x223: {  	s31 =	spop (v2sf)  }
0x224: {  	v6, _, _ =	vpop (xrf0);
	s31 =	sxor.u32 $0x80000000, s31  }
0x225: {  	v6 =	vadd.s32 s31, v6;
	s31 =	spop (v2sf)  }
0x226: {  	v7 =	vperm.xlane v6, v4;
	v8 =	vadd.s32 v5, v6;
	v6 =	vxor.u32 $0x80000000, v6;
	s28 =	sadd.s32 s28, s31  }
0x227: {  	vm0 =	vgt.s32 v8, $0xFF;
	(xrf0) =	vmax.scan.msk.u32 $0xffff, v6  }
0x228: {  	[tilespmem:s0+$0x3100] =	vst v7;
	v6 =	vsel vm0, $0x1, v1  }
0x229: {  	(xrf0) =	vadd.scan.msk.s32 $0xffff, v6  }
.Ltmp15:
0x22a: {  	(pc) =	sbr.rel @p1 .LBB2_33-.Ltmp15, $3  }
0x22b: {  	_ =	sdelay $0x1  }
0x22c: {  	v6, _, _ =	vpop (xrf0)  }
0x22d: {  	s30 =	sadd.s32 $0xFFFFFFC0, s30;
	(v2sf) =	vpush v6, $0xF  }
0x22e: {  	_ = 	snop  }
0x22f: {  	s0 =	sshra.s32 s29, $0x2  }
0x230: {  	v6 =	vld [tilespmem:s0+$0x3000];
	_ =	sdelay $0x4  }
0x231: {  	v6 =	vperm.xlane v6, v4;
	_ =	sdelay $0x1  }
0x232: {  	(xrf0) =	vadd.scan.msk.s32 $0xffff, v6;
	_ =	sdelay $0x4  }
0x233: {  	v6, _, _ =	vpop (xrf0);
	s29 =	spop (v2sf)  }
0x234: {  	v7, _, _ =	vpop (xrf0);
	s29 =	sxor.u32 $0x80000000, s29  }
0x235: {  	v7 =	vadd.s32 s29, v7  }
0x236: {  	v5 =	vadd.s32 v5, v7  }
0x237: {  	v8 =	vxor.u32 $0x80000000, v7;
	vm0 =	vgt.s32 v5, $0xFF  }
0x238: {  	(xrf0) =	vmax.scan.msk.u32 $0xffff, v8;
	v5 =	vsel vm0, $0x1, v1  }
0x239: {  	(xrf0) =	vadd.scan.msk.s32 $0xffff, v5;
	_ =	sdelay $0x4  }
0x23a: {  	(v2sf) =	vpush v6, $0xF;
	v5, _, _ =	vpop (xrf0)  }
0x23b: {  	(v2sf) =	vpush v5, $0xF;
	v5, _, _ =	vpop (xrf0)  }
0x23c: {  	(v2sf) =	vpush v5, $0xF;
	_ =	sdelay $0xc  }
0x23d: {  	s29 =	spop (v2sf)  }
0x23e: {  	s30 =	spop (v2sf)  }
0x23f: {  	s28 =	sadd.s32 s28, s29;
	s29 =	spop (v2sf)  }
0x240: {  	s28 =	sadd.s32 s28, s29  }
0x241: {  	s29 =	sadd.s32 $0xFFFFFFFF, s28  }
0x242: {  	v5 =	vmov s29;
	_ =	sdelay $0x1  }
0x243: {  	v6 =	vperm.xlane v7, v4;
	_ =	sdelay $0x1  }
0x244: {  	[tilespmem:s0+$0x3100] =	vst v6  }
0x245: {  	v6 =	vld.idx.msk [tilespmem:v5+s14+$0x0], $0xffff  }
0x246: {  	v5 =	vld.idx.msk [tilespmem:v5+s15+$0x0], $0xffff;
	_ =	sdelay $0x3  }
0x247: {  	v6 =	vxor.u32 $0x80000000, v6  }
0x248: {  	v5 =	vxor.u32 $0x80000000, v5;
	(xrf0) =	vmax.scan.msk.u32 $0xffff, v6  }
0x249: {  	(xrf0) =	vmax.scan.msk.u32 $0xffff, v5;
	_ =	sdelay $0x4  }
0x24a: {  	v5, _, _ =	vpop (xrf0)  }
0x24b: {  	(v2sf) =	vpush v5, $0xF;
	v5, _, _ =	vpop (xrf0)  }
0x24c: {  	(v2sf) =	vpush v5, $0xF;
	_ =	sdelay $0x3  }
0x24d: {  	s28 =	simm.s32 $0x0  }
0x24e: {  	v6 =	vld [tilespmem:s28+$0x0];
	_ =	sdelay $0x2  }
0x24f: {  	s31 =	sor.u32 s25, s29  }
0x250: {  	v5 =	vmov s31  }
0x251: {  	vm15 =	veq.s32 v5, v6  }
0x252: {  	v7 =	vsel vm15, $0x1, v1  }
0x253: {  	(xrf0) =	vadd.scan.msk.s32 $0xffff, v7;
	_ =	sdelay $0x1  }
0x254: {  	s25 =	spop (v2sf)  }
0x255: {  	s0 =	sxor.u32 $0x80000000, s25;
	s31 =	spop (v2sf)  }
0x256: {  	s25 =	sxor.u32 $0x7FFFFFFF, s31;
	s0 =	ssub.s32 s0, s26  }
0x257: {  	s0 =	sadd.s32 s25, s0  }
0x258: {  	v7, _, _ =	vpop (xrf0);
	s25 =	sadd.s32 $0x101, s0  }
0x259: {  	vm1 =	vle.s32 v7, s25  }
0x25a: {  	vm2 =	vlt.s32 v5, v6;
	vm0 =	vmand vm15, vm1  }
0x25b: {  	vm1 =	vmor vm2, vm0;
	v7 =	vsel vm0, $0x1, v1  }
0x25c: {  	v8 =	vsel vm1, $0x1, v1;
	(xrf0) =	vadd.scan.msk.s32 $0xffff, v7  }
0x25d: {  	(xrf0) =	vadd.scan.msk.s32 $0xffff, v8;
	_ =	sdelay $0x2  }
0x25e: {  	v7 =	vmov s28  }
0x25f: {  	v7 =	vadd.s32 $0xFFFFFFFF, v7  }
0x260: {  	v7 =	vbroadcast v7, $0x0;
	v8, _, _ =	vpop (xrf0)  }
0x261: {  	v9, _, _ =	vpop (xrf0);
	(v2sf) =	vpush v8, $0xF  }
0x262: {  	v7 =	vadd.s32 v9, v7;
	v9 =	vxor.u32 $0x80000000, v9  }
0x263: {  	(xrf0) =	vmax.scan.msk.u32 $0xffff, v9;
	_ =	sdelay $0x3  }
0x264: {  	[tilespmem:v7+s16+$0x0] =	vst.idx.msk vm1, v6;
	v6 =	vor.u32 s28, v0  }
0x265: {  	s26 =	simm.s32 $0x10;
	[tilespmem:v7+s17+$0x0] =	vst.idx.msk vm1, v6  }
0x266: {  	s30 =	simm.s32 $0x10;
	s29 =	simm.s32 $0x20;
	v6 =	vld [tilespmem:s26+$0x0];
	v7, _, _ =	vpop (xrf0)  }
.LBB2_35:
0x267: {  	p1 =	sne.s32 s29, $0x1FF0;
	(v2sf) =	vpush v7, $0xF;
	_ =	sdelay $0x3  }
0x268: {  	vm0 =	veq.s32 v5, v6  }
0x269: {  	v7 =	vsel vm0, $0x1, v1  }
0x26a: {  	(xrf0) =	vadd.scan.msk.s32 $0xffff, v7;
	s0 =	spop (v2sf)  }
0x26b: {  	s25 =	ssub.s32 s25, s0;
	_ =	sdelay $0x4  }
0x26c: {  	v7, _, _ =	vpop (xrf0)  }
0x26d: {  	vm1 =	vle.s32 v7, s25  }
0x26e: {  	vm2 =	vlt.s32 v5, v6;
	vm1 =	vmand vm0, vm1  }
0x26f: {  	vm0 =	vmor vm2, vm1;
	v7 =	vsel vm1, $0x1, v1;
	s0 =	spop (v2sf)  }
0x270: {  	v8 =	vsel vm0, $0x1, v1;
	(xrf0) =	vadd.scan.msk.s32 $0xffff, v7;
	s0 =	sadd.s32 s0, s28  }
0x271: {  	(xrf0) =	vadd.scan.msk.s32 $0xffff, v8;
	s28 =	sadd.s32 $0x80000000, s0  }
0x272: {  	v7 =	vmov s28  }
0x273: {  	v7 =	vadd.s32 $0xFFFFFFFF, v7  }
0x274: {  	v7 =	vbroadcast v7, $0x0;
	_ =	sdelay $0x1  }
0x275: {  	v8, _, _ =	vpop (xrf0)  }
0x276: {  	v9, _, _ =	vpop (xrf0);
	(v2sf) =	vpush v8, $0xF  }
0x277: {  	v7 =	vadd.s32 v9, v7;
	v8 =	vxor.u32 $0x80000000, v9  }
0x278: {  	(xrf0) =	vmax.scan.msk.u32 $0xffff, v8;
	_ =	sdelay $0x1  }
.Ltmp16:
0x279: {  	(pc) =	sbr.rel @p1 .LBB2_35-.Ltmp16, $4  }
0x27a: {  	_ = 	snop  }
0x27b: {  	[tilespmem:v7+s16+$0x0] =	vst.idx.msk vm0, v6;
	v6 =	vor.u32 s26, v0;
	s26 =	smov.u32 s29  }
0x27c: {  	s30 =	sadd.s32 $0x10, s30;
	[tilespmem:v7+s17+$0x0] =	vst.idx.msk vm0, v6  }
0x27d: {  	s29 =	sadd.s32 $0x10, s29;
	v6 =	vld [tilespmem:s30+$0x0];
	v7, _, _ =	vpop (xrf0)  }
0x27e: {  	_ =	sdelay $0x1  }
0x27f: {  	(v2sf) =	vpush v7, $0xF;
	_ =	sdelay $0x1  }
0x280: {  	vm0 =	veq.s32 v5, v6  }
0x281: {  	v7 =	vsel vm0, $0x1, v1  }
0x282: {  	(xrf0) =	vadd.scan.msk.s32 $0xffff, v7;
	_ =	sdelay $0x4  }
0x283: {  	s0 =	spop (v2sf)  }
0x284: {  	s0 =	ssub.s32 s25, s0;
	v7, _, _ =	vpop (xrf0)  }
0x285: {  	vm1 =	vle.s32 v7, s0  }
0x286: {  	vm2 =	vlt.s32 v5, v6;
	vm0 =	vmand vm0, vm1  }
0x287: {  	vm1 =	vmor vm2, vm0;
	v5 =	vsel vm0, $0x1, v1  }
0x288: {  	v7 =	vsel vm1, $0x1, v1;
	(xrf0) =	vadd.scan.msk.s32 $0xffff, v5  }
0x289: {  	s25 =	spop (v2sf);
	(xrf0) =	vadd.scan.msk.s32 $0xffff, v7  }
0x28a: {  	s0 =	sadd.s32 s25, s28  }
0x28b: {  	s0 =	sadd.s32 $0x80000000, s0  }
0x28c: {  	v5 =	vmov s0  }
0x28d: {  	v5 =	vadd.s32 $0xFFFFFFFF, v5  }
0x28e: {  	v5 =	vbroadcast v5, $0x0;
	v7, _, _ =	vpop (xrf0)  }
0x28f: {  	v8, _, _ =	vpop (xrf0)  }
0x290: {  	v5 =	vadd.s32 v8, v5;
	_ =	sdelay $0x4  }
0x291: {  	[tilespmem:v5+s16+$0x0] =	vst.idx.msk vm1, v6;
	v6 =	vor.u32 s26, v0  }
0x292: {  	[tilespmem:v5+s17+$0x0] =	vst.idx.msk vm1, v6  }
0x293: {  	v5 =	vld [tilespmem:$0x3200]  }
0x294: {  	v6 =	vld [tilespmem:$0x3380]  }
0x295: {  	v9 =	vld [tilespmem:$0x3210]  }
0x296: {  	v10 =	vld [tilespmem:$0x3390]  }
0x297: {  	v8 =	vxor.u32 $0x80000000, v8;
	v11 =	vld [tilespmem:$0x3220]  }
0x298: {  	(xrf0) =	vmax.scan.msk.u32 $0xffff, v8;
	v40 =	vld [tilespmem:$0x33A0]  }
0x299: {  	(xrf1) =	vsort.dscd.msk.f32 $0xffff, v5, v6;
	v5 =	vld [tilespmem:$0x3230]  }
0x29a: {  	v6 =	vld [tilespmem:$0x33B0]  }
0x29b: {  	(xrf1) =	vsort.dscd.msk.f32 $0xffff, v9, v10;
	_ =	sdelay $0x1  }
0x29c: {  	(xrf1) =	vsort.dscd.msk.f32 $0xffff, v11, v40;
	_ =	sdelay $0x1  }
0x29d: {  	(v2sf) =	vpush v7, $0xF;
	v7, _, _ =	vpop (xrf0);
	(xrf1) =	vsort.dscd.msk.f32 $0xffff, v5, v6  }
0x29e: {  	(v2sf) =	vpush v7, $0xF;
	_ =	sdelay $0x6  }
0x29f: {  	v5, v6, _ =	vpop (xrf1)  }
0x2a0: {  	[tilespmem:$0x3200] =	vst v5  }
0x2a1: {  	[tilespmem:$0x3380] =	vst v6;
	v5, v6, _ =	vpop (xrf1)  }
0x2a2: {  	[tilespmem:$0x3210] =	vst v5  }
0x2a3: {  	[tilespmem:$0x3390] =	vst v6;
	v5, v6, _ =	vpop (xrf1)  }
0x2a4: {  	[tilespmem:$0x3220] =	vst v5  }
0x2a5: {  	[tilespmem:$0x33A0] =	vst v6;
	v5, v6, _ =	vpop (xrf1)  }
0x2a6: {  	s29 =	spop (v2sf);
	[tilespmem:$0x3230] =	vst v5  }
0x2a7: {  	s30 =	spop (v2sf);
	[tilespmem:$0x33B0] =	vst v6  }
0x2a8: {  	v5 =	vld [tilespmem:$0x3240]  }
0x2a9: {  	v6 =	vld [tilespmem:$0x33C0]  }
0x2aa: {  	v7 =	vld [tilespmem:$0x3250]  }
0x2ab: {  	v41 =	vld [tilespmem:$0x33D0]  }
0x2ac: {  	v42 =	vld [tilespmem:$0x3260]  }
0x2ad: {  	v43 =	vld [tilespmem:$0x33E0]  }
0x2ae: {  	v44 =	vld [tilespmem:$0x3270]  }
0x2af: {  	v12 =	vld [tilespmem:$0x33F0]  }
0x2b0: {  	v13 =	vld [tilespmem:$0x3280]  }
0x2b1: {  	v14 =	vld [tilespmem:$0x3400]  }
0x2b2: {  	v15 =	vld [tilespmem:$0x3290]  }
0x2b3: {  	v16 =	vld [tilespmem:$0x3410]  }
0x2b4: {  	v17 =	vld [tilespmem:$0x32A0]  }
0x2b5: {  	v18 =	vld [tilespmem:$0x3420]  }
0x2b6: {  	v19 =	vld [tilespmem:$0x32B0]  }
0x2b7: {  	v20 =	vld [tilespmem:$0x3430];
	(xrf1) =	vsort.dscd.msk.f32 $0xffff, v5, v6  }
0x2b8: {  	v45 =	vld [tilespmem:$0x3450]  }
0x2b9: {  	v46 =	vld [tilespmem:$0x32E0];
	(xrf1) =	vsort.dscd.msk.f32 $0xffff, v7, v41  }
0x2ba: {  	v47 =	vld [tilespmem:$0x3460]  }
0x2bb: {  	v48 =	vld [tilespmem:$0x32F0];
	(xrf1) =	vsort.dscd.msk.f32 $0xffff, v42, v43  }
0x2bc: {  	v49 =	vld [tilespmem:$0x3470]  }
0x2bd: {  	v50 =	vld [tilespmem:$0x3200];
	(xrf1) =	vsort.dscd.msk.f32 $0xffff, v44, v12  }
0x2be: {  	v51 =	vld [tilespmem:$0x3210]  }
0x2bf: {  	v52 =	vld [tilespmem:$0x3380]  }
0x2c0: {  	v53 =	vld [tilespmem:$0x3390];
	(xrf1) =	vsort.dscd.msk.f32 $0xffff, v13, v14  }
0x2c1: {  	v5 =	vld [tilespmem:$0x32C0]  }
0x2c2: {  	v6 =	vld [tilespmem:$0x3440];
	(xrf1) =	vsort.dscd.msk.f32 $0xffff, v15, v16  }
0x2c3: {  	v7 =	vld [tilespmem:$0x32D0];
	(xrf1) =	vsort.dscd.msk.f32 $0xffff, v17, v18  }
0x2c4: {  	v54 =	vld [tilespmem:$0x3220]  }
0x2c5: {  	v55 =	vld [tilespmem:$0x3230];
	(xrf1) =	vsort.dscd.msk.f32 $0xffff, v19, v20;
	v19, v20, _ =	vpop (xrf1)  }
0x2c6: {  	v21 =	vld [tilespmem:$0x33A0];
	[tilespmem:$0x3240] =	vst v19  }
0x2c7: {  	v23 =	vld [tilespmem:$0x33B0];
	(xrf1) =	vsort.dscd.msk.f32 $0xffff, v5, v6;
	v56, v22, _ =	vpop (xrf1);
	[tilespmem:$0x33C0] =	vst v20  }
0x2c8: {  	(xrf1) =	vsort.dscd.msk.f32 $0xffff, v7, v45;
	[tilespmem:$0x3250] =	vst v56;
	v5 =	vld [tilespmem:$0x3240]  }
0x2c9: {  	[tilespmem:$0x33D0] =	vst v22;
	v7, v8, _ =	vpop (xrf1);
	v57 =	vld [tilespmem:$0x33C0]  }
0x2ca: {  	v6 =	vld [tilespmem:$0x3250];
	[tilespmem:$0x3260] =	vst v7  }
0x2cb: {  	v14 =	vperm.xlane v51, v4;
	(xrf1) =	vsort.dscd.msk.f32 $0xffff, v46, v47;
	v7, v58, _ =	vpop (xrf1);
	v22 =	vld [tilespmem:$0x33D0];
	[tilespmem:$0x33E0] =	vst v8  }
0x2cc: {  	v61 =	vperm.xlane v55, v4;
	[tilespmem:$0x3270] =	vst v7;
	v7 =	vperm.xlane v53, v4;
	v59 =	vld [tilespmem:$0x3260]  }
0x2cd: {  	v26 =	vperm.xlane v23, v4;
	vm9 =	vge.f32 v50, v14;
	(xrf1) =	vsort.dscd.msk.f32 $0xffff, v48, v49;
	v27 =	vld [tilespmem:$0x33E0]  }
0x2ce: {  	vm10 =	vge.f32 v54, v61;
	v60 =	vsel vm9, v50, v14;
	[tilespmem:$0x33F0] =	vst v58;
	v24, v63, _ =	vpop (xrf1);
	v62 =	vld [tilespmem:$0x3270];
	v25 =	vsel vm9, v52, v7  }
0x2cf: {  	v13 =	vsel vm9, v14, v50;
	[tilespmem:$0x3280] =	vst v24;
	v30 =	vld [tilespmem:$0x33F0];
	v7 =	vsel vm9, v7, v52;
	(xrf1) =	vsort.dscd.msk.f32 $0xffff, v60, v25  }
0x2d0: {  	v31 =	vsel vm10, v21, v26;
	v29, v28, _ =	vpop (xrf1);
	[tilespmem:$0x3400] =	vst v63;
	v32 =	vld [tilespmem:$0x3280];
	(xrf1) =	vsort.dscd.msk.f32 $0xffff, v13, v7;
	v7 =	vsel vm10, v54, v61  }
0x2d1: {  	[tilespmem:$0x3410] =	vst v28;
	v35, v34, _ =	vpop (xrf1);
	v36 =	vld [tilespmem:$0x3400];
	(xrf1) =	vsort.dscd.msk.f32 $0xffff, v7, v31  }
0x2d2: {  	v10 =	vsel vm10, v61, v54;
	v33 =	vsel vm10, v26, v21;
	[tilespmem:$0x32A0] =	vst v35;
	v39 =	vld [tilespmem:$0x3410]  }
0x2d3: {  	[tilespmem:$0x3420] =	vst v34;
	v6 =	vperm.xlane v6, v4;
	v41 =	vld [tilespmem:$0x32A0];
	(xrf1) =	vsort.dscd.msk.f32 $0xffff, v10, v33  }
0x2d4: {  	[tilespmem:$0x3290] =	vst v29;
	v38, v37, _ =	vpop (xrf1);
	v40 =	vperm.xlane v22, v4;
	v46 =	vld [tilespmem:$0x3420]  }
0x2d5: {  	[tilespmem:$0x32B0] =	vst v38;
	v45, v44, _ =	vpop (xrf1);
	v7 =	vld [tilespmem:$0x3290];
	vm11 =	vge.f32 v5, v6;
	v11 =	vperm.xlane v62, v4  }
0x2d6: {  	[tilespmem:$0x3430] =	vst v37;
	v43 =	vld [tilespmem:$0x32B0];
	v48, v47, _ =	vpop (xrf1);
	v42 =	vsel vm11, v5, v6;
	v5 =	vsel vm11, v6, v5;
	v6 =	vsel vm11, v57, v40  }
0x2d7: {  	v49 =	vld [tilespmem:$0x3430];
	[tilespmem:$0x32D0] =	vst v48;
	v12 =	vsel vm11, v40, v57;
	(xrf1) =	vsort.dscd.msk.f32 $0xffff, v42, v6;
	v6 =	vperm.xlane v30, v4  }
0x2d8: {  	[tilespmem:$0x3440] =	vst v44;
	v14 =	vld [tilespmem:$0x32D0];
	vm12 =	vge.f32 v59, v11;
	(xrf1) =	vsort.dscd.msk.f32 $0xffff, v5, v12  }
0x2d9: {  	[tilespmem:$0x32C0] =	vst v45;
	v53, v52, _ =	vpop (xrf1);
	v54 =	vld [tilespmem:$0x3440];
	v50 =	vsel vm12, v59, v11;
	v9 =	vsel vm12, v11, v59;
	v51 =	vsel vm12, v27, v6  }
0x2da: {  	[tilespmem:$0x32E0] =	vst v53;
	v5 =	vld [tilespmem:$0x32C0];
	v6 =	vsel vm12, v6, v27;
	v7 =	vperm.xlane v7, v4;
	(xrf1) =	vsort.dscd.msk.f32 $0xffff, v50, v51  }
0x2db: {  	[tilespmem:$0x3450] =	vst v47;
	v58 =	vld [tilespmem:$0x32E0];
	v55, v56, _ =	vpop (xrf1);
	v18 =	vperm.xlane v43, v4;
	(xrf1) =	vsort.dscd.msk.f32 $0xffff, v9, v6  }
0x2dc: {  	v57 =	vperm.xlane v39, v4;
	v8 =	vperm.xlane v49, v4;
	[tilespmem:$0x32F0] =	vst v55;
	v6 =	vld [tilespmem:$0x3450];
	vm13 =	vge.f32 v32, v7  }
0x2dd: {  	[tilespmem:$0x3470] =	vst v56;
	v62 =	vld [tilespmem:$0x32F0];
	vm14 =	vge.f32 v41, v18;
	v35 =	vperm.xlane v14, v4;
	v61 =	vsel vm13, v32, v7;
	v59, v60, _ =	vpop (xrf1)  }
0x2de: {  	[tilespmem:$0x3460] =	vst v52;
	v7 =	vsel vm13, v7, v32;
	v29 =	vsel vm13, v36, v57;
	v9 =	vsel vm13, v57, v36;
	v32 =	vld [tilespmem:$0x3470];
	v28, v63, _ =	vpop (xrf1)  }
0x2df: {  	v30 =	vld [tilespmem:$0x3460];
	v37 =	vsel vm14, v18, v41;
	v38 =	vsel vm14, v46, v8;
	vm15 =	vge.f32 v5, v35;
	v31, v24, _ =	vpop (xrf1);
	[tilespmem:$0x3210] =	vst v28  }
0x2e0: {  	v8 =	vsel vm14, v8, v46;
	(xrf1) =	vsort.dscd.msk.f32 $0xffff, v61, v29;
	v40 =	vsel vm15, v5, v35;
	v39 =	vld [tilespmem:$0x3210];
	[tilespmem:$0x3220] =	vst v31  }
0x2e1: {  	(xrf1) =	vsort.dscd.msk.f32 $0xffff, v7, v9;
	v7 =	vsel vm14, v41, v18;
	v6 =	vperm.xlane v6, v4;
	v34, v33, _ =	vpop (xrf1);
	[tilespmem:$0x33A0] =	vst v24;
	v16 =	vld [tilespmem:$0x3220]  }
0x2e2: {  	v5 =	vsel vm15, v35, v5;
	v41 =	vperm.xlane v62, v4;
	(xrf1) =	vsort.dscd.msk.f32 $0xffff, v7, v38;
	[tilespmem:$0x3230] =	vst v34;
	v45 =	vld [tilespmem:$0x33A0]  }
0x2e3: {  	v44 =	vperm.xlane v32, v4;
	v42 =	vsel vm15, v54, v6;
	(xrf1) =	vsort.dscd.msk.f32 $0xffff, v37, v8;
	[tilespmem:$0x33B0] =	vst v33;
	v7 =	vld [tilespmem:$0x3230]  }
0x2e4: {  	[tilespmem:$0x3200] =	vst v59;
	v6 =	vsel vm15, v6, v54;
	vm4 =	vge.f32 v58, v41;
	(xrf1) =	vsort.dscd.msk.f32 $0xffff, v40, v42;
	v43 =	vld [tilespmem:$0x33B0]  }
0x2e5: {  	v36 =	vld [tilespmem:$0x3200];
	[tilespmem:$0x3390] =	vst v63;
	v50 =	vsel vm4, v30, v44;
	(xrf1) =	vsort.dscd.msk.f32 $0xffff, v5, v6;
	v5 =	vsel vm4, v58, v41  }
0x2e6: {  	[tilespmem:$0x3380] =	vst v60;
	v47, v46, _ =	vpop (xrf1);
	(xrf1) =	vsort.dscd.msk.f32 $0xffff, v5, v50;
	v5 =	vld [tilespmem:$0x3390]  }
0x2e7: {  	v12 =	vsel vm4, v41, v58;
	v8 =	vsel vm4, v44, v30;
	v6 =	vld [tilespmem:$0x3380];
	v49, v48, _ =	vpop (xrf1);
	v53 =	vperm.xlane v16, v4  }
0x2e8: {  	[tilespmem:$0x3240] =	vst v47;
	v52, v51, _ =	vpop (xrf1);
	(xrf1) =	vsort.dscd.msk.f32 $0xffff, v12, v8;
	v7 =	vperm.xlane v7, v4  }
0x2e9: {  	v57 =	vld [tilespmem:$0x3240];
	v54, v55, _ =	vpop (xrf1);
	v9 =	vperm.xlane v45, v4;
	[tilespmem:$0x3260] =	vst v52;
	v56 =	vperm.xlane v43, v4;
	vm6 =	vge.f32 v39, v53  }
0x2ea: {  	[tilespmem:$0x3270] =	vst v54;
	v22 =	vld [tilespmem:$0x3260];
	vm5 =	vge.f32 v36, v7;
	v61 =	vsel vm6, v39, v53;
	v63 =	vsel vm6, v53, v39  }
0x2eb: {  	[tilespmem:$0x33F0] =	vst v55;
	v62 =	vld [tilespmem:$0x3270];
	v23 =	vsel vm6, v5, v9;
	v5 =	vsel vm6, v9, v5;
	v58 =	vsel vm5, v36, v7  }
0x2ec: {  	[tilespmem:$0x3250] =	vst v49;
	v25 =	vld [tilespmem:$0x33F0];
	v7 =	vsel vm5, v7, v36;
	v60 =	vsel vm5, v6, v56;
	vm7 =	vge.f32 v58, v61  }
0x2ed: {  	v59 =	vld [tilespmem:$0x3250];
	[tilespmem:$0x33E0] =	vst v51;
	v6 =	vsel vm5, v56, v6;
	vm8 =	vge.f32 v7, v63;
	v24 =	vsel vm7, v58, v61  }
0x2ee: {  	[tilespmem:$0x33C0] =	vst v46;
	v27 =	vld [tilespmem:$0x33E0];
	v12 =	vsel vm7, v61, v58;
	v26 =	vsel vm7, v60, v23;
	v13 =	vsel vm7, v23, v60  }
0x2ef: {  	v29 =	vld [tilespmem:$0x33C0];
	[tilespmem:$0x33D0] =	vst v48;
	v28 =	vsel vm8, v7, v63;
	v30 =	vsel vm8, v6, v5;
	v5 =	vsel vm8, v5, v6  }
0x2f0: {  	v6 =	vld [tilespmem:$0x33D0];
	v32 =	vperm.xlane v22, v4;
	(xrf1) =	vsort.dscd.msk.f32 $0xffff, v24, v26;
	v31 =	vperm.xlane v62, v4  }
0x2f1: {  	v34, v35, _ =	vpop (xrf1);
	v7 =	vsel vm8, v63, v7;
	v33 =	vperm.xlane v25, v4;
	(xrf1) =	vsort.dscd.msk.f32 $0xffff, v12, v13  }
0x2f2: {  	v36, v37, _ =	vpop (xrf1);
	vm10 =	vge.f32 v59, v32;
	(xrf1) =	vsort.dscd.msk.f32 $0xffff, v28, v30;
	vm9 =	vge.f32 v57, v31  }
0x2f3: {  	[tilespmem:$0x3280] =	vst v34;
	v40, v39, _ =	vpop (xrf1);
	v41 =	vsel vm10, v59, v32;
	(xrf1) =	vsort.dscd.msk.f32 $0xffff, v7, v5;
	v5 =	vperm.xlane v27, v4  }
0x2f4: {  	[tilespmem:$0x3400] =	vst v35;
	v42, v43, _ =	vpop (xrf1);
	v8 =	vsel vm10, v32, v59;
	v7 =	vsel vm9, v57, v31;
	v11 =	vsel vm9, v31, v57  }
0x2f5: {  	v53 =	vld [tilespmem:$0x3400];
	[tilespmem:$0x32B0] =	vst v42;
	v38 =	vsel vm9, v29, v33;
	vm11 =	vge.f32 v7, v41;
	v44 =	vsel vm10, v6, v5  }
0x2f6: {  	[tilespmem:$0x3430] =	vst v43;
	v9 =	vsel vm9, v33, v29;
	v48 =	vld [tilespmem:$0x32B0];
	v45 =	vsel vm11, v7, v41;
	v46 =	vsel vm11, v38, v44  }
0x2f7: {  	[tilespmem:$0x32A0] =	vst v40;
	v51 =	vld [tilespmem:$0x3430];
	v7 =	vsel vm11, v41, v7;
	v12 =	vsel vm11, v44, v38;
	(xrf1) =	vsort.dscd.msk.f32 $0xffff, v45, v46  }
0x2f8: {  	[tilespmem:$0x3290] =	vst v36;
	vm12 =	vge.f32 v11, v8;
	v5 =	vsel vm10, v5, v6;
	(xrf1) =	vsort.dscd.msk.f32 $0xffff, v7, v12;
	v7 =	vld [tilespmem:$0x32A0]  }
0x2f9: {  	[tilespmem:$0x3410] =	vst v37;
	v6 =	vld [tilespmem:$0x3280];
	v49 =	vsel vm12, v11, v8;
	v50 =	vsel vm12, v9, v5  }
0x2fa: {  	v47 =	vld [tilespmem:$0x3290];
	[tilespmem:$0x3420] =	vst v39;
	v8 =	vsel vm12, v8, v11;
	v5 =	vsel vm12, v5, v9;
	v52, v11, _ =	vpop (xrf1);
	(xrf1) =	vsort.dscd.msk.f32 $0xffff, v49, v50  }
0x2fb: {  	[tilespmem:$0x32C0] =	vst v52;
	(xrf1) =	vsort.dscd.msk.f32 $0xffff, v8, v5;
	v5 =	vld [tilespmem:$0x3420]  }
0x2fc: {  	v56 =	vld [tilespmem:$0x3410];
	v55, v54, _ =	vpop (xrf1);
	v10 =	vperm.xlane v48, v4;
	[tilespmem:$0x3440] =	vst v11  }
0x2fd: {  	[tilespmem:$0x32D0] =	vst v55;
	v59 =	vld [tilespmem:$0x32C0];
	v7 =	vperm.xlane v7, v4  }
0x2fe: {  	v9 =	vperm.xlane v51, v4;
	v58, v57, _ =	vpop (xrf1);
	v35 =	vld [tilespmem:$0x3440];
	[tilespmem:$0x3450] =	vst v54;
	vm13 =	vge.f32 v6, v10  }
0x2ff: {  	[tilespmem:$0x32E0] =	vst v58;
	v61, v60, _ =	vpop (xrf1);
	v18 =	vld [tilespmem:$0x32D0];
	v62 =	vsel vm13, v6, v10;
	v6 =	vsel vm13, v10, v6;
	vm14 =	vge.f32 v47, v7  }
0x300: {  	v45 =	vld [tilespmem:$0x3450];
	[tilespmem:$0x32F0] =	vst v61;
	v30 =	vsel vm13, v53, v9;
	v5 =	vperm.xlane v5, v4;
	v31 =	vsel vm14, v47, v7  }
0x301: {  	v9 =	vsel vm13, v9, v53;
	[tilespmem:$0x3470] =	vst v60;
	v32 =	vld [tilespmem:$0x32F0];
	v34, v33, _ =	vpop (xrf1);
	v7 =	vsel vm14, v7, v47;
	vm15 =	vge.f32 v62, v31  }
0x302: {  	[tilespmem:$0x3460] =	vst v57;
	v26 =	vld [tilespmem:$0x3470];
	v37, v36, _ =	vpop (xrf1);
	v38 =	vsel vm14, v56, v5;
	v5 =	vsel vm14, v5, v56;
	vm4 =	vge.f32 v6, v7  }
0x303: {  	v63 =	vld [tilespmem:$0x32E0];
	[tilespmem:$0x3380] =	vst v33;
	v41, v25, _ =	vpop (xrf1);
	v39 =	vsel vm15, v62, v31;
	v8 =	vsel vm15, v31, v62;
	v42 =	vsel vm15, v30, v38  }
0x304: {  	v40 =	vld [tilespmem:$0x3460];
	[tilespmem:$0x3210] =	vst v37;
	v43, v27, _ =	vpop (xrf1);
	v10 =	vsel vm15, v38, v30;
	v44 =	vsel vm4, v6, v7;
	(xrf1) =	vsort.dscd.msk.f32 $0xffff, v39, v42  }
0x305: {  	v51 =	vld [tilespmem:$0x3210];
	v6 =	vsel vm4, v7, v6;
	v7 =	vsel vm4, v9, v5;
	[tilespmem:$0x3230] =	vst v43;
	(xrf1) =	vsort.dscd.msk.f32 $0xffff, v8, v10  }
0x306: {  	[tilespmem:$0x33B0] =	vst v27;
	v15 =	vld [tilespmem:$0x3230];
	v46, v47, _ =	vpop (xrf1);
	(xrf1) =	vsort.dscd.msk.f32 $0xffff, v44, v7;
	v7 =	vperm.xlane v32, v4  }
0x307: {  	v56 =	vperm.xlane v26, v4;
	v5 =	vsel vm4, v5, v9;
	v44 =	vld [tilespmem:$0x33B0];
	[tilespmem:$0x3240] =	vst v46  }
0x308: {  	v49, v50, _ =	vpop (xrf1);
	(xrf1) =	vsort.dscd.msk.f32 $0xffff, v6, v5;
	v5 =	vperm.xlane v63, v4;
	[tilespmem:$0x33C0] =	vst v47;
	v6 =	vld [tilespmem:$0x3240];
	vm5 =	vge.f32 v59, v7  }
0x309: {  	v24 =	vperm.xlane v40, v4;
	[tilespmem:$0x3250] =	vst v49;
	v53, v52, _ =	vpop (xrf1);
	v63 =	vld [tilespmem:$0x33C0];
	v58 =	vsel vm5, v59, v7  }
0x30a: {  	[tilespmem:$0x3260] =	vst v53;
	v57 =	vld [tilespmem:$0x3250];
	v7 =	vsel vm5, v7, v59;
	vm6 =	vge.f32 v18, v5;
	v60 =	vsel vm5, v35, v56  }
0x30b: {  	v55, v54, _ =	vpop (xrf1);
	v12 =	vsel vm5, v56, v35;
	[tilespmem:$0x33E0] =	vst v52;
	v59 =	vld [tilespmem:$0x3260];
	v61 =	vsel vm6, v18, v5;
	v5 =	vsel vm6, v5, v18  }
0x30c: {  	[tilespmem:$0x3270] =	vst v55;
	v62 =	vsel vm6, v45, v24;
	v11 =	vsel vm6, v24, v45;
	v29 =	vld [tilespmem:$0x33E0];
	vm7 =	vge.f32 v58, v61  }
0x30d: {  	[tilespmem:$0x33F0] =	vst v54;
	v28 =	vld [tilespmem:$0x3270];
	vm8 =	vge.f32 v7, v5;
	v24 =	vsel vm7, v58, v61;
	v10 =	vsel vm7, v61, v58  }
0x30e: {  	[tilespmem:$0x3220] =	vst v41;
	v31 =	vld [tilespmem:$0x33F0];
	v30 =	vsel vm7, v60, v62;
	v17 =	vsel vm7, v62, v60;
	v32 =	vsel vm8, v7, v5  }
0x30f: {  	[tilespmem:$0x33D0] =	vst v50;
	v35 =	vld [tilespmem:$0x3220];
	v5 =	vsel vm8, v5, v7;
	v33 =	vsel vm8, v12, v11;
	(xrf1) =	vsort.dscd.msk.f32 $0xffff, v24, v30  }
0x310: {  	[tilespmem:$0x3200] =	vst v34;
	v7 =	vld [tilespmem:$0x33D0];
	v11 =	vsel vm8, v11, v12;
	v6 =	vperm.xlane v6, v4;
	(xrf1) =	vsort.dscd.msk.f32 $0xffff, v10, v17  }
0x311: {  	v48 =	vld [tilespmem:$0x3200];
	v42 =	vperm.xlane v63, v4;
	v38 =	vperm.xlane v57, v4;
	(xrf1) =	vsort.dscd.msk.f32 $0xffff, v32, v33  }
0x312: {  	[tilespmem:$0x3390] =	vst v36;
	v37 =	vperm.xlane v59, v4;
	v40 =	vperm.xlane v29, v4;
	vm12 =	vge.f32 v15, v6  }
0x313: {  	v34 =	vld [tilespmem:$0x3380];
	[tilespmem:$0x33A0] =	vst v25;
	v36 =	vperm.xlane v28, v4;
	(xrf1) =	vsort.dscd.msk.f32 $0xffff, v5, v11;
	v39 =	vperm.xlane v31, v4  }
0x314: {  	v41 =	vld [tilespmem:$0x33A0];
	vm11 =	vge.f32 v35, v38;
	v50 =	vsel vm12, v15, v6;
	v6 =	vsel vm12, v6, v15  }
0x315: {  	v19 =	vsel vm12, v42, v44;
	v7 =	vperm.xlane v7, v4;
	vm10 =	vge.f32 v51, v37  }
0x316: {  	v11 =	vsel vm11, v38, v35;
	vm9 =	vge.f32 v48, v36;
	v46 =	vsel vm10, v51, v37  }
0x317: {  	v5 =	vld [tilespmem:$0x3390];
	v9 =	vsel vm10, v37, v51;
	v51 =	vsel vm12, v44, v42;
	v43 =	vsel vm9, v48, v36  }
0x318: {  	v8 =	vsel vm9, v36, v48;
	v45 =	vsel vm9, v34, v39;
	v10 =	vsel vm9, v39, v34  }
0x319: {  	v48 =	vsel vm11, v35, v38;
	v49 =	vsel vm11, v41, v7;
	v7 =	vsel vm11, v7, v41  }
0x31a: {  	vm14 =	vge.f32 v46, v50;
	vm4 =	vge.f32 v9, v6;
	vm13 =	vge.f32 v43, v48  }
0x31b: {  	v57 =	vsel vm14, v46, v50;
	v16 =	vsel vm14, v50, v46;
	vm15 =	vge.f32 v8, v11  }
0x31c: {  	v63 =	vsel vm4, v9, v6;
	v6 =	vsel vm4, v6, v9;
	v47 =	vsel vm10, v5, v40  }
0x31d: {  	v5 =	vsel vm10, v40, v5;
	v53 =	vsel vm13, v43, v48;
	v17 =	vsel vm13, v48, v43  }
0x31e: {  	v55 =	vsel vm13, v45, v49;
	v12 =	vsel vm13, v49, v45;
	v59 =	vsel vm15, v8, v11  }
0x31f: {  	v52, v23, _ =	vpop (xrf1);
	v8 =	vsel vm15, v11, v8;
	v61 =	vsel vm15, v10, v7;
	v7 =	vsel vm15, v7, v10  }
0x320: {  	v54, v24, _ =	vpop (xrf1);
	v58 =	vsel vm14, v47, v51;
	v14 =	vsel vm14, v51, v47;
	v33 =	vsel vm4, v5, v19  }
0x321: {  	[tilespmem:$0x3280] =	vst v52;
	v56, v26, _ =	vpop (xrf1);
	v5 =	vsel vm4, v19, v5;
	vm5 =	vge.f32 v53, v57;
	vm6 =	vge.f32 v17, v16  }
0x322: {  	[tilespmem:$0x3290] =	vst v54;
	v18, v22, _ =	vpop (xrf1);
	vm7 =	vge.f32 v59, v63;
	vm8 =	vge.f32 v8, v6;
	v35 =	vsel vm5, v53, v57  }
0x323: {  	v9 =	vld [tilespmem:$0x3290];
	[tilespmem:$0x32A0] =	vst v56;
	v21 =	vsel vm5, v57, v53;
	v44 =	vsel vm5, v55, v58;
	v25 =	vsel vm5, v58, v55;
	v60, v29, _ =	vpop (xrf1)  }
0x324: {  	v55 =	vsel vm8, v7, v5;
	v5 =	vsel vm8, v5, v7;
	v7 =	vld [tilespmem:$0x32A0];
	(xrf1) =	vsort.dscd.msk.f32 $0xffff, v35, v44;
	[tilespmem:$0x32C0] =	vst v60  }
0x325: {  	v45 =	vsel vm6, v17, v16;
	v46 =	vsel vm6, v12, v14;
	(xrf1) =	vsort.dscd.msk.f32 $0xffff, v21, v25;
	v62, v31, _ =	vpop (xrf1);
	[tilespmem:$0x3440] =	vst v29;
	v41 =	vld [tilespmem:$0x32C0]  }
0x326: {  	v16 =	vsel vm6, v16, v17;
	v12 =	vsel vm6, v14, v12;
	(xrf1) =	vsort.dscd.msk.f32 $0xffff, v45, v46;
	[tilespmem:$0x32D0] =	vst v62;
	v49 =	vld [tilespmem:$0x3440]  }
0x327: {  	v48 =	vsel vm7, v59, v63;
	v50 =	vsel vm7, v61, v33;
	(xrf1) =	vsort.dscd.msk.f32 $0xffff, v16, v12;
	v40, v32, _ =	vpop (xrf1);
	[tilespmem:$0x3450] =	vst v31;
	v43 =	vld [tilespmem:$0x32D0]  }
0x328: {  	v10 =	vsel vm7, v63, v59;
	v11 =	vsel vm7, v33, v61;
	(xrf1) =	vsort.dscd.msk.f32 $0xffff, v48, v50;
	[tilespmem:$0x32E0] =	vst v40;
	v54 =	vld [tilespmem:$0x3450]  }
0x329: {  	v53 =	vsel vm8, v8, v6;
	(xrf1) =	vsort.dscd.msk.f32 $0xffff, v10, v11;
	[tilespmem:$0x3460] =	vst v32;
	v36 =	vld [tilespmem:$0x32E0]  }
0x32a: {  	[tilespmem:$0x32B0] =	vst v18;
	v6 =	vsel vm8, v6, v8;
	v42, v34, _ =	vpop (xrf1);
	(xrf1) =	vsort.dscd.msk.f32 $0xffff, v53, v55;
	v51 =	vld [tilespmem:$0x3460]  }
0x32b: {  	[tilespmem:$0x32F0] =	vst v42;
	(xrf1) =	vsort.dscd.msk.f32 $0xffff, v6, v5;
	v5 =	vld [tilespmem:$0x32B0]  }
0x32c: {  	[tilespmem:$0x3470] =	vst v34;
	v47 =	vld [tilespmem:$0x32F0]  }
0x32d: {  	[tilespmem:$0x3430] =	vst v22;
	v52 =	vld [tilespmem:$0x3470]  }
0x32e: {  	[tilespmem:$0x3420] =	vst v26;
	v26 =	vld [tilespmem:$0x3430]  }
0x32f: {  	[tilespmem:$0x3410] =	vst v24;
	v63 =	vld [tilespmem:$0x3420];
	v61 =	vperm.xlane v41, v4;
	v24 =	vperm.xlane v49, v4  }
0x330: {  	v30 =	vld [tilespmem:$0x3280];
	v60 =	vperm.xlane v43, v4;
	v8 =	vperm.xlane v54, v4  }
0x331: {  	[tilespmem:$0x3400] =	vst v23;
	v59 =	vld [tilespmem:$0x3410];
	v58 =	vperm.xlane v36, v4;
	v62 =	vperm.xlane v51, v4;
	vm12 =	vge.f32 v5, v61  }
0x332: {  	v56 =	vld [tilespmem:$0x3400];
	v57 =	vperm.xlane v47, v4;
	v6 =	vperm.xlane v52, v4;
	vm11 =	vge.f32 v7, v60  }
0x333: {  	v32 =	vsel vm12, v5, v61;
	v5 =	vsel vm12, v61, v5;
	v33 =	vsel vm12, v26, v24  }
0x334: {  	v18 =	vsel vm12, v24, v26;
	vm10 =	vge.f32 v9, v58;
	v31 =	vsel vm11, v63, v8  }
0x335: {  	v8 =	vsel vm11, v8, v63;
	vm9 =	vge.f32 v30, v57;
	v28 =	vsel vm10, v9, v58  }
0x336: {  	v9 =	vsel vm10, v58, v9;
	v29 =	vsel vm10, v59, v62;
	v12 =	vsel vm10, v62, v59  }
0x337: {  	v25 =	vsel vm9, v30, v57;
	v11 =	vsel vm9, v57, v30;
	v27 =	vsel vm9, v56, v6  }
0x338: {  	v6 =	vsel vm9, v6, v56;
	v30 =	vsel vm11, v7, v60;
	v7 =	vsel vm11, v60, v7  }
0x339: {  	vm14 =	vge.f32 v28, v32;
	vm4 =	vge.f32 v9, v5;
	vm13 =	vge.f32 v25, v30  }
0x33a: {  	v36 =	vsel vm14, v28, v32;
	v10 =	vsel vm14, v32, v28;
	v37 =	vsel vm14, v29, v33  }
0x33b: {  	v14 =	vsel vm14, v33, v29;
	vm15 =	vge.f32 v11, v7;
	v40 =	vsel vm4, v9, v5  }
0x33c: {  	v5 =	vsel vm4, v5, v9;
	v41 =	vsel vm4, v12, v18;
	v12 =	vsel vm4, v18, v12  }
0x33d: {  	v34 =	vsel vm13, v25, v30;
	v16 =	vsel vm13, v30, v25;
	v35 =	vsel vm13, v27, v31  }
0x33e: {  	v13 =	vsel vm13, v31, v27;
	v38 =	vsel vm15, v11, v7;
	v7 =	vsel vm15, v7, v11  }
0x33f: {  	v39 =	vsel vm15, v6, v8;
	v6 =	vsel vm15, v8, v6;
	vm5 =	vge.f32 v34, v36  }
0x340: {  	vm6 =	vge.f32 v16, v10;
	vm7 =	vge.f32 v38, v40;
	vm8 =	vge.f32 v7, v5  }
0x341: {  	v42 =	vsel vm5, v34, v36;
	v20 =	vsel vm5, v36, v34;
	v43 =	vsel vm5, v35, v37  }
0x342: {  	v17 =	vsel vm5, v37, v35;
	v44 =	vsel vm6, v16, v10;
	(xrf1) =	vsort.dscd.msk.f32 $0xffff, v42, v43  }
0x343: {  	v10 =	vsel vm6, v10, v16;
	v45 =	vsel vm6, v13, v14;
	v13 =	vsel vm6, v14, v13  }
0x344: {  	v46 =	vsel vm7, v38, v40;
	v9 =	vsel vm7, v41, v39;
	(xrf1) =	vsort.dscd.msk.f32 $0xffff, v20, v17  }
0x345: {  	v8 =	vsel vm7, v40, v38;
	v47 =	vsel vm7, v39, v41;
	(xrf1) =	vsort.dscd.msk.f32 $0xffff, v44, v45  }
0x346: {  	v49 =	vsel vm8, v6, v12;
	v6 =	vsel vm8, v12, v6;
	(xrf1) =	vsort.dscd.msk.f32 $0xffff, v10, v13  }
0x347: {  	v48 =	vsel vm8, v7, v5;
	v5 =	vsel vm8, v5, v7;
	(xrf1) =	vsort.dscd.msk.f32 $0xffff, v46, v47  }
0x348: {  	(xrf1) =	vsort.dscd.msk.f32 $0xffff, v8, v9;
	v8, v9, _ =	vpop (xrf1)  }
0x349: {  	(xrf1) =	vsort.dscd.msk.f32 $0xffff, v48, v49;
	v7, v10, _ =	vpop (xrf1)  }
0x34a: {  	(xrf1) =	vsort.dscd.msk.f32 $0xffff, v5, v6;
	v5, v6, _ =	vpop (xrf1)  }
0x34b: {  	v50, v12, _ =	vpop (xrf1)  }
0x34c: {  	[tilespmem:$0x3200] =	vst v8;
	v51, v14, _ =	vpop (xrf1)  }
0x34d: {  	[tilespmem:$0x3380] =	vst v9;
	v15, v16, _ =	vpop (xrf1)  }
0x34e: {  	[tilespmem:$0x3220] =	vst v5;
	v17, v18, _ =	vpop (xrf1)  }
0x34f: {  	[tilespmem:$0x3240] =	vst v51;
	v8, v19, _ =	vpop (xrf1)  }
0x350: {  	v23 =	vld [tilespmem:$0x3220];
	[tilespmem:$0x3250] =	vst v15;
	v52, v21, _ =	vpop (xrf1)  }
0x351: {  	[tilespmem:$0x3280] =	vst v52;
	v52 =	vld [tilespmem:$0x3240]  }
0x352: {  	v5, v53, _ =	vpop (xrf1);
	[tilespmem:$0x3400] =	vst v21;
	v57 =	vld [tilespmem:$0x3280]  }
0x353: {  	[tilespmem:$0x3290] =	vst v5;
	v49 =	vld [tilespmem:$0x3400]  }
0x354: {  	v55, v54, _ =	vpop (xrf1);
	[tilespmem:$0x3410] =	vst v53;
	v60 =	vld [tilespmem:$0x3290]  }
0x355: {  	[tilespmem:$0x32A0] =	vst v55;
	v43 =	vld [tilespmem:$0x3410]  }
0x356: {  	[tilespmem:$0x3420] =	vst v54;
	v54 =	vld [tilespmem:$0x3250]  }
0x357: {  	[tilespmem:$0x3210] =	vst v7;
	v5, v56, _ =	vpop (xrf1);
	v62 =	vld [tilespmem:$0x32A0]  }
0x358: {  	[tilespmem:$0x32B0] =	vst v5;
	v48 =	vld [tilespmem:$0x3420]  }
0x359: {  	v59, v58, _ =	vpop (xrf1);
	[tilespmem:$0x3430] =	vst v56;
	v37 =	vld [tilespmem:$0x32B0]  }
0x35a: {  	[tilespmem:$0x32C0] =	vst v59;
	v44 =	vld [tilespmem:$0x3430]  }
0x35b: {  	v5, v61, _ =	vpop (xrf1);
	[tilespmem:$0x3440] =	vst v58;
	v39 =	vld [tilespmem:$0x32C0]  }
0x35c: {  	[tilespmem:$0x32D0] =	vst v5;
	v47 =	vld [tilespmem:$0x3440]  }
0x35d: {  	[tilespmem:$0x3450] =	vst v61;
	v40 =	vld [tilespmem:$0x32D0]  }
0x35e: {  	[tilespmem:$0x3260] =	vst v17;
	v36, v63, _ =	vpop (xrf1);
	v45 =	vld [tilespmem:$0x3450]  }
0x35f: {  	v38, v5, _ =	vpop (xrf1);
	[tilespmem:$0x32E0] =	vst v36;
	v27 =	vperm.xlane v57, v4;
	v9 =	vperm.xlane v49, v4;
	v57 =	vld [tilespmem:$0x3260]  }
0x360: {  	[tilespmem:$0x3460] =	vst v63;
	v42 =	vld [tilespmem:$0x32E0];
	v29 =	vperm.xlane v60, v4;
	v51 =	vperm.xlane v5, v4  }
0x361: {  	[tilespmem:$0x3230] =	vst v50;
	v46 =	vld [tilespmem:$0x3460];
	v26 =	vperm.xlane v43, v4;
	v31 =	vperm.xlane v62, v4  }
0x362: {  	v25 =	vld [tilespmem:$0x3230];
	[tilespmem:$0x33C0] =	vst v14;
	v21 =	vperm.xlane v48, v4;
	v33 =	vperm.xlane v37, v4  }
0x363: {  	v59 =	vld [tilespmem:$0x33C0];
	[tilespmem:$0x32F0] =	vst v38;
	v30 =	vperm.xlane v44, v4;
	v35 =	vperm.xlane v39, v4  }
0x364: {  	[tilespmem:$0x33B0] =	vst v12;
	v41 =	vld [tilespmem:$0x32F0];
	v24 =	vperm.xlane v47, v4;
	vm14 =	vge.f32 v54, v31;
	v34 =	vperm.xlane v40, v4  }
0x365: {  	[tilespmem:$0x33D0] =	vst v16;
	v55 =	vld [tilespmem:$0x33B0];
	v32 =	vperm.xlane v45, v4;
	vm13 =	vge.f32 v52, v33;
	v12 =	vsel vm14, v31, v54  }
0x366: {  	[tilespmem:$0x3390] =	vst v10;
	v62 =	vld [tilespmem:$0x33D0];
	vm15 =	vge.f32 v57, v29;
	v11 =	vperm.xlane v42, v4;
	v28 =	vperm.xlane v46, v4  }
0x367: {  	v22 =	vld [tilespmem:$0x3210];
	[tilespmem:$0x33A0] =	vst v6;
	vm12 =	vge.f32 v25, v35;
	v43 =	vsel vm13, v52, v33;
	v10 =	vsel vm13, v33, v52  }
0x368: {  	v53 =	vld [tilespmem:$0x33A0];
	v45 =	vsel vm13, v59, v30;
	v16 =	vsel vm13, v30, v59;
	v46 =	vsel vm14, v54, v31  }
0x369: {  	v7 =	vld [tilespmem:$0x3200];
	v48 =	vsel vm15, v57, v29;
	v14 =	vsel vm15, v29, v57;
	v20 =	vperm.xlane v41, v4  }
0x36a: {  	v6 =	vld [tilespmem:$0x3390];
	vm11 =	vge.f32 v23, v34;
	v41 =	vsel vm12, v25, v35;
	v25 =	vsel vm12, v35, v25  }
0x36b: {  	v50 =	vld [tilespmem:$0x3380];
	[tilespmem:$0x3270] =	vst v8;
	v38 =	vsel vm12, v55, v24;
	v17 =	vsel vm12, v24, v55;
	v47 =	vsel vm14, v62, v21  }
0x36c: {  	v40 =	vld [tilespmem:$0x3270];
	v8 =	vsel vm14, v21, v62;
	vm10 =	vge.f32 v22, v11;
	v61 =	vsel vm11, v23, v34  }
0x36d: {  	[tilespmem:$0x33E0] =	vst v18;
	v23 =	vsel vm11, v34, v23;
	v63 =	vsel vm11, v53, v32;
	v15 =	vsel vm11, v32, v53  }
0x36e: {  	[tilespmem:$0x33F0] =	vst v19;
	v42 =	vld [tilespmem:$0x33E0];
	vm9 =	vge.f32 v7, v20;
	v58 =	vsel vm10, v22, v11;
	v11 =	vsel vm10, v11, v22  }
0x36f: {  	v44 =	vld [tilespmem:$0x33F0];
	v60 =	vsel vm10, v6, v28;
	v6 =	vsel vm10, v28, v6;
	vm7 =	vge.f32 v61, v48  }
0x370: {  	vm11 =	vge.f32 v23, v14;
	v37 =	vsel vm9, v7, v20;
	v7 =	vsel vm9, v20, v7  }
0x371: {  	v56 =	vsel vm9, v50, v51;
	v13 =	vsel vm9, v51, v50;
	vm4 =	vge.f32 v40, v27  }
0x372: {  	vm6 =	vge.f32 v58, v46;
	v21 =	vsel vm7, v48, v61;
	vm10 =	vge.f32 v11, v12  }
0x373: {  	v49 =	vsel vm15, v42, v26;
	v26 =	vsel vm15, v26, v42;
	v50 =	vsel vm4, v40, v27  }
0x374: {  	v18 =	vsel vm4, v27, v40;
	vm5 =	vge.f32 v37, v43;
	v51 =	vsel vm4, v44, v9  }
0x375: {  	v9 =	vsel vm4, v9, v44;
	v54 =	vsel vm6, v58, v46;
	v30 =	vsel vm6, v46, v58  }
0x376: {  	v55 =	vsel vm6, v60, v47;
	v22 =	vsel vm6, v47, v60;
	vm9 =	vge.f32 v7, v10  }
0x377: {  	v52 =	vsel vm5, v37, v43;
	v19 =	vsel vm5, v43, v37;
	v53 =	vsel vm5, v56, v45  }
0x378: {  	v20 =	vsel vm5, v45, v56;
	v56 =	vsel vm7, v61, v48;
	vm8 =	vge.f32 v41, v50  }
0x379: {  	v57 =	vsel vm7, v63, v49;
	v29 =	vsel vm7, v49, v63;
	vm12 =	vge.f32 v25, v18  }
0x37a: {  	v58 =	vsel vm8, v41, v50;
	v32 =	vsel vm8, v50, v41;
	v59 =	vsel vm8, v38, v51  }
0x37b: {  	v27 =	vsel vm8, v51, v38;
	v38 =	vsel vm9, v7, v10;
	v7 =	vsel vm9, v10, v7  }
0x37c: {  	v10 =	vsel vm9, v13, v16;
	v13 =	vsel vm9, v16, v13;
	v16 =	vsel vm10, v11, v12  }
0x37d: {  	v11 =	vsel vm10, v12, v11;
	v12 =	vsel vm10, v6, v8;
	v6 =	vsel vm10, v8, v6  }
0x37e: {  	v8 =	vsel vm11, v23, v14;
	v14 =	vsel vm11, v14, v23;
	v23 =	vsel vm11, v15, v26  }
0x37f: {  	v15 =	vsel vm11, v26, v15;
	vm13 =	vge.f32 v52, v56;
	v26 =	vsel vm12, v25, v18  }
0x380: {  	v44 =	vsel vm12, v17, v9;
	v9 =	vsel vm12, v9, v17;
	vm15 =	vge.f32 v19, v21  }
0x381: {  	vm14 =	vge.f32 v54, v58;
	v39 =	vsel vm13, v52, v56;
	v41 =	vsel vm13, v53, v57  }
0x382: {  	v61 =	vsel vm13, v56, v52;
	v62 =	vsel vm13, v57, v53;
	v40 =	vsel vm14, v54, v58  }
0x383: {  	v46 =	vsel vm15, v19, v21;
	v42 =	vsel vm14, v55, v59;
	vm3 =	vge.f32 v39, v40  }
0x384: {  	v49 =	vsel vm15, v20, v29;
	v60 =	vsel vm3, v39, v40;
	v43 =	vsel vm3, v41, v42  }
0x385: {  	v63 =	vsel vm14, v58, v54;
	v37 =	vsel vm14, v59, v55;
	(xrf1) =	vsort.dscd.msk.f32 $0xffff, v60, v43  }
0x386: {  	vm4 =	vge.f32 v61, v63;
	v45 =	vsel vm3, v42, v41;
	v43 =	vsel vm3, v40, v39  }
0x387: {  	v47 =	vsel vm4, v61, v63;
	v48 =	vsel vm4, v62, v37;
	(xrf1) =	vsort.dscd.msk.f32 $0xffff, v43, v45  }
0x388: {  	vm5 =	vge.f32 v30, v32;
	v52 =	vsel vm15, v21, v19;
	(xrf1) =	vsort.dscd.msk.f32 $0xffff, v47, v48  }
0x389: {  	v50 =	vsel vm5, v30, v32;
	v17 =	vsel vm4, v63, v61;
	v24 =	vsel vm4, v37, v62  }
0x38a: {  	v51 =	vsel vm5, v22, v27;
	vm6 =	vge.f32 v46, v50;
	(xrf1) =	vsort.dscd.msk.f32 $0xffff, v17, v24  }
0x38b: {  	v20 =	vsel vm15, v29, v20;
	v53 =	vsel vm6, v46, v50;
	v54 =	vsel vm6, v49, v51  }
0x38c: {  	v55 =	vsel vm5, v32, v30;
	v56 =	vsel vm5, v27, v22;
	(xrf1) =	vsort.dscd.msk.f32 $0xffff, v53, v54  }
0x38d: {  	vm8 =	vge.f32 v52, v55;
	v57 =	vsel vm6, v50, v46;
	v58 =	vsel vm6, v51, v49  }
0x38e: {  	v61 =	vsel vm8, v20, v56;
	v60 =	vsel vm8, v52, v55;
	(xrf1) =	vsort.dscd.msk.f32 $0xffff, v57, v58  }
0x38f: {  	v18 =	vsel vm12, v18, v25;
	vm7 =	vge.f32 v38, v8;
	(xrf1) =	vsort.dscd.msk.f32 $0xffff, v60, v61  }
0x390: {  	vm9 =	vge.f32 v16, v26;
	vm11 =	vge.f32 v7, v14;
	v59 =	vsel vm7, v38, v8  }
0x391: {  	[tilespmem:$0x3470] =	vst v5;
	v5 =	vsel vm9, v12, v44;
	v8 =	vsel vm7, v8, v38;
	v12 =	vsel vm9, v44, v12  }
0x392: {  	v63 =	vsel vm9, v16, v26;
	v19 =	vsel vm8, v56, v20;
	v17 =	vsel vm8, v55, v52  }
0x393: {  	v62 =	vsel vm7, v10, v23;
	vm10 =	vge.f32 v59, v63;
	v29, v28, _ =	vpop (xrf1);
	(xrf1) =	vsort.dscd.msk.f32 $0xffff, v17, v19  }
0x394: {  	v16 =	vsel vm9, v26, v16;
	v30 =	vsel vm10, v59, v63;
	v31 =	vsel vm10, v62, v5;
	[tilespmem:$0x3200] =	vst v29  }
0x395: {  	v34 =	vsel vm10, v63, v59;
	v5 =	vsel vm10, v5, v62;
	[tilespmem:$0x3380] =	vst v28;
	v32, v33, _ =	vpop (xrf1);
	(xrf1) =	vsort.dscd.msk.f32 $0xffff, v30, v31  }
0x396: {  	v10 =	vsel vm7, v23, v10;
	vm12 =	vge.f32 v8, v16;
	[tilespmem:$0x3210] =	vst v32;
	v35, v36, _ =	vpop (xrf1);
	(xrf1) =	vsort.dscd.msk.f32 $0xffff, v34, v5  }
0x397: {  	vm13 =	vge.f32 v11, v18;
	v37 =	vsel vm12, v8, v16;
	v38 =	vsel vm12, v10, v12;
	[tilespmem:$0x3390] =	vst v33  }
0x398: {  	v42 =	vsel vm13, v11, v18;
	v39 =	vsel vm11, v13, v15;
	[tilespmem:$0x3220] =	vst v35;
	v41, v40, _ =	vpop (xrf1);
	(xrf1) =	vsort.dscd.msk.f32 $0xffff, v37, v38  }
0x399: {  	v8 =	vsel vm12, v16, v8;
	v10 =	vsel vm12, v12, v10;
	v5 =	vsel vm11, v7, v14;
	[tilespmem:$0x33A0] =	vst v36  }
0x39a: {  	v43 =	vsel vm13, v6, v9;
	vm14 =	vge.f32 v5, v42;
	[tilespmem:$0x3230] =	vst v41;
	v44, v45, _ =	vpop (xrf1);
	(xrf1) =	vsort.dscd.msk.f32 $0xffff, v8, v10  }
0x39b: {  	[tilespmem:$0x33B0] =	vst v40;
	v46 =	vsel vm14, v5, v42;
	v47 =	vsel vm14, v39, v43  }
0x39c: {  	v5 =	vsel vm14, v42, v5;
	v51 =	vsel vm14, v43, v39;
	[tilespmem:$0x3240] =	vst v44;
	v48, v49, _ =	vpop (xrf1);
	(xrf1) =	vsort.dscd.msk.f32 $0xffff, v46, v47  }
0x39d: {  	v58 =	vld [tilespmem:$0x33A0];
	[tilespmem:$0x33C0] =	vst v45;
	v53, v52, _ =	vpop (xrf1);
	(xrf1) =	vsort.dscd.msk.f32 $0xffff, v5, v51  }
0x39e: {  	v50 =	vsel vm13, v18, v11;
	v7 =	vsel vm11, v14, v7;
	[tilespmem:$0x3250] =	vst v48;
	v59 =	vld [tilespmem:$0x33C0]  }
0x39f: {  	v13 =	vsel vm11, v15, v13;
	v6 =	vsel vm13, v9, v6;
	vm15 =	vge.f32 v7, v50;
	[tilespmem:$0x33D0] =	vst v49  }
0x3a0: {  	v54 =	vsel vm15, v13, v6;
	v6 =	vsel vm15, v6, v13;
	v5 =	vsel vm15, v7, v50;
	[tilespmem:$0x3260] =	vst v53  }
0x3a1: {  	[tilespmem:$0x33E0] =	vst v52;
	v55, v56, _ =	vpop (xrf1);
	(xrf1) =	vsort.dscd.msk.f32 $0xffff, v5, v54;
	v5 =	vsel vm15, v50, v7  }
0x3a2: {  	[tilespmem:$0x3520] =	vst v58  }
0x3a3: {  	[tilespmem:$0x3540] =	vst v59;
	v7, v8, _ =	vpop (xrf1)  }
0x3a4: {  	(xrf1) =	vsort.dscd.msk.f32 $0xffff, v5, v6;
	[tilespmem:$0x3280] =	vst v7;
	v5, v6, _ =	vpop (xrf1)  }
0x3a5: {  	[tilespmem:$0x3290] =	vst v5  }
0x3a6: {  	v5, v7, _ =	vpop (xrf1);
	[tilespmem:$0x3410] =	vst v6  }
0x3a7: {  	[tilespmem:$0x32A0] =	vst v5  }
0x3a8: {  	v5, v6, _ =	vpop (xrf1);
	[tilespmem:$0x3420] =	vst v7  }
0x3a9: {  	[tilespmem:$0x32B0] =	vst v5  }
0x3aa: {  	v5, v7, _ =	vpop (xrf1);
	[tilespmem:$0x3430] =	vst v6  }
0x3ab: {  	[tilespmem:$0x32C0] =	vst v5;
	v5, v6, _ =	vpop (xrf1)  }
0x3ac: {  	[tilespmem:$0x3450] =	vst v6;
	v6 =	vld [tilespmem:$0x3380]  }
0x3ad: {  	[tilespmem:$0x3270] =	vst v55  }
0x3ae: {  	[tilespmem:$0x33F0] =	vst v56  }
0x3af: {  	[tilespmem:$0x3440] =	vst v7  }
0x3b0: {  	[tilespmem:$0x32D0] =	vst v5  }
0x3b1: {  	v60 =	vld [tilespmem:$0x33F0];
	[tilespmem:$0x3500] =	vst v6;
	v5, v7, _ =	vpop (xrf1)  }
0x3b2: {  	v6 =	vld [tilespmem:$0x33D0];
	[tilespmem:$0x32E0] =	vst v5  }
0x3b3: {  	v5 =	vld [tilespmem:$0x3390];
	[tilespmem:$0x3460] =	vst v7;
	v7, v57, _ =	vpop (xrf1)  }
0x3b4: {  	[tilespmem:$0x32F0] =	vst v7;
	v7 =	vld [tilespmem:$0x33B0]  }
0x3b5: {  	[tilespmem:$0x3400] =	vst v8;
	v61 =	vld [tilespmem:$0x3410]  }
0x3b6: {  	[tilespmem:$0x3570] =	vst v60  }
0x3b7: {  	[tilespmem:$0x3550] =	vst v6;
	v6 =	vld [tilespmem:$0x3420]  }
0x3b8: {  	[tilespmem:$0x3510] =	vst v5;
	v5 =	vld [tilespmem:$0x33E0]  }
0x3b9: {  	[tilespmem:$0x3530] =	vst v7;
	v7 =	vld [tilespmem:$0x3400]  }
0x3ba: {  	v62 =	vld [tilespmem:$0x3440];
	[tilespmem:$0x3590] =	vst v61  }
0x3bb: {  	[tilespmem:$0x3470] =	vst v57;
	v63 =	vld [tilespmem:$0x3460]  }
0x3bc: {  	[tilespmem:$0x35A0] =	vst v6;
	v6 =	vld [tilespmem:$0x3470]  }
0x3bd: {  	[tilespmem:$0x3560] =	vst v5;
	v5 =	vld [tilespmem:$0x3430]  }
0x3be: {  	[tilespmem:$0x3580] =	vst v7;
	v7 =	vld [tilespmem:$0x3450]  }
0x3bf: {  	[tilespmem:$0x35C0] =	vst v62  }
0x3c0: {  	[tilespmem:$0x35E0] =	vst v63  }
0x3c1: {  	[tilespmem:$0x35F0] =	vst v6  }
0x3c2: {  	[tilespmem:$0x35B0] =	vst v5  }
0x3c3: {  	[tilespmem:$0x35D0] =	vst v7  }
0x3c4: {  	[tilespmem:s19], [sflag:$0x1] =	stream.indirect.gather [hbm4b:s1+s11], $0x80, s18, s11, $0xb8;
	[tilespmem:$0xB600] =	vst v63  }
0x3c5: {  	s25 =	simm.s32 $0x1  }
0x3c6: {  	[tilespmem:s21], [sflag:$0x1] =	stream.indirect.gather [hbm4b:s1+s11], $0x80, s20, s11, $0xb8;
	[tilespmem:$0xB600] =	vst v63  }
0x3c7: {  	_ =	swait.ge [sflag:s25], $0x4000  }
0x3c8: {  	[sflag:s25] =	ssyncset.done $0x0  }
0x3c9: {  	[sflag:s25] =	ssyncadd.s32 $0xFFFFC000  }
0x3ca: {  	s0 =	sor.u32 s9, s24;
	_ =	swait.ge [sflag:s25], $0x4000  }
0x3cb: {  	s0 =	sshrl.u32 s0, $0x3;
	[sflag:s25] =	ssyncset.done $0x0  }
0x3cc: {  	s0 =	sadd.s32 s2, s0;
	[sflag:s25] =	ssyncadd.s32 $0xFFFFC000  }
0x3cd: {  	[hbm4b:s0+s11] =	stream.strided.scatter [tilespmem:s16], [sflag:$0x2], $0x100, s12, s11, $0x38;
	[tilespmem:$0xB600] =	vst v63  }
0x3ce: {  	_ =	swait.ge [sflag:s13], $0x100  }
0x3cf: {  	s31 =	sshll.u32 s23, $0xC;
	[sflag:s13] =	ssyncset.done $0x0  }
.Ltmp17:
0x3d0: {  	s0 =	sadd.s32 s3, s31;
	[sflag:s13] =	ssyncadd.s32 $0xFFFFFF00;
	(pc) =	sbr.rel @p0 .LBB2_2-.Ltmp17, $4  }
0x3d1: {  	[hbm4b:s0+s4] =	stream.linear.scatter [tilespmem:s19], [sflag:$0x2], $0x8000, $0x38;
	[tilespmem:$0xB600] =	vst v63  }
0x3d2: {  	_ =	swait.ge [sflag:s13], $0x8000  }
0x3d3: {  	[sflag:s13] =	ssyncset.done $0x0  }
0x3d4: {  	p1 =	por $0x0, $0x0;
	[sflag:s13] =	ssyncadd.s32 $0xFFFF8000  }
0x3d5: {  	s22 =	sadd.s32 $0x1, s22  }
0x3d6: {  	p0 =	sne.s32 s22, s10  }
.Ltmp18:
0x3d7: {  	_ = 	snop;
	(pc) =	sbr.rel @p0 .LBB2_1-.Ltmp18, $1  }
0x3d8: {  	_ =	sdelay $0x3  }
0x3d9: {  	_ =	sfence.sel $0x180000  }
0x3da: {  	[bflag:$0x0] =	sbarrier.arrive $0xFFFF  }
0x3db: {  	_ =	strace $0x90000047  }
0x3dc: {  	[bflag:$0x2] =	sbarrier.arrive $0xFFFF  }
0x3dd: {  	p0 =	sne.s32 s5, $0x0;
	s0 =	rddreg [dreg:$0x4]  }
0x3de: {  	s0 =	sadd.s32 @!p0 $0x100000, s0  }
0x3df: {  	[sflag:s0] =	ssyncadd.tile.s32 @!p0 $0x1;
	_ =	shalt  }
.Lfunc_end2:
_tile_overlayer_lowered:
.L_overlay_start_2:
0x3e0: {  	(tag) =	ssettag $0x2  }
0x3e1: {  	s0 =	rddreg [dreg:$0x0];
	s2 =	stileid.u32  }
0x3e2: {  	s1 =	rddreg [dreg:$0x1];
	p0 =	sne.s32 s2, $0x0  }
0x3e3: {  	s3 =	rddreg [dreg:$0x2];
	[bflag:$0x3] =	sbarrier.arrive $0xFFFF;
	s2 =	simm.s32 @!p0 $0x1C02  }
0x3e4: {  	[timem:s3], [sflag:s2] =	dma.local @!p0 [hbm:s0], s1  }
0x3e5: {  	s0 =	simm.s32 @!p0 $0x2  }
0x3e6: {  	_ =	swait.ge @!p0 [sflag:s0], s1  }
0x3e7: {  	s1 =	ssub.s32 @!p0 $0x0, s1;
	[sflag:s0] =	ssyncset.done @!p0 $0x0  }
0x3e8: {  	[sflag:s0] =	ssyncadd.s32 @!p0 s1  }
0x3e9: {  	[bflag:$0x3] =	sbarrier.arrive $0xFFFF  }
0x3ea: {  	_ =	shalt  }

</sc_bundles>
